<compile_context>
chip_gen: v7x
topology: tpu7x:2x2x1
jax: 0.10.2.dev20260603
libtpu: 0.0.44.dev20260713+nightly
codegen_flags: <defaults>
</compile_context>

<pallas_src>
import functools

import jax
import jax.numpy as jnp
from jax import lax
from jax.experimental import pallas as pl
from jax.experimental.pallas import tpu as pltpu
from jax.experimental.pallas import tpu_sc as plsc

_N = 10000
_NP = 10240
_E = 640000
_NW = 32
_RPW = 160
_CH = 40
_EP = _NW * _RPW * 128
_NG = 64
_RB = 2048
_F32 = jnp.float32



def _sc_mesh():
    return plsc.VectorSubcoreMesh(core_axis_name="c", subcore_axis_name="s")


def _zero_vmem(buf, rows, cols):
    def row(j, _):
        for l in range(cols // 16):
            buf[j, pl.ds(l * 16, 16)] = jnp.zeros((16,), _F32)
        return 0
    lax.fori_loop(0, rows, row, 0)


def _make_deg_kernel():
    seg = _NP // 16

    @functools.partial(
        pl.kernel,
        out_type=jax.ShapeDtypeStruct((2, _NP, 128), _F32),
        mesh=_sc_mesh(),
        compiler_params=pltpu.CompilerParams(needs_layout_passes=False),
        scratch_types=[
            pltpu.VMEM((_RPW, 128), jnp.int32),
            pltpu.VMEM((_NP,), _F32),
            pltpu.VMEM((seg,), _F32),
            pltpu.VMEM((seg,), _F32),
            pltpu.VMEM((seg, 128), _F32),
            pltpu.VMEM_SHARED((16, _NP), _F32),
        ],
    )
    def deg_kernel(dst_hbm, out_hbm, didx, hist, ta, tb, outblk, parts):
        c = lax.axis_index("c")
        s = lax.axis_index("s")
        w = s * 2 + c

        pltpu.sync_copy(dst_hbm.at[w], didx)

        def zero(i, _):
            hist[pl.ds(i * 16, 16)] = jnp.zeros((16,), _F32)
            return 0
        lax.fori_loop(0, _NP // 16, zero, 0)

        ones16 = jnp.full((16,), 1.0, _F32)

        def edge_row(j, _):
            for l in range(8):
                idx = didx[j, pl.ds(l * 16, 16)]
                plsc.addupdate_scatter(hist, [idx], ones16)
            return 0
        lax.fori_loop(0, _RPW, edge_row, 0)

        pltpu.sync_copy(hist, parts.at[s])
        plsc.subcore_barrier()

        pltpu.sync_copy(parts.at[0, pl.ds(s * seg, seg)], ta)
        for p in range(1, 16):
            pltpu.sync_copy(parts.at[p, pl.ds(s * seg, seg)], tb)

            def madd(i, _):
                ta[pl.ds(i * 16, 16)] = (ta[pl.ds(i * 16, 16)] +
                                         tb[pl.ds(i * 16, 16)])
                return 0
            lax.fori_loop(0, seg // 16, madd, 0)

        zcol = jnp.zeros((16,), jnp.int32)
        base_rows = lax.iota(jnp.int32, 16)

        def col_write(i, _):
            vals = ta[pl.ds(i * 16, 16)]
            plsc.store_scatter(outblk, [base_rows + i * 16, zcol], vals)
            return 0
        lax.fori_loop(0, seg // 16, col_write, 0)

        pltpu.sync_copy(outblk, out_hbm.at[c, pl.ds(s * seg, seg)])

    return deg_kernel


def _make_agg_kernel(F):
    @functools.partial(
        pl.kernel,
        out_type=jax.ShapeDtypeStruct((2, _NP, F), _F32),
        mesh=_sc_mesh(),
        scratch_types=[
            pltpu.VMEM((_CH, 128), jnp.int32),
            pltpu.VMEM((_CH, 128), jnp.int32),
            pltpu.VMEM((2, 128, F), _F32),
            pltpu.VMEM_SHARED((_NP, F), _F32),
            pltpu.SemaphoreType.DMA,
            pltpu.SemaphoreType.DMA,
            pltpu.SemaphoreType.DMA,
            pltpu.SemaphoreType.DMA,
        ],
    )
    def agg_kernel(u_hbm, src_hbm, dst_hbm, out_hbm,
                   sidx, didx, rows, acc, semg0, semg1, sems0, sems1):
        c = lax.axis_index("c")
        s = lax.axis_index("s")
        w = s * 2 + c
        b0 = rows.at[0]
        b1 = rows.at[1]

        def wait_g(slot_ref, idx_ref, sem):
            pltpu.make_async_copy(u_hbm.at[idx_ref], slot_ref, sem).wait()

        def wait_s(slot_ref, idx_ref, sem):
            pltpu.make_async_copy(slot_ref, acc.at[idx_ref], sem).wait()

        _zero_vmem(b0, 128, F)
        for r in range(5):
            pltpu.sync_copy(b0, acc.at[pl.ds(s * 640 + r * 128, 128)])
        plsc.subcore_barrier()

        def chunk(q, _):
            @pl.when(q > 0)
            def _():
                wait_s(b0, didx.at[0], sems0)
                wait_s(b1, didx.at[1], sems1)
            pltpu.sync_copy(src_hbm.at[w, pl.ds(q * _CH, _CH)], sidx)
            pltpu.sync_copy(dst_hbm.at[w, pl.ds(q * _CH, _CH)], didx)
            pltpu.async_copy(u_hbm.at[sidx.at[0]], b0, semg0)

            def pair(t, _):
                j0 = 2 * t
                j1 = j0 + 1

                @pl.when(t > 0)
                def _():
                    wait_s(b1, didx.at[j1], sems1)
                pltpu.async_copy(u_hbm.at[sidx.at[j1]], b1, semg1)
                wait_g(b0, sidx.at[j0], semg0)
                pltpu.async_copy(b0, acc.at[didx.at[j0]], sems0, add=True)

                @pl.when(t < _CH // 2 - 1)
                def _():
                    wait_s(b0, didx.at[j0], sems0)
                    pltpu.async_copy(u_hbm.at[sidx.at[j0 + 2]], b0, semg0)
                wait_g(b1, sidx.at[j1], semg1)
                pltpu.async_copy(b1, acc.at[didx.at[j1]], sems1, add=True)
                return 0
            lax.fori_loop(0, _CH // 2, pair, 0)
            return 0
        lax.fori_loop(0, _RPW // _CH, chunk, 0)
        wait_s(b0, didx.at[0], sems0)
        wait_s(b1, didx.at[1], sems1)
        plsc.subcore_barrier()

        pltpu.sync_copy(acc.at[pl.ds(s * 640, 640)],
                        out_hbm.at[c, pl.ds(s * 640, 640)])

    return agg_kernel


_deg_kernel = _make_deg_kernel()
_agg128 = _make_agg_kernel(128)



def _dinv_from(deg_ref):
    dcol = deg_ref[0][:, 0:1] + deg_ref[1][:, 0:1] + 1.0
    return lax.rsqrt(dcol)


def _tca_body(x_ref, w1_ref, deg_ref, u1_ref):
    dinv = _dinv_from(deg_ref)
    mm = jnp.dot(x_ref[...], w1_ref[...],
                 preferred_element_type=_F32,
                 precision=lax.Precision.HIGHEST)
    u1_ref[...] = mm * dinv


def _tcb_body(g1_ref, u1_ref, deg_ref, w2_ref, b1_ref, u2_ref):
    dinv = _dinv_from(deg_ref)
    h = (g1_ref[0] + g1_ref[1] + u1_ref[...]) * dinv + b1_ref[...]
    h = jnp.maximum(h, 0.0)
    mm = jnp.dot(h, w2_ref[...],
                 preferred_element_type=_F32,
                 precision=lax.Precision.HIGHEST)
    u2_ref[...] = mm * dinv


def _tcc_body(g2_ref, u2_ref, deg_ref, b2_ref, batch_ref, wfc_ref, bfc_ref,
              out_ref, sacc, cacc):
    i = pl.program_id(0)
    dinv = _dinv_from(deg_ref)
    h2 = (g2_ref[0] + g2_ref[1] + u2_ref[...]) * dinv + b2_ref[...]
    h2 = jnp.maximum(h2, 0.0)

    @pl.when(i == 0)
    def _():
        sacc[...] = jnp.zeros_like(sacc)
        cacc[...] = jnp.zeros_like(cacc)

    ps = jnp.zeros((_NG, 128), _F32)
    cs = jnp.zeros((_NG, 128), _F32)
    gids = lax.broadcasted_iota(jnp.int32, (_NG, 128), 0)
    for k in range(_RB // 128):
        bk = batch_ref[k]
        oh = (gids == jnp.broadcast_to(bk, (_NG, 128))).astype(_F32)
        ps = ps + jnp.dot(oh, h2[k * 128:(k + 1) * 128, :],
                          preferred_element_type=_F32,
                          precision=lax.Precision.HIGHEST)
        cs = cs + jnp.sum(oh, axis=1, keepdims=True)
    sacc[...] = sacc[...] + ps
    cacc[...] = cacc[...] + cs

    pooled = sacc[...] / jnp.maximum(cacc[...], 1.0)
    out_ref[...] = jnp.dot(pooled, wfc_ref[...],
                           preferred_element_type=_F32,
                           precision=lax.Precision.HIGHEST) + bfc_ref[...]


def _tca(xp, W1, deg):
    grid = _NP // _RB
    return pl.pallas_call(
        _tca_body,
        grid=(grid,),
        in_specs=[
            pl.BlockSpec((_RB, 128), lambda i: (i, 0)),
            pl.BlockSpec((128, 128), lambda i: (0, 0)),
            pl.BlockSpec((2, _RB, 128), lambda i: (0, i, 0)),
        ],
        out_specs=pl.BlockSpec((_RB, 128), lambda i: (i, 0)),
        out_shape=jax.ShapeDtypeStruct((_NP, 128), _F32),
    )(xp, W1, deg)


def _tcb(g1, u1, deg, W2, b1r):
    grid = _NP // _RB
    return pl.pallas_call(
        _tcb_body,
        grid=(grid,),
        in_specs=[
            pl.BlockSpec((2, _RB, 128), lambda i: (0, i, 0)),
            pl.BlockSpec((_RB, 128), lambda i: (i, 0)),
            pl.BlockSpec((2, _RB, 128), lambda i: (0, i, 0)),
            pl.BlockSpec((128, 128), lambda i: (0, 0)),
            pl.BlockSpec((1, 128), lambda i: (0, 0)),
        ],
        out_specs=pl.BlockSpec((_RB, 128), lambda i: (i, 0)),
        out_shape=jax.ShapeDtypeStruct((_NP, 128), _F32),
    )(g1, u1, deg, W2, b1r)


def _tcc(g2, u2, deg, b2r, batch2, Wfc, bfcr):
    grid = _NP // _RB
    return pl.pallas_call(
        _tcc_body,
        grid=(grid,),
        in_specs=[
            pl.BlockSpec((2, _RB, 128), lambda i: (0, i, 0)),
            pl.BlockSpec((_RB, 128), lambda i: (i, 0)),
            pl.BlockSpec((2, _RB, 128), lambda i: (0, i, 0)),
            pl.BlockSpec((1, 128), lambda i: (0, 0)),
            pl.BlockSpec((_RB // 128, 128), lambda i: (i, 0)),
            pl.BlockSpec((128, 10), lambda i: (0, 0)),
            pl.BlockSpec((1, 10), lambda i: (0, 0)),
        ],
        out_specs=pl.BlockSpec((_NG, 10), lambda i: (0, 0)),
        out_shape=jax.ShapeDtypeStruct((_NG, 10), _F32),
        scratch_shapes=[
            pltpu.VMEM((_NG, 128), _F32),
            pltpu.VMEM((_NG, 128), _F32),
        ],
    )(g2, u2, deg, b2r, batch2, Wfc, bfcr)



def kernel(x, edge_index, batch, W1, b1, W2, b2, Wfc, bfc):
    xp = jnp.zeros((_NP, 128), _F32).at[:_N, :].set(x)
    epad_src = _N + (jnp.arange(_EP - _E, dtype=jnp.int32) % (_NP - _N))
    epad_dst = epad_src
    src3 = jnp.concatenate([edge_index[0], epad_src]).reshape(_NW, _RPW, 128)
    dst3 = jnp.concatenate([edge_index[1], epad_dst]).reshape(_NW, _RPW, 128)
    batch2 = jnp.concatenate(
        [batch, jnp.full((_NP - _N,), _NG, jnp.int32)]).reshape(_NP // 128, 128)
    W1p = jnp.zeros((128, 128), _F32).at[:, :64].set(W1)
    W2p = jnp.zeros((128, 128), _F32).at[:64, :].set(W2)
    b1r = jnp.zeros((1, 128), _F32).at[0, :64].set(b1)
    b2r = b2.reshape(1, 128)
    bfcr = bfc.reshape(1, 10)

    deg = _deg_kernel(dst3)
    u1 = _tca(xp, W1p, deg)
    g1 = _agg128(u1, src3, dst3)
    u2 = _tcb(g1, u1, deg, W2p, b1r)
    g2 = _agg128(u2, src3, dst3)
    return _tcc(g2, u2, deg, b2r, batch2, Wfc, bfcr)

# --- scband reference (transcript-rebuilt; emitter-appended) ---
"""Pipeline reference for scband-gcn-52871047413869 (READ-ONLY COPY).

The authoritative reference and input builder live on the scoring server;
editing this copy changes nothing except your own understanding.
"""

import jax, jax.numpy as jnp
import numpy as np

N_NODES = 10000
N_EDGES = 640000
N_GRAPHS = 64
D_IN = 128
D_H1 = 64
D_H2 = 128
N_CLASSES = 10


def setup_inputs(seed: int = 0) -> dict:
    key = jax.random.key(seed)
    ks = jax.random.split(key, 8)
    x = jax.random.normal(ks[0], (N_NODES, D_IN), dtype=jnp.float32)
    edge_index = jax.random.randint(ks[1], (2, N_EDGES), 0, N_NODES, dtype=jnp.int32)
    batch = jnp.sort(jax.random.randint(ks[2], (N_NODES,), 0, N_GRAPHS, dtype=jnp.int32))
    W1 = jax.random.normal(ks[3], (D_IN, D_H1), dtype=jnp.float32) * 0.05
    b1 = jnp.zeros((D_H1,), dtype=jnp.float32)
    W2 = jax.random.normal(ks[4], (D_H1, D_H2), dtype=jnp.float32) * 0.05
    b2 = jnp.zeros((D_H2,), dtype=jnp.float32)
    Wfc = jax.random.normal(ks[5], (D_H2, N_CLASSES), dtype=jnp.float32) * 0.05
    bfc = jnp.zeros((N_CLASSES,), dtype=jnp.float32)
    return {"x": x, "edge_index": edge_index, "batch": batch,
            "W1": W1, "b1": b1, "W2": W2, "b2": b2, "Wfc": Wfc, "bfc": bfc}


def _gcn_conv(x, src, dst, W, b, num_nodes):
    # PyG GCNConv: x' = D^{-1/2} (A+I) D^{-1/2} X W + b  (self-loops already in src/dst)
    h = x @ W
    deg = jnp.zeros((num_nodes,), dtype=h.dtype).at[dst].add(1.0)
    dinv = jnp.where(deg > 0, 1.0 / jnp.sqrt(deg), 0.0)
    norm = dinv[src] * dinv[dst]
    msg = h[src] * norm[:, None]
    out = jnp.zeros((num_nodes, W.shape[1]), dtype=h.dtype).at[dst].add(msg)
    return out + b


def reference(x, edge_index, batch, W1, b1, W2, b2, Wfc, bfc):
    n = x.shape[0]
    loops = jnp.arange(n, dtype=edge_index.dtype)
    src = jnp.concatenate([edge_index[0], loops])
    dst = jnp.concatenate([edge_index[1], loops])
    h = jax.nn.relu(_gcn_conv(x, src, dst, W1, b1, n))
    h = jax.nn.relu(_gcn_conv(h, src, dst, W2, b2, n))
    sums = jax.ops.segment_sum(h, batch, num_segments=N_GRAPHS)
    counts = jax.ops.segment_sum(jnp.ones((n,), dtype=h.dtype), batch, num_segments=N_GRAPHS)
    pooled = sums / jnp.maximum(counts, 1.0)[:, None]
    return pooled @ Wfc + bfc

if __name__ == "__main__":
    import jax
    _d = setup_inputs()
    print(jax.jit(kernel)(*tuple(_d.values())))

</pallas_src>

<mosaic_0001>
#map = affine_map<(d0, d1) -> (0, 0)>
#map1 = affine_map<(d0, d1) -> (0, 0, 0)>
module attributes {stable_mosaic.version = 14 : i64} {
  func.func @agg_kernel(%arg0: i32, %arg1: i32, %arg2: memref<10240x128xf32, #tpu.memory_space<hbm>>, %arg3: memref<32x160x128xi32, #tpu.memory_space<hbm>>, %arg4: memref<32x160x128xi32, #tpu.memory_space<hbm>>, %arg5: memref<2x10240x128xf32, #tpu.memory_space<hbm>>, %arg6: memref<40x128xi32, #tpu.memory_space<vmem>>, %arg7: memref<40x128xi32, #tpu.memory_space<vmem>>, %arg8: memref<2x128x128xf32, #tpu.memory_space<vmem>>, %arg9: memref<10240x128xf32, #tpu.memory_space<vmem_shared>>, %arg10: memref<!tpu.dma_semaphore, #tpu.memory_space<semaphore_mem>>, %arg11: memref<!tpu.dma_semaphore, #tpu.memory_space<semaphore_mem>>, %arg12: memref<!tpu.dma_semaphore, #tpu.memory_space<semaphore_mem>>, %arg13: memref<!tpu.dma_semaphore, #tpu.memory_space<semaphore_mem>>) attributes {dimension_semantics = [#tpu.dimension_semantics<core_parallel>, #tpu.dimension_semantics<subcore_parallel>], iteration_bounds = array<i64: 2, 16>, scalar_prefetch = 0 : i64, scratch_operands = 8 : i64, tpu.core_type = #tpu.core_type<sc_vector_subcore>, window_params = [{transform_indices = #map}, {transform_indices = #map1}, {transform_indices = #map1}, {transform_indices = #map1}]} {
    %mul3A = arith.constant 2 : i32
    %mul3A_0 = arith.muli %arg1, %mul3A : i32
    %add3A = arith.addi %mul3A_0, %arg0 : i32
    %scan3A = arith.constant 0 : i32
    %scan3A_1 = arith.constant 0 : i32
    %scan3A_2 = arith.constant 0 : i32
    %scan3A_3 = arith.constant 128 : i32
    %scan3A_4 = arith.addi %scan3A_2, %scan3A_3 : i32
    %scan3A_5 = arith.constant 1 : i32
    %scan3A_6 = scf.for %scan3A_69 = %scan3A_2 to %scan3A_4 step %scan3A_5 iter_args(%scan3A_70 = %scan3A_1) -> (i32)  : i32 {
      %broadcast_in_dim3A = arith.constant 0.000000e+00 : f32
      %broadcast_in_dim3A_71 = vector.broadcast %broadcast_in_dim3A : f32 to vector<16xf32>
      %swap3A = arith.constant 0 : i32
      %swap3A_72 = arith.constant 0 : i32
      %swap3A_73 = tpu.memref_slice %arg8[%scan3A, %swap3A, %swap3A_72] : memref<2x128x128xf32, #tpu.memory_space<vmem>> -> memref<1x128x128xf32, #tpu.memory_space<vmem>>
      %swap3A_74 = tpu.memref_squeeze %swap3A_73 : memref<1x128x128xf32, #tpu.memory_space<vmem>> -> memref<128x128xf32, #tpu.memory_space<vmem>>
      %swap3A_75 = arith.index_cast %scan3A_69 : i32 to index
      %swap3A_76 = arith.constant 0 : index
      %swap3A_77 = tpu.vector_load %swap3A_74[%swap3A_75, %swap3A_76] {strides = array<i32>} : memref<128x128xf32, #tpu.memory_space<vmem>>, vector<1x16xf32>,
      %swap3A_78 = vector.shape_cast %swap3A_77 : vector<1x16xf32> to vector<16xf32>
      %swap3A_79 = vector.shape_cast %broadcast_in_dim3A_71 : vector<16xf32> to vector<1x16xf32>
      tpu.vector_store %swap3A_74[%swap3A_75, %swap3A_76], %swap3A_79 {strides = array<i32>} : memref<128x128xf32, #tpu.memory_space<vmem>>, vector<1x16xf32>,
      %broadcast_in_dim3A_80 = arith.constant 0.000000e+00 : f32
      %broadcast_in_dim3A_81 = vector.broadcast %broadcast_in_dim3A_80 : f32 to vector<16xf32>
      %swap3A_82 = arith.constant 0 : i32
      %swap3A_83 = arith.constant 0 : i32
      %swap3A_84 = tpu.memref_slice %arg8[%scan3A, %swap3A_82, %swap3A_83] : memref<2x128x128xf32, #tpu.memory_space<vmem>> -> memref<1x128x128xf32, #tpu.memory_space<vmem>>
      %swap3A_85 = tpu.memref_squeeze %swap3A_84 : memref<1x128x128xf32, #tpu.memory_space<vmem>> -> memref<128x128xf32, #tpu.memory_space<vmem>>
      %swap3A_86 = arith.index_cast %scan3A_69 : i32 to index
      %swap3A_87 = arith.constant 16 : index
      %swap3A_88 = tpu.vector_load %swap3A_85[%swap3A_86, %swap3A_87] {strides = array<i32>} : memref<128x128xf32, #tpu.memory_space<vmem>>, vector<1x16xf32>,
      %swap3A_89 = vector.shape_cast %swap3A_88 : vector<1x16xf32> to vector<16xf32>
      %swap3A_90 = vector.shape_cast %broadcast_in_dim3A_81 : vector<16xf32> to vector<1x16xf32>
      tpu.vector_store %swap3A_85[%swap3A_86, %swap3A_87], %swap3A_90 {strides = array<i32>} : memref<128x128xf32, #tpu.memory_space<vmem>>, vector<1x16xf32>,
      %broadcast_in_dim3A_91 = arith.constant 0.000000e+00 : f32
      %broadcast_in_dim3A_92 = vector.broadcast %broadcast_in_dim3A_91 : f32 to vector<16xf32>
      %swap3A_93 = arith.constant 0 : i32
      %swap3A_94 = arith.constant 0 : i32
      %swap3A_95 = tpu.memref_slice %arg8[%scan3A, %swap3A_93, %swap3A_94] : memref<2x128x128xf32, #tpu.memory_space<vmem>> -> memref<1x128x128xf32, #tpu.memory_space<vmem>>
      %swap3A_96 = tpu.memref_squeeze %swap3A_95 : memref<1x128x128xf32, #tpu.memory_space<vmem>> -> memref<128x128xf32, #tpu.memory_space<vmem>>
      %swap3A_97 = arith.index_cast %scan3A_69 : i32 to index
      %swap3A_98 = arith.constant 32 : index
      %swap3A_99 = tpu.vector_load %swap3A_96[%swap3A_97, %swap3A_98] {strides = array<i32>} : memref<128x128xf32, #tpu.memory_space<vmem>>, vector<1x16xf32>,
      %swap3A_100 = vector.shape_cast %swap3A_99 : vector<1x16xf32> to vector<16xf32>
      %swap3A_101 = vector.shape_cast %broadcast_in_dim3A_92 : vector<16xf32> to vector<1x16xf32>
      tpu.vector_store %swap3A_96[%swap3A_97, %swap3A_98], %swap3A_101 {strides = array<i32>} : memref<128x128xf32, #tpu.memory_space<vmem>>, vector<1x16xf32>,
      %broadcast_in_dim3A_102 = arith.constant 0.000000e+00 : f32
      %broadcast_in_dim3A_103 = vector.broadcast %broadcast_in_dim3A_102 : f32 to vector<16xf32>
      %swap3A_104 = arith.constant 0 : i32
      %swap3A_105 = arith.constant 0 : i32
      %swap3A_106 = tpu.memref_slice %arg8[%scan3A, %swap3A_104, %swap3A_105] : memref<2x128x128xf32, #tpu.memory_space<vmem>> -> memref<1x128x128xf32, #tpu.memory_space<vmem>>
      %swap3A_107 = tpu.memref_squeeze %swap3A_106 : memref<1x128x128xf32, #tpu.memory_space<vmem>> -> memref<128x128xf32, #tpu.memory_space<vmem>>
      %swap3A_108 = arith.index_cast %scan3A_69 : i32 to index
      %swap3A_109 = arith.constant 48 : index
      %swap3A_110 = tpu.vector_load %swap3A_107[%swap3A_108, %swap3A_109] {strides = array<i32>} : memref<128x128xf32, #tpu.memory_space<vmem>>, vector<1x16xf32>,
      %swap3A_111 = vector.shape_cast %swap3A_110 : vector<1x16xf32> to vector<16xf32>
      %swap3A_112 = vector.shape_cast %broadcast_in_dim3A_103 : vector<16xf32> to vector<1x16xf32>
      tpu.vector_store %swap3A_107[%swap3A_108, %swap3A_109], %swap3A_112 {strides = array<i32>} : memref<128x128xf32, #tpu.memory_space<vmem>>, vector<1x16xf32>,
      %broadcast_in_dim3A_113 = arith.constant 0.000000e+00 : f32
      %broadcast_in_dim3A_114 = vector.broadcast %broadcast_in_dim3A_113 : f32 to vector<16xf32>
      %swap3A_115 = arith.constant 0 : i32
      %swap3A_116 = arith.constant 0 : i32
      %swap3A_117 = tpu.memref_slice %arg8[%scan3A, %swap3A_115, %swap3A_116] : memref<2x128x128xf32, #tpu.memory_space<vmem>> -> memref<1x128x128xf32, #tpu.memory_space<vmem>>
      %swap3A_118 = tpu.memref_squeeze %swap3A_117 : memref<1x128x128xf32, #tpu.memory_space<vmem>> -> memref<128x128xf32, #tpu.memory_space<vmem>>
      %swap3A_119 = arith.index_cast %scan3A_69 : i32 to index
      %swap3A_120 = arith.constant 64 : index
      %swap3A_121 = tpu.vector_load %swap3A_118[%swap3A_119, %swap3A_120] {strides = array<i32>} : memref<128x128xf32, #tpu.memory_space<vmem>>, vector<1x16xf32>,
      %swap3A_122 = vector.shape_cast %swap3A_121 : vector<1x16xf32> to vector<16xf32>
      %swap3A_123 = vector.shape_cast %broadcast_in_dim3A_114 : vector<16xf32> to vector<1x16xf32>
      tpu.vector_store %swap3A_118[%swap3A_119, %swap3A_120], %swap3A_123 {strides = array<i32>} : memref<128x128xf32, #tpu.memory_space<vmem>>, vector<1x16xf32>,
      %broadcast_in_dim3A_124 = arith.constant 0.000000e+00 : f32
      %broadcast_in_dim3A_125 = vector.broadcast %broadcast_in_dim3A_124 : f32 to vector<16xf32>
      %swap3A_126 = arith.constant 0 : i32
      %swap3A_127 = arith.constant 0 : i32
      %swap3A_128 = tpu.memref_slice %arg8[%scan3A, %swap3A_126, %swap3A_127] : memref<2x128x128xf32, #tpu.memory_space<vmem>> -> memref<1x128x128xf32, #tpu.memory_space<vmem>>
      %swap3A_129 = tpu.memref_squeeze %swap3A_128 : memref<1x128x128xf32, #tpu.memory_space<vmem>> -> memref<128x128xf32, #tpu.memory_space<vmem>>
      %swap3A_130 = arith.index_cast %scan3A_69 : i32 to index
      %swap3A_131 = arith.constant 80 : index
      %swap3A_132 = tpu.vector_load %swap3A_129[%swap3A_130, %swap3A_131] {strides = array<i32>} : memref<128x128xf32, #tpu.memory_space<vmem>>, vector<1x16xf32>,
      %swap3A_133 = vector.shape_cast %swap3A_132 : vector<1x16xf32> to vector<16xf32>
      %swap3A_134 = vector.shape_cast %broadcast_in_dim3A_125 : vector<16xf32> to vector<1x16xf32>
      tpu.vector_store %swap3A_129[%swap3A_130, %swap3A_131], %swap3A_134 {strides = array<i32>} : memref<128x128xf32, #tpu.memory_space<vmem>>, vector<1x16xf32>,
      %broadcast_in_dim3A_135 = arith.constant 0.000000e+00 : f32
      %broadcast_in_dim3A_136 = vector.broadcast %broadcast_in_dim3A_135 : f32 to vector<16xf32>
      %swap3A_137 = arith.constant 0 : i32
      %swap3A_138 = arith.constant 0 : i32
      %swap3A_139 = tpu.memref_slice %arg8[%scan3A, %swap3A_137, %swap3A_138] : memref<2x128x128xf32, #tpu.memory_space<vmem>> -> memref<1x128x128xf32, #tpu.memory_space<vmem>>
      %swap3A_140 = tpu.memref_squeeze %swap3A_139 : memref<1x128x128xf32, #tpu.memory_space<vmem>> -> memref<128x128xf32, #tpu.memory_space<vmem>>
      %swap3A_141 = arith.index_cast %scan3A_69 : i32 to index
      %swap3A_142 = arith.constant 96 : index
      %swap3A_143 = tpu.vector_load %swap3A_140[%swap3A_141, %swap3A_142] {strides = array<i32>} : memref<128x128xf32, #tpu.memory_space<vmem>>, vector<1x16xf32>,
      %swap3A_144 = vector.shape_cast %swap3A_143 : vector<1x16xf32> to vector<16xf32>
      %swap3A_145 = vector.shape_cast %broadcast_in_dim3A_136 : vector<16xf32> to vector<1x16xf32>
      tpu.vector_store %swap3A_140[%swap3A_141, %swap3A_142], %swap3A_145 {strides = array<i32>} : memref<128x128xf32, #tpu.memory_space<vmem>>, vector<1x16xf32>,
      %broadcast_in_dim3A_146 = arith.constant 0.000000e+00 : f32
      %broadcast_in_dim3A_147 = vector.broadcast %broadcast_in_dim3A_146 : f32 to vector<16xf32>
      %swap3A_148 = arith.constant 0 : i32
      %swap3A_149 = arith.constant 0 : i32
      %swap3A_150 = tpu.memref_slice %arg8[%scan3A, %swap3A_148, %swap3A_149] : memref<2x128x128xf32, #tpu.memory_space<vmem>> -> memref<1x128x128xf32, #tpu.memory_space<vmem>>
      %swap3A_151 = tpu.memref_squeeze %swap3A_150 : memref<1x128x128xf32, #tpu.memory_space<vmem>> -> memref<128x128xf32, #tpu.memory_space<vmem>>
      %swap3A_152 = arith.index_cast %scan3A_69 : i32 to index
      %swap3A_153 = arith.constant 112 : index
      %swap3A_154 = tpu.vector_load %swap3A_151[%swap3A_152, %swap3A_153] {strides = array<i32>} : memref<128x128xf32, #tpu.memory_space<vmem>>, vector<1x16xf32>,
      %swap3A_155 = vector.shape_cast %swap3A_154 : vector<1x16xf32> to vector<16xf32>
      %swap3A_156 = vector.shape_cast %broadcast_in_dim3A_147 : vector<16xf32> to vector<1x16xf32>
      tpu.vector_store %swap3A_151[%swap3A_152, %swap3A_153], %swap3A_156 {strides = array<i32>} : memref<128x128xf32, #tpu.memory_space<vmem>>, vector<1x16xf32>,
      %scan3A_157 = arith.constant 0 : i32
      scf.yield %scan3A_157 : i32
    }
    %scan3A_7 = arith.constant 128 : i32
    %mul3A_8 = arith.constant 640 : i32
    %mul3A_9 = arith.muli %arg1, %mul3A_8 : i32
    %add3A_10 = arith.constant 0 : i32
    %add3A_11 = arith.addi %mul3A_9, %add3A_10 : i32
    %run_scoped3A = arith.constant 0 : i32
    "tpu.region"() ({
      %run_scoped3A_69 = tpu.sem_alloc : memref<!tpu.dma_semaphore, #tpu.memory_space<semaphore_mem>>
      %dma_start3A = arith.constant 0 : i32
      %dma_start3A_70 = arith.constant 0 : i32
      %dma_start3A_71 = tpu.memref_slice %arg8[%run_scoped3A, %dma_start3A, %dma_start3A_70] : memref<2x128x128xf32, #tpu.memory_space<vmem>> -> memref<1x128x128xf32, #tpu.memory_space<vmem>>
      %dma_start3A_72 = tpu.memref_squeeze %dma_start3A_71 : memref<1x128x128xf32, #tpu.memory_space<vmem>> -> memref<128x128xf32, #tpu.memory_space<vmem>>
      %dma_start3A_73 = arith.constant 0 : i32
      %dma_start3A_74 = tpu.memref_slice %arg9[%add3A_11, %dma_start3A_73] : memref<10240x128xf32, #tpu.memory_space<vmem_shared>> -> memref<128x128xf32, #tpu.memory_space<vmem_shared>>
      %dma_start3A_75 = arith.constant 0 : i32
      %dma_start3A_76 = tpu.memref_slice %arg9[%add3A_11, %dma_start3A_75] : memref<10240x128xf32, #tpu.memory_space<vmem_shared>> -> memref<128x128xf32, #tpu.memory_space<vmem_shared>>
      %dma_start3A_77 = arith.constant 0 : i32
      %dma_start3A_78 = arith.constant 0 : i32
      %dma_start3A_79 = tpu.memref_slice %arg8[%run_scoped3A, %dma_start3A_77, %dma_start3A_78] : memref<2x128x128xf32, #tpu.memory_space<vmem>> -> memref<1x128x128xf32, #tpu.memory_space<vmem>>
      %dma_start3A_80 = tpu.memref_squeeze %dma_start3A_79 : memref<1x128x128xf32, #tpu.memory_space<vmem>> -> memref<128x128xf32, #tpu.memory_space<vmem>>
      tpu.enqueue_dma source(%dma_start3A_80 : memref<128x128xf32, #tpu.memory_space<vmem>>) target(%dma_start3A_76 : memref<128x128xf32, #tpu.memory_space<vmem_shared>>) target_semaphore(%run_scoped3A_69 : memref<!tpu.dma_semaphore, #tpu.memory_space<semaphore_mem>>)
      %dma_wait3A_81 = arith.constant 0 : i32
      %dma_wait3A_82 = arith.constant 0 : i32
      %dma_wait3A_83 = tpu.memref_slice %arg8[%run_scoped3A, %dma_wait3A_81, %dma_wait3A_82] : memref<2x128x128xf32, #tpu.memory_space<vmem>> -> memref<1x128x128xf32, #tpu.memory_space<vmem>>
      %dma_wait3A_84 = tpu.memref_squeeze %dma_wait3A_83 : memref<1x128x128xf32, #tpu.memory_space<vmem>> -> memref<128x128xf32, #tpu.memory_space<vmem>>
      %dma_wait3A_85 = arith.constant 0 : i32
      %dma_wait3A_86 = tpu.memref_slice %arg9[%add3A_11, %dma_wait3A_85] : memref<10240x128xf32, #tpu.memory_space<vmem_shared>> -> memref<128x128xf32, #tpu.memory_space<vmem_shared>>
      %dma_wait3A_87 = arith.constant 0 : i32
      %dma_wait3A_88 = tpu.memref_slice %arg9[%add3A_11, %dma_wait3A_87] : memref<10240x128xf32, #tpu.memory_space<vmem_shared>> -> memref<128x128xf32, #tpu.memory_space<vmem_shared>>
      %dma_wait3A_89 = arith.constant 0 : i32
      %dma_wait3A_90 = arith.constant 0 : i32
      %dma_wait3A_91 = tpu.memref_slice %arg8[%run_scoped3A, %dma_wait3A_89, %dma_wait3A_90] : memref<2x128x128xf32, #tpu.memory_space<vmem>> -> memref<1x128x128xf32, #tpu.memory_space<vmem>>
      %dma_wait3A_92 = tpu.memref_squeeze %dma_wait3A_91 : memref<1x128x128xf32, #tpu.memory_space<vmem>> -> memref<128x128xf32, #tpu.memory_space<vmem>>
      tpu.wait_dma2 semaphore(%run_scoped3A_69 : memref<!tpu.dma_semaphore, #tpu.memory_space<semaphore_mem>>) src(%dma_wait3A_92 : memref<128x128xf32, #tpu.memory_space<vmem>>) dst(%dma_wait3A_88 : memref<128x128xf32, #tpu.memory_space<vmem_shared>>)
      tpu.yield
    }) : () -> ()
    %mul3A_12 = arith.constant 640 : i32
    %mul3A_13 = arith.muli %arg1, %mul3A_12 : i32
    %add3A_14 = arith.constant 128 : i32
    %add3A_15 = arith.addi %mul3A_13, %add3A_14 : i32
    %run_scoped3A_16 = arith.constant 0 : i32
    "tpu.region"() ({
      %run_scoped3A_69 = tpu.sem_alloc : memref<!tpu.dma_semaphore, #tpu.memory_space<semaphore_mem>>
      %dma_start3A = arith.constant 0 : i32
      %dma_start3A_70 = arith.constant 0 : i32
      %dma_start3A_71 = tpu.memref_slice %arg8[%run_scoped3A_16, %dma_start3A, %dma_start3A_70] : memref<2x128x128xf32, #tpu.memory_space<vmem>> -> memref<1x128x128xf32, #tpu.memory_space<vmem>>
      %dma_start3A_72 = tpu.memref_squeeze %dma_start3A_71 : memref<1x128x128xf32, #tpu.memory_space<vmem>> -> memref<128x128xf32, #tpu.memory_space<vmem>>
      %dma_start3A_73 = arith.constant 0 : i32
      %dma_start3A_74 = tpu.memref_slice %arg9[%add3A_15, %dma_start3A_73] : memref<10240x128xf32, #tpu.memory_space<vmem_shared>> -> memref<128x128xf32, #tpu.memory_space<vmem_shared>>
      %dma_start3A_75 = arith.constant 0 : i32
      %dma_start3A_76 = tpu.memref_slice %arg9[%add3A_15, %dma_start3A_75] : memref<10240x128xf32, #tpu.memory_space<vmem_shared>> -> memref<128x128xf32, #tpu.memory_space<vmem_shared>>
      %dma_start3A_77 = arith.constant 0 : i32
      %dma_start3A_78 = arith.constant 0 : i32
      %dma_start3A_79 = tpu.memref_slice %arg8[%run_scoped3A_16, %dma_start3A_77, %dma_start3A_78] : memref<2x128x128xf32, #tpu.memory_space<vmem>> -> memref<1x128x128xf32, #tpu.memory_space<vmem>>
      %dma_start3A_80 = tpu.memref_squeeze %dma_start3A_79 : memref<1x128x128xf32, #tpu.memory_space<vmem>> -> memref<128x128xf32, #tpu.memory_space<vmem>>
      tpu.enqueue_dma source(%dma_start3A_80 : memref<128x128xf32, #tpu.memory_space<vmem>>) target(%dma_start3A_76 : memref<128x128xf32, #tpu.memory_space<vmem_shared>>) target_semaphore(%run_scoped3A_69 : memref<!tpu.dma_semaphore, #tpu.memory_space<semaphore_mem>>)
      %dma_wait3A_81 = arith.constant 0 : i32
      %dma_wait3A_82 = arith.constant 0 : i32
      %dma_wait3A_83 = tpu.memref_slice %arg8[%run_scoped3A_16, %dma_wait3A_81, %dma_wait3A_82] : memref<2x128x128xf32, #tpu.memory_space<vmem>> -> memref<1x128x128xf32, #tpu.memory_space<vmem>>
      %dma_wait3A_84 = tpu.memref_squeeze %dma_wait3A_83 : memref<1x128x128xf32, #tpu.memory_space<vmem>> -> memref<128x128xf32, #tpu.memory_space<vmem>>
      %dma_wait3A_85 = arith.constant 0 : i32
      %dma_wait3A_86 = tpu.memref_slice %arg9[%add3A_15, %dma_wait3A_85] : memref<10240x128xf32, #tpu.memory_space<vmem_shared>> -> memref<128x128xf32, #tpu.memory_space<vmem_shared>>
      %dma_wait3A_87 = arith.constant 0 : i32
      %dma_wait3A_88 = tpu.memref_slice %arg9[%add3A_15, %dma_wait3A_87] : memref<10240x128xf32, #tpu.memory_space<vmem_shared>> -> memref<128x128xf32, #tpu.memory_space<vmem_shared>>
      %dma_wait3A_89 = arith.constant 0 : i32
      %dma_wait3A_90 = arith.constant 0 : i32
      %dma_wait3A_91 = tpu.memref_slice %arg8[%run_scoped3A_16, %dma_wait3A_89, %dma_wait3A_90] : memref<2x128x128xf32, #tpu.memory_space<vmem>> -> memref<1x128x128xf32, #tpu.memory_space<vmem>>
      %dma_wait3A_92 = tpu.memref_squeeze %dma_wait3A_91 : memref<1x128x128xf32, #tpu.memory_space<vmem>> -> memref<128x128xf32, #tpu.memory_space<vmem>>
      tpu.wait_dma2 semaphore(%run_scoped3A_69 : memref<!tpu.dma_semaphore, #tpu.memory_space<semaphore_mem>>) src(%dma_wait3A_92 : memref<128x128xf32, #tpu.memory_space<vmem>>) dst(%dma_wait3A_88 : memref<128x128xf32, #tpu.memory_space<vmem_shared>>)
      tpu.yield
    }) : () -> ()
    %mul3A_17 = arith.constant 640 : i32
    %mul3A_18 = arith.muli %arg1, %mul3A_17 : i32
    %add3A_19 = arith.constant 256 : i32
    %add3A_20 = arith.addi %mul3A_18, %add3A_19 : i32
    %run_scoped3A_21 = arith.constant 0 : i32
    "tpu.region"() ({
      %run_scoped3A_69 = tpu.sem_alloc : memref<!tpu.dma_semaphore, #tpu.memory_space<semaphore_mem>>
      %dma_start3A = arith.constant 0 : i32
      %dma_start3A_70 = arith.constant 0 : i32
      %dma_start3A_71 = tpu.memref_slice %arg8[%run_scoped3A_21, %dma_start3A, %dma_start3A_70] : memref<2x128x128xf32, #tpu.memory_space<vmem>> -> memref<1x128x128xf32, #tpu.memory_space<vmem>>
      %dma_start3A_72 = tpu.memref_squeeze %dma_start3A_71 : memref<1x128x128xf32, #tpu.memory_space<vmem>> -> memref<128x128xf32, #tpu.memory_space<vmem>>
      %dma_start3A_73 = arith.constant 0 : i32
      %dma_start3A_74 = tpu.memref_slice %arg9[%add3A_20, %dma_start3A_73] : memref<10240x128xf32, #tpu.memory_space<vmem_shared>> -> memref<128x128xf32, #tpu.memory_space<vmem_shared>>
      %dma_start3A_75 = arith.constant 0 : i32
      %dma_start3A_76 = tpu.memref_slice %arg9[%add3A_20, %dma_start3A_75] : memref<10240x128xf32, #tpu.memory_space<vmem_shared>> -> memref<128x128xf32, #tpu.memory_space<vmem_shared>>
      %dma_start3A_77 = arith.constant 0 : i32
      %dma_start3A_78 = arith.constant 0 : i32
      %dma_start3A_79 = tpu.memref_slice %arg8[%run_scoped3A_21, %dma_start3A_77, %dma_start3A_78] : memref<2x128x128xf32, #tpu.memory_space<vmem>> -> memref<1x128x128xf32, #tpu.memory_space<vmem>>
      %dma_start3A_80 = tpu.memref_squeeze %dma_start3A_79 : memref<1x128x128xf32, #tpu.memory_space<vmem>> -> memref<128x128xf32, #tpu.memory_space<vmem>>
      tpu.enqueue_dma source(%dma_start3A_80 : memref<128x128xf32, #tpu.memory_space<vmem>>) target(%dma_start3A_76 : memref<128x128xf32, #tpu.memory_space<vmem_shared>>) target_semaphore(%run_scoped3A_69 : memref<!tpu.dma_semaphore, #tpu.memory_space<semaphore_mem>>)
      %dma_wait3A_81 = arith.constant 0 : i32
      %dma_wait3A_82 = arith.constant 0 : i32
      %dma_wait3A_83 = tpu.memref_slice %arg8[%run_scoped3A_21, %dma_wait3A_81, %dma_wait3A_82] : memref<2x128x128xf32, #tpu.memory_space<vmem>> -> memref<1x128x128xf32, #tpu.memory_space<vmem>>
      %dma_wait3A_84 = tpu.memref_squeeze %dma_wait3A_83 : memref<1x128x128xf32, #tpu.memory_space<vmem>> -> memref<128x128xf32, #tpu.memory_space<vmem>>
      %dma_wait3A_85 = arith.constant 0 : i32
      %dma_wait3A_86 = tpu.memref_slice %arg9[%add3A_20, %dma_wait3A_85] : memref<10240x128xf32, #tpu.memory_space<vmem_shared>> -> memref<128x128xf32, #tpu.memory_space<vmem_shared>>
      %dma_wait3A_87 = arith.constant 0 : i32
      %dma_wait3A_88 = tpu.memref_slice %arg9[%add3A_20, %dma_wait3A_87] : memref<10240x128xf32, #tpu.memory_space<vmem_shared>> -> memref<128x128xf32, #tpu.memory_space<vmem_shared>>
      %dma_wait3A_89 = arith.constant 0 : i32
      %dma_wait3A_90 = arith.constant 0 : i32
      %dma_wait3A_91 = tpu.memref_slice %arg8[%run_scoped3A_21, %dma_wait3A_89, %dma_wait3A_90] : memref<2x128x128xf32, #tpu.memory_space<vmem>> -> memref<1x128x128xf32, #tpu.memory_space<vmem>>
      %dma_wait3A_92 = tpu.memref_squeeze %dma_wait3A_91 : memref<1x128x128xf32, #tpu.memory_space<vmem>> -> memref<128x128xf32, #tpu.memory_space<vmem>>
      tpu.wait_dma2 semaphore(%run_scoped3A_69 : memref<!tpu.dma_semaphore, #tpu.memory_space<semaphore_mem>>) src(%dma_wait3A_92 : memref<128x128xf32, #tpu.memory_space<vmem>>) dst(%dma_wait3A_88 : memref<128x128xf32, #tpu.memory_space<vmem_shared>>)
      tpu.yield
    }) : () -> ()
    %mul3A_22 = arith.constant 640 : i32
    %mul3A_23 = arith.muli %arg1, %mul3A_22 : i32
    %add3A_24 = arith.constant 384 : i32
    %add3A_25 = arith.addi %mul3A_23, %add3A_24 : i32
    %run_scoped3A_26 = arith.constant 0 : i32
    "tpu.region"() ({
      %run_scoped3A_69 = tpu.sem_alloc : memref<!tpu.dma_semaphore, #tpu.memory_space<semaphore_mem>>
      %dma_start3A = arith.constant 0 : i32
      %dma_start3A_70 = arith.constant 0 : i32
      %dma_start3A_71 = tpu.memref_slice %arg8[%run_scoped3A_26, %dma_start3A, %dma_start3A_70] : memref<2x128x128xf32, #tpu.memory_space<vmem>> -> memref<1x128x128xf32, #tpu.memory_space<vmem>>
      %dma_start3A_72 = tpu.memref_squeeze %dma_start3A_71 : memref<1x128x128xf32, #tpu.memory_space<vmem>> -> memref<128x128xf32, #tpu.memory_space<vmem>>
      %dma_start3A_73 = arith.constant 0 : i32
      %dma_start3A_74 = tpu.memref_slice %arg9[%add3A_25, %dma_start3A_73] : memref<10240x128xf32, #tpu.memory_space<vmem_shared>> -> memref<128x128xf32, #tpu.memory_space<vmem_shared>>
      %dma_start3A_75 = arith.constant 0 : i32
      %dma_start3A_76 = tpu.memref_slice %arg9[%add3A_25, %dma_start3A_75] : memref<10240x128xf32, #tpu.memory_space<vmem_shared>> -> memref<128x128xf32, #tpu.memory_space<vmem_shared>>
      %dma_start3A_77 = arith.constant 0 : i32
      %dma_start3A_78 = arith.constant 0 : i32
      %dma_start3A_79 = tpu.memref_slice %arg8[%run_scoped3A_26, %dma_start3A_77, %dma_start3A_78] : memref<2x128x128xf32, #tpu.memory_space<vmem>> -> memref<1x128x128xf32, #tpu.memory_space<vmem>>
      %dma_start3A_80 = tpu.memref_squeeze %dma_start3A_79 : memref<1x128x128xf32, #tpu.memory_space<vmem>> -> memref<128x128xf32, #tpu.memory_space<vmem>>
      tpu.enqueue_dma source(%dma_start3A_80 : memref<128x128xf32, #tpu.memory_space<vmem>>) target(%dma_start3A_76 : memref<128x128xf32, #tpu.memory_space<vmem_shared>>) target_semaphore(%run_scoped3A_69 : memref<!tpu.dma_semaphore, #tpu.memory_space<semaphore_mem>>)
      %dma_wait3A_81 = arith.constant 0 : i32
      %dma_wait3A_82 = arith.constant 0 : i32
      %dma_wait3A_83 = tpu.memref_slice %arg8[%run_scoped3A_26, %dma_wait3A_81, %dma_wait3A_82] : memref<2x128x128xf32, #tpu.memory_space<vmem>> -> memref<1x128x128xf32, #tpu.memory_space<vmem>>
      %dma_wait3A_84 = tpu.memref_squeeze %dma_wait3A_83 : memref<1x128x128xf32, #tpu.memory_space<vmem>> -> memref<128x128xf32, #tpu.memory_space<vmem>>
      %dma_wait3A_85 = arith.constant 0 : i32
      %dma_wait3A_86 = tpu.memref_slice %arg9[%add3A_25, %dma_wait3A_85] : memref<10240x128xf32, #tpu.memory_space<vmem_shared>> -> memref<128x128xf32, #tpu.memory_space<vmem_shared>>
      %dma_wait3A_87 = arith.constant 0 : i32
      %dma_wait3A_88 = tpu.memref_slice %arg9[%add3A_25, %dma_wait3A_87] : memref<10240x128xf32, #tpu.memory_space<vmem_shared>> -> memref<128x128xf32, #tpu.memory_space<vmem_shared>>
      %dma_wait3A_89 = arith.constant 0 : i32
      %dma_wait3A_90 = arith.constant 0 : i32
      %dma_wait3A_91 = tpu.memref_slice %arg8[%run_scoped3A_26, %dma_wait3A_89, %dma_wait3A_90] : memref<2x128x128xf32, #tpu.memory_space<vmem>> -> memref<1x128x128xf32, #tpu.memory_space<vmem>>
      %dma_wait3A_92 = tpu.memref_squeeze %dma_wait3A_91 : memref<1x128x128xf32, #tpu.memory_space<vmem>> -> memref<128x128xf32, #tpu.memory_space<vmem>>
      tpu.wait_dma2 semaphore(%run_scoped3A_69 : memref<!tpu.dma_semaphore, #tpu.memory_space<semaphore_mem>>) src(%dma_wait3A_92 : memref<128x128xf32, #tpu.memory_space<vmem>>) dst(%dma_wait3A_88 : memref<128x128xf32, #tpu.memory_space<vmem_shared>>)
      tpu.yield
    }) : () -> ()
    %mul3A_27 = arith.constant 640 : i32
    %mul3A_28 = arith.muli %arg1, %mul3A_27 : i32
    %add3A_29 = arith.constant 512 : i32
    %add3A_30 = arith.addi %mul3A_28, %add3A_29 : i32
    %run_scoped3A_31 = arith.constant 0 : i32
    "tpu.region"() ({
      %run_scoped3A_69 = tpu.sem_alloc : memref<!tpu.dma_semaphore, #tpu.memory_space<semaphore_mem>>
      %dma_start3A = arith.constant 0 : i32
      %dma_start3A_70 = arith.constant 0 : i32
      %dma_start3A_71 = tpu.memref_slice %arg8[%run_scoped3A_31, %dma_start3A, %dma_start3A_70] : memref<2x128x128xf32, #tpu.memory_space<vmem>> -> memref<1x128x128xf32, #tpu.memory_space<vmem>>
      %dma_start3A_72 = tpu.memref_squeeze %dma_start3A_71 : memref<1x128x128xf32, #tpu.memory_space<vmem>> -> memref<128x128xf32, #tpu.memory_space<vmem>>
      %dma_start3A_73 = arith.constant 0 : i32
      %dma_start3A_74 = tpu.memref_slice %arg9[%add3A_30, %dma_start3A_73] : memref<10240x128xf32, #tpu.memory_space<vmem_shared>> -> memref<128x128xf32, #tpu.memory_space<vmem_shared>>
      %dma_start3A_75 = arith.constant 0 : i32
      %dma_start3A_76 = tpu.memref_slice %arg9[%add3A_30, %dma_start3A_75] : memref<10240x128xf32, #tpu.memory_space<vmem_shared>> -> memref<128x128xf32, #tpu.memory_space<vmem_shared>>
      %dma_start3A_77 = arith.constant 0 : i32
      %dma_start3A_78 = arith.constant 0 : i32
      %dma_start3A_79 = tpu.memref_slice %arg8[%run_scoped3A_31, %dma_start3A_77, %dma_start3A_78] : memref<2x128x128xf32, #tpu.memory_space<vmem>> -> memref<1x128x128xf32, #tpu.memory_space<vmem>>
      %dma_start3A_80 = tpu.memref_squeeze %dma_start3A_79 : memref<1x128x128xf32, #tpu.memory_space<vmem>> -> memref<128x128xf32, #tpu.memory_space<vmem>>
      tpu.enqueue_dma source(%dma_start3A_80 : memref<128x128xf32, #tpu.memory_space<vmem>>) target(%dma_start3A_76 : memref<128x128xf32, #tpu.memory_space<vmem_shared>>) target_semaphore(%run_scoped3A_69 : memref<!tpu.dma_semaphore, #tpu.memory_space<semaphore_mem>>)
      %dma_wait3A_81 = arith.constant 0 : i32
      %dma_wait3A_82 = arith.constant 0 : i32
      %dma_wait3A_83 = tpu.memref_slice %arg8[%run_scoped3A_31, %dma_wait3A_81, %dma_wait3A_82] : memref<2x128x128xf32, #tpu.memory_space<vmem>> -> memref<1x128x128xf32, #tpu.memory_space<vmem>>
      %dma_wait3A_84 = tpu.memref_squeeze %dma_wait3A_83 : memref<1x128x128xf32, #tpu.memory_space<vmem>> -> memref<128x128xf32, #tpu.memory_space<vmem>>
      %dma_wait3A_85 = arith.constant 0 : i32
      %dma_wait3A_86 = tpu.memref_slice %arg9[%add3A_30, %dma_wait3A_85] : memref<10240x128xf32, #tpu.memory_space<vmem_shared>> -> memref<128x128xf32, #tpu.memory_space<vmem_shared>>
      %dma_wait3A_87 = arith.constant 0 : i32
      %dma_wait3A_88 = tpu.memref_slice %arg9[%add3A_30, %dma_wait3A_87] : memref<10240x128xf32, #tpu.memory_space<vmem_shared>> -> memref<128x128xf32, #tpu.memory_space<vmem_shared>>
      %dma_wait3A_89 = arith.constant 0 : i32
      %dma_wait3A_90 = arith.constant 0 : i32
      %dma_wait3A_91 = tpu.memref_slice %arg8[%run_scoped3A_31, %dma_wait3A_89, %dma_wait3A_90] : memref<2x128x128xf32, #tpu.memory_space<vmem>> -> memref<1x128x128xf32, #tpu.memory_space<vmem>>
      %dma_wait3A_92 = tpu.memref_squeeze %dma_wait3A_91 : memref<1x128x128xf32, #tpu.memory_space<vmem>> -> memref<128x128xf32, #tpu.memory_space<vmem>>
      tpu.wait_dma2 semaphore(%run_scoped3A_69 : memref<!tpu.dma_semaphore, #tpu.memory_space<semaphore_mem>>) src(%dma_wait3A_92 : memref<128x128xf32, #tpu.memory_space<vmem>>) dst(%dma_wait3A_88 : memref<128x128xf32, #tpu.memory_space<vmem_shared>>)
      tpu.yield
    }) : () -> ()
    %barrier3A = arith.constant 0 : index
    tpu.barrier barrier_id(%barrier3A)
    %scan3A_32 = arith.constant 0 : i32
    %scan3A_33 = arith.constant 1 : i32
    %scan3A_34 = arith.constant 0 : i32
    %scan3A_35 = arith.constant 0 : i32
    %scan3A_36 = arith.constant 4 : i32
    %scan3A_37 = arith.addi %scan3A_35, %scan3A_36 : i32
    %scan3A_38 = arith.constant 1 : i32
    %scan3A_39 = scf.for %scan3A_69 = %scan3A_35 to %scan3A_37 step %scan3A_38 iter_args(%scan3A_70 = %scan3A_34) -> (i32)  : i32 {
      %gt3A = arith.constant 0 : i32
      %gt3A_71 = arith.cmpi sgt, %scan3A_69, %gt3A : i32
      %convert_element_type3A = arith.extui %gt3A_71 : i1 to i32
      %cond3A = arith.constant 0 : i32
      %cond3A_72 = arith.cmpi ne, %convert_element_type3A, %cond3A : i32
      scf.if %cond3A_72 {
        %dma_wait3A_95 = arith.constant 0 : i32
        %dma_wait3A_96 = arith.constant 0 : i32
        %dma_wait3A_97 = arith.constant 0 : i32
        %dma_wait3A_98 = tpu.memref_slice %arg8[%scan3A_32, %dma_wait3A_96, %dma_wait3A_97] : memref<2x128x128xf32, #tpu.memory_space<vmem>> -> memref<1x128x128xf32, #tpu.memory_space<vmem>>
        %dma_wait3A_99 = tpu.memref_squeeze %dma_wait3A_98 : memref<1x128x128xf32, #tpu.memory_space<vmem>> -> memref<128x128xf32, #tpu.memory_space<vmem>>
        %dma_wait3A_100 = arith.constant 0 : i32
        %dma_wait3A_101 = tpu.memref_slice %arg7[%dma_wait3A_95, %dma_wait3A_100] : memref<40x128xi32, #tpu.memory_space<vmem>> -> memref<1x128xi32, #tpu.memory_space<vmem>>
        %dma_wait3A_102 = tpu.memref_squeeze %dma_wait3A_101 : memref<1x128xi32, #tpu.memory_space<vmem>> -> memref<128xi32, #tpu.memory_space<vmem>>
        %dma_wait3A_103 = arith.constant 0 : i32
        %dma_wait3A_104 = arith.constant 0 : i32
        %dma_wait3A_105 = tpu.memref_slice %arg9[%dma_wait3A_103, %dma_wait3A_104] : memref<10240x128xf32, #tpu.memory_space<vmem_shared>> -> memref<10240x128xf32, #tpu.memory_space<vmem_shared>>
        tpu.wait_indirect_dma semaphore(%arg12 : memref<!tpu.dma_semaphore, #tpu.memory_space<semaphore_mem>>) src(%dma_wait3A_99 : memref<128x128xf32, #tpu.memory_space<vmem>>) dst(%dma_wait3A_105 : memref<10240x128xf32, #tpu.memory_space<vmem_shared>>)
        %dma_wait3A_106 = arith.constant 1 : i32
        %dma_wait3A_107 = arith.constant 0 : i32
        %dma_wait3A_108 = arith.constant 0 : i32
        %dma_wait3A_109 = tpu.memref_slice %arg8[%scan3A_33, %dma_wait3A_107, %dma_wait3A_108] : memref<2x128x128xf32, #tpu.memory_space<vmem>> -> memref<1x128x128xf32, #tpu.memory_space<vmem>>
        %dma_wait3A_110 = tpu.memref_squeeze %dma_wait3A_109 : memref<1x128x128xf32, #tpu.memory_space<vmem>> -> memref<128x128xf32, #tpu.memory_space<vmem>>
        %dma_wait3A_111 = arith.constant 0 : i32
        %dma_wait3A_112 = tpu.memref_slice %arg7[%dma_wait3A_106, %dma_wait3A_111] : memref<40x128xi32, #tpu.memory_space<vmem>> -> memref<1x128xi32, #tpu.memory_space<vmem>>
        %dma_wait3A_113 = tpu.memref_squeeze %dma_wait3A_112 : memref<1x128xi32, #tpu.memory_space<vmem>> -> memref<128xi32, #tpu.memory_space<vmem>>
        %dma_wait3A_114 = arith.constant 0 : i32
        %dma_wait3A_115 = arith.constant 0 : i32
        %dma_wait3A_116 = tpu.memref_slice %arg9[%dma_wait3A_114, %dma_wait3A_115] : memref<10240x128xf32, #tpu.memory_space<vmem_shared>> -> memref<10240x128xf32, #tpu.memory_space<vmem_shared>>
        tpu.wait_indirect_dma semaphore(%arg13 : memref<!tpu.dma_semaphore, #tpu.memory_space<semaphore_mem>>) src(%dma_wait3A_110 : memref<128x128xf32, #tpu.memory_space<vmem>>) dst(%dma_wait3A_116 : memref<10240x128xf32, #tpu.memory_space<vmem_shared>>)
      } else {
      }
      %mul3A_73 = arith.constant 40 : i32
      %mul3A_74 = arith.muli %scan3A_69, %mul3A_73 : i32
      "tpu.region"() ({
        %run_scoped3A_95 = tpu.sem_alloc : memref<!tpu.dma_semaphore, #tpu.memory_space<semaphore_mem>>
        %dma_start3A_96 = arith.constant 0 : i32
        %dma_start3A_97 = tpu.memref_slice %arg3[%add3A, %mul3A_74, %dma_start3A_96] : memref<32x160x128xi32, #tpu.memory_space<hbm>> -> memref<1x40x128xi32, #tpu.memory_space<hbm>>
        %dma_start3A_98 = tpu.memref_squeeze %dma_start3A_97 : memref<1x40x128xi32, #tpu.memory_space<hbm>> -> memref<40x128xi32, #tpu.memory_space<hbm>>
        %dma_start3A_99 = arith.constant 0 : i32
        %dma_start3A_100 = tpu.memref_slice %arg3[%add3A, %mul3A_74, %dma_start3A_99] : memref<32x160x128xi32, #tpu.memory_space<hbm>> -> memref<1x40x128xi32, #tpu.memory_space<hbm>>
        %dma_start3A_101 = tpu.memref_squeeze %dma_start3A_100 : memref<1x40x128xi32, #tpu.memory_space<hbm>> -> memref<40x128xi32, #tpu.memory_space<hbm>>
        tpu.enqueue_dma source(%dma_start3A_101 : memref<40x128xi32, #tpu.memory_space<hbm>>) target(%arg6 : memref<40x128xi32, #tpu.memory_space<vmem>>) target_semaphore(%run_scoped3A_95 : memref<!tpu.dma_semaphore, #tpu.memory_space<semaphore_mem>>)
        %dma_wait3A_102 = arith.constant 0 : i32
        %dma_wait3A_103 = tpu.memref_slice %arg3[%add3A, %mul3A_74, %dma_wait3A_102] : memref<32x160x128xi32, #tpu.memory_space<hbm>> -> memref<1x40x128xi32, #tpu.memory_space<hbm>>
        %dma_wait3A_104 = tpu.memref_squeeze %dma_wait3A_103 : memref<1x40x128xi32, #tpu.memory_space<hbm>> -> memref<40x128xi32, #tpu.memory_space<hbm>>
        %dma_wait3A_105 = arith.constant 0 : i32
        %dma_wait3A_106 = tpu.memref_slice %arg3[%add3A, %mul3A_74, %dma_wait3A_105] : memref<32x160x128xi32, #tpu.memory_space<hbm>> -> memref<1x40x128xi32, #tpu.memory_space<hbm>>
        %dma_wait3A_107 = tpu.memref_squeeze %dma_wait3A_106 : memref<1x40x128xi32, #tpu.memory_space<hbm>> -> memref<40x128xi32, #tpu.memory_space<hbm>>
        tpu.wait_dma2 semaphore(%run_scoped3A_95 : memref<!tpu.dma_semaphore, #tpu.memory_space<semaphore_mem>>) src(%dma_wait3A_107 : memref<40x128xi32, #tpu.memory_space<hbm>>) dst(%arg6 : memref<40x128xi32, #tpu.memory_space<vmem>>)
        tpu.yield
      }) : () -> ()
      %mul3A_75 = arith.constant 40 : i32
      %mul3A_76 = arith.muli %scan3A_69, %mul3A_75 : i32
      "tpu.region"() ({
        %run_scoped3A_95 = tpu.sem_alloc : memref<!tpu.dma_semaphore, #tpu.memory_space<semaphore_mem>>
        %dma_start3A_96 = arith.constant 0 : i32
        %dma_start3A_97 = tpu.memref_slice %arg4[%add3A, %mul3A_76, %dma_start3A_96] : memref<32x160x128xi32, #tpu.memory_space<hbm>> -> memref<1x40x128xi32, #tpu.memory_space<hbm>>
        %dma_start3A_98 = tpu.memref_squeeze %dma_start3A_97 : memref<1x40x128xi32, #tpu.memory_space<hbm>> -> memref<40x128xi32, #tpu.memory_space<hbm>>
        %dma_start3A_99 = arith.constant 0 : i32
        %dma_start3A_100 = tpu.memref_slice %arg4[%add3A, %mul3A_76, %dma_start3A_99] : memref<32x160x128xi32, #tpu.memory_space<hbm>> -> memref<1x40x128xi32, #tpu.memory_space<hbm>>
        %dma_start3A_101 = tpu.memref_squeeze %dma_start3A_100 : memref<1x40x128xi32, #tpu.memory_space<hbm>> -> memref<40x128xi32, #tpu.memory_space<hbm>>
        tpu.enqueue_dma source(%dma_start3A_101 : memref<40x128xi32, #tpu.memory_space<hbm>>) target(%arg7 : memref<40x128xi32, #tpu.memory_space<vmem>>) target_semaphore(%run_scoped3A_95 : memref<!tpu.dma_semaphore, #tpu.memory_space<semaphore_mem>>)
        %dma_wait3A_102 = arith.constant 0 : i32
        %dma_wait3A_103 = tpu.memref_slice %arg4[%add3A, %mul3A_76, %dma_wait3A_102] : memref<32x160x128xi32, #tpu.memory_space<hbm>> -> memref<1x40x128xi32, #tpu.memory_space<hbm>>
        %dma_wait3A_104 = tpu.memref_squeeze %dma_wait3A_103 : memref<1x40x128xi32, #tpu.memory_space<hbm>> -> memref<40x128xi32, #tpu.memory_space<hbm>>
        %dma_wait3A_105 = arith.constant 0 : i32
        %dma_wait3A_106 = tpu.memref_slice %arg4[%add3A, %mul3A_76, %dma_wait3A_105] : memref<32x160x128xi32, #tpu.memory_space<hbm>> -> memref<1x40x128xi32, #tpu.memory_space<hbm>>
        %dma_wait3A_107 = tpu.memref_squeeze %dma_wait3A_106 : memref<1x40x128xi32, #tpu.memory_space<hbm>> -> memref<40x128xi32, #tpu.memory_space<hbm>>
        tpu.wait_dma2 semaphore(%run_scoped3A_95 : memref<!tpu.dma_semaphore, #tpu.memory_space<semaphore_mem>>) src(%dma_wait3A_107 : memref<40x128xi32, #tpu.memory_space<hbm>>) dst(%arg7 : memref<40x128xi32, #tpu.memory_space<vmem>>)
        tpu.yield
      }) : () -> ()
      %dma_start3A = arith.constant 0 : i32
      %dma_start3A_77 = arith.constant 0 : i32
      %dma_start3A_78 = arith.constant 0 : i32
      %dma_start3A_79 = tpu.memref_slice %arg8[%scan3A_32, %dma_start3A_77, %dma_start3A_78] : memref<2x128x128xf32, #tpu.memory_space<vmem>> -> memref<1x128x128xf32, #tpu.memory_space<vmem>>
      %dma_start3A_80 = tpu.memref_squeeze %dma_start3A_79 : memref<1x128x128xf32, #tpu.memory_space<vmem>> -> memref<128x128xf32, #tpu.memory_space<vmem>>
      %dma_start3A_81 = arith.constant 0 : i32
      %dma_start3A_82 = tpu.memref_slice %arg6[%dma_start3A, %dma_start3A_81] : memref<40x128xi32, #tpu.memory_space<vmem>> -> memref<1x128xi32, #tpu.memory_space<vmem>>
      %dma_start3A_83 = tpu.memref_squeeze %dma_start3A_82 : memref<1x128xi32, #tpu.memory_space<vmem>> -> memref<128xi32, #tpu.memory_space<vmem>>
      %dma_start3A_84 = arith.constant 0 : i32
      %dma_start3A_85 = arith.constant 0 : i32
      %dma_start3A_86 = tpu.memref_slice %arg2[%dma_start3A_84, %dma_start3A_85] : memref<10240x128xf32, #tpu.memory_space<hbm>> -> memref<10240x128xf32, #tpu.memory_space<hbm>>
      tpu.enqueue_indirect_dma source(%dma_start3A_86 : memref<10240x128xf32, #tpu.memory_space<hbm>>) target(%dma_start3A_80 : memref<128x128xf32, #tpu.memory_space<vmem>>) offsets(%dma_start3A_83 : memref<128xi32, #tpu.memory_space<vmem>>) semaphore(%arg10 : memref<!tpu.dma_semaphore, #tpu.memory_space<semaphore_mem>>)
      %scan3A_87 = arith.constant 0 : i32
      %scan3A_88 = arith.constant 0 : i32
      %scan3A_89 = arith.constant 20 : i32
      %scan3A_90 = arith.addi %scan3A_88, %scan3A_89 : i32
      %scan3A_91 = arith.constant 1 : i32
      %scan3A_92 = scf.for %scan3A_95 = %scan3A_88 to %scan3A_90 step %scan3A_91 iter_args(%scan3A_96 = %scan3A_87) -> (i32)  : i32 {
        %mul3A_97 = arith.constant 2 : i32
        %mul3A_98 = arith.muli %mul3A_97, %scan3A_95 : i32
        %add3A_99 = arith.constant 1 : i32
        %add3A_100 = arith.addi %mul3A_98, %add3A_99 : i32
        %gt3A_101 = arith.constant 0 : i32
        %gt3A_102 = arith.cmpi sgt, %scan3A_95, %gt3A_101 : i32
        %convert_element_type3A_103 = arith.extui %gt3A_102 : i1 to i32
        %cond3A_104 = arith.constant 0 : i32
        %cond3A_105 = arith.cmpi ne, %convert_element_type3A_103, %cond3A_104 : i32
        scf.if %cond3A_105 {
          %dma_wait3A_161 = arith.constant 0 : i32
          %dma_wait3A_162 = arith.constant 0 : i32
          %dma_wait3A_163 = tpu.memref_slice %arg8[%scan3A_33, %dma_wait3A_161, %dma_wait3A_162] : memref<2x128x128xf32, #tpu.memory_space<vmem>> -> memref<1x128x128xf32, #tpu.memory_space<vmem>>
          %dma_wait3A_164 = tpu.memref_squeeze %dma_wait3A_163 : memref<1x128x128xf32, #tpu.memory_space<vmem>> -> memref<128x128xf32, #tpu.memory_space<vmem>>
          %dma_wait3A_165 = arith.constant 0 : i32
          %dma_wait3A_166 = tpu.memref_slice %arg7[%add3A_100, %dma_wait3A_165] : memref<40x128xi32, #tpu.memory_space<vmem>> -> memref<1x128xi32, #tpu.memory_space<vmem>>
          %dma_wait3A_167 = tpu.memref_squeeze %dma_wait3A_166 : memref<1x128xi32, #tpu.memory_space<vmem>> -> memref<128xi32, #tpu.memory_space<vmem>>
          %dma_wait3A_168 = arith.constant 0 : i32
          %dma_wait3A_169 = arith.constant 0 : i32
          %dma_wait3A_170 = tpu.memref_slice %arg9[%dma_wait3A_168, %dma_wait3A_169] : memref<10240x128xf32, #tpu.memory_space<vmem_shared>> -> memref<10240x128xf32, #tpu.memory_space<vmem_shared>>
          tpu.wait_indirect_dma semaphore(%arg13 : memref<!tpu.dma_semaphore, #tpu.memory_space<semaphore_mem>>) src(%dma_wait3A_164 : memref<128x128xf32, #tpu.memory_space<vmem>>) dst(%dma_wait3A_170 : memref<10240x128xf32, #tpu.memory_space<vmem_shared>>)
        } else {
        }
        %dma_start3A_106 = arith.constant 0 : i32
        %dma_start3A_107 = arith.constant 0 : i32
        %dma_start3A_108 = tpu.memref_slice %arg8[%scan3A_33, %dma_start3A_106, %dma_start3A_107] : memref<2x128x128xf32, #tpu.memory_space<vmem>> -> memref<1x128x128xf32, #tpu.memory_space<vmem>>
        %dma_start3A_109 = tpu.memref_squeeze %dma_start3A_108 : memref<1x128x128xf32, #tpu.memory_space<vmem>> -> memref<128x128xf32, #tpu.memory_space<vmem>>
        %dma_start3A_110 = arith.constant 0 : i32
        %dma_start3A_111 = tpu.memref_slice %arg6[%add3A_100, %dma_start3A_110] : memref<40x128xi32, #tpu.memory_space<vmem>> -> memref<1x128xi32, #tpu.memory_space<vmem>>
        %dma_start3A_112 = tpu.memref_squeeze %dma_start3A_111 : memref<1x128xi32, #tpu.memory_space<vmem>> -> memref<128xi32, #tpu.memory_space<vmem>>
        %dma_start3A_113 = arith.constant 0 : i32
        %dma_start3A_114 = arith.constant 0 : i32
        %dma_start3A_115 = tpu.memref_slice %arg2[%dma_start3A_113, %dma_start3A_114] : memref<10240x128xf32, #tpu.memory_space<hbm>> -> memref<10240x128xf32, #tpu.memory_space<hbm>>
        tpu.enqueue_indirect_dma source(%dma_start3A_115 : memref<10240x128xf32, #tpu.memory_space<hbm>>) target(%dma_start3A_109 : memref<128x128xf32, #tpu.memory_space<vmem>>) offsets(%dma_start3A_112 : memref<128xi32, #tpu.memory_space<vmem>>) semaphore(%arg11 : memref<!tpu.dma_semaphore, #tpu.memory_space<semaphore_mem>>)
        %dma_wait3A_116 = arith.constant 0 : i32
        %dma_wait3A_117 = arith.constant 0 : i32
        %dma_wait3A_118 = tpu.memref_slice %arg8[%scan3A_32, %dma_wait3A_116, %dma_wait3A_117] : memref<2x128x128xf32, #tpu.memory_space<vmem>> -> memref<1x128x128xf32, #tpu.memory_space<vmem>>
        %dma_wait3A_119 = tpu.memref_squeeze %dma_wait3A_118 : memref<1x128x128xf32, #tpu.memory_space<vmem>> -> memref<128x128xf32, #tpu.memory_space<vmem>>
        %dma_wait3A_120 = arith.constant 0 : i32
        %dma_wait3A_121 = tpu.memref_slice %arg6[%mul3A_98, %dma_wait3A_120] : memref<40x128xi32, #tpu.memory_space<vmem>> -> memref<1x128xi32, #tpu.memory_space<vmem>>
        %dma_wait3A_122 = tpu.memref_squeeze %dma_wait3A_121 : memref<1x128xi32, #tpu.memory_space<vmem>> -> memref<128xi32, #tpu.memory_space<vmem>>
        %dma_wait3A_123 = arith.constant 0 : i32
        %dma_wait3A_124 = arith.constant 0 : i32
        %dma_wait3A_125 = tpu.memref_slice %arg2[%dma_wait3A_123, %dma_wait3A_124] : memref<10240x128xf32, #tpu.memory_space<hbm>> -> memref<10240x128xf32, #tpu.memory_space<hbm>>
        tpu.wait_indirect_dma semaphore(%arg10 : memref<!tpu.dma_semaphore, #tpu.memory_space<semaphore_mem>>) src(%dma_wait3A_125 : memref<10240x128xf32, #tpu.memory_space<hbm>>) dst(%dma_wait3A_119 : memref<128x128xf32, #tpu.memory_space<vmem>>)
        %dma_start3A_126 = arith.constant 0 : i32
        %dma_start3A_127 = arith.constant 0 : i32
        %dma_start3A_128 = tpu.memref_slice %arg8[%scan3A_32, %dma_start3A_126, %dma_start3A_127] : memref<2x128x128xf32, #tpu.memory_space<vmem>> -> memref<1x128x128xf32, #tpu.memory_space<vmem>>
        %dma_start3A_129 = tpu.memref_squeeze %dma_start3A_128 : memref<1x128x128xf32, #tpu.memory_space<vmem>> -> memref<128x128xf32, #tpu.memory_space<vmem>>
        %dma_start3A_130 = arith.constant 0 : i32
        %dma_start3A_131 = tpu.memref_slice %arg7[%mul3A_98, %dma_start3A_130] : memref<40x128xi32, #tpu.memory_space<vmem>> -> memref<1x128xi32, #tpu.memory_space<vmem>>
        %dma_start3A_132 = tpu.memref_squeeze %dma_start3A_131 : memref<1x128xi32, #tpu.memory_space<vmem>> -> memref<128xi32, #tpu.memory_space<vmem>>
        %dma_start3A_133 = arith.constant 0 : i32
        %dma_start3A_134 = arith.constant 0 : i32
        %dma_start3A_135 = tpu.memref_slice %arg9[%dma_start3A_133, %dma_start3A_134] : memref<10240x128xf32, #tpu.memory_space<vmem_shared>> -> memref<10240x128xf32, #tpu.memory_space<vmem_shared>>
        tpu.enqueue_indirect_dma source(%dma_start3A_129 : memref<128x128xf32, #tpu.memory_space<vmem>>) target(%dma_start3A_135 : memref<10240x128xf32, #tpu.memory_space<vmem_shared>>) offsets(%dma_start3A_132 : memref<128xi32, #tpu.memory_space<vmem>>) semaphore(%arg12 : memref<!tpu.dma_semaphore, #tpu.memory_space<semaphore_mem>>) {add = true}
        %lt3A = arith.constant 19 : i32
        %lt3A_136 = arith.cmpi slt, %scan3A_95, %lt3A : i32
        %convert_element_type3A_137 = arith.extui %lt3A_136 : i1 to i32
        %cond3A_138 = arith.constant 0 : i32
        %cond3A_139 = arith.cmpi ne, %convert_element_type3A_137, %cond3A_138 : i32
        scf.if %cond3A_139 {
          %dma_wait3A_161 = arith.constant 0 : i32
          %dma_wait3A_162 = arith.constant 0 : i32
          %dma_wait3A_163 = tpu.memref_slice %arg8[%scan3A_32, %dma_wait3A_161, %dma_wait3A_162] : memref<2x128x128xf32, #tpu.memory_space<vmem>> -> memref<1x128x128xf32, #tpu.memory_space<vmem>>
          %dma_wait3A_164 = tpu.memref_squeeze %dma_wait3A_163 : memref<1x128x128xf32, #tpu.memory_space<vmem>> -> memref<128x128xf32, #tpu.memory_space<vmem>>
          %dma_wait3A_165 = arith.constant 0 : i32
          %dma_wait3A_166 = tpu.memref_slice %arg7[%mul3A_98, %dma_wait3A_165] : memref<40x128xi32, #tpu.memory_space<vmem>> -> memref<1x128xi32, #tpu.memory_space<vmem>>
          %dma_wait3A_167 = tpu.memref_squeeze %dma_wait3A_166 : memref<1x128xi32, #tpu.memory_space<vmem>> -> memref<128xi32, #tpu.memory_space<vmem>>
          %dma_wait3A_168 = arith.constant 0 : i32
          %dma_wait3A_169 = arith.constant 0 : i32
          %dma_wait3A_170 = tpu.memref_slice %arg9[%dma_wait3A_168, %dma_wait3A_169] : memref<10240x128xf32, #tpu.memory_space<vmem_shared>> -> memref<10240x128xf32, #tpu.memory_space<vmem_shared>>
          tpu.wait_indirect_dma semaphore(%arg12 : memref<!tpu.dma_semaphore, #tpu.memory_space<semaphore_mem>>) src(%dma_wait3A_164 : memref<128x128xf32, #tpu.memory_space<vmem>>) dst(%dma_wait3A_170 : memref<10240x128xf32, #tpu.memory_space<vmem_shared>>)
          %add3A_171 = arith.constant 2 : i32
          %add3A_172 = arith.addi %mul3A_98, %add3A_171 : i32
          %dma_start3A_173 = arith.constant 0 : i32
          %dma_start3A_174 = arith.constant 0 : i32
          %dma_start3A_175 = tpu.memref_slice %arg8[%scan3A_32, %dma_start3A_173, %dma_start3A_174] : memref<2x128x128xf32, #tpu.memory_space<vmem>> -> memref<1x128x128xf32, #tpu.memory_space<vmem>>
          %dma_start3A_176 = tpu.memref_squeeze %dma_start3A_175 : memref<1x128x128xf32, #tpu.memory_space<vmem>> -> memref<128x128xf32, #tpu.memory_space<vmem>>
          %dma_start3A_177 = arith.constant 0 : i32
          %dma_start3A_178 = tpu.memref_slice %arg6[%add3A_172, %dma_start3A_177] : memref<40x128xi32, #tpu.memory_space<vmem>> -> memref<1x128xi32, #tpu.memory_space<vmem>>
          %dma_start3A_179 = tpu.memref_squeeze %dma_start3A_178 : memref<1x128xi32, #tpu.memory_space<vmem>> -> memref<128xi32, #tpu.memory_space<vmem>>
          %dma_start3A_180 = arith.constant 0 : i32
          %dma_start3A_181 = arith.constant 0 : i32
          %dma_start3A_182 = tpu.memref_slice %arg2[%dma_start3A_180, %dma_start3A_181] : memref<10240x128xf32, #tpu.memory_space<hbm>> -> memref<10240x128xf32, #tpu.memory_space<hbm>>
          tpu.enqueue_indirect_dma source(%dma_start3A_182 : memref<10240x128xf32, #tpu.memory_space<hbm>>) target(%dma_start3A_176 : memref<128x128xf32, #tpu.memory_space<vmem>>) offsets(%dma_start3A_179 : memref<128xi32, #tpu.memory_space<vmem>>) semaphore(%arg10 : memref<!tpu.dma_semaphore, #tpu.memory_space<semaphore_mem>>)
        } else {
        }
        %dma_wait3A_140 = arith.constant 0 : i32
        %dma_wait3A_141 = arith.constant 0 : i32
        %dma_wait3A_142 = tpu.memref_slice %arg8[%scan3A_33, %dma_wait3A_140, %dma_wait3A_141] : memref<2x128x128xf32, #tpu.memory_space<vmem>> -> memref<1x128x128xf32, #tpu.memory_space<vmem>>
        %dma_wait3A_143 = tpu.memref_squeeze %dma_wait3A_142 : memref<1x128x128xf32, #tpu.memory_space<vmem>> -> memref<128x128xf32, #tpu.memory_space<vmem>>
        %dma_wait3A_144 = arith.constant 0 : i32
        %dma_wait3A_145 = tpu.memref_slice %arg6[%add3A_100, %dma_wait3A_144] : memref<40x128xi32, #tpu.memory_space<vmem>> -> memref<1x128xi32, #tpu.memory_space<vmem>>
        %dma_wait3A_146 = tpu.memref_squeeze %dma_wait3A_145 : memref<1x128xi32, #tpu.memory_space<vmem>> -> memref<128xi32, #tpu.memory_space<vmem>>
        %dma_wait3A_147 = arith.constant 0 : i32
        %dma_wait3A_148 = arith.constant 0 : i32
        %dma_wait3A_149 = tpu.memref_slice %arg2[%dma_wait3A_147, %dma_wait3A_148] : memref<10240x128xf32, #tpu.memory_space<hbm>> -> memref<10240x128xf32, #tpu.memory_space<hbm>>
        tpu.wait_indirect_dma semaphore(%arg11 : memref<!tpu.dma_semaphore, #tpu.memory_space<semaphore_mem>>) src(%dma_wait3A_149 : memref<10240x128xf32, #tpu.memory_space<hbm>>) dst(%dma_wait3A_143 : memref<128x128xf32, #tpu.memory_space<vmem>>)
        %dma_start3A_150 = arith.constant 0 : i32
        %dma_start3A_151 = arith.constant 0 : i32
        %dma_start3A_152 = tpu.memref_slice %arg8[%scan3A_33, %dma_start3A_150, %dma_start3A_151] : memref<2x128x128xf32, #tpu.memory_space<vmem>> -> memref<1x128x128xf32, #tpu.memory_space<vmem>>
        %dma_start3A_153 = tpu.memref_squeeze %dma_start3A_152 : memref<1x128x128xf32, #tpu.memory_space<vmem>> -> memref<128x128xf32, #tpu.memory_space<vmem>>
        %dma_start3A_154 = arith.constant 0 : i32
        %dma_start3A_155 = tpu.memref_slice %arg7[%add3A_100, %dma_start3A_154] : memref<40x128xi32, #tpu.memory_space<vmem>> -> memref<1x128xi32, #tpu.memory_space<vmem>>
        %dma_start3A_156 = tpu.memref_squeeze %dma_start3A_155 : memref<1x128xi32, #tpu.memory_space<vmem>> -> memref<128xi32, #tpu.memory_space<vmem>>
        %dma_start3A_157 = arith.constant 0 : i32
        %dma_start3A_158 = arith.constant 0 : i32
        %dma_start3A_159 = tpu.memref_slice %arg9[%dma_start3A_157, %dma_start3A_158] : memref<10240x128xf32, #tpu.memory_space<vmem_shared>> -> memref<10240x128xf32, #tpu.memory_space<vmem_shared>>
        tpu.enqueue_indirect_dma source(%dma_start3A_153 : memref<128x128xf32, #tpu.memory_space<vmem>>) target(%dma_start3A_159 : memref<10240x128xf32, #tpu.memory_space<vmem_shared>>) offsets(%dma_start3A_156 : memref<128xi32, #tpu.memory_space<vmem>>) semaphore(%arg13 : memref<!tpu.dma_semaphore, #tpu.memory_space<semaphore_mem>>) {add = true}
        %scan3A_160 = arith.constant 0 : i32
        scf.yield %scan3A_160 : i32
      }
      %scan3A_93 = arith.constant 20 : i32
      %scan3A_94 = arith.constant 0 : i32
      scf.yield %scan3A_94 : i32
    }
    %scan3A_40 = arith.constant 4 : i32
    %dma_wait3A = arith.constant 0 : i32
    %dma_wait3A_41 = arith.constant 0 : i32
    %dma_wait3A_42 = arith.constant 0 : i32
    %dma_wait3A_43 = arith.constant 0 : i32
    %dma_wait3A_44 = tpu.memref_slice %arg8[%dma_wait3A, %dma_wait3A_42, %dma_wait3A_43] : memref<2x128x128xf32, #tpu.memory_space<vmem>> -> memref<1x128x128xf32, #tpu.memory_space<vmem>>
    %dma_wait3A_45 = tpu.memref_squeeze %dma_wait3A_44 : memref<1x128x128xf32, #tpu.memory_space<vmem>> -> memref<128x128xf32, #tpu.memory_space<vmem>>
    %dma_wait3A_46 = arith.constant 0 : i32
    %dma_wait3A_47 = tpu.memref_slice %arg7[%dma_wait3A_41, %dma_wait3A_46] : memref<40x128xi32, #tpu.memory_space<vmem>> -> memref<1x128xi32, #tpu.memory_space<vmem>>
    %dma_wait3A_48 = tpu.memref_squeeze %dma_wait3A_47 : memref<1x128xi32, #tpu.memory_space<vmem>> -> memref<128xi32, #tpu.memory_space<vmem>>
    %dma_wait3A_49 = arith.constant 0 : i32
    %dma_wait3A_50 = arith.constant 0 : i32
    %dma_wait3A_51 = tpu.memref_slice %arg9[%dma_wait3A_49, %dma_wait3A_50] : memref<10240x128xf32, #tpu.memory_space<vmem_shared>> -> memref<10240x128xf32, #tpu.memory_space<vmem_shared>>
    tpu.wait_indirect_dma semaphore(%arg12 : memref<!tpu.dma_semaphore, #tpu.memory_space<semaphore_mem>>) src(%dma_wait3A_45 : memref<128x128xf32, #tpu.memory_space<vmem>>) dst(%dma_wait3A_51 : memref<10240x128xf32, #tpu.memory_space<vmem_shared>>)
    %dma_wait3A_52 = arith.constant 1 : i32
    %dma_wait3A_53 = arith.constant 1 : i32
    %dma_wait3A_54 = arith.constant 0 : i32
    %dma_wait3A_55 = arith.constant 0 : i32
    %dma_wait3A_56 = tpu.memref_slice %arg8[%dma_wait3A_52, %dma_wait3A_54, %dma_wait3A_55] : memref<2x128x128xf32, #tpu.memory_space<vmem>> -> memref<1x128x128xf32, #tpu.memory_space<vmem>>
    %dma_wait3A_57 = tpu.memref_squeeze %dma_wait3A_56 : memref<1x128x128xf32, #tpu.memory_space<vmem>> -> memref<128x128xf32, #tpu.memory_space<vmem>>
    %dma_wait3A_58 = arith.constant 0 : i32
    %dma_wait3A_59 = tpu.memref_slice %arg7[%dma_wait3A_53, %dma_wait3A_58] : memref<40x128xi32, #tpu.memory_space<vmem>> -> memref<1x128xi32, #tpu.memory_space<vmem>>
    %dma_wait3A_60 = tpu.memref_squeeze %dma_wait3A_59 : memref<1x128xi32, #tpu.memory_space<vmem>> -> memref<128xi32, #tpu.memory_space<vmem>>
    %dma_wait3A_61 = arith.constant 0 : i32
    %dma_wait3A_62 = arith.constant 0 : i32
    %dma_wait3A_63 = tpu.memref_slice %arg9[%dma_wait3A_61, %dma_wait3A_62] : memref<10240x128xf32, #tpu.memory_space<vmem_shared>> -> memref<10240x128xf32, #tpu.memory_space<vmem_shared>>
    tpu.wait_indirect_dma semaphore(%arg13 : memref<!tpu.dma_semaphore, #tpu.memory_space<semaphore_mem>>) src(%dma_wait3A_57 : memref<128x128xf32, #tpu.memory_space<vmem>>) dst(%dma_wait3A_63 : memref<10240x128xf32, #tpu.memory_space<vmem_shared>>)
    %barrier3A_64 = arith.constant 0 : index
    tpu.barrier barrier_id(%barrier3A_64)
    %mul3A_65 = arith.constant 640 : i32
    %mul3A_66 = arith.muli %arg1, %mul3A_65 : i32
    %mul3A_67 = arith.constant 640 : i32
    %mul3A_68 = arith.muli %arg1, %mul3A_67 : i32
    "tpu.region"() ({
      %run_scoped3A_69 = tpu.sem_alloc : memref<!tpu.dma_semaphore, #tpu.memory_space<semaphore_mem>>
      %dma_start3A = arith.constant 0 : i32
      %dma_start3A_70 = tpu.memref_slice %arg5[%arg0, %mul3A_68, %dma_start3A] : memref<2x10240x128xf32, #tpu.memory_space<hbm>> -> memref<1x640x128xf32, #tpu.memory_space<hbm>>
      %dma_start3A_71 = tpu.memref_squeeze %dma_start3A_70 : memref<1x640x128xf32, #tpu.memory_space<hbm>> -> memref<640x128xf32, #tpu.memory_space<hbm>>
      %dma_start3A_72 = arith.constant 0 : i32
      %dma_start3A_73 = tpu.memref_slice %arg9[%mul3A_66, %dma_start3A_72] : memref<10240x128xf32, #tpu.memory_space<vmem_shared>> -> memref<640x128xf32, #tpu.memory_space<vmem_shared>>
      tpu.enqueue_dma source(%dma_start3A_73 : memref<640x128xf32, #tpu.memory_space<vmem_shared>>) target(%dma_start3A_71 : memref<640x128xf32, #tpu.memory_space<hbm>>) target_semaphore(%run_scoped3A_69 : memref<!tpu.dma_semaphore, #tpu.memory_space<semaphore_mem>>)
      %dma_wait3A_74 = arith.constant 0 : i32
      %dma_wait3A_75 = tpu.memref_slice %arg5[%arg0, %mul3A_68, %dma_wait3A_74] : memref<2x10240x128xf32, #tpu.memory_space<hbm>> -> memref<1x640x128xf32, #tpu.memory_space<hbm>>
      %dma_wait3A_76 = tpu.memref_squeeze %dma_wait3A_75 : memref<1x640x128xf32, #tpu.memory_space<hbm>> -> memref<640x128xf32, #tpu.memory_space<hbm>>
      %dma_wait3A_77 = arith.constant 0 : i32
      %dma_wait3A_78 = tpu.memref_slice %arg9[%mul3A_66, %dma_wait3A_77] : memref<10240x128xf32, #tpu.memory_space<vmem_shared>> -> memref<640x128xf32, #tpu.memory_space<vmem_shared>>
      tpu.wait_dma2 semaphore(%run_scoped3A_69 : memref<!tpu.dma_semaphore, #tpu.memory_space<semaphore_mem>>) src(%dma_wait3A_78 : memref<640x128xf32, #tpu.memory_space<vmem_shared>>) dst(%dma_wait3A_76 : memref<640x128xf32, #tpu.memory_space<hbm>>)
      tpu.yield
    }) : () -> ()
    return
  }
}

#map = affine_map<(d0, d1) -> (0, 0, 0)>
module attributes {stable_mosaic.version = 14 : i64} {
  func.func @deg_kernel(%arg0: i32, %arg1: i32, %arg2: memref<32x160x128xi32, #tpu.memory_space<hbm>>, %arg3: memref<2x10240x128xf32, #tpu.memory_space<hbm>>, %arg4: memref<160x128xi32, #tpu.memory_space<vmem>>, %arg5: memref<10240xf32, #tpu.memory_space<vmem>>, %arg6: memref<640xf32, #tpu.memory_space<vmem>>, %arg7: memref<640xf32, #tpu.memory_space<vmem>>, %arg8: memref<640x128xf32, #tpu.memory_space<vmem>>, %arg9: memref<16x10240xf32, #tpu.memory_space<vmem_shared>>) attributes {dimension_semantics = [#tpu.dimension_semantics<core_parallel>, #tpu.dimension_semantics<subcore_parallel>], iteration_bounds = array<i64: 2, 16>, scalar_prefetch = 0 : i64, scratch_operands = 6 : i64, tpu.core_type = #tpu.core_type<sc_vector_subcore>, window_params = [{transform_indices = #map}, {transform_indices = #map}]} {
    %mul3A = arith.constant 2 : i32
    %mul3A_0 = arith.muli %arg1, %mul3A : i32
    %add3A = arith.addi %mul3A_0, %arg0 : i32
    "tpu.region"() ({
      %run_scoped3A_178 = tpu.sem_alloc : memref<!tpu.dma_semaphore, #tpu.memory_space<semaphore_mem>>
      %dma_start3A = arith.constant 0 : i32
      %dma_start3A_179 = arith.constant 0 : i32
      %dma_start3A_180 = tpu.memref_slice %arg2[%add3A, %dma_start3A, %dma_start3A_179] : memref<32x160x128xi32, #tpu.memory_space<hbm>> -> memref<1x160x128xi32, #tpu.memory_space<hbm>>
      %dma_start3A_181 = tpu.memref_squeeze %dma_start3A_180 : memref<1x160x128xi32, #tpu.memory_space<hbm>> -> memref<160x128xi32, #tpu.memory_space<hbm>>
      %dma_start3A_182 = arith.constant 0 : i32
      %dma_start3A_183 = arith.constant 0 : i32
      %dma_start3A_184 = tpu.memref_slice %arg2[%add3A, %dma_start3A_182, %dma_start3A_183] : memref<32x160x128xi32, #tpu.memory_space<hbm>> -> memref<1x160x128xi32, #tpu.memory_space<hbm>>
      %dma_start3A_185 = tpu.memref_squeeze %dma_start3A_184 : memref<1x160x128xi32, #tpu.memory_space<hbm>> -> memref<160x128xi32, #tpu.memory_space<hbm>>
      tpu.enqueue_dma source(%dma_start3A_185 : memref<160x128xi32, #tpu.memory_space<hbm>>) target(%arg4 : memref<160x128xi32, #tpu.memory_space<vmem>>) target_semaphore(%run_scoped3A_178 : memref<!tpu.dma_semaphore, #tpu.memory_space<semaphore_mem>>)
      %dma_wait3A = arith.constant 0 : i32
      %dma_wait3A_186 = arith.constant 0 : i32
      %dma_wait3A_187 = tpu.memref_slice %arg2[%add3A, %dma_wait3A, %dma_wait3A_186] : memref<32x160x128xi32, #tpu.memory_space<hbm>> -> memref<1x160x128xi32, #tpu.memory_space<hbm>>
      %dma_wait3A_188 = tpu.memref_squeeze %dma_wait3A_187 : memref<1x160x128xi32, #tpu.memory_space<hbm>> -> memref<160x128xi32, #tpu.memory_space<hbm>>
      %dma_wait3A_189 = arith.constant 0 : i32
      %dma_wait3A_190 = arith.constant 0 : i32
      %dma_wait3A_191 = tpu.memref_slice %arg2[%add3A, %dma_wait3A_189, %dma_wait3A_190] : memref<32x160x128xi32, #tpu.memory_space<hbm>> -> memref<1x160x128xi32, #tpu.memory_space<hbm>>
      %dma_wait3A_192 = tpu.memref_squeeze %dma_wait3A_191 : memref<1x160x128xi32, #tpu.memory_space<hbm>> -> memref<160x128xi32, #tpu.memory_space<hbm>>
      tpu.wait_dma2 semaphore(%run_scoped3A_178 : memref<!tpu.dma_semaphore, #tpu.memory_space<semaphore_mem>>) src(%dma_wait3A_192 : memref<160x128xi32, #tpu.memory_space<hbm>>) dst(%arg4 : memref<160x128xi32, #tpu.memory_space<vmem>>)
      tpu.yield
    }) : () -> ()
    %scan3A = arith.constant 0 : i32
    %scan3A_1 = arith.constant 0 : i32
    %scan3A_2 = arith.constant 640 : i32
    %scan3A_3 = arith.addi %scan3A_1, %scan3A_2 : i32
    %scan3A_4 = arith.constant 1 : i32
    %scan3A_5 = scf.for %scan3A_178 = %scan3A_1 to %scan3A_3 step %scan3A_4 iter_args(%scan3A_179 = %scan3A) -> (i32)  : i32 {
      %broadcast_in_dim3A_180 = arith.constant 0.000000e+00 : f32
      %broadcast_in_dim3A_181 = vector.broadcast %broadcast_in_dim3A_180 : f32 to vector<16xf32>
      %mul3A_182 = arith.constant 16 : i32
      %mul3A_183 = arith.muli %scan3A_178, %mul3A_182 : i32
      %swap3A = arith.index_cast %mul3A_183 : i32 to index
      %swap3A_184 = tpu.vector_load %arg5[%swap3A] {strides = array<i32>} : memref<10240xf32, #tpu.memory_space<vmem>>, vector<16xf32>,
      tpu.vector_store %arg5[%swap3A], %broadcast_in_dim3A_181 {strides = array<i32>} : memref<10240xf32, #tpu.memory_space<vmem>>, vector<16xf32>,
      %scan3A_185 = arith.constant 0 : i32
      scf.yield %scan3A_185 : i32
    }
    %scan3A_6 = arith.constant 640 : i32
    %broadcast_in_dim3A = arith.constant 1.000000e+00 : f32
    %broadcast_in_dim3A_7 = vector.broadcast %broadcast_in_dim3A : f32 to vector<16xf32>
    %scan3A_8 = arith.constant 0 : i32
    %scan3A_9 = arith.constant 0 : i32
    %scan3A_10 = arith.constant 160 : i32
    %scan3A_11 = arith.addi %scan3A_9, %scan3A_10 : i32
    %scan3A_12 = arith.constant 1 : i32
    %scan3A_13 = scf.for %scan3A_178 = %scan3A_9 to %scan3A_11 step %scan3A_12 iter_args(%scan3A_179 = %scan3A_8) -> (i32)  : i32 {
      %get3A = arith.index_cast %scan3A_178 : i32 to index
      %get3A_180 = arith.constant 0 : index
      %get3A_181 = tpu.vector_load %arg4[%get3A, %get3A_180] {strides = array<i32>} : memref<160x128xi32, #tpu.memory_space<vmem>>, vector<16xi32>,
      tpu.vector_store_idx %arg5[%get3A_181], %broadcast_in_dim3A_7 {add = true} : memref<10240xf32, #tpu.memory_space<vmem>>[vector<16xi32>], vector<16xf32>,
      %get3A_182 = arith.index_cast %scan3A_178 : i32 to index
      %get3A_183 = arith.constant 16 : index
      %get3A_184 = tpu.vector_load %arg4[%get3A_182, %get3A_183] {strides = array<i32>} : memref<160x128xi32, #tpu.memory_space<vmem>>, vector<16xi32>,
      tpu.vector_store_idx %arg5[%get3A_184], %broadcast_in_dim3A_7 {add = true} : memref<10240xf32, #tpu.memory_space<vmem>>[vector<16xi32>], vector<16xf32>,
      %get3A_185 = arith.index_cast %scan3A_178 : i32 to index
      %get3A_186 = arith.constant 32 : index
      %get3A_187 = tpu.vector_load %arg4[%get3A_185, %get3A_186] {strides = array<i32>} : memref<160x128xi32, #tpu.memory_space<vmem>>, vector<16xi32>,
      tpu.vector_store_idx %arg5[%get3A_187], %broadcast_in_dim3A_7 {add = true} : memref<10240xf32, #tpu.memory_space<vmem>>[vector<16xi32>], vector<16xf32>,
      %get3A_188 = arith.index_cast %scan3A_178 : i32 to index
      %get3A_189 = arith.constant 48 : index
      %get3A_190 = tpu.vector_load %arg4[%get3A_188, %get3A_189] {strides = array<i32>} : memref<160x128xi32, #tpu.memory_space<vmem>>, vector<16xi32>,
      tpu.vector_store_idx %arg5[%get3A_190], %broadcast_in_dim3A_7 {add = true} : memref<10240xf32, #tpu.memory_space<vmem>>[vector<16xi32>], vector<16xf32>,
      %get3A_191 = arith.index_cast %scan3A_178 : i32 to index
      %get3A_192 = arith.constant 64 : index
      %get3A_193 = tpu.vector_load %arg4[%get3A_191, %get3A_192] {strides = array<i32>} : memref<160x128xi32, #tpu.memory_space<vmem>>, vector<16xi32>,
      tpu.vector_store_idx %arg5[%get3A_193], %broadcast_in_dim3A_7 {add = true} : memref<10240xf32, #tpu.memory_space<vmem>>[vector<16xi32>], vector<16xf32>,
      %get3A_194 = arith.index_cast %scan3A_178 : i32 to index
      %get3A_195 = arith.constant 80 : index
      %get3A_196 = tpu.vector_load %arg4[%get3A_194, %get3A_195] {strides = array<i32>} : memref<160x128xi32, #tpu.memory_space<vmem>>, vector<16xi32>,
      tpu.vector_store_idx %arg5[%get3A_196], %broadcast_in_dim3A_7 {add = true} : memref<10240xf32, #tpu.memory_space<vmem>>[vector<16xi32>], vector<16xf32>,
      %get3A_197 = arith.index_cast %scan3A_178 : i32 to index
      %get3A_198 = arith.constant 96 : index
      %get3A_199 = tpu.vector_load %arg4[%get3A_197, %get3A_198] {strides = array<i32>} : memref<160x128xi32, #tpu.memory_space<vmem>>, vector<16xi32>,
      tpu.vector_store_idx %arg5[%get3A_199], %broadcast_in_dim3A_7 {add = true} : memref<10240xf32, #tpu.memory_space<vmem>>[vector<16xi32>], vector<16xf32>,
      %get3A_200 = arith.index_cast %scan3A_178 : i32 to index
      %get3A_201 = arith.constant 112 : index
      %get3A_202 = tpu.vector_load %arg4[%get3A_200, %get3A_201] {strides = array<i32>} : memref<160x128xi32, #tpu.memory_space<vmem>>, vector<16xi32>,
      tpu.vector_store_idx %arg5[%get3A_202], %broadcast_in_dim3A_7 {add = true} : memref<10240xf32, #tpu.memory_space<vmem>>[vector<16xi32>], vector<16xf32>,
      %scan3A_203 = arith.constant 0 : i32
      scf.yield %scan3A_203 : i32
    }
    %scan3A_14 = arith.constant 160 : i32
    "tpu.region"() ({
      %run_scoped3A_178 = tpu.sem_alloc : memref<!tpu.dma_semaphore, #tpu.memory_space<semaphore_mem>>
      %dma_start3A = arith.constant 0 : i32
      %dma_start3A_179 = tpu.memref_slice %arg9[%arg1, %dma_start3A] : memref<16x10240xf32, #tpu.memory_space<vmem_shared>> -> memref<1x10240xf32, #tpu.memory_space<vmem_shared>>
      %dma_start3A_180 = tpu.memref_squeeze %dma_start3A_179 : memref<1x10240xf32, #tpu.memory_space<vmem_shared>> -> memref<10240xf32, #tpu.memory_space<vmem_shared>>
      %dma_start3A_181 = arith.constant 0 : i32
      %dma_start3A_182 = tpu.memref_slice %arg9[%arg1, %dma_start3A_181] : memref<16x10240xf32, #tpu.memory_space<vmem_shared>> -> memref<1x10240xf32, #tpu.memory_space<vmem_shared>>
      %dma_start3A_183 = tpu.memref_squeeze %dma_start3A_182 : memref<1x10240xf32, #tpu.memory_space<vmem_shared>> -> memref<10240xf32, #tpu.memory_space<vmem_shared>>
      tpu.enqueue_dma source(%arg5 : memref<10240xf32, #tpu.memory_space<vmem>>) target(%dma_start3A_183 : memref<10240xf32, #tpu.memory_space<vmem_shared>>) target_semaphore(%run_scoped3A_178 : memref<!tpu.dma_semaphore, #tpu.memory_space<semaphore_mem>>)
      %dma_wait3A = arith.constant 0 : i32
      %dma_wait3A_184 = tpu.memref_slice %arg9[%arg1, %dma_wait3A] : memref<16x10240xf32, #tpu.memory_space<vmem_shared>> -> memref<1x10240xf32, #tpu.memory_space<vmem_shared>>
      %dma_wait3A_185 = tpu.memref_squeeze %dma_wait3A_184 : memref<1x10240xf32, #tpu.memory_space<vmem_shared>> -> memref<10240xf32, #tpu.memory_space<vmem_shared>>
      %dma_wait3A_186 = arith.constant 0 : i32
      %dma_wait3A_187 = tpu.memref_slice %arg9[%arg1, %dma_wait3A_186] : memref<16x10240xf32, #tpu.memory_space<vmem_shared>> -> memref<1x10240xf32, #tpu.memory_space<vmem_shared>>
      %dma_wait3A_188 = tpu.memref_squeeze %dma_wait3A_187 : memref<1x10240xf32, #tpu.memory_space<vmem_shared>> -> memref<10240xf32, #tpu.memory_space<vmem_shared>>
      tpu.wait_dma2 semaphore(%run_scoped3A_178 : memref<!tpu.dma_semaphore, #tpu.memory_space<semaphore_mem>>) src(%arg5 : memref<10240xf32, #tpu.memory_space<vmem>>) dst(%dma_wait3A_188 : memref<10240xf32, #tpu.memory_space<vmem_shared>>)
      tpu.yield
    }) : () -> ()
    %barrier3A = arith.constant 0 : index
    tpu.barrier barrier_id(%barrier3A)
    %mul3A_15 = arith.constant 640 : i32
    %mul3A_16 = arith.muli %arg1, %mul3A_15 : i32
    %run_scoped3A = arith.constant 0 : i32
    "tpu.region"() ({
      %run_scoped3A_178 = tpu.sem_alloc : memref<!tpu.dma_semaphore, #tpu.memory_space<semaphore_mem>>
      %dma_start3A = tpu.memref_slice %arg9[%run_scoped3A, %mul3A_16] : memref<16x10240xf32, #tpu.memory_space<vmem_shared>> -> memref<1x640xf32, #tpu.memory_space<vmem_shared>>
      %dma_start3A_179 = tpu.memref_squeeze %dma_start3A : memref<1x640xf32, #tpu.memory_space<vmem_shared>> -> memref<640xf32, #tpu.memory_space<vmem_shared>>
      %dma_start3A_180 = tpu.memref_slice %arg9[%run_scoped3A, %mul3A_16] : memref<16x10240xf32, #tpu.memory_space<vmem_shared>> -> memref<1x640xf32, #tpu.memory_space<vmem_shared>>
      %dma_start3A_181 = tpu.memref_squeeze %dma_start3A_180 : memref<1x640xf32, #tpu.memory_space<vmem_shared>> -> memref<640xf32, #tpu.memory_space<vmem_shared>>
      tpu.enqueue_dma source(%dma_start3A_181 : memref<640xf32, #tpu.memory_space<vmem_shared>>) target(%arg6 : memref<640xf32, #tpu.memory_space<vmem>>) target_semaphore(%run_scoped3A_178 : memref<!tpu.dma_semaphore, #tpu.memory_space<semaphore_mem>>)
      %dma_wait3A = tpu.memref_slice %arg9[%run_scoped3A, %mul3A_16] : memref<16x10240xf32, #tpu.memory_space<vmem_shared>> -> memref<1x640xf32, #tpu.memory_space<vmem_shared>>
      %dma_wait3A_182 = tpu.memref_squeeze %dma_wait3A : memref<1x640xf32, #tpu.memory_space<vmem_shared>> -> memref<640xf32, #tpu.memory_space<vmem_shared>>
      %dma_wait3A_183 = tpu.memref_slice %arg9[%run_scoped3A, %mul3A_16] : memref<16x10240xf32, #tpu.memory_space<vmem_shared>> -> memref<1x640xf32, #tpu.memory_space<vmem_shared>>
      %dma_wait3A_184 = tpu.memref_squeeze %dma_wait3A_183 : memref<1x640xf32, #tpu.memory_space<vmem_shared>> -> memref<640xf32, #tpu.memory_space<vmem_shared>>
      tpu.wait_dma2 semaphore(%run_scoped3A_178 : memref<!tpu.dma_semaphore, #tpu.memory_space<semaphore_mem>>) src(%dma_wait3A_184 : memref<640xf32, #tpu.memory_space<vmem_shared>>) dst(%arg6 : memref<640xf32, #tpu.memory_space<vmem>>)
      tpu.yield
    }) : () -> ()
    %mul3A_17 = arith.constant 640 : i32
    %mul3A_18 = arith.muli %arg1, %mul3A_17 : i32
    %run_scoped3A_19 = arith.constant 1 : i32
    "tpu.region"() ({
      %run_scoped3A_178 = tpu.sem_alloc : memref<!tpu.dma_semaphore, #tpu.memory_space<semaphore_mem>>
      %dma_start3A = tpu.memref_slice %arg9[%run_scoped3A_19, %mul3A_18] : memref<16x10240xf32, #tpu.memory_space<vmem_shared>> -> memref<1x640xf32, #tpu.memory_space<vmem_shared>>
      %dma_start3A_179 = tpu.memref_squeeze %dma_start3A : memref<1x640xf32, #tpu.memory_space<vmem_shared>> -> memref<640xf32, #tpu.memory_space<vmem_shared>>
      %dma_start3A_180 = tpu.memref_slice %arg9[%run_scoped3A_19, %mul3A_18] : memref<16x10240xf32, #tpu.memory_space<vmem_shared>> -> memref<1x640xf32, #tpu.memory_space<vmem_shared>>
      %dma_start3A_181 = tpu.memref_squeeze %dma_start3A_180 : memref<1x640xf32, #tpu.memory_space<vmem_shared>> -> memref<640xf32, #tpu.memory_space<vmem_shared>>
      tpu.enqueue_dma source(%dma_start3A_181 : memref<640xf32, #tpu.memory_space<vmem_shared>>) target(%arg7 : memref<640xf32, #tpu.memory_space<vmem>>) target_semaphore(%run_scoped3A_178 : memref<!tpu.dma_semaphore, #tpu.memory_space<semaphore_mem>>)
      %dma_wait3A = tpu.memref_slice %arg9[%run_scoped3A_19, %mul3A_18] : memref<16x10240xf32, #tpu.memory_space<vmem_shared>> -> memref<1x640xf32, #tpu.memory_space<vmem_shared>>
      %dma_wait3A_182 = tpu.memref_squeeze %dma_wait3A : memref<1x640xf32, #tpu.memory_space<vmem_shared>> -> memref<640xf32, #tpu.memory_space<vmem_shared>>
      %dma_wait3A_183 = tpu.memref_slice %arg9[%run_scoped3A_19, %mul3A_18] : memref<16x10240xf32, #tpu.memory_space<vmem_shared>> -> memref<1x640xf32, #tpu.memory_space<vmem_shared>>
      %dma_wait3A_184 = tpu.memref_squeeze %dma_wait3A_183 : memref<1x640xf32, #tpu.memory_space<vmem_shared>> -> memref<640xf32, #tpu.memory_space<vmem_shared>>
      tpu.wait_dma2 semaphore(%run_scoped3A_178 : memref<!tpu.dma_semaphore, #tpu.memory_space<semaphore_mem>>) src(%dma_wait3A_184 : memref<640xf32, #tpu.memory_space<vmem_shared>>) dst(%arg7 : memref<640xf32, #tpu.memory_space<vmem>>)
      tpu.yield
    }) : () -> ()
    %scan3A_20 = arith.constant 0 : i32
    %scan3A_21 = arith.constant 0 : i32
    %scan3A_22 = arith.constant 40 : i32
    %scan3A_23 = arith.addi %scan3A_21, %scan3A_22 : i32
    %scan3A_24 = arith.constant 1 : i32
    %scan3A_25 = scf.for %scan3A_178 = %scan3A_21 to %scan3A_23 step %scan3A_24 iter_args(%scan3A_179 = %scan3A_20) -> (i32)  : i32 {
      %mul3A_180 = arith.constant 16 : i32
      %mul3A_181 = arith.muli %scan3A_178, %mul3A_180 : i32
      %get3A = arith.index_cast %mul3A_181 : i32 to index
      %get3A_182 = tpu.vector_load %arg6[%get3A] {strides = array<i32>} : memref<640xf32, #tpu.memory_space<vmem>>, vector<16xf32>,
      %mul3A_183 = arith.constant 16 : i32
      %mul3A_184 = arith.muli %scan3A_178, %mul3A_183 : i32
      %get3A_185 = arith.index_cast %mul3A_184 : i32 to index
      %get3A_186 = tpu.vector_load %arg7[%get3A_185] {strides = array<i32>} : memref<640xf32, #tpu.memory_space<vmem>>, vector<16xf32>,
      %add3A_187 = arith.addf %get3A_182, %get3A_186 : vector<16xf32>
      %mul3A_188 = arith.constant 16 : i32
      %mul3A_189 = arith.muli %scan3A_178, %mul3A_188 : i32
      %swap3A = arith.index_cast %mul3A_189 : i32 to index
      %swap3A_190 = tpu.vector_load %arg6[%swap3A] {strides = array<i32>} : memref<640xf32, #tpu.memory_space<vmem>>, vector<16xf32>,
      tpu.vector_store %arg6[%swap3A], %add3A_187 {strides = array<i32>} : memref<640xf32, #tpu.memory_space<vmem>>, vector<16xf32>,
      %scan3A_191 = arith.constant 0 : i32
      scf.yield %scan3A_191 : i32
    }
    %scan3A_26 = arith.constant 40 : i32
    %mul3A_27 = arith.constant 640 : i32
    %mul3A_28 = arith.muli %arg1, %mul3A_27 : i32
    %run_scoped3A_29 = arith.constant 2 : i32
    "tpu.region"() ({
      %run_scoped3A_178 = tpu.sem_alloc : memref<!tpu.dma_semaphore, #tpu.memory_space<semaphore_mem>>
      %dma_start3A = tpu.memref_slice %arg9[%run_scoped3A_29, %mul3A_28] : memref<16x10240xf32, #tpu.memory_space<vmem_shared>> -> memref<1x640xf32, #tpu.memory_space<vmem_shared>>
      %dma_start3A_179 = tpu.memref_squeeze %dma_start3A : memref<1x640xf32, #tpu.memory_space<vmem_shared>> -> memref<640xf32, #tpu.memory_space<vmem_shared>>
      %dma_start3A_180 = tpu.memref_slice %arg9[%run_scoped3A_29, %mul3A_28] : memref<16x10240xf32, #tpu.memory_space<vmem_shared>> -> memref<1x640xf32, #tpu.memory_space<vmem_shared>>
      %dma_start3A_181 = tpu.memref_squeeze %dma_start3A_180 : memref<1x640xf32, #tpu.memory_space<vmem_shared>> -> memref<640xf32, #tpu.memory_space<vmem_shared>>
      tpu.enqueue_dma source(%dma_start3A_181 : memref<640xf32, #tpu.memory_space<vmem_shared>>) target(%arg7 : memref<640xf32, #tpu.memory_space<vmem>>) target_semaphore(%run_scoped3A_178 : memref<!tpu.dma_semaphore, #tpu.memory_space<semaphore_mem>>)
      %dma_wait3A = tpu.memref_slice %arg9[%run_scoped3A_29, %mul3A_28] : memref<16x10240xf32, #tpu.memory_space<vmem_shared>> -> memref<1x640xf32, #tpu.memory_space<vmem_shared>>
      %dma_wait3A_182 = tpu.memref_squeeze %dma_wait3A : memref<1x640xf32, #tpu.memory_space<vmem_shared>> -> memref<640xf32, #tpu.memory_space<vmem_shared>>
      %dma_wait3A_183 = tpu.memref_slice %arg9[%run_scoped3A_29, %mul3A_28] : memref<16x10240xf32, #tpu.memory_space<vmem_shared>> -> memref<1x640xf32, #tpu.memory_space<vmem_shared>>
      %dma_wait3A_184 = tpu.memref_squeeze %dma_wait3A_183 : memref<1x640xf32, #tpu.memory_space<vmem_shared>> -> memref<640xf32, #tpu.memory_space<vmem_shared>>
      tpu.wait_dma2 semaphore(%run_scoped3A_178 : memref<!tpu.dma_semaphore, #tpu.memory_space<semaphore_mem>>) src(%dma_wait3A_184 : memref<640xf32, #tpu.memory_space<vmem_shared>>) dst(%arg7 : memref<640xf32, #tpu.memory_space<vmem>>)
      tpu.yield
    }) : () -> ()
    %scan3A_30 = arith.constant 0 : i32
    %scan3A_31 = arith.constant 0 : i32
    %scan3A_32 = arith.constant 40 : i32
    %scan3A_33 = arith.addi %scan3A_31, %scan3A_32 : i32
    %scan3A_34 = arith.constant 1 : i32
    %scan3A_35 = scf.for %scan3A_178 = %scan3A_31 to %scan3A_33 step %scan3A_34 iter_args(%scan3A_179 = %scan3A_30) -> (i32)  : i32 {
      %mul3A_180 = arith.constant 16 : i32
      %mul3A_181 = arith.muli %scan3A_178, %mul3A_180 : i32
      %get3A = arith.index_cast %mul3A_181 : i32 to index
      %get3A_182 = tpu.vector_load %arg6[%get3A] {strides = array<i32>} : memref<640xf32, #tpu.memory_space<vmem>>, vector<16xf32>,
      %mul3A_183 = arith.constant 16 : i32
      %mul3A_184 = arith.muli %scan3A_178, %mul3A_183 : i32
      %get3A_185 = arith.index_cast %mul3A_184 : i32 to index
      %get3A_186 = tpu.vector_load %arg7[%get3A_185] {strides = array<i32>} : memref<640xf32, #tpu.memory_space<vmem>>, vector<16xf32>,
      %add3A_187 = arith.addf %get3A_182, %get3A_186 : vector<16xf32>
      %mul3A_188 = arith.constant 16 : i32
      %mul3A_189 = arith.muli %scan3A_178, %mul3A_188 : i32
      %swap3A = arith.index_cast %mul3A_189 : i32 to index
      %swap3A_190 = tpu.vector_load %arg6[%swap3A] {strides = array<i32>} : memref<640xf32, #tpu.memory_space<vmem>>, vector<16xf32>,
      tpu.vector_store %arg6[%swap3A], %add3A_187 {strides = array<i32>} : memref<640xf32, #tpu.memory_space<vmem>>, vector<16xf32>,
      %scan3A_191 = arith.constant 0 : i32
      scf.yield %scan3A_191 : i32
    }
    %scan3A_36 = arith.constant 40 : i32
    %mul3A_37 = arith.constant 640 : i32
    %mul3A_38 = arith.muli %arg1, %mul3A_37 : i32
    %run_scoped3A_39 = arith.constant 3 : i32
    "tpu.region"() ({
      %run_scoped3A_178 = tpu.sem_alloc : memref<!tpu.dma_semaphore, #tpu.memory_space<semaphore_mem>>
      %dma_start3A = tpu.memref_slice %arg9[%run_scoped3A_39, %mul3A_38] : memref<16x10240xf32, #tpu.memory_space<vmem_shared>> -> memref<1x640xf32, #tpu.memory_space<vmem_shared>>
      %dma_start3A_179 = tpu.memref_squeeze %dma_start3A : memref<1x640xf32, #tpu.memory_space<vmem_shared>> -> memref<640xf32, #tpu.memory_space<vmem_shared>>
      %dma_start3A_180 = tpu.memref_slice %arg9[%run_scoped3A_39, %mul3A_38] : memref<16x10240xf32, #tpu.memory_space<vmem_shared>> -> memref<1x640xf32, #tpu.memory_space<vmem_shared>>
      %dma_start3A_181 = tpu.memref_squeeze %dma_start3A_180 : memref<1x640xf32, #tpu.memory_space<vmem_shared>> -> memref<640xf32, #tpu.memory_space<vmem_shared>>
      tpu.enqueue_dma source(%dma_start3A_181 : memref<640xf32, #tpu.memory_space<vmem_shared>>) target(%arg7 : memref<640xf32, #tpu.memory_space<vmem>>) target_semaphore(%run_scoped3A_178 : memref<!tpu.dma_semaphore, #tpu.memory_space<semaphore_mem>>)
      %dma_wait3A = tpu.memref_slice %arg9[%run_scoped3A_39, %mul3A_38] : memref<16x10240xf32, #tpu.memory_space<vmem_shared>> -> memref<1x640xf32, #tpu.memory_space<vmem_shared>>
      %dma_wait3A_182 = tpu.memref_squeeze %dma_wait3A : memref<1x640xf32, #tpu.memory_space<vmem_shared>> -> memref<640xf32, #tpu.memory_space<vmem_shared>>
      %dma_wait3A_183 = tpu.memref_slice %arg9[%run_scoped3A_39, %mul3A_38] : memref<16x10240xf32, #tpu.memory_space<vmem_shared>> -> memref<1x640xf32, #tpu.memory_space<vmem_shared>>
      %dma_wait3A_184 = tpu.memref_squeeze %dma_wait3A_183 : memref<1x640xf32, #tpu.memory_space<vmem_shared>> -> memref<640xf32, #tpu.memory_space<vmem_shared>>
      tpu.wait_dma2 semaphore(%run_scoped3A_178 : memref<!tpu.dma_semaphore, #tpu.memory_space<semaphore_mem>>) src(%dma_wait3A_184 : memref<640xf32, #tpu.memory_space<vmem_shared>>) dst(%arg7 : memref<640xf32, #tpu.memory_space<vmem>>)
      tpu.yield
    }) : () -> ()
    %scan3A_40 = arith.constant 0 : i32
    %scan3A_41 = arith.constant 0 : i32
    %scan3A_42 = arith.constant 40 : i32
    %scan3A_43 = arith.addi %scan3A_41, %scan3A_42 : i32
    %scan3A_44 = arith.constant 1 : i32
    %scan3A_45 = scf.for %scan3A_178 = %scan3A_41 to %scan3A_43 step %scan3A_44 iter_args(%scan3A_179 = %scan3A_40) -> (i32)  : i32 {
      %mul3A_180 = arith.constant 16 : i32
      %mul3A_181 = arith.muli %scan3A_178, %mul3A_180 : i32
      %get3A = arith.index_cast %mul3A_181 : i32 to index
      %get3A_182 = tpu.vector_load %arg6[%get3A] {strides = array<i32>} : memref<640xf32, #tpu.memory_space<vmem>>, vector<16xf32>,
      %mul3A_183 = arith.constant 16 : i32
      %mul3A_184 = arith.muli %scan3A_178, %mul3A_183 : i32
      %get3A_185 = arith.index_cast %mul3A_184 : i32 to index
      %get3A_186 = tpu.vector_load %arg7[%get3A_185] {strides = array<i32>} : memref<640xf32, #tpu.memory_space<vmem>>, vector<16xf32>,
      %add3A_187 = arith.addf %get3A_182, %get3A_186 : vector<16xf32>
      %mul3A_188 = arith.constant 16 : i32
      %mul3A_189 = arith.muli %scan3A_178, %mul3A_188 : i32
      %swap3A = arith.index_cast %mul3A_189 : i32 to index
      %swap3A_190 = tpu.vector_load %arg6[%swap3A] {strides = array<i32>} : memref<640xf32, #tpu.memory_space<vmem>>, vector<16xf32>,
      tpu.vector_store %arg6[%swap3A], %add3A_187 {strides = array<i32>} : memref<640xf32, #tpu.memory_space<vmem>>, vector<16xf32>,
      %scan3A_191 = arith.constant 0 : i32
      scf.yield %scan3A_191 : i32
    }
    %scan3A_46 = arith.constant 40 : i32
    %mul3A_47 = arith.constant 640 : i32
    %mul3A_48 = arith.muli %arg1, %mul3A_47 : i32
    %run_scoped3A_49 = arith.constant 4 : i32
    "tpu.region"() ({
      %run_scoped3A_178 = tpu.sem_alloc : memref<!tpu.dma_semaphore, #tpu.memory_space<semaphore_mem>>
      %dma_start3A = tpu.memref_slice %arg9[%run_scoped3A_49, %mul3A_48] : memref<16x10240xf32, #tpu.memory_space<vmem_shared>> -> memref<1x640xf32, #tpu.memory_space<vmem_shared>>
      %dma_start3A_179 = tpu.memref_squeeze %dma_start3A : memref<1x640xf32, #tpu.memory_space<vmem_shared>> -> memref<640xf32, #tpu.memory_space<vmem_shared>>
      %dma_start3A_180 = tpu.memref_slice %arg9[%run_scoped3A_49, %mul3A_48] : memref<16x10240xf32, #tpu.memory_space<vmem_shared>> -> memref<1x640xf32, #tpu.memory_space<vmem_shared>>
      %dma_start3A_181 = tpu.memref_squeeze %dma_start3A_180 : memref<1x640xf32, #tpu.memory_space<vmem_shared>> -> memref<640xf32, #tpu.memory_space<vmem_shared>>
      tpu.enqueue_dma source(%dma_start3A_181 : memref<640xf32, #tpu.memory_space<vmem_shared>>) target(%arg7 : memref<640xf32, #tpu.memory_space<vmem>>) target_semaphore(%run_scoped3A_178 : memref<!tpu.dma_semaphore, #tpu.memory_space<semaphore_mem>>)
      %dma_wait3A = tpu.memref_slice %arg9[%run_scoped3A_49, %mul3A_48] : memref<16x10240xf32, #tpu.memory_space<vmem_shared>> -> memref<1x640xf32, #tpu.memory_space<vmem_shared>>
      %dma_wait3A_182 = tpu.memref_squeeze %dma_wait3A : memref<1x640xf32, #tpu.memory_space<vmem_shared>> -> memref<640xf32, #tpu.memory_space<vmem_shared>>
      %dma_wait3A_183 = tpu.memref_slice %arg9[%run_scoped3A_49, %mul3A_48] : memref<16x10240xf32, #tpu.memory_space<vmem_shared>> -> memref<1x640xf32, #tpu.memory_space<vmem_shared>>
      %dma_wait3A_184 = tpu.memref_squeeze %dma_wait3A_183 : memref<1x640xf32, #tpu.memory_space<vmem_shared>> -> memref<640xf32, #tpu.memory_space<vmem_shared>>
      tpu.wait_dma2 semaphore(%run_scoped3A_178 : memref<!tpu.dma_semaphore, #tpu.memory_space<semaphore_mem>>) src(%dma_wait3A_184 : memref<640xf32, #tpu.memory_space<vmem_shared>>) dst(%arg7 : memref<640xf32, #tpu.memory_space<vmem>>)
      tpu.yield
    }) : () -> ()
    %scan3A_50 = arith.constant 0 : i32
    %scan3A_51 = arith.constant 0 : i32
    %scan3A_52 = arith.constant 40 : i32
    %scan3A_53 = arith.addi %scan3A_51, %scan3A_52 : i32
    %scan3A_54 = arith.constant 1 : i32
    %scan3A_55 = scf.for %scan3A_178 = %scan3A_51 to %scan3A_53 step %scan3A_54 iter_args(%scan3A_179 = %scan3A_50) -> (i32)  : i32 {
      %mul3A_180 = arith.constant 16 : i32
      %mul3A_181 = arith.muli %scan3A_178, %mul3A_180 : i32
      %get3A = arith.index_cast %mul3A_181 : i32 to index
      %get3A_182 = tpu.vector_load %arg6[%get3A] {strides = array<i32>} : memref<640xf32, #tpu.memory_space<vmem>>, vector<16xf32>,
      %mul3A_183 = arith.constant 16 : i32
      %mul3A_184 = arith.muli %scan3A_178, %mul3A_183 : i32
      %get3A_185 = arith.index_cast %mul3A_184 : i32 to index
      %get3A_186 = tpu.vector_load %arg7[%get3A_185] {strides = array<i32>} : memref<640xf32, #tpu.memory_space<vmem>>, vector<16xf32>,
      %add3A_187 = arith.addf %get3A_182, %get3A_186 : vector<16xf32>
      %mul3A_188 = arith.constant 16 : i32
      %mul3A_189 = arith.muli %scan3A_178, %mul3A_188 : i32
      %swap3A = arith.index_cast %mul3A_189 : i32 to index
      %swap3A_190 = tpu.vector_load %arg6[%swap3A] {strides = array<i32>} : memref<640xf32, #tpu.memory_space<vmem>>, vector<16xf32>,
      tpu.vector_store %arg6[%swap3A], %add3A_187 {strides = array<i32>} : memref<640xf32, #tpu.memory_space<vmem>>, vector<16xf32>,
      %scan3A_191 = arith.constant 0 : i32
      scf.yield %scan3A_191 : i32
    }
    %scan3A_56 = arith.constant 40 : i32
    %mul3A_57 = arith.constant 640 : i32
    %mul3A_58 = arith.muli %arg1, %mul3A_57 : i32
    %run_scoped3A_59 = arith.constant 5 : i32
    "tpu.region"() ({
      %run_scoped3A_178 = tpu.sem_alloc : memref<!tpu.dma_semaphore, #tpu.memory_space<semaphore_mem>>
      %dma_start3A = tpu.memref_slice %arg9[%run_scoped3A_59, %mul3A_58] : memref<16x10240xf32, #tpu.memory_space<vmem_shared>> -> memref<1x640xf32, #tpu.memory_space<vmem_shared>>
      %dma_start3A_179 = tpu.memref_squeeze %dma_start3A : memref<1x640xf32, #tpu.memory_space<vmem_shared>> -> memref<640xf32, #tpu.memory_space<vmem_shared>>
      %dma_start3A_180 = tpu.memref_slice %arg9[%run_scoped3A_59, %mul3A_58] : memref<16x10240xf32, #tpu.memory_space<vmem_shared>> -> memref<1x640xf32, #tpu.memory_space<vmem_shared>>
      %dma_start3A_181 = tpu.memref_squeeze %dma_start3A_180 : memref<1x640xf32, #tpu.memory_space<vmem_shared>> -> memref<640xf32, #tpu.memory_space<vmem_shared>>
      tpu.enqueue_dma source(%dma_start3A_181 : memref<640xf32, #tpu.memory_space<vmem_shared>>) target(%arg7 : memref<640xf32, #tpu.memory_space<vmem>>) target_semaphore(%run_scoped3A_178 : memref<!tpu.dma_semaphore, #tpu.memory_space<semaphore_mem>>)
      %dma_wait3A = tpu.memref_slice %arg9[%run_scoped3A_59, %mul3A_58] : memref<16x10240xf32, #tpu.memory_space<vmem_shared>> -> memref<1x640xf32, #tpu.memory_space<vmem_shared>>
      %dma_wait3A_182 = tpu.memref_squeeze %dma_wait3A : memref<1x640xf32, #tpu.memory_space<vmem_shared>> -> memref<640xf32, #tpu.memory_space<vmem_shared>>
      %dma_wait3A_183 = tpu.memref_slice %arg9[%run_scoped3A_59, %mul3A_58] : memref<16x10240xf32, #tpu.memory_space<vmem_shared>> -> memref<1x640xf32, #tpu.memory_space<vmem_shared>>
      %dma_wait3A_184 = tpu.memref_squeeze %dma_wait3A_183 : memref<1x640xf32, #tpu.memory_space<vmem_shared>> -> memref<640xf32, #tpu.memory_space<vmem_shared>>
      tpu.wait_dma2 semaphore(%run_scoped3A_178 : memref<!tpu.dma_semaphore, #tpu.memory_space<semaphore_mem>>) src(%dma_wait3A_184 : memref<640xf32, #tpu.memory_space<vmem_shared>>) dst(%arg7 : memref<640xf32, #tpu.memory_space<vmem>>)
      tpu.yield
    }) : () -> ()
    %scan3A_60 = arith.constant 0 : i32
    %scan3A_61 = arith.constant 0 : i32
    %scan3A_62 = arith.constant 40 : i32
    %scan3A_63 = arith.addi %scan3A_61, %scan3A_62 : i32
    %scan3A_64 = arith.constant 1 : i32
    %scan3A_65 = scf.for %scan3A_178 = %scan3A_61 to %scan3A_63 step %scan3A_64 iter_args(%scan3A_179 = %scan3A_60) -> (i32)  : i32 {
      %mul3A_180 = arith.constant 16 : i32
      %mul3A_181 = arith.muli %scan3A_178, %mul3A_180 : i32
      %get3A = arith.index_cast %mul3A_181 : i32 to index
      %get3A_182 = tpu.vector_load %arg6[%get3A] {strides = array<i32>} : memref<640xf32, #tpu.memory_space<vmem>>, vector<16xf32>,
      %mul3A_183 = arith.constant 16 : i32
      %mul3A_184 = arith.muli %scan3A_178, %mul3A_183 : i32
      %get3A_185 = arith.index_cast %mul3A_184 : i32 to index
      %get3A_186 = tpu.vector_load %arg7[%get3A_185] {strides = array<i32>} : memref<640xf32, #tpu.memory_space<vmem>>, vector<16xf32>,
      %add3A_187 = arith.addf %get3A_182, %get3A_186 : vector<16xf32>
      %mul3A_188 = arith.constant 16 : i32
      %mul3A_189 = arith.muli %scan3A_178, %mul3A_188 : i32
      %swap3A = arith.index_cast %mul3A_189 : i32 to index
      %swap3A_190 = tpu.vector_load %arg6[%swap3A] {strides = array<i32>} : memref<640xf32, #tpu.memory_space<vmem>>, vector<16xf32>,
      tpu.vector_store %arg6[%swap3A], %add3A_187 {strides = array<i32>} : memref<640xf32, #tpu.memory_space<vmem>>, vector<16xf32>,
      %scan3A_191 = arith.constant 0 : i32
      scf.yield %scan3A_191 : i32
    }
    %scan3A_66 = arith.constant 40 : i32
    %mul3A_67 = arith.constant 640 : i32
    %mul3A_68 = arith.muli %arg1, %mul3A_67 : i32
    %run_scoped3A_69 = arith.constant 6 : i32
    "tpu.region"() ({
      %run_scoped3A_178 = tpu.sem_alloc : memref<!tpu.dma_semaphore, #tpu.memory_space<semaphore_mem>>
      %dma_start3A = tpu.memref_slice %arg9[%run_scoped3A_69, %mul3A_68] : memref<16x10240xf32, #tpu.memory_space<vmem_shared>> -> memref<1x640xf32, #tpu.memory_space<vmem_shared>>
      %dma_start3A_179 = tpu.memref_squeeze %dma_start3A : memref<1x640xf32, #tpu.memory_space<vmem_shared>> -> memref<640xf32, #tpu.memory_space<vmem_shared>>
      %dma_start3A_180 = tpu.memref_slice %arg9[%run_scoped3A_69, %mul3A_68] : memref<16x10240xf32, #tpu.memory_space<vmem_shared>> -> memref<1x640xf32, #tpu.memory_space<vmem_shared>>
      %dma_start3A_181 = tpu.memref_squeeze %dma_start3A_180 : memref<1x640xf32, #tpu.memory_space<vmem_shared>> -> memref<640xf32, #tpu.memory_space<vmem_shared>>
      tpu.enqueue_dma source(%dma_start3A_181 : memref<640xf32, #tpu.memory_space<vmem_shared>>) target(%arg7 : memref<640xf32, #tpu.memory_space<vmem>>) target_semaphore(%run_scoped3A_178 : memref<!tpu.dma_semaphore, #tpu.memory_space<semaphore_mem>>)
      %dma_wait3A = tpu.memref_slice %arg9[%run_scoped3A_69, %mul3A_68] : memref<16x10240xf32, #tpu.memory_space<vmem_shared>> -> memref<1x640xf32, #tpu.memory_space<vmem_shared>>
      %dma_wait3A_182 = tpu.memref_squeeze %dma_wait3A : memref<1x640xf32, #tpu.memory_space<vmem_shared>> -> memref<640xf32, #tpu.memory_space<vmem_shared>>
      %dma_wait3A_183 = tpu.memref_slice %arg9[%run_scoped3A_69, %mul3A_68] : memref<16x10240xf32, #tpu.memory_space<vmem_shared>> -> memref<1x640xf32, #tpu.memory_space<vmem_shared>>
      %dma_wait3A_184 = tpu.memref_squeeze %dma_wait3A_183 : memref<1x640xf32, #tpu.memory_space<vmem_shared>> -> memref<640xf32, #tpu.memory_space<vmem_shared>>
      tpu.wait_dma2 semaphore(%run_scoped3A_178 : memref<!tpu.dma_semaphore, #tpu.memory_space<semaphore_mem>>) src(%dma_wait3A_184 : memref<640xf32, #tpu.memory_space<vmem_shared>>) dst(%arg7 : memref<640xf32, #tpu.memory_space<vmem>>)
      tpu.yield
    }) : () -> ()
    %scan3A_70 = arith.constant 0 : i32
    %scan3A_71 = arith.constant 0 : i32
    %scan3A_72 = arith.constant 40 : i32
    %scan3A_73 = arith.addi %scan3A_71, %scan3A_72 : i32
    %scan3A_74 = arith.constant 1 : i32
    %scan3A_75 = scf.for %scan3A_178 = %scan3A_71 to %scan3A_73 step %scan3A_74 iter_args(%scan3A_179 = %scan3A_70) -> (i32)  : i32 {
      %mul3A_180 = arith.constant 16 : i32
      %mul3A_181 = arith.muli %scan3A_178, %mul3A_180 : i32
      %get3A = arith.index_cast %mul3A_181 : i32 to index
      %get3A_182 = tpu.vector_load %arg6[%get3A] {strides = array<i32>} : memref<640xf32, #tpu.memory_space<vmem>>, vector<16xf32>,
      %mul3A_183 = arith.constant 16 : i32
      %mul3A_184 = arith.muli %scan3A_178, %mul3A_183 : i32
      %get3A_185 = arith.index_cast %mul3A_184 : i32 to index
      %get3A_186 = tpu.vector_load %arg7[%get3A_185] {strides = array<i32>} : memref<640xf32, #tpu.memory_space<vmem>>, vector<16xf32>,
      %add3A_187 = arith.addf %get3A_182, %get3A_186 : vector<16xf32>
      %mul3A_188 = arith.constant 16 : i32
      %mul3A_189 = arith.muli %scan3A_178, %mul3A_188 : i32
      %swap3A = arith.index_cast %mul3A_189 : i32 to index
      %swap3A_190 = tpu.vector_load %arg6[%swap3A] {strides = array<i32>} : memref<640xf32, #tpu.memory_space<vmem>>, vector<16xf32>,
      tpu.vector_store %arg6[%swap3A], %add3A_187 {strides = array<i32>} : memref<640xf32, #tpu.memory_space<vmem>>, vector<16xf32>,
      %scan3A_191 = arith.constant 0 : i32
      scf.yield %scan3A_191 : i32
    }
    %scan3A_76 = arith.constant 40 : i32
    %mul3A_77 = arith.constant 640 : i32
    %mul3A_78 = arith.muli %arg1, %mul3A_77 : i32
    %run_scoped3A_79 = arith.constant 7 : i32
    "tpu.region"() ({
      %run_scoped3A_178 = tpu.sem_alloc : memref<!tpu.dma_semaphore, #tpu.memory_space<semaphore_mem>>
      %dma_start3A = tpu.memref_slice %arg9[%run_scoped3A_79, %mul3A_78] : memref<16x10240xf32, #tpu.memory_space<vmem_shared>> -> memref<1x640xf32, #tpu.memory_space<vmem_shared>>
      %dma_start3A_179 = tpu.memref_squeeze %dma_start3A : memref<1x640xf32, #tpu.memory_space<vmem_shared>> -> memref<640xf32, #tpu.memory_space<vmem_shared>>
      %dma_start3A_180 = tpu.memref_slice %arg9[%run_scoped3A_79, %mul3A_78] : memref<16x10240xf32, #tpu.memory_space<vmem_shared>> -> memref<1x640xf32, #tpu.memory_space<vmem_shared>>
      %dma_start3A_181 = tpu.memref_squeeze %dma_start3A_180 : memref<1x640xf32, #tpu.memory_space<vmem_shared>> -> memref<640xf32, #tpu.memory_space<vmem_shared>>
      tpu.enqueue_dma source(%dma_start3A_181 : memref<640xf32, #tpu.memory_space<vmem_shared>>) target(%arg7 : memref<640xf32, #tpu.memory_space<vmem>>) target_semaphore(%run_scoped3A_178 : memref<!tpu.dma_semaphore, #tpu.memory_space<semaphore_mem>>)
      %dma_wait3A = tpu.memref_slice %arg9[%run_scoped3A_79, %mul3A_78] : memref<16x10240xf32, #tpu.memory_space<vmem_shared>> -> memref<1x640xf32, #tpu.memory_space<vmem_shared>>
      %dma_wait3A_182 = tpu.memref_squeeze %dma_wait3A : memref<1x640xf32, #tpu.memory_space<vmem_shared>> -> memref<640xf32, #tpu.memory_space<vmem_shared>>
      %dma_wait3A_183 = tpu.memref_slice %arg9[%run_scoped3A_79, %mul3A_78] : memref<16x10240xf32, #tpu.memory_space<vmem_shared>> -> memref<1x640xf32, #tpu.memory_space<vmem_shared>>
      %dma_wait3A_184 = tpu.memref_squeeze %dma_wait3A_183 : memref<1x640xf32, #tpu.memory_space<vmem_shared>> -> memref<640xf32, #tpu.memory_space<vmem_shared>>
      tpu.wait_dma2 semaphore(%run_scoped3A_178 : memref<!tpu.dma_semaphore, #tpu.memory_space<semaphore_mem>>) src(%dma_wait3A_184 : memref<640xf32, #tpu.memory_space<vmem_shared>>) dst(%arg7 : memref<640xf32, #tpu.memory_space<vmem>>)
      tpu.yield
    }) : () -> ()
    %scan3A_80 = arith.constant 0 : i32
    %scan3A_81 = arith.constant 0 : i32
    %scan3A_82 = arith.constant 40 : i32
    %scan3A_83 = arith.addi %scan3A_81, %scan3A_82 : i32
    %scan3A_84 = arith.constant 1 : i32
    %scan3A_85 = scf.for %scan3A_178 = %scan3A_81 to %scan3A_83 step %scan3A_84 iter_args(%scan3A_179 = %scan3A_80) -> (i32)  : i32 {
      %mul3A_180 = arith.constant 16 : i32
      %mul3A_181 = arith.muli %scan3A_178, %mul3A_180 : i32
      %get3A = arith.index_cast %mul3A_181 : i32 to index
      %get3A_182 = tpu.vector_load %arg6[%get3A] {strides = array<i32>} : memref<640xf32, #tpu.memory_space<vmem>>, vector<16xf32>,
      %mul3A_183 = arith.constant 16 : i32
      %mul3A_184 = arith.muli %scan3A_178, %mul3A_183 : i32
      %get3A_185 = arith.index_cast %mul3A_184 : i32 to index
      %get3A_186 = tpu.vector_load %arg7[%get3A_185] {strides = array<i32>} : memref<640xf32, #tpu.memory_space<vmem>>, vector<16xf32>,
      %add3A_187 = arith.addf %get3A_182, %get3A_186 : vector<16xf32>
      %mul3A_188 = arith.constant 16 : i32
      %mul3A_189 = arith.muli %scan3A_178, %mul3A_188 : i32
      %swap3A = arith.index_cast %mul3A_189 : i32 to index
      %swap3A_190 = tpu.vector_load %arg6[%swap3A] {strides = array<i32>} : memref<640xf32, #tpu.memory_space<vmem>>, vector<16xf32>,
      tpu.vector_store %arg6[%swap3A], %add3A_187 {strides = array<i32>} : memref<640xf32, #tpu.memory_space<vmem>>, vector<16xf32>,
      %scan3A_191 = arith.constant 0 : i32
      scf.yield %scan3A_191 : i32
    }
    %scan3A_86 = arith.constant 40 : i32
    %mul3A_87 = arith.constant 640 : i32
    %mul3A_88 = arith.muli %arg1, %mul3A_87 : i32
    %run_scoped3A_89 = arith.constant 8 : i32
    "tpu.region"() ({
      %run_scoped3A_178 = tpu.sem_alloc : memref<!tpu.dma_semaphore, #tpu.memory_space<semaphore_mem>>
      %dma_start3A = tpu.memref_slice %arg9[%run_scoped3A_89, %mul3A_88] : memref<16x10240xf32, #tpu.memory_space<vmem_shared>> -> memref<1x640xf32, #tpu.memory_space<vmem_shared>>
      %dma_start3A_179 = tpu.memref_squeeze %dma_start3A : memref<1x640xf32, #tpu.memory_space<vmem_shared>> -> memref<640xf32, #tpu.memory_space<vmem_shared>>
      %dma_start3A_180 = tpu.memref_slice %arg9[%run_scoped3A_89, %mul3A_88] : memref<16x10240xf32, #tpu.memory_space<vmem_shared>> -> memref<1x640xf32, #tpu.memory_space<vmem_shared>>
      %dma_start3A_181 = tpu.memref_squeeze %dma_start3A_180 : memref<1x640xf32, #tpu.memory_space<vmem_shared>> -> memref<640xf32, #tpu.memory_space<vmem_shared>>
      tpu.enqueue_dma source(%dma_start3A_181 : memref<640xf32, #tpu.memory_space<vmem_shared>>) target(%arg7 : memref<640xf32, #tpu.memory_space<vmem>>) target_semaphore(%run_scoped3A_178 : memref<!tpu.dma_semaphore, #tpu.memory_space<semaphore_mem>>)
      %dma_wait3A = tpu.memref_slice %arg9[%run_scoped3A_89, %mul3A_88] : memref<16x10240xf32, #tpu.memory_space<vmem_shared>> -> memref<1x640xf32, #tpu.memory_space<vmem_shared>>
      %dma_wait3A_182 = tpu.memref_squeeze %dma_wait3A : memref<1x640xf32, #tpu.memory_space<vmem_shared>> -> memref<640xf32, #tpu.memory_space<vmem_shared>>
      %dma_wait3A_183 = tpu.memref_slice %arg9[%run_scoped3A_89, %mul3A_88] : memref<16x10240xf32, #tpu.memory_space<vmem_shared>> -> memref<1x640xf32, #tpu.memory_space<vmem_shared>>
      %dma_wait3A_184 = tpu.memref_squeeze %dma_wait3A_183 : memref<1x640xf32, #tpu.memory_space<vmem_shared>> -> memref<640xf32, #tpu.memory_space<vmem_shared>>
      tpu.wait_dma2 semaphore(%run_scoped3A_178 : memref<!tpu.dma_semaphore, #tpu.memory_space<semaphore_mem>>) src(%dma_wait3A_184 : memref<640xf32, #tpu.memory_space<vmem_shared>>) dst(%arg7 : memref<640xf32, #tpu.memory_space<vmem>>)
      tpu.yield
    }) : () -> ()
    %scan3A_90 = arith.constant 0 : i32
    %scan3A_91 = arith.constant 0 : i32
    %scan3A_92 = arith.constant 40 : i32
    %scan3A_93 = arith.addi %scan3A_91, %scan3A_92 : i32
    %scan3A_94 = arith.constant 1 : i32
    %scan3A_95 = scf.for %scan3A_178 = %scan3A_91 to %scan3A_93 step %scan3A_94 iter_args(%scan3A_179 = %scan3A_90) -> (i32)  : i32 {
      %mul3A_180 = arith.constant 16 : i32
      %mul3A_181 = arith.muli %scan3A_178, %mul3A_180 : i32
      %get3A = arith.index_cast %mul3A_181 : i32 to index
      %get3A_182 = tpu.vector_load %arg6[%get3A] {strides = array<i32>} : memref<640xf32, #tpu.memory_space<vmem>>, vector<16xf32>,
      %mul3A_183 = arith.constant 16 : i32
      %mul3A_184 = arith.muli %scan3A_178, %mul3A_183 : i32
      %get3A_185 = arith.index_cast %mul3A_184 : i32 to index
      %get3A_186 = tpu.vector_load %arg7[%get3A_185] {strides = array<i32>} : memref<640xf32, #tpu.memory_space<vmem>>, vector<16xf32>,
      %add3A_187 = arith.addf %get3A_182, %get3A_186 : vector<16xf32>
      %mul3A_188 = arith.constant 16 : i32
      %mul3A_189 = arith.muli %scan3A_178, %mul3A_188 : i32
      %swap3A = arith.index_cast %mul3A_189 : i32 to index
      %swap3A_190 = tpu.vector_load %arg6[%swap3A] {strides = array<i32>} : memref<640xf32, #tpu.memory_space<vmem>>, vector<16xf32>,
      tpu.vector_store %arg6[%swap3A], %add3A_187 {strides = array<i32>} : memref<640xf32, #tpu.memory_space<vmem>>, vector<16xf32>,
      %scan3A_191 = arith.constant 0 : i32
      scf.yield %scan3A_191 : i32
    }
    %scan3A_96 = arith.constant 40 : i32
    %mul3A_97 = arith.constant 640 : i32
    %mul3A_98 = arith.muli %arg1, %mul3A_97 : i32
    %run_scoped3A_99 = arith.constant 9 : i32
    "tpu.region"() ({
      %run_scoped3A_178 = tpu.sem_alloc : memref<!tpu.dma_semaphore, #tpu.memory_space<semaphore_mem>>
      %dma_start3A = tpu.memref_slice %arg9[%run_scoped3A_99, %mul3A_98] : memref<16x10240xf32, #tpu.memory_space<vmem_shared>> -> memref<1x640xf32, #tpu.memory_space<vmem_shared>>
      %dma_start3A_179 = tpu.memref_squeeze %dma_start3A : memref<1x640xf32, #tpu.memory_space<vmem_shared>> -> memref<640xf32, #tpu.memory_space<vmem_shared>>
      %dma_start3A_180 = tpu.memref_slice %arg9[%run_scoped3A_99, %mul3A_98] : memref<16x10240xf32, #tpu.memory_space<vmem_shared>> -> memref<1x640xf32, #tpu.memory_space<vmem_shared>>
      %dma_start3A_181 = tpu.memref_squeeze %dma_start3A_180 : memref<1x640xf32, #tpu.memory_space<vmem_shared>> -> memref<640xf32, #tpu.memory_space<vmem_shared>>
      tpu.enqueue_dma source(%dma_start3A_181 : memref<640xf32, #tpu.memory_space<vmem_shared>>) target(%arg7 : memref<640xf32, #tpu.memory_space<vmem>>) target_semaphore(%run_scoped3A_178 : memref<!tpu.dma_semaphore, #tpu.memory_space<semaphore_mem>>)
      %dma_wait3A = tpu.memref_slice %arg9[%run_scoped3A_99, %mul3A_98] : memref<16x10240xf32, #tpu.memory_space<vmem_shared>> -> memref<1x640xf32, #tpu.memory_space<vmem_shared>>
      %dma_wait3A_182 = tpu.memref_squeeze %dma_wait3A : memref<1x640xf32, #tpu.memory_space<vmem_shared>> -> memref<640xf32, #tpu.memory_space<vmem_shared>>
      %dma_wait3A_183 = tpu.memref_slice %arg9[%run_scoped3A_99, %mul3A_98] : memref<16x10240xf32, #tpu.memory_space<vmem_shared>> -> memref<1x640xf32, #tpu.memory_space<vmem_shared>>
      %dma_wait3A_184 = tpu.memref_squeeze %dma_wait3A_183 : memref<1x640xf32, #tpu.memory_space<vmem_shared>> -> memref<640xf32, #tpu.memory_space<vmem_shared>>
      tpu.wait_dma2 semaphore(%run_scoped3A_178 : memref<!tpu.dma_semaphore, #tpu.memory_space<semaphore_mem>>) src(%dma_wait3A_184 : memref<640xf32, #tpu.memory_space<vmem_shared>>) dst(%arg7 : memref<640xf32, #tpu.memory_space<vmem>>)
      tpu.yield
    }) : () -> ()
    %scan3A_100 = arith.constant 0 : i32
    %scan3A_101 = arith.constant 0 : i32
    %scan3A_102 = arith.constant 40 : i32
    %scan3A_103 = arith.addi %scan3A_101, %scan3A_102 : i32
    %scan3A_104 = arith.constant 1 : i32
    %scan3A_105 = scf.for %scan3A_178 = %scan3A_101 to %scan3A_103 step %scan3A_104 iter_args(%scan3A_179 = %scan3A_100) -> (i32)  : i32 {
      %mul3A_180 = arith.constant 16 : i32
      %mul3A_181 = arith.muli %scan3A_178, %mul3A_180 : i32
      %get3A = arith.index_cast %mul3A_181 : i32 to index
      %get3A_182 = tpu.vector_load %arg6[%get3A] {strides = array<i32>} : memref<640xf32, #tpu.memory_space<vmem>>, vector<16xf32>,
      %mul3A_183 = arith.constant 16 : i32
      %mul3A_184 = arith.muli %scan3A_178, %mul3A_183 : i32
      %get3A_185 = arith.index_cast %mul3A_184 : i32 to index
      %get3A_186 = tpu.vector_load %arg7[%get3A_185] {strides = array<i32>} : memref<640xf32, #tpu.memory_space<vmem>>, vector<16xf32>,
      %add3A_187 = arith.addf %get3A_182, %get3A_186 : vector<16xf32>
      %mul3A_188 = arith.constant 16 : i32
      %mul3A_189 = arith.muli %scan3A_178, %mul3A_188 : i32
      %swap3A = arith.index_cast %mul3A_189 : i32 to index
      %swap3A_190 = tpu.vector_load %arg6[%swap3A] {strides = array<i32>} : memref<640xf32, #tpu.memory_space<vmem>>, vector<16xf32>,
      tpu.vector_store %arg6[%swap3A], %add3A_187 {strides = array<i32>} : memref<640xf32, #tpu.memory_space<vmem>>, vector<16xf32>,
      %scan3A_191 = arith.constant 0 : i32
      scf.yield %scan3A_191 : i32
    }
    %scan3A_106 = arith.constant 40 : i32
    %mul3A_107 = arith.constant 640 : i32
    %mul3A_108 = arith.muli %arg1, %mul3A_107 : i32
    %run_scoped3A_109 = arith.constant 10 : i32
    "tpu.region"() ({
      %run_scoped3A_178 = tpu.sem_alloc : memref<!tpu.dma_semaphore, #tpu.memory_space<semaphore_mem>>
      %dma_start3A = tpu.memref_slice %arg9[%run_scoped3A_109, %mul3A_108] : memref<16x10240xf32, #tpu.memory_space<vmem_shared>> -> memref<1x640xf32, #tpu.memory_space<vmem_shared>>
      %dma_start3A_179 = tpu.memref_squeeze %dma_start3A : memref<1x640xf32, #tpu.memory_space<vmem_shared>> -> memref<640xf32, #tpu.memory_space<vmem_shared>>
      %dma_start3A_180 = tpu.memref_slice %arg9[%run_scoped3A_109, %mul3A_108] : memref<16x10240xf32, #tpu.memory_space<vmem_shared>> -> memref<1x640xf32, #tpu.memory_space<vmem_shared>>
      %dma_start3A_181 = tpu.memref_squeeze %dma_start3A_180 : memref<1x640xf32, #tpu.memory_space<vmem_shared>> -> memref<640xf32, #tpu.memory_space<vmem_shared>>
      tpu.enqueue_dma source(%dma_start3A_181 : memref<640xf32, #tpu.memory_space<vmem_shared>>) target(%arg7 : memref<640xf32, #tpu.memory_space<vmem>>) target_semaphore(%run_scoped3A_178 : memref<!tpu.dma_semaphore, #tpu.memory_space<semaphore_mem>>)
      %dma_wait3A = tpu.memref_slice %arg9[%run_scoped3A_109, %mul3A_108] : memref<16x10240xf32, #tpu.memory_space<vmem_shared>> -> memref<1x640xf32, #tpu.memory_space<vmem_shared>>
      %dma_wait3A_182 = tpu.memref_squeeze %dma_wait3A : memref<1x640xf32, #tpu.memory_space<vmem_shared>> -> memref<640xf32, #tpu.memory_space<vmem_shared>>
      %dma_wait3A_183 = tpu.memref_slice %arg9[%run_scoped3A_109, %mul3A_108] : memref<16x10240xf32, #tpu.memory_space<vmem_shared>> -> memref<1x640xf32, #tpu.memory_space<vmem_shared>>
      %dma_wait3A_184 = tpu.memref_squeeze %dma_wait3A_183 : memref<1x640xf32, #tpu.memory_space<vmem_shared>> -> memref<640xf32, #tpu.memory_space<vmem_shared>>
      tpu.wait_dma2 semaphore(%run_scoped3A_178 : memref<!tpu.dma_semaphore, #tpu.memory_space<semaphore_mem>>) src(%dma_wait3A_184 : memref<640xf32, #tpu.memory_space<vmem_shared>>) dst(%arg7 : memref<640xf32, #tpu.memory_space<vmem>>)
      tpu.yield
    }) : () -> ()
    %scan3A_110 = arith.constant 0 : i32
    %scan3A_111 = arith.constant 0 : i32
    %scan3A_112 = arith.constant 40 : i32
    %scan3A_113 = arith.addi %scan3A_111, %scan3A_112 : i32
    %scan3A_114 = arith.constant 1 : i32
    %scan3A_115 = scf.for %scan3A_178 = %scan3A_111 to %scan3A_113 step %scan3A_114 iter_args(%scan3A_179 = %scan3A_110) -> (i32)  : i32 {
      %mul3A_180 = arith.constant 16 : i32
      %mul3A_181 = arith.muli %scan3A_178, %mul3A_180 : i32
      %get3A = arith.index_cast %mul3A_181 : i32 to index
      %get3A_182 = tpu.vector_load %arg6[%get3A] {strides = array<i32>} : memref<640xf32, #tpu.memory_space<vmem>>, vector<16xf32>,
      %mul3A_183 = arith.constant 16 : i32
      %mul3A_184 = arith.muli %scan3A_178, %mul3A_183 : i32
      %get3A_185 = arith.index_cast %mul3A_184 : i32 to index
      %get3A_186 = tpu.vector_load %arg7[%get3A_185] {strides = array<i32>} : memref<640xf32, #tpu.memory_space<vmem>>, vector<16xf32>,
      %add3A_187 = arith.addf %get3A_182, %get3A_186 : vector<16xf32>
      %mul3A_188 = arith.constant 16 : i32
      %mul3A_189 = arith.muli %scan3A_178, %mul3A_188 : i32
      %swap3A = arith.index_cast %mul3A_189 : i32 to index
      %swap3A_190 = tpu.vector_load %arg6[%swap3A] {strides = array<i32>} : memref<640xf32, #tpu.memory_space<vmem>>, vector<16xf32>,
      tpu.vector_store %arg6[%swap3A], %add3A_187 {strides = array<i32>} : memref<640xf32, #tpu.memory_space<vmem>>, vector<16xf32>,
      %scan3A_191 = arith.constant 0 : i32
      scf.yield %scan3A_191 : i32
    }
    %scan3A_116 = arith.constant 40 : i32
    %mul3A_117 = arith.constant 640 : i32
    %mul3A_118 = arith.muli %arg1, %mul3A_117 : i32
    %run_scoped3A_119 = arith.constant 11 : i32
    "tpu.region"() ({
      %run_scoped3A_178 = tpu.sem_alloc : memref<!tpu.dma_semaphore, #tpu.memory_space<semaphore_mem>>
      %dma_start3A = tpu.memref_slice %arg9[%run_scoped3A_119, %mul3A_118] : memref<16x10240xf32, #tpu.memory_space<vmem_shared>> -> memref<1x640xf32, #tpu.memory_space<vmem_shared>>
      %dma_start3A_179 = tpu.memref_squeeze %dma_start3A : memref<1x640xf32, #tpu.memory_space<vmem_shared>> -> memref<640xf32, #tpu.memory_space<vmem_shared>>
      %dma_start3A_180 = tpu.memref_slice %arg9[%run_scoped3A_119, %mul3A_118] : memref<16x10240xf32, #tpu.memory_space<vmem_shared>> -> memref<1x640xf32, #tpu.memory_space<vmem_shared>>
      %dma_start3A_181 = tpu.memref_squeeze %dma_start3A_180 : memref<1x640xf32, #tpu.memory_space<vmem_shared>> -> memref<640xf32, #tpu.memory_space<vmem_shared>>
      tpu.enqueue_dma source(%dma_start3A_181 : memref<640xf32, #tpu.memory_space<vmem_shared>>) target(%arg7 : memref<640xf32, #tpu.memory_space<vmem>>) target_semaphore(%run_scoped3A_178 : memref<!tpu.dma_semaphore, #tpu.memory_space<semaphore_mem>>)
      %dma_wait3A = tpu.memref_slice %arg9[%run_scoped3A_119, %mul3A_118] : memref<16x10240xf32, #tpu.memory_space<vmem_shared>> -> memref<1x640xf32, #tpu.memory_space<vmem_shared>>
      %dma_wait3A_182 = tpu.memref_squeeze %dma_wait3A : memref<1x640xf32, #tpu.memory_space<vmem_shared>> -> memref<640xf32, #tpu.memory_space<vmem_shared>>
      %dma_wait3A_183 = tpu.memref_slice %arg9[%run_scoped3A_119, %mul3A_118] : memref<16x10240xf32, #tpu.memory_space<vmem_shared>> -> memref<1x640xf32, #tpu.memory_space<vmem_shared>>
      %dma_wait3A_184 = tpu.memref_squeeze %dma_wait3A_183 : memref<1x640xf32, #tpu.memory_space<vmem_shared>> -> memref<640xf32, #tpu.memory_space<vmem_shared>>
      tpu.wait_dma2 semaphore(%run_scoped3A_178 : memref<!tpu.dma_semaphore, #tpu.memory_space<semaphore_mem>>) src(%dma_wait3A_184 : memref<640xf32, #tpu.memory_space<vmem_shared>>) dst(%arg7 : memref<640xf32, #tpu.memory_space<vmem>>)
      tpu.yield
    }) : () -> ()
    %scan3A_120 = arith.constant 0 : i32
    %scan3A_121 = arith.constant 0 : i32
    %scan3A_122 = arith.constant 40 : i32
    %scan3A_123 = arith.addi %scan3A_121, %scan3A_122 : i32
    %scan3A_124 = arith.constant 1 : i32
    %scan3A_125 = scf.for %scan3A_178 = %scan3A_121 to %scan3A_123 step %scan3A_124 iter_args(%scan3A_179 = %scan3A_120) -> (i32)  : i32 {
      %mul3A_180 = arith.constant 16 : i32
      %mul3A_181 = arith.muli %scan3A_178, %mul3A_180 : i32
      %get3A = arith.index_cast %mul3A_181 : i32 to index
      %get3A_182 = tpu.vector_load %arg6[%get3A] {strides = array<i32>} : memref<640xf32, #tpu.memory_space<vmem>>, vector<16xf32>,
      %mul3A_183 = arith.constant 16 : i32
      %mul3A_184 = arith.muli %scan3A_178, %mul3A_183 : i32
      %get3A_185 = arith.index_cast %mul3A_184 : i32 to index
      %get3A_186 = tpu.vector_load %arg7[%get3A_185] {strides = array<i32>} : memref<640xf32, #tpu.memory_space<vmem>>, vector<16xf32>,
      %add3A_187 = arith.addf %get3A_182, %get3A_186 : vector<16xf32>
      %mul3A_188 = arith.constant 16 : i32
      %mul3A_189 = arith.muli %scan3A_178, %mul3A_188 : i32
      %swap3A = arith.index_cast %mul3A_189 : i32 to index
      %swap3A_190 = tpu.vector_load %arg6[%swap3A] {strides = array<i32>} : memref<640xf32, #tpu.memory_space<vmem>>, vector<16xf32>,
      tpu.vector_store %arg6[%swap3A], %add3A_187 {strides = array<i32>} : memref<640xf32, #tpu.memory_space<vmem>>, vector<16xf32>,
      %scan3A_191 = arith.constant 0 : i32
      scf.yield %scan3A_191 : i32
    }
    %scan3A_126 = arith.constant 40 : i32
    %mul3A_127 = arith.constant 640 : i32
    %mul3A_128 = arith.muli %arg1, %mul3A_127 : i32
    %run_scoped3A_129 = arith.constant 12 : i32
    "tpu.region"() ({
      %run_scoped3A_178 = tpu.sem_alloc : memref<!tpu.dma_semaphore, #tpu.memory_space<semaphore_mem>>
      %dma_start3A = tpu.memref_slice %arg9[%run_scoped3A_129, %mul3A_128] : memref<16x10240xf32, #tpu.memory_space<vmem_shared>> -> memref<1x640xf32, #tpu.memory_space<vmem_shared>>
      %dma_start3A_179 = tpu.memref_squeeze %dma_start3A : memref<1x640xf32, #tpu.memory_space<vmem_shared>> -> memref<640xf32, #tpu.memory_space<vmem_shared>>
      %dma_start3A_180 = tpu.memref_slice %arg9[%run_scoped3A_129, %mul3A_128] : memref<16x10240xf32, #tpu.memory_space<vmem_shared>> -> memref<1x640xf32, #tpu.memory_space<vmem_shared>>
      %dma_start3A_181 = tpu.memref_squeeze %dma_start3A_180 : memref<1x640xf32, #tpu.memory_space<vmem_shared>> -> memref<640xf32, #tpu.memory_space<vmem_shared>>
      tpu.enqueue_dma source(%dma_start3A_181 : memref<640xf32, #tpu.memory_space<vmem_shared>>) target(%arg7 : memref<640xf32, #tpu.memory_space<vmem>>) target_semaphore(%run_scoped3A_178 : memref<!tpu.dma_semaphore, #tpu.memory_space<semaphore_mem>>)
      %dma_wait3A = tpu.memref_slice %arg9[%run_scoped3A_129, %mul3A_128] : memref<16x10240xf32, #tpu.memory_space<vmem_shared>> -> memref<1x640xf32, #tpu.memory_space<vmem_shared>>
      %dma_wait3A_182 = tpu.memref_squeeze %dma_wait3A : memref<1x640xf32, #tpu.memory_space<vmem_shared>> -> memref<640xf32, #tpu.memory_space<vmem_shared>>
      %dma_wait3A_183 = tpu.memref_slice %arg9[%run_scoped3A_129, %mul3A_128] : memref<16x10240xf32, #tpu.memory_space<vmem_shared>> -> memref<1x640xf32, #tpu.memory_space<vmem_shared>>
      %dma_wait3A_184 = tpu.memref_squeeze %dma_wait3A_183 : memref<1x640xf32, #tpu.memory_space<vmem_shared>> -> memref<640xf32, #tpu.memory_space<vmem_shared>>
      tpu.wait_dma2 semaphore(%run_scoped3A_178 : memref<!tpu.dma_semaphore, #tpu.memory_space<semaphore_mem>>) src(%dma_wait3A_184 : memref<640xf32, #tpu.memory_space<vmem_shared>>) dst(%arg7 : memref<640xf32, #tpu.memory_space<vmem>>)
      tpu.yield
    }) : () -> ()
    %scan3A_130 = arith.constant 0 : i32
    %scan3A_131 = arith.constant 0 : i32
    %scan3A_132 = arith.constant 40 : i32
    %scan3A_133 = arith.addi %scan3A_131, %scan3A_132 : i32
    %scan3A_134 = arith.constant 1 : i32
    %scan3A_135 = scf.for %scan3A_178 = %scan3A_131 to %scan3A_133 step %scan3A_134 iter_args(%scan3A_179 = %scan3A_130) -> (i32)  : i32 {
      %mul3A_180 = arith.constant 16 : i32
      %mul3A_181 = arith.muli %scan3A_178, %mul3A_180 : i32
      %get3A = arith.index_cast %mul3A_181 : i32 to index
      %get3A_182 = tpu.vector_load %arg6[%get3A] {strides = array<i32>} : memref<640xf32, #tpu.memory_space<vmem>>, vector<16xf32>,
      %mul3A_183 = arith.constant 16 : i32
      %mul3A_184 = arith.muli %scan3A_178, %mul3A_183 : i32
      %get3A_185 = arith.index_cast %mul3A_184 : i32 to index
      %get3A_186 = tpu.vector_load %arg7[%get3A_185] {strides = array<i32>} : memref<640xf32, #tpu.memory_space<vmem>>, vector<16xf32>,
      %add3A_187 = arith.addf %get3A_182, %get3A_186 : vector<16xf32>
      %mul3A_188 = arith.constant 16 : i32
      %mul3A_189 = arith.muli %scan3A_178, %mul3A_188 : i32
      %swap3A = arith.index_cast %mul3A_189 : i32 to index
      %swap3A_190 = tpu.vector_load %arg6[%swap3A] {strides = array<i32>} : memref<640xf32, #tpu.memory_space<vmem>>, vector<16xf32>,
      tpu.vector_store %arg6[%swap3A], %add3A_187 {strides = array<i32>} : memref<640xf32, #tpu.memory_space<vmem>>, vector<16xf32>,
      %scan3A_191 = arith.constant 0 : i32
      scf.yield %scan3A_191 : i32
    }
    %scan3A_136 = arith.constant 40 : i32
    %mul3A_137 = arith.constant 640 : i32
    %mul3A_138 = arith.muli %arg1, %mul3A_137 : i32
    %run_scoped3A_139 = arith.constant 13 : i32
    "tpu.region"() ({
      %run_scoped3A_178 = tpu.sem_alloc : memref<!tpu.dma_semaphore, #tpu.memory_space<semaphore_mem>>
      %dma_start3A = tpu.memref_slice %arg9[%run_scoped3A_139, %mul3A_138] : memref<16x10240xf32, #tpu.memory_space<vmem_shared>> -> memref<1x640xf32, #tpu.memory_space<vmem_shared>>
      %dma_start3A_179 = tpu.memref_squeeze %dma_start3A : memref<1x640xf32, #tpu.memory_space<vmem_shared>> -> memref<640xf32, #tpu.memory_space<vmem_shared>>
      %dma_start3A_180 = tpu.memref_slice %arg9[%run_scoped3A_139, %mul3A_138] : memref<16x10240xf32, #tpu.memory_space<vmem_shared>> -> memref<1x640xf32, #tpu.memory_space<vmem_shared>>
      %dma_start3A_181 = tpu.memref_squeeze %dma_start3A_180 : memref<1x640xf32, #tpu.memory_space<vmem_shared>> -> memref<640xf32, #tpu.memory_space<vmem_shared>>
      tpu.enqueue_dma source(%dma_start3A_181 : memref<640xf32, #tpu.memory_space<vmem_shared>>) target(%arg7 : memref<640xf32, #tpu.memory_space<vmem>>) target_semaphore(%run_scoped3A_178 : memref<!tpu.dma_semaphore, #tpu.memory_space<semaphore_mem>>)
      %dma_wait3A = tpu.memref_slice %arg9[%run_scoped3A_139, %mul3A_138] : memref<16x10240xf32, #tpu.memory_space<vmem_shared>> -> memref<1x640xf32, #tpu.memory_space<vmem_shared>>
      %dma_wait3A_182 = tpu.memref_squeeze %dma_wait3A : memref<1x640xf32, #tpu.memory_space<vmem_shared>> -> memref<640xf32, #tpu.memory_space<vmem_shared>>
      %dma_wait3A_183 = tpu.memref_slice %arg9[%run_scoped3A_139, %mul3A_138] : memref<16x10240xf32, #tpu.memory_space<vmem_shared>> -> memref<1x640xf32, #tpu.memory_space<vmem_shared>>
      %dma_wait3A_184 = tpu.memref_squeeze %dma_wait3A_183 : memref<1x640xf32, #tpu.memory_space<vmem_shared>> -> memref<640xf32, #tpu.memory_space<vmem_shared>>
      tpu.wait_dma2 semaphore(%run_scoped3A_178 : memref<!tpu.dma_semaphore, #tpu.memory_space<semaphore_mem>>) src(%dma_wait3A_184 : memref<640xf32, #tpu.memory_space<vmem_shared>>) dst(%arg7 : memref<640xf32, #tpu.memory_space<vmem>>)
      tpu.yield
    }) : () -> ()
    %scan3A_140 = arith.constant 0 : i32
    %scan3A_141 = arith.constant 0 : i32
    %scan3A_142 = arith.constant 40 : i32
    %scan3A_143 = arith.addi %scan3A_141, %scan3A_142 : i32
    %scan3A_144 = arith.constant 1 : i32
    %scan3A_145 = scf.for %scan3A_178 = %scan3A_141 to %scan3A_143 step %scan3A_144 iter_args(%scan3A_179 = %scan3A_140) -> (i32)  : i32 {
      %mul3A_180 = arith.constant 16 : i32
      %mul3A_181 = arith.muli %scan3A_178, %mul3A_180 : i32
      %get3A = arith.index_cast %mul3A_181 : i32 to index
      %get3A_182 = tpu.vector_load %arg6[%get3A] {strides = array<i32>} : memref<640xf32, #tpu.memory_space<vmem>>, vector<16xf32>,
      %mul3A_183 = arith.constant 16 : i32
      %mul3A_184 = arith.muli %scan3A_178, %mul3A_183 : i32
      %get3A_185 = arith.index_cast %mul3A_184 : i32 to index
      %get3A_186 = tpu.vector_load %arg7[%get3A_185] {strides = array<i32>} : memref<640xf32, #tpu.memory_space<vmem>>, vector<16xf32>,
      %add3A_187 = arith.addf %get3A_182, %get3A_186 : vector<16xf32>
      %mul3A_188 = arith.constant 16 : i32
      %mul3A_189 = arith.muli %scan3A_178, %mul3A_188 : i32
      %swap3A = arith.index_cast %mul3A_189 : i32 to index
      %swap3A_190 = tpu.vector_load %arg6[%swap3A] {strides = array<i32>} : memref<640xf32, #tpu.memory_space<vmem>>, vector<16xf32>,
      tpu.vector_store %arg6[%swap3A], %add3A_187 {strides = array<i32>} : memref<640xf32, #tpu.memory_space<vmem>>, vector<16xf32>,
      %scan3A_191 = arith.constant 0 : i32
      scf.yield %scan3A_191 : i32
    }
    %scan3A_146 = arith.constant 40 : i32
    %mul3A_147 = arith.constant 640 : i32
    %mul3A_148 = arith.muli %arg1, %mul3A_147 : i32
    %run_scoped3A_149 = arith.constant 14 : i32
    "tpu.region"() ({
      %run_scoped3A_178 = tpu.sem_alloc : memref<!tpu.dma_semaphore, #tpu.memory_space<semaphore_mem>>
      %dma_start3A = tpu.memref_slice %arg9[%run_scoped3A_149, %mul3A_148] : memref<16x10240xf32, #tpu.memory_space<vmem_shared>> -> memref<1x640xf32, #tpu.memory_space<vmem_shared>>
      %dma_start3A_179 = tpu.memref_squeeze %dma_start3A : memref<1x640xf32, #tpu.memory_space<vmem_shared>> -> memref<640xf32, #tpu.memory_space<vmem_shared>>
      %dma_start3A_180 = tpu.memref_slice %arg9[%run_scoped3A_149, %mul3A_148] : memref<16x10240xf32, #tpu.memory_space<vmem_shared>> -> memref<1x640xf32, #tpu.memory_space<vmem_shared>>
      %dma_start3A_181 = tpu.memref_squeeze %dma_start3A_180 : memref<1x640xf32, #tpu.memory_space<vmem_shared>> -> memref<640xf32, #tpu.memory_space<vmem_shared>>
      tpu.enqueue_dma source(%dma_start3A_181 : memref<640xf32, #tpu.memory_space<vmem_shared>>) target(%arg7 : memref<640xf32, #tpu.memory_space<vmem>>) target_semaphore(%run_scoped3A_178 : memref<!tpu.dma_semaphore, #tpu.memory_space<semaphore_mem>>)
      %dma_wait3A = tpu.memref_slice %arg9[%run_scoped3A_149, %mul3A_148] : memref<16x10240xf32, #tpu.memory_space<vmem_shared>> -> memref<1x640xf32, #tpu.memory_space<vmem_shared>>
      %dma_wait3A_182 = tpu.memref_squeeze %dma_wait3A : memref<1x640xf32, #tpu.memory_space<vmem_shared>> -> memref<640xf32, #tpu.memory_space<vmem_shared>>
      %dma_wait3A_183 = tpu.memref_slice %arg9[%run_scoped3A_149, %mul3A_148] : memref<16x10240xf32, #tpu.memory_space<vmem_shared>> -> memref<1x640xf32, #tpu.memory_space<vmem_shared>>
      %dma_wait3A_184 = tpu.memref_squeeze %dma_wait3A_183 : memref<1x640xf32, #tpu.memory_space<vmem_shared>> -> memref<640xf32, #tpu.memory_space<vmem_shared>>
      tpu.wait_dma2 semaphore(%run_scoped3A_178 : memref<!tpu.dma_semaphore, #tpu.memory_space<semaphore_mem>>) src(%dma_wait3A_184 : memref<640xf32, #tpu.memory_space<vmem_shared>>) dst(%arg7 : memref<640xf32, #tpu.memory_space<vmem>>)
      tpu.yield
    }) : () -> ()
    %scan3A_150 = arith.constant 0 : i32
    %scan3A_151 = arith.constant 0 : i32
    %scan3A_152 = arith.constant 40 : i32
    %scan3A_153 = arith.addi %scan3A_151, %scan3A_152 : i32
    %scan3A_154 = arith.constant 1 : i32
    %scan3A_155 = scf.for %scan3A_178 = %scan3A_151 to %scan3A_153 step %scan3A_154 iter_args(%scan3A_179 = %scan3A_150) -> (i32)  : i32 {
      %mul3A_180 = arith.constant 16 : i32
      %mul3A_181 = arith.muli %scan3A_178, %mul3A_180 : i32
      %get3A = arith.index_cast %mul3A_181 : i32 to index
      %get3A_182 = tpu.vector_load %arg6[%get3A] {strides = array<i32>} : memref<640xf32, #tpu.memory_space<vmem>>, vector<16xf32>,
      %mul3A_183 = arith.constant 16 : i32
      %mul3A_184 = arith.muli %scan3A_178, %mul3A_183 : i32
      %get3A_185 = arith.index_cast %mul3A_184 : i32 to index
      %get3A_186 = tpu.vector_load %arg7[%get3A_185] {strides = array<i32>} : memref<640xf32, #tpu.memory_space<vmem>>, vector<16xf32>,
      %add3A_187 = arith.addf %get3A_182, %get3A_186 : vector<16xf32>
      %mul3A_188 = arith.constant 16 : i32
      %mul3A_189 = arith.muli %scan3A_178, %mul3A_188 : i32
      %swap3A = arith.index_cast %mul3A_189 : i32 to index
      %swap3A_190 = tpu.vector_load %arg6[%swap3A] {strides = array<i32>} : memref<640xf32, #tpu.memory_space<vmem>>, vector<16xf32>,
      tpu.vector_store %arg6[%swap3A], %add3A_187 {strides = array<i32>} : memref<640xf32, #tpu.memory_space<vmem>>, vector<16xf32>,
      %scan3A_191 = arith.constant 0 : i32
      scf.yield %scan3A_191 : i32
    }
    %scan3A_156 = arith.constant 40 : i32
    %mul3A_157 = arith.constant 640 : i32
    %mul3A_158 = arith.muli %arg1, %mul3A_157 : i32
    %run_scoped3A_159 = arith.constant 15 : i32
    "tpu.region"() ({
      %run_scoped3A_178 = tpu.sem_alloc : memref<!tpu.dma_semaphore, #tpu.memory_space<semaphore_mem>>
      %dma_start3A = tpu.memref_slice %arg9[%run_scoped3A_159, %mul3A_158] : memref<16x10240xf32, #tpu.memory_space<vmem_shared>> -> memref<1x640xf32, #tpu.memory_space<vmem_shared>>
      %dma_start3A_179 = tpu.memref_squeeze %dma_start3A : memref<1x640xf32, #tpu.memory_space<vmem_shared>> -> memref<640xf32, #tpu.memory_space<vmem_shared>>
      %dma_start3A_180 = tpu.memref_slice %arg9[%run_scoped3A_159, %mul3A_158] : memref<16x10240xf32, #tpu.memory_space<vmem_shared>> -> memref<1x640xf32, #tpu.memory_space<vmem_shared>>
      %dma_start3A_181 = tpu.memref_squeeze %dma_start3A_180 : memref<1x640xf32, #tpu.memory_space<vmem_shared>> -> memref<640xf32, #tpu.memory_space<vmem_shared>>
      tpu.enqueue_dma source(%dma_start3A_181 : memref<640xf32, #tpu.memory_space<vmem_shared>>) target(%arg7 : memref<640xf32, #tpu.memory_space<vmem>>) target_semaphore(%run_scoped3A_178 : memref<!tpu.dma_semaphore, #tpu.memory_space<semaphore_mem>>)
      %dma_wait3A = tpu.memref_slice %arg9[%run_scoped3A_159, %mul3A_158] : memref<16x10240xf32, #tpu.memory_space<vmem_shared>> -> memref<1x640xf32, #tpu.memory_space<vmem_shared>>
      %dma_wait3A_182 = tpu.memref_squeeze %dma_wait3A : memref<1x640xf32, #tpu.memory_space<vmem_shared>> -> memref<640xf32, #tpu.memory_space<vmem_shared>>
      %dma_wait3A_183 = tpu.memref_slice %arg9[%run_scoped3A_159, %mul3A_158] : memref<16x10240xf32, #tpu.memory_space<vmem_shared>> -> memref<1x640xf32, #tpu.memory_space<vmem_shared>>
      %dma_wait3A_184 = tpu.memref_squeeze %dma_wait3A_183 : memref<1x640xf32, #tpu.memory_space<vmem_shared>> -> memref<640xf32, #tpu.memory_space<vmem_shared>>
      tpu.wait_dma2 semaphore(%run_scoped3A_178 : memref<!tpu.dma_semaphore, #tpu.memory_space<semaphore_mem>>) src(%dma_wait3A_184 : memref<640xf32, #tpu.memory_space<vmem_shared>>) dst(%arg7 : memref<640xf32, #tpu.memory_space<vmem>>)
      tpu.yield
    }) : () -> ()
    %scan3A_160 = arith.constant 0 : i32
    %scan3A_161 = arith.constant 0 : i32
    %scan3A_162 = arith.constant 40 : i32
    %scan3A_163 = arith.addi %scan3A_161, %scan3A_162 : i32
    %scan3A_164 = arith.constant 1 : i32
    %scan3A_165 = scf.for %scan3A_178 = %scan3A_161 to %scan3A_163 step %scan3A_164 iter_args(%scan3A_179 = %scan3A_160) -> (i32)  : i32 {
      %mul3A_180 = arith.constant 16 : i32
      %mul3A_181 = arith.muli %scan3A_178, %mul3A_180 : i32
      %get3A = arith.index_cast %mul3A_181 : i32 to index
      %get3A_182 = tpu.vector_load %arg6[%get3A] {strides = array<i32>} : memref<640xf32, #tpu.memory_space<vmem>>, vector<16xf32>,
      %mul3A_183 = arith.constant 16 : i32
      %mul3A_184 = arith.muli %scan3A_178, %mul3A_183 : i32
      %get3A_185 = arith.index_cast %mul3A_184 : i32 to index
      %get3A_186 = tpu.vector_load %arg7[%get3A_185] {strides = array<i32>} : memref<640xf32, #tpu.memory_space<vmem>>, vector<16xf32>,
      %add3A_187 = arith.addf %get3A_182, %get3A_186 : vector<16xf32>
      %mul3A_188 = arith.constant 16 : i32
      %mul3A_189 = arith.muli %scan3A_178, %mul3A_188 : i32
      %swap3A = arith.index_cast %mul3A_189 : i32 to index
      %swap3A_190 = tpu.vector_load %arg6[%swap3A] {strides = array<i32>} : memref<640xf32, #tpu.memory_space<vmem>>, vector<16xf32>,
      tpu.vector_store %arg6[%swap3A], %add3A_187 {strides = array<i32>} : memref<640xf32, #tpu.memory_space<vmem>>, vector<16xf32>,
      %scan3A_191 = arith.constant 0 : i32
      scf.yield %scan3A_191 : i32
    }
    %scan3A_166 = arith.constant 40 : i32
    %broadcast_in_dim3A_167 = arith.constant 0 : i32
    %broadcast_in_dim3A_168 = vector.broadcast %broadcast_in_dim3A_167 : i32 to vector<16xi32>
    %iota3A = tpu.iota {dimensions = array<i32: 0>} : vector<16xi32>
    %scan3A_169 = arith.constant 0 : i32
    %scan3A_170 = arith.constant 0 : i32
    %scan3A_171 = arith.constant 40 : i32
    %scan3A_172 = arith.addi %scan3A_170, %scan3A_171 : i32
    %scan3A_173 = arith.constant 1 : i32
    %scan3A_174 = scf.for %scan3A_178 = %scan3A_170 to %scan3A_172 step %scan3A_173 iter_args(%scan3A_179 = %scan3A_169) -> (i32)  : i32 {
      %mul3A_180 = arith.constant 16 : i32
      %mul3A_181 = arith.muli %scan3A_178, %mul3A_180 : i32
      %get3A = arith.index_cast %mul3A_181 : i32 to index
      %get3A_182 = tpu.vector_load %arg6[%get3A] {strides = array<i32>} : memref<640xf32, #tpu.memory_space<vmem>>, vector<16xf32>,
      %mul3A_183 = arith.constant 16 : i32
      %mul3A_184 = arith.muli %scan3A_178, %mul3A_183 : i32
      %add3A_185 = vector.broadcast %mul3A_184 : i32 to vector<16xi32>
      %add3A_186 = arith.addi %iota3A, %add3A_185 : vector<16xi32>
      tpu.vector_store_idx %arg8[%add3A_186, %broadcast_in_dim3A_168], %get3A_182 : memref<640x128xf32, #tpu.memory_space<vmem>>[vector<16xi32>, vector<16xi32>], vector<16xf32>,
      %scan3A_187 = arith.constant 0 : i32
      scf.yield %scan3A_187 : i32
    }
    %scan3A_175 = arith.constant 40 : i32
    %mul3A_176 = arith.constant 640 : i32
    %mul3A_177 = arith.muli %arg1, %mul3A_176 : i32
    "tpu.region"() ({
      %run_scoped3A_178 = tpu.sem_alloc : memref<!tpu.dma_semaphore, #tpu.memory_space<semaphore_mem>>
      %dma_start3A = arith.constant 0 : i32
      %dma_start3A_179 = tpu.memref_slice %arg3[%arg0, %mul3A_177, %dma_start3A] : memref<2x10240x128xf32, #tpu.memory_space<hbm>> -> memref<1x640x128xf32, #tpu.memory_space<hbm>>
      %dma_start3A_180 = tpu.memref_squeeze %dma_start3A_179 : memref<1x640x128xf32, #tpu.memory_space<hbm>> -> memref<640x128xf32, #tpu.memory_space<hbm>>
      %dma_start3A_181 = arith.constant 0 : i32
      %dma_start3A_182 = tpu.memref_slice %arg3[%arg0, %mul3A_177, %dma_start3A_181] : memref<2x10240x128xf32, #tpu.memory_space<hbm>> -> memref<1x640x128xf32, #tpu.memory_space<hbm>>
      %dma_start3A_183 = tpu.memref_squeeze %dma_start3A_182 : memref<1x640x128xf32, #tpu.memory_space<hbm>> -> memref<640x128xf32, #tpu.memory_space<hbm>>
      tpu.enqueue_dma source(%arg8 : memref<640x128xf32, #tpu.memory_space<vmem>>) target(%dma_start3A_183 : memref<640x128xf32, #tpu.memory_space<hbm>>) target_semaphore(%run_scoped3A_178 : memref<!tpu.dma_semaphore, #tpu.memory_space<semaphore_mem>>)
      %dma_wait3A = arith.constant 0 : i32
      %dma_wait3A_184 = tpu.memref_slice %arg3[%arg0, %mul3A_177, %dma_wait3A] : memref<2x10240x128xf32, #tpu.memory_space<hbm>> -> memref<1x640x128xf32, #tpu.memory_space<hbm>>
      %dma_wait3A_185 = tpu.memref_squeeze %dma_wait3A_184 : memref<1x640x128xf32, #tpu.memory_space<hbm>> -> memref<640x128xf32, #tpu.memory_space<hbm>>
      %dma_wait3A_186 = arith.constant 0 : i32
      %dma_wait3A_187 = tpu.memref_slice %arg3[%arg0, %mul3A_177, %dma_wait3A_186] : memref<2x10240x128xf32, #tpu.memory_space<hbm>> -> memref<1x640x128xf32, #tpu.memory_space<hbm>>
      %dma_wait3A_188 = tpu.memref_squeeze %dma_wait3A_187 : memref<1x640x128xf32, #tpu.memory_space<hbm>> -> memref<640x128xf32, #tpu.memory_space<hbm>>
      tpu.wait_dma2 semaphore(%run_scoped3A_178 : memref<!tpu.dma_semaphore, #tpu.memory_space<semaphore_mem>>) src(%arg8 : memref<640x128xf32, #tpu.memory_space<vmem>>) dst(%dma_wait3A_188 : memref<640x128xf32, #tpu.memory_space<hbm>>)
      tpu.yield
    }) : () -> ()
    return
  }
}

#map = affine_map<(d0, d1) -> (0, 0)>
#map1 = affine_map<(d0, d1) -> (0, 0, 0)>
module attributes {stable_mosaic.version = 14 : i64} {
  func.func @agg_kernel(%arg0: i32, %arg1: i32, %arg2: memref<10240x128xf32, #tpu.memory_space<hbm>>, %arg3: memref<32x160x128xi32, #tpu.memory_space<hbm>>, %arg4: memref<32x160x128xi32, #tpu.memory_space<hbm>>, %arg5: memref<2x10240x128xf32, #tpu.memory_space<hbm>>, %arg6: memref<40x128xi32, #tpu.memory_space<vmem>>, %arg7: memref<40x128xi32, #tpu.memory_space<vmem>>, %arg8: memref<2x128x128xf32, #tpu.memory_space<vmem>>, %arg9: memref<10240x128xf32, #tpu.memory_space<vmem_shared>>, %arg10: memref<!tpu.dma_semaphore, #tpu.memory_space<semaphore_mem>>, %arg11: memref<!tpu.dma_semaphore, #tpu.memory_space<semaphore_mem>>, %arg12: memref<!tpu.dma_semaphore, #tpu.memory_space<semaphore_mem>>, %arg13: memref<!tpu.dma_semaphore, #tpu.memory_space<semaphore_mem>>) attributes {dimension_semantics = [#tpu.dimension_semantics<core_parallel>, #tpu.dimension_semantics<subcore_parallel>], iteration_bounds = array<i64: 2, 16>, scalar_prefetch = 0 : i64, scratch_operands = 8 : i64, tpu.core_type = #tpu.core_type<sc_vector_subcore>, window_params = [{transform_indices = #map}, {transform_indices = #map1}, {transform_indices = #map1}, {transform_indices = #map1}]} {
    %mul3A = arith.constant 2 : i32
    %mul3A_0 = arith.muli %arg1, %mul3A : i32
    %add3A = arith.addi %mul3A_0, %arg0 : i32
    %scan3A = arith.constant 0 : i32
    %scan3A_1 = arith.constant 0 : i32
    %scan3A_2 = arith.constant 0 : i32
    %scan3A_3 = arith.constant 128 : i32
    %scan3A_4 = arith.addi %scan3A_2, %scan3A_3 : i32
    %scan3A_5 = arith.constant 1 : i32
    %scan3A_6 = scf.for %scan3A_69 = %scan3A_2 to %scan3A_4 step %scan3A_5 iter_args(%scan3A_70 = %scan3A_1) -> (i32)  : i32 {
      %broadcast_in_dim3A = arith.constant 0.000000e+00 : f32
      %broadcast_in_dim3A_71 = vector.broadcast %broadcast_in_dim3A : f32 to vector<16xf32>
      %swap3A = arith.constant 0 : i32
      %swap3A_72 = arith.constant 0 : i32
      %swap3A_73 = tpu.memref_slice %arg8[%scan3A, %swap3A, %swap3A_72] : memref<2x128x128xf32, #tpu.memory_space<vmem>> -> memref<1x128x128xf32, #tpu.memory_space<vmem>>
      %swap3A_74 = tpu.memref_squeeze %swap3A_73 : memref<1x128x128xf32, #tpu.memory_space<vmem>> -> memref<128x128xf32, #tpu.memory_space<vmem>>
      %swap3A_75 = arith.index_cast %scan3A_69 : i32 to index
      %swap3A_76 = arith.constant 0 : index
      %swap3A_77 = tpu.vector_load %swap3A_74[%swap3A_75, %swap3A_76] {strides = array<i32>} : memref<128x128xf32, #tpu.memory_space<vmem>>, vector<1x16xf32>,
      %swap3A_78 = vector.shape_cast %swap3A_77 : vector<1x16xf32> to vector<16xf32>
      %swap3A_79 = vector.shape_cast %broadcast_in_dim3A_71 : vector<16xf32> to vector<1x16xf32>
      tpu.vector_store %swap3A_74[%swap3A_75, %swap3A_76], %swap3A_79 {strides = array<i32>} : memref<128x128xf32, #tpu.memory_space<vmem>>, vector<1x16xf32>,
      %broadcast_in_dim3A_80 = arith.constant 0.000000e+00 : f32
      %broadcast_in_dim3A_81 = vector.broadcast %broadcast_in_dim3A_80 : f32 to vector<16xf32>
      %swap3A_82 = arith.constant 0 : i32
      %swap3A_83 = arith.constant 0 : i32
      %swap3A_84 = tpu.memref_slice %arg8[%scan3A, %swap3A_82, %swap3A_83] : memref<2x128x128xf32, #tpu.memory_space<vmem>> -> memref<1x128x128xf32, #tpu.memory_space<vmem>>
      %swap3A_85 = tpu.memref_squeeze %swap3A_84 : memref<1x128x128xf32, #tpu.memory_space<vmem>> -> memref<128x128xf32, #tpu.memory_space<vmem>>
      %swap3A_86 = arith.index_cast %scan3A_69 : i32 to index
      %swap3A_87 = arith.constant 16 : index
      %swap3A_88 = tpu.vector_load %swap3A_85[%swap3A_86, %swap3A_87] {strides = array<i32>} : memref<128x128xf32, #tpu.memory_space<vmem>>, vector<1x16xf32>,
      %swap3A_89 = vector.shape_cast %swap3A_88 : vector<1x16xf32> to vector<16xf32>
      %swap3A_90 = vector.shape_cast %broadcast_in_dim3A_81 : vector<16xf32> to vector<1x16xf32>
      tpu.vector_store %swap3A_85[%swap3A_86, %swap3A_87], %swap3A_90 {strides = array<i32>} : memref<128x128xf32, #tpu.memory_space<vmem>>, vector<1x16xf32>,
      %broadcast_in_dim3A_91 = arith.constant 0.000000e+00 : f32
      %broadcast_in_dim3A_92 = vector.broadcast %broadcast_in_dim3A_91 : f32 to vector<16xf32>
      %swap3A_93 = arith.constant 0 : i32
      %swap3A_94 = arith.constant 0 : i32
      %swap3A_95 = tpu.memref_slice %arg8[%scan3A, %swap3A_93, %swap3A_94] : memref<2x128x128xf32, #tpu.memory_space<vmem>> -> memref<1x128x128xf32, #tpu.memory_space<vmem>>
      %swap3A_96 = tpu.memref_squeeze %swap3A_95 : memref<1x128x128xf32, #tpu.memory_space<vmem>> -> memref<128x128xf32, #tpu.memory_space<vmem>>
      %swap3A_97 = arith.index_cast %scan3A_69 : i32 to index
      %swap3A_98 = arith.constant 32 : index
      %swap3A_99 = tpu.vector_load %swap3A_96[%swap3A_97, %swap3A_98] {strides = array<i32>} : memref<128x128xf32, #tpu.memory_space<vmem>>, vector<1x16xf32>,
      %swap3A_100 = vector.shape_cast %swap3A_99 : vector<1x16xf32> to vector<16xf32>
      %swap3A_101 = vector.shape_cast %broadcast_in_dim3A_92 : vector<16xf32> to vector<1x16xf32>
      tpu.vector_store %swap3A_96[%swap3A_97, %swap3A_98], %swap3A_101 {strides = array<i32>} : memref<128x128xf32, #tpu.memory_space<vmem>>, vector<1x16xf32>,
      %broadcast_in_dim3A_102 = arith.constant 0.000000e+00 : f32
      %broadcast_in_dim3A_103 = vector.broadcast %broadcast_in_dim3A_102 : f32 to vector<16xf32>
      %swap3A_104 = arith.constant 0 : i32
      %swap3A_105 = arith.constant 0 : i32
      %swap3A_106 = tpu.memref_slice %arg8[%scan3A, %swap3A_104, %swap3A_105] : memref<2x128x128xf32, #tpu.memory_space<vmem>> -> memref<1x128x128xf32, #tpu.memory_space<vmem>>
      %swap3A_107 = tpu.memref_squeeze %swap3A_106 : memref<1x128x128xf32, #tpu.memory_space<vmem>> -> memref<128x128xf32, #tpu.memory_space<vmem>>
      %swap3A_108 = arith.index_cast %scan3A_69 : i32 to index
      %swap3A_109 = arith.constant 48 : index
      %swap3A_110 = tpu.vector_load %swap3A_107[%swap3A_108, %swap3A_109] {strides = array<i32>} : memref<128x128xf32, #tpu.memory_space<vmem>>, vector<1x16xf32>,
      %swap3A_111 = vector.shape_cast %swap3A_110 : vector<1x16xf32> to vector<16xf32>
      %swap3A_112 = vector.shape_cast %broadcast_in_dim3A_103 : vector<16xf32> to vector<1x16xf32>
      tpu.vector_store %swap3A_107[%swap3A_108, %swap3A_109], %swap3A_112 {strides = array<i32>} : memref<128x128xf32, #tpu.memory_space<vmem>>, vector<1x16xf32>,
      %broadcast_in_dim3A_113 = arith.constant 0.000000e+00 : f32
      %broadcast_in_dim3A_114 = vector.broadcast %broadcast_in_dim3A_113 : f32 to vector<16xf32>
      %swap3A_115 = arith.constant 0 : i32
      %swap3A_116 = arith.constant 0 : i32
      %swap3A_117 = tpu.memref_slice %arg8[%scan3A, %swap3A_115, %swap3A_116] : memref<2x128x128xf32, #tpu.memory_space<vmem>> -> memref<1x128x128xf32, #tpu.memory_space<vmem>>
      %swap3A_118 = tpu.memref_squeeze %swap3A_117 : memref<1x128x128xf32, #tpu.memory_space<vmem>> -> memref<128x128xf32, #tpu.memory_space<vmem>>
      %swap3A_119 = arith.index_cast %scan3A_69 : i32 to index
      %swap3A_120 = arith.constant 64 : index
      %swap3A_121 = tpu.vector_load %swap3A_118[%swap3A_119, %swap3A_120] {strides = array<i32>} : memref<128x128xf32, #tpu.memory_space<vmem>>, vector<1x16xf32>,
      %swap3A_122 = vector.shape_cast %swap3A_121 : vector<1x16xf32> to vector<16xf32>
      %swap3A_123 = vector.shape_cast %broadcast_in_dim3A_114 : vector<16xf32> to vector<1x16xf32>
      tpu.vector_store %swap3A_118[%swap3A_119, %swap3A_120], %swap3A_123 {strides = array<i32>} : memref<128x128xf32, #tpu.memory_space<vmem>>, vector<1x16xf32>,
      %broadcast_in_dim3A_124 = arith.constant 0.000000e+00 : f32
      %broadcast_in_dim3A_125 = vector.broadcast %broadcast_in_dim3A_124 : f32 to vector<16xf32>
      %swap3A_126 = arith.constant 0 : i32
      %swap3A_127 = arith.constant 0 : i32
      %swap3A_128 = tpu.memref_slice %arg8[%scan3A, %swap3A_126, %swap3A_127] : memref<2x128x128xf32, #tpu.memory_space<vmem>> -> memref<1x128x128xf32, #tpu.memory_space<vmem>>
      %swap3A_129 = tpu.memref_squeeze %swap3A_128 : memref<1x128x128xf32, #tpu.memory_space<vmem>> -> memref<128x128xf32, #tpu.memory_space<vmem>>
      %swap3A_130 = arith.index_cast %scan3A_69 : i32 to index
      %swap3A_131 = arith.constant 80 : index
      %swap3A_132 = tpu.vector_load %swap3A_129[%swap3A_130, %swap3A_131] {strides = array<i32>} : memref<128x128xf32, #tpu.memory_space<vmem>>, vector<1x16xf32>,
      %swap3A_133 = vector.shape_cast %swap3A_132 : vector<1x16xf32> to vector<16xf32>
      %swap3A_134 = vector.shape_cast %broadcast_in_dim3A_125 : vector<16xf32> to vector<1x16xf32>
      tpu.vector_store %swap3A_129[%swap3A_130, %swap3A_131], %swap3A_134 {strides = array<i32>} : memref<128x128xf32, #tpu.memory_space<vmem>>, vector<1x16xf32>,
      %broadcast_in_dim3A_135 = arith.constant 0.000000e+00 : f32
      %broadcast_in_dim3A_136 = vector.broadcast %broadcast_in_dim3A_135 : f32 to vector<16xf32>
      %swap3A_137 = arith.constant 0 : i32
      %swap3A_138 = arith.constant 0 : i32
      %swap3A_139 = tpu.memref_slice %arg8[%scan3A, %swap3A_137, %swap3A_138] : memref<2x128x128xf32, #tpu.memory_space<vmem>> -> memref<1x128x128xf32, #tpu.memory_space<vmem>>
      %swap3A_140 = tpu.memref_squeeze %swap3A_139 : memref<1x128x128xf32, #tpu.memory_space<vmem>> -> memref<128x128xf32, #tpu.memory_space<vmem>>
      %swap3A_141 = arith.index_cast %scan3A_69 : i32 to index
      %swap3A_142 = arith.constant 96 : index
      %swap3A_143 = tpu.vector_load %swap3A_140[%swap3A_141, %swap3A_142] {strides = array<i32>} : memref<128x128xf32, #tpu.memory_space<vmem>>, vector<1x16xf32>,
      %swap3A_144 = vector.shape_cast %swap3A_143 : vector<1x16xf32> to vector<16xf32>
      %swap3A_145 = vector.shape_cast %broadcast_in_dim3A_136 : vector<16xf32> to vector<1x16xf32>
      tpu.vector_store %swap3A_140[%swap3A_141, %swap3A_142], %swap3A_145 {strides = array<i32>} : memref<128x128xf32, #tpu.memory_space<vmem>>, vector<1x16xf32>,
      %broadcast_in_dim3A_146 = arith.constant 0.000000e+00 : f32
      %broadcast_in_dim3A_147 = vector.broadcast %broadcast_in_dim3A_146 : f32 to vector<16xf32>
      %swap3A_148 = arith.constant 0 : i32
      %swap3A_149 = arith.constant 0 : i32
      %swap3A_150 = tpu.memref_slice %arg8[%scan3A, %swap3A_148, %swap3A_149] : memref<2x128x128xf32, #tpu.memory_space<vmem>> -> memref<1x128x128xf32, #tpu.memory_space<vmem>>
      %swap3A_151 = tpu.memref_squeeze %swap3A_150 : memref<1x128x128xf32, #tpu.memory_space<vmem>> -> memref<128x128xf32, #tpu.memory_space<vmem>>
      %swap3A_152 = arith.index_cast %scan3A_69 : i32 to index
      %swap3A_153 = arith.constant 112 : index
      %swap3A_154 = tpu.vector_load %swap3A_151[%swap3A_152, %swap3A_153] {strides = array<i32>} : memref<128x128xf32, #tpu.memory_space<vmem>>, vector<1x16xf32>,
      %swap3A_155 = vector.shape_cast %swap3A_154 : vector<1x16xf32> to vector<16xf32>
      %swap3A_156 = vector.shape_cast %broadcast_in_dim3A_147 : vector<16xf32> to vector<1x16xf32>
      tpu.vector_store %swap3A_151[%swap3A_152, %swap3A_153], %swap3A_156 {strides = array<i32>} : memref<128x128xf32, #tpu.memory_space<vmem>>, vector<1x16xf32>,
      %scan3A_157 = arith.constant 0 : i32
      scf.yield %scan3A_157 : i32
    }
    %scan3A_7 = arith.constant 128 : i32
    %mul3A_8 = arith.constant 640 : i32
    %mul3A_9 = arith.muli %arg1, %mul3A_8 : i32
    %add3A_10 = arith.constant 0 : i32
    %add3A_11 = arith.addi %mul3A_9, %add3A_10 : i32
    %run_scoped3A = arith.constant 0 : i32
    "tpu.region"() ({
      %run_scoped3A_69 = tpu.sem_alloc : memref<!tpu.dma_semaphore, #tpu.memory_space<semaphore_mem>>
      %dma_start3A = arith.constant 0 : i32
      %dma_start3A_70 = arith.constant 0 : i32
      %dma_start3A_71 = tpu.memref_slice %arg8[%run_scoped3A, %dma_start3A, %dma_start3A_70] : memref<2x128x128xf32, #tpu.memory_space<vmem>> -> memref<1x128x128xf32, #tpu.memory_space<vmem>>
      %dma_start3A_72 = tpu.memref_squeeze %dma_start3A_71 : memref<1x128x128xf32, #tpu.memory_space<vmem>> -> memref<128x128xf32, #tpu.memory_space<vmem>>
      %dma_start3A_73 = arith.constant 0 : i32
      %dma_start3A_74 = tpu.memref_slice %arg9[%add3A_11, %dma_start3A_73] : memref<10240x128xf32, #tpu.memory_space<vmem_shared>> -> memref<128x128xf32, #tpu.memory_space<vmem_shared>>
      %dma_start3A_75 = arith.constant 0 : i32
      %dma_start3A_76 = tpu.memref_slice %arg9[%add3A_11, %dma_start3A_75] : memref<10240x128xf32, #tpu.memory_space<vmem_shared>> -> memref<128x128xf32, #tpu.memory_space<vmem_shared>>
      %dma_start3A_77 = arith.constant 0 : i32
      %dma_start3A_78 = arith.constant 0 : i32
      %dma_start3A_79 = tpu.memref_slice %arg8[%run_scoped3A, %dma_start3A_77, %dma_start3A_78] : memref<2x128x128xf32, #tpu.memory_space<vmem>> -> memref<1x128x128xf32, #tpu.memory_space<vmem>>
      %dma_start3A_80 = tpu.memref_squeeze %dma_start3A_79 : memref<1x128x128xf32, #tpu.memory_space<vmem>> -> memref<128x128xf32, #tpu.memory_space<vmem>>
      tpu.enqueue_dma source(%dma_start3A_80 : memref<128x128xf32, #tpu.memory_space<vmem>>) target(%dma_start3A_76 : memref<128x128xf32, #tpu.memory_space<vmem_shared>>) target_semaphore(%run_scoped3A_69 : memref<!tpu.dma_semaphore, #tpu.memory_space<semaphore_mem>>)
      %dma_wait3A_81 = arith.constant 0 : i32
      %dma_wait3A_82 = arith.constant 0 : i32
      %dma_wait3A_83 = tpu.memref_slice %arg8[%run_scoped3A, %dma_wait3A_81, %dma_wait3A_82] : memref<2x128x128xf32, #tpu.memory_space<vmem>> -> memref<1x128x128xf32, #tpu.memory_space<vmem>>
      %dma_wait3A_84 = tpu.memref_squeeze %dma_wait3A_83 : memref<1x128x128xf32, #tpu.memory_space<vmem>> -> memref<128x128xf32, #tpu.memory_space<vmem>>
      %dma_wait3A_85 = arith.constant 0 : i32
      %dma_wait3A_86 = tpu.memref_slice %arg9[%add3A_11, %dma_wait3A_85] : memref<10240x128xf32, #tpu.memory_space<vmem_shared>> -> memref<128x128xf32, #tpu.memory_space<vmem_shared>>
      %dma_wait3A_87 = arith.constant 0 : i32
      %dma_wait3A_88 = tpu.memref_slice %arg9[%add3A_11, %dma_wait3A_87] : memref<10240x128xf32, #tpu.memory_space<vmem_shared>> -> memref<128x128xf32, #tpu.memory_space<vmem_shared>>
      %dma_wait3A_89 = arith.constant 0 : i32
      %dma_wait3A_90 = arith.constant 0 : i32
      %dma_wait3A_91 = tpu.memref_slice %arg8[%run_scoped3A, %dma_wait3A_89, %dma_wait3A_90] : memref<2x128x128xf32, #tpu.memory_space<vmem>> -> memref<1x128x128xf32, #tpu.memory_space<vmem>>
      %dma_wait3A_92 = tpu.memref_squeeze %dma_wait3A_91 : memref<1x128x128xf32, #tpu.memory_space<vmem>> -> memref<128x128xf32, #tpu.memory_space<vmem>>
      tpu.wait_dma2 semaphore(%run_scoped3A_69 : memref<!tpu.dma_semaphore, #tpu.memory_space<semaphore_mem>>) src(%dma_wait3A_92 : memref<128x128xf32, #tpu.memory_space<vmem>>) dst(%dma_wait3A_88 : memref<128x128xf32, #tpu.memory_space<vmem_shared>>)
      tpu.yield
    }) : () -> ()
    %mul3A_12 = arith.constant 640 : i32
    %mul3A_13 = arith.muli %arg1, %mul3A_12 : i32
    %add3A_14 = arith.constant 128 : i32
    %add3A_15 = arith.addi %mul3A_13, %add3A_14 : i32
    %run_scoped3A_16 = arith.constant 0 : i32
    "tpu.region"() ({
      %run_scoped3A_69 = tpu.sem_alloc : memref<!tpu.dma_semaphore, #tpu.memory_space<semaphore_mem>>
      %dma_start3A = arith.constant 0 : i32
      %dma_start3A_70 = arith.constant 0 : i32
      %dma_start3A_71 = tpu.memref_slice %arg8[%run_scoped3A_16, %dma_start3A, %dma_start3A_70] : memref<2x128x128xf32, #tpu.memory_space<vmem>> -> memref<1x128x128xf32, #tpu.memory_space<vmem>>
      %dma_start3A_72 = tpu.memref_squeeze %dma_start3A_71 : memref<1x128x128xf32, #tpu.memory_space<vmem>> -> memref<128x128xf32, #tpu.memory_space<vmem>>
      %dma_start3A_73 = arith.constant 0 : i32
      %dma_start3A_74 = tpu.memref_slice %arg9[%add3A_15, %dma_start3A_73] : memref<10240x128xf32, #tpu.memory_space<vmem_shared>> -> memref<128x128xf32, #tpu.memory_space<vmem_shared>>
      %dma_start3A_75 = arith.constant 0 : i32
      %dma_start3A_76 = tpu.memref_slice %arg9[%add3A_15, %dma_start3A_75] : memref<10240x128xf32, #tpu.memory_space<vmem_shared>> -> memref<128x128xf32, #tpu.memory_space<vmem_shared>>
      %dma_start3A_77 = arith.constant 0 : i32
      %dma_start3A_78 = arith.constant 0 : i32
      %dma_start3A_79 = tpu.memref_slice %arg8[%run_scoped3A_16, %dma_start3A_77, %dma_start3A_78] : memref<2x128x128xf32, #tpu.memory_space<vmem>> -> memref<1x128x128xf32, #tpu.memory_space<vmem>>
      %dma_start3A_80 = tpu.memref_squeeze %dma_start3A_79 : memref<1x128x128xf32, #tpu.memory_space<vmem>> -> memref<128x128xf32, #tpu.memory_space<vmem>>
      tpu.enqueue_dma source(%dma_start3A_80 : memref<128x128xf32, #tpu.memory_space<vmem>>) target(%dma_start3A_76 : memref<128x128xf32, #tpu.memory_space<vmem_shared>>) target_semaphore(%run_scoped3A_69 : memref<!tpu.dma_semaphore, #tpu.memory_space<semaphore_mem>>)
      %dma_wait3A_81 = arith.constant 0 : i32
      %dma_wait3A_82 = arith.constant 0 : i32
      %dma_wait3A_83 = tpu.memref_slice %arg8[%run_scoped3A_16, %dma_wait3A_81, %dma_wait3A_82] : memref<2x128x128xf32, #tpu.memory_space<vmem>> -> memref<1x128x128xf32, #tpu.memory_space<vmem>>
      %dma_wait3A_84 = tpu.memref_squeeze %dma_wait3A_83 : memref<1x128x128xf32, #tpu.memory_space<vmem>> -> memref<128x128xf32, #tpu.memory_space<vmem>>
      %dma_wait3A_85 = arith.constant 0 : i32
      %dma_wait3A_86 = tpu.memref_slice %arg9[%add3A_15, %dma_wait3A_85] : memref<10240x128xf32, #tpu.memory_space<vmem_shared>> -> memref<128x128xf32, #tpu.memory_space<vmem_shared>>
      %dma_wait3A_87 = arith.constant 0 : i32
      %dma_wait3A_88 = tpu.memref_slice %arg9[%add3A_15, %dma_wait3A_87] : memref<10240x128xf32, #tpu.memory_space<vmem_shared>> -> memref<128x128xf32, #tpu.memory_space<vmem_shared>>
      %dma_wait3A_89 = arith.constant 0 : i32
      %dma_wait3A_90 = arith.constant 0 : i32
      %dma_wait3A_91 = tpu.memref_slice %arg8[%run_scoped3A_16, %dma_wait3A_89, %dma_wait3A_90] : memref<2x128x128xf32, #tpu.memory_space<vmem>> -> memref<1x128x128xf32, #tpu.memory_space<vmem>>
      %dma_wait3A_92 = tpu.memref_squeeze %dma_wait3A_91 : memref<1x128x128xf32, #tpu.memory_space<vmem>> -> memref<128x128xf32, #tpu.memory_space<vmem>>
      tpu.wait_dma2 semaphore(%run_scoped3A_69 : memref<!tpu.dma_semaphore, #tpu.memory_space<semaphore_mem>>) src(%dma_wait3A_92 : memref<128x128xf32, #tpu.memory_space<vmem>>) dst(%dma_wait3A_88 : memref<128x128xf32, #tpu.memory_space<vmem_shared>>)
      tpu.yield
    }) : () -> ()
    %mul3A_17 = arith.constant 640 : i32
    %mul3A_18 = arith.muli %arg1, %mul3A_17 : i32
    %add3A_19 = arith.constant 256 : i32
    %add3A_20 = arith.addi %mul3A_18, %add3A_19 : i32
    %run_scoped3A_21 = arith.constant 0 : i32
    "tpu.region"() ({
      %run_scoped3A_69 = tpu.sem_alloc : memref<!tpu.dma_semaphore, #tpu.memory_space<semaphore_mem>>
      %dma_start3A = arith.constant 0 : i32
      %dma_start3A_70 = arith.constant 0 : i32
      %dma_start3A_71 = tpu.memref_slice %arg8[%run_scoped3A_21, %dma_start3A, %dma_start3A_70] : memref<2x128x128xf32, #tpu.memory_space<vmem>> -> memref<1x128x128xf32, #tpu.memory_space<vmem>>
      %dma_start3A_72 = tpu.memref_squeeze %dma_start3A_71 : memref<1x128x128xf32, #tpu.memory_space<vmem>> -> memref<128x128xf32, #tpu.memory_space<vmem>>
      %dma_start3A_73 = arith.constant 0 : i32
      %dma_start3A_74 = tpu.memref_slice %arg9[%add3A_20, %dma_start3A_73] : memref<10240x128xf32, #tpu.memory_space<vmem_shared>> -> memref<128x128xf32, #tpu.memory_space<vmem_shared>>
      %dma_start3A_75 = arith.constant 0 : i32
      %dma_start3A_76 = tpu.memref_slice %arg9[%add3A_20, %dma_start3A_75] : memref<10240x128xf32, #tpu.memory_space<vmem_shared>> -> memref<128x128xf32, #tpu.memory_space<vmem_shared>>
      %dma_start3A_77 = arith.constant 0 : i32
      %dma_start3A_78 = arith.constant 0 : i32
      %dma_start3A_79 = tpu.memref_slice %arg8[%run_scoped3A_21, %dma_start3A_77, %dma_start3A_78] : memref<2x128x128xf32, #tpu.memory_space<vmem>> -> memref<1x128x128xf32, #tpu.memory_space<vmem>>
      %dma_start3A_80 = tpu.memref_squeeze %dma_start3A_79 : memref<1x128x128xf32, #tpu.memory_space<vmem>> -> memref<128x128xf32, #tpu.memory_space<vmem>>
      tpu.enqueue_dma source(%dma_start3A_80 : memref<128x128xf32, #tpu.memory_space<vmem>>) target(%dma_start3A_76 : memref<128x128xf32, #tpu.memory_space<vmem_shared>>) target_semaphore(%run_scoped3A_69 : memref<!tpu.dma_semaphore, #tpu.memory_space<semaphore_mem>>)
      %dma_wait3A_81 = arith.constant 0 : i32
      %dma_wait3A_82 = arith.constant 0 : i32
      %dma_wait3A_83 = tpu.memref_slice %arg8[%run_scoped3A_21, %dma_wait3A_81, %dma_wait3A_82] : memref<2x128x128xf32, #tpu.memory_space<vmem>> -> memref<1x128x128xf32, #tpu.memory_space<vmem>>
      %dma_wait3A_84 = tpu.memref_squeeze %dma_wait3A_83 : memref<1x128x128xf32, #tpu.memory_space<vmem>> -> memref<128x128xf32, #tpu.memory_space<vmem>>
      %dma_wait3A_85 = arith.constant 0 : i32
      %dma_wait3A_86 = tpu.memref_slice %arg9[%add3A_20, %dma_wait3A_85] : memref<10240x128xf32, #tpu.memory_space<vmem_shared>> -> memref<128x128xf32, #tpu.memory_space<vmem_shared>>
      %dma_wait3A_87 = arith.constant 0 : i32
      %dma_wait3A_88 = tpu.memref_slice %arg9[%add3A_20, %dma_wait3A_87] : memref<10240x128xf32, #tpu.memory_space<vmem_shared>> -> memref<128x128xf32, #tpu.memory_space<vmem_shared>>
      %dma_wait3A_89 = arith.constant 0 : i32
      %dma_wait3A_90 = arith.constant 0 : i32
      %dma_wait3A_91 = tpu.memref_slice %arg8[%run_scoped3A_21, %dma_wait3A_89, %dma_wait3A_90] : memref<2x128x128xf32, #tpu.memory_space<vmem>> -> memref<1x128x128xf32, #tpu.memory_space<vmem>>
      %dma_wait3A_92 = tpu.memref_squeeze %dma_wait3A_91 : memref<1x128x128xf32, #tpu.memory_space<vmem>> -> memref<128x128xf32, #tpu.memory_space<vmem>>
      tpu.wait_dma2 semaphore(%run_scoped3A_69 : memref<!tpu.dma_semaphore, #tpu.memory_space<semaphore_mem>>) src(%dma_wait3A_92 : memref<128x128xf32, #tpu.memory_space<vmem>>) dst(%dma_wait3A_88 : memref<128x128xf32, #tpu.memory_space<vmem_shared>>)
      tpu.yield
    }) : () -> ()
    %mul3A_22 = arith.constant 640 : i32
    %mul3A_23 = arith.muli %arg1, %mul3A_22 : i32
    %add3A_24 = arith.constant 384 : i32
    %add3A_25 = arith.addi %mul3A_23, %add3A_24 : i32
    %run_scoped3A_26 = arith.constant 0 : i32
    "tpu.region"() ({
      %run_scoped3A_69 = tpu.sem_alloc : memref<!tpu.dma_semaphore, #tpu.memory_space<semaphore_mem>>
      %dma_start3A = arith.constant 0 : i32
      %dma_start3A_70 = arith.constant 0 : i32
      %dma_start3A_71 = tpu.memref_slice %arg8[%run_scoped3A_26, %dma_start3A, %dma_start3A_70] : memref<2x128x128xf32, #tpu.memory_space<vmem>> -> memref<1x128x128xf32, #tpu.memory_space<vmem>>
      %dma_start3A_72 = tpu.memref_squeeze %dma_start3A_71 : memref<1x128x128xf32, #tpu.memory_space<vmem>> -> memref<128x128xf32, #tpu.memory_space<vmem>>
      %dma_start3A_73 = arith.constant 0 : i32
      %dma_start3A_74 = tpu.memref_slice %arg9[%add3A_25, %dma_start3A_73] : memref<10240x128xf32, #tpu.memory_space<vmem_shared>> -> memref<128x128xf32, #tpu.memory_space<vmem_shared>>
      %dma_start3A_75 = arith.constant 0 : i32
      %dma_start3A_76 = tpu.memref_slice %arg9[%add3A_25, %dma_start3A_75] : memref<10240x128xf32, #tpu.memory_space<vmem_shared>> -> memref<128x128xf32, #tpu.memory_space<vmem_shared>>
      %dma_start3A_77 = arith.constant 0 : i32
      %dma_start3A_78 = arith.constant 0 : i32
      %dma_start3A_79 = tpu.memref_slice %arg8[%run_scoped3A_26, %dma_start3A_77, %dma_start3A_78] : memref<2x128x128xf32, #tpu.memory_space<vmem>> -> memref<1x128x128xf32, #tpu.memory_space<vmem>>
      %dma_start3A_80 = tpu.memref_squeeze %dma_start3A_79 : memref<1x128x128xf32, #tpu.memory_space<vmem>> -> memref<128x128xf32, #tpu.memory_space<vmem>>
      tpu.enqueue_dma source(%dma_start3A_80 : memref<128x128xf32, #tpu.memory_space<vmem>>) target(%dma_start3A_76 : memref<128x128xf32, #tpu.memory_space<vmem_shared>>) target_semaphore(%run_scoped3A_69 : memref<!tpu.dma_semaphore, #tpu.memory_space<semaphore_mem>>)
      %dma_wait3A_81 = arith.constant 0 : i32
      %dma_wait3A_82 = arith.constant 0 : i32
      %dma_wait3A_83 = tpu.memref_slice %arg8[%run_scoped3A_26, %dma_wait3A_81, %dma_wait3A_82] : memref<2x128x128xf32, #tpu.memory_space<vmem>> -> memref<1x128x128xf32, #tpu.memory_space<vmem>>
      %dma_wait3A_84 = tpu.memref_squeeze %dma_wait3A_83 : memref<1x128x128xf32, #tpu.memory_space<vmem>> -> memref<128x128xf32, #tpu.memory_space<vmem>>
      %dma_wait3A_85 = arith.constant 0 : i32
      %dma_wait3A_86 = tpu.memref_slice %arg9[%add3A_25, %dma_wait3A_85] : memref<10240x128xf32, #tpu.memory_space<vmem_shared>> -> memref<128x128xf32, #tpu.memory_space<vmem_shared>>
      %dma_wait3A_87 = arith.constant 0 : i32
      %dma_wait3A_88 = tpu.memref_slice %arg9[%add3A_25, %dma_wait3A_87] : memref<10240x128xf32, #tpu.memory_space<vmem_shared>> -> memref<128x128xf32, #tpu.memory_space<vmem_shared>>
      %dma_wait3A_89 = arith.constant 0 : i32
      %dma_wait3A_90 = arith.constant 0 : i32
      %dma_wait3A_91 = tpu.memref_slice %arg8[%run_scoped3A_26, %dma_wait3A_89, %dma_wait3A_90] : memref<2x128x128xf32, #tpu.memory_space<vmem>> -> memref<1x128x128xf32, #tpu.memory_space<vmem>>
      %dma_wait3A_92 = tpu.memref_squeeze %dma_wait3A_91 : memref<1x128x128xf32, #tpu.memory_space<vmem>> -> memref<128x128xf32, #tpu.memory_space<vmem>>
      tpu.wait_dma2 semaphore(%run_scoped3A_69 : memref<!tpu.dma_semaphore, #tpu.memory_space<semaphore_mem>>) src(%dma_wait3A_92 : memref<128x128xf32, #tpu.memory_space<vmem>>) dst(%dma_wait3A_88 : memref<128x128xf32, #tpu.memory_space<vmem_shared>>)
      tpu.yield
    }) : () -> ()
    %mul3A_27 = arith.constant 640 : i32
    %mul3A_28 = arith.muli %arg1, %mul3A_27 : i32
    %add3A_29 = arith.constant 512 : i32
    %add3A_30 = arith.addi %mul3A_28, %add3A_29 : i32
    %run_scoped3A_31 = arith.constant 0 : i32
    "tpu.region"() ({
      %run_scoped3A_69 = tpu.sem_alloc : memref<!tpu.dma_semaphore, #tpu.memory_space<semaphore_mem>>
      %dma_start3A = arith.constant 0 : i32
      %dma_start3A_70 = arith.constant 0 : i32
      %dma_start3A_71 = tpu.memref_slice %arg8[%run_scoped3A_31, %dma_start3A, %dma_start3A_70] : memref<2x128x128xf32, #tpu.memory_space<vmem>> -> memref<1x128x128xf32, #tpu.memory_space<vmem>>
      %dma_start3A_72 = tpu.memref_squeeze %dma_start3A_71 : memref<1x128x128xf32, #tpu.memory_space<vmem>> -> memref<128x128xf32, #tpu.memory_space<vmem>>
      %dma_start3A_73 = arith.constant 0 : i32
      %dma_start3A_74 = tpu.memref_slice %arg9[%add3A_30, %dma_start3A_73] : memref<10240x128xf32, #tpu.memory_space<vmem_shared>> -> memref<128x128xf32, #tpu.memory_space<vmem_shared>>
      %dma_start3A_75 = arith.constant 0 : i32
      %dma_start3A_76 = tpu.memref_slice %arg9[%add3A_30, %dma_start3A_75] : memref<10240x128xf32, #tpu.memory_space<vmem_shared>> -> memref<128x128xf32, #tpu.memory_space<vmem_shared>>
      %dma_start3A_77 = arith.constant 0 : i32
      %dma_start3A_78 = arith.constant 0 : i32
      %dma_start3A_79 = tpu.memref_slice %arg8[%run_scoped3A_31, %dma_start3A_77, %dma_start3A_78] : memref<2x128x128xf32, #tpu.memory_space<vmem>> -> memref<1x128x128xf32, #tpu.memory_space<vmem>>
      %dma_start3A_80 = tpu.memref_squeeze %dma_start3A_79 : memref<1x128x128xf32, #tpu.memory_space<vmem>> -> memref<128x128xf32, #tpu.memory_space<vmem>>
      tpu.enqueue_dma source(%dma_start3A_80 : memref<128x128xf32, #tpu.memory_space<vmem>>) target(%dma_start3A_76 : memref<128x128xf32, #tpu.memory_space<vmem_shared>>) target_semaphore(%run_scoped3A_69 : memref<!tpu.dma_semaphore, #tpu.memory_space<semaphore_mem>>)
      %dma_wait3A_81 = arith.constant 0 : i32
      %dma_wait3A_82 = arith.constant 0 : i32
      %dma_wait3A_83 = tpu.memref_slice %arg8[%run_scoped3A_31, %dma_wait3A_81, %dma_wait3A_82] : memref<2x128x128xf32, #tpu.memory_space<vmem>> -> memref<1x128x128xf32, #tpu.memory_space<vmem>>
      %dma_wait3A_84 = tpu.memref_squeeze %dma_wait3A_83 : memref<1x128x128xf32, #tpu.memory_space<vmem>> -> memref<128x128xf32, #tpu.memory_space<vmem>>
      %dma_wait3A_85 = arith.constant 0 : i32
      %dma_wait3A_86 = tpu.memref_slice %arg9[%add3A_30, %dma_wait3A_85] : memref<10240x128xf32, #tpu.memory_space<vmem_shared>> -> memref<128x128xf32, #tpu.memory_space<vmem_shared>>
      %dma_wait3A_87 = arith.constant 0 : i32
      %dma_wait3A_88 = tpu.memref_slice %arg9[%add3A_30, %dma_wait3A_87] : memref<10240x128xf32, #tpu.memory_space<vmem_shared>> -> memref<128x128xf32, #tpu.memory_space<vmem_shared>>
      %dma_wait3A_89 = arith.constant 0 : i32
      %dma_wait3A_90 = arith.constant 0 : i32
      %dma_wait3A_91 = tpu.memref_slice %arg8[%run_scoped3A_31, %dma_wait3A_89, %dma_wait3A_90] : memref<2x128x128xf32, #tpu.memory_space<vmem>> -> memref<1x128x128xf32, #tpu.memory_space<vmem>>
      %dma_wait3A_92 = tpu.memref_squeeze %dma_wait3A_91 : memref<1x128x128xf32, #tpu.memory_space<vmem>> -> memref<128x128xf32, #tpu.memory_space<vmem>>
      tpu.wait_dma2 semaphore(%run_scoped3A_69 : memref<!tpu.dma_semaphore, #tpu.memory_space<semaphore_mem>>) src(%dma_wait3A_92 : memref<128x128xf32, #tpu.memory_space<vmem>>) dst(%dma_wait3A_88 : memref<128x128xf32, #tpu.memory_space<vmem_shared>>)
      tpu.yield
    }) : () -> ()
    %barrier3A = arith.constant 0 : index
    tpu.barrier barrier_id(%barrier3A)
    %scan3A_32 = arith.constant 0 : i32
    %scan3A_33 = arith.constant 1 : i32
    %scan3A_34 = arith.constant 0 : i32
    %scan3A_35 = arith.constant 0 : i32
    %scan3A_36 = arith.constant 4 : i32
    %scan3A_37 = arith.addi %scan3A_35, %scan3A_36 : i32
    %scan3A_38 = arith.constant 1 : i32
    %scan3A_39 = scf.for %scan3A_69 = %scan3A_35 to %scan3A_37 step %scan3A_38 iter_args(%scan3A_70 = %scan3A_34) -> (i32)  : i32 {
      %gt3A = arith.constant 0 : i32
      %gt3A_71 = arith.cmpi sgt, %scan3A_69, %gt3A : i32
      %convert_element_type3A = arith.extui %gt3A_71 : i1 to i32
      %cond3A = arith.constant 0 : i32
      %cond3A_72 = arith.cmpi ne, %convert_element_type3A, %cond3A : i32
      scf.if %cond3A_72 {
        %dma_wait3A_95 = arith.constant 0 : i32
        %dma_wait3A_96 = arith.constant 0 : i32
        %dma_wait3A_97 = arith.constant 0 : i32
        %dma_wait3A_98 = tpu.memref_slice %arg8[%scan3A_32, %dma_wait3A_96, %dma_wait3A_97] : memref<2x128x128xf32, #tpu.memory_space<vmem>> -> memref<1x128x128xf32, #tpu.memory_space<vmem>>
        %dma_wait3A_99 = tpu.memref_squeeze %dma_wait3A_98 : memref<1x128x128xf32, #tpu.memory_space<vmem>> -> memref<128x128xf32, #tpu.memory_space<vmem>>
        %dma_wait3A_100 = arith.constant 0 : i32
        %dma_wait3A_101 = tpu.memref_slice %arg7[%dma_wait3A_95, %dma_wait3A_100] : memref<40x128xi32, #tpu.memory_space<vmem>> -> memref<1x128xi32, #tpu.memory_space<vmem>>
        %dma_wait3A_102 = tpu.memref_squeeze %dma_wait3A_101 : memref<1x128xi32, #tpu.memory_space<vmem>> -> memref<128xi32, #tpu.memory_space<vmem>>
        %dma_wait3A_103 = arith.constant 0 : i32
        %dma_wait3A_104 = arith.constant 0 : i32
        %dma_wait3A_105 = tpu.memref_slice %arg9[%dma_wait3A_103, %dma_wait3A_104] : memref<10240x128xf32, #tpu.memory_space<vmem_shared>> -> memref<10240x128xf32, #tpu.memory_space<vmem_shared>>
        tpu.wait_indirect_dma semaphore(%arg12 : memref<!tpu.dma_semaphore, #tpu.memory_space<semaphore_mem>>) src(%dma_wait3A_99 : memref<128x128xf32, #tpu.memory_space<vmem>>) dst(%dma_wait3A_105 : memref<10240x128xf32, #tpu.memory_space<vmem_shared>>)
        %dma_wait3A_106 = arith.constant 1 : i32
        %dma_wait3A_107 = arith.constant 0 : i32
        %dma_wait3A_108 = arith.constant 0 : i32
        %dma_wait3A_109 = tpu.memref_slice %arg8[%scan3A_33, %dma_wait3A_107, %dma_wait3A_108] : memref<2x128x128xf32, #tpu.memory_space<vmem>> -> memref<1x128x128xf32, #tpu.memory_space<vmem>>
        %dma_wait3A_110 = tpu.memref_squeeze %dma_wait3A_109 : memref<1x128x128xf32, #tpu.memory_space<vmem>> -> memref<128x128xf32, #tpu.memory_space<vmem>>
        %dma_wait3A_111 = arith.constant 0 : i32
        %dma_wait3A_112 = tpu.memref_slice %arg7[%dma_wait3A_106, %dma_wait3A_111] : memref<40x128xi32, #tpu.memory_space<vmem>> -> memref<1x128xi32, #tpu.memory_space<vmem>>
        %dma_wait3A_113 = tpu.memref_squeeze %dma_wait3A_112 : memref<1x128xi32, #tpu.memory_space<vmem>> -> memref<128xi32, #tpu.memory_space<vmem>>
        %dma_wait3A_114 = arith.constant 0 : i32
        %dma_wait3A_115 = arith.constant 0 : i32
        %dma_wait3A_116 = tpu.memref_slice %arg9[%dma_wait3A_114, %dma_wait3A_115] : memref<10240x128xf32, #tpu.memory_space<vmem_shared>> -> memref<10240x128xf32, #tpu.memory_space<vmem_shared>>
        tpu.wait_indirect_dma semaphore(%arg13 : memref<!tpu.dma_semaphore, #tpu.memory_space<semaphore_mem>>) src(%dma_wait3A_110 : memref<128x128xf32, #tpu.memory_space<vmem>>) dst(%dma_wait3A_116 : memref<10240x128xf32, #tpu.memory_space<vmem_shared>>)
      } else {
      }
      %mul3A_73 = arith.constant 40 : i32
      %mul3A_74 = arith.muli %scan3A_69, %mul3A_73 : i32
      "tpu.region"() ({
        %run_scoped3A_95 = tpu.sem_alloc : memref<!tpu.dma_semaphore, #tpu.memory_space<semaphore_mem>>
        %dma_start3A_96 = arith.constant 0 : i32
        %dma_start3A_97 = tpu.memref_slice %arg3[%add3A, %mul3A_74, %dma_start3A_96] : memref<32x160x128xi32, #tpu.memory_space<hbm>> -> memref<1x40x128xi32, #tpu.memory_space<hbm>>
        %dma_start3A_98 = tpu.memref_squeeze %dma_start3A_97 : memref<1x40x128xi32, #tpu.memory_space<hbm>> -> memref<40x128xi32, #tpu.memory_space<hbm>>
        %dma_start3A_99 = arith.constant 0 : i32
        %dma_start3A_100 = tpu.memref_slice %arg3[%add3A, %mul3A_74, %dma_start3A_99] : memref<32x160x128xi32, #tpu.memory_space<hbm>> -> memref<1x40x128xi32, #tpu.memory_space<hbm>>
        %dma_start3A_101 = tpu.memref_squeeze %dma_start3A_100 : memref<1x40x128xi32, #tpu.memory_space<hbm>> -> memref<40x128xi32, #tpu.memory_space<hbm>>
        tpu.enqueue_dma source(%dma_start3A_101 : memref<40x128xi32, #tpu.memory_space<hbm>>) target(%arg6 : memref<40x128xi32, #tpu.memory_space<vmem>>) target_semaphore(%run_scoped3A_95 : memref<!tpu.dma_semaphore, #tpu.memory_space<semaphore_mem>>)
        %dma_wait3A_102 = arith.constant 0 : i32
        %dma_wait3A_103 = tpu.memref_slice %arg3[%add3A, %mul3A_74, %dma_wait3A_102] : memref<32x160x128xi32, #tpu.memory_space<hbm>> -> memref<1x40x128xi32, #tpu.memory_space<hbm>>
        %dma_wait3A_104 = tpu.memref_squeeze %dma_wait3A_103 : memref<1x40x128xi32, #tpu.memory_space<hbm>> -> memref<40x128xi32, #tpu.memory_space<hbm>>
        %dma_wait3A_105 = arith.constant 0 : i32
        %dma_wait3A_106 = tpu.memref_slice %arg3[%add3A, %mul3A_74, %dma_wait3A_105] : memref<32x160x128xi32, #tpu.memory_space<hbm>> -> memref<1x40x128xi32, #tpu.memory_space<hbm>>
        %dma_wait3A_107 = tpu.memref_squeeze %dma_wait3A_106 : memref<1x40x128xi32, #tpu.memory_space<hbm>> -> memref<40x128xi32, #tpu.memory_space<hbm>>
        tpu.wait_dma2 semaphore(%run_scoped3A_95 : memref<!tpu.dma_semaphore, #tpu.memory_space<semaphore_mem>>) src(%dma_wait3A_107 : memref<40x128xi32, #tpu.memory_space<hbm>>) dst(%arg6 : memref<40x128xi32, #tpu.memory_space<vmem>>)
        tpu.yield
      }) : () -> ()
      %mul3A_75 = arith.constant 40 : i32
      %mul3A_76 = arith.muli %scan3A_69, %mul3A_75 : i32
      "tpu.region"() ({
        %run_scoped3A_95 = tpu.sem_alloc : memref<!tpu.dma_semaphore, #tpu.memory_space<semaphore_mem>>
        %dma_start3A_96 = arith.constant 0 : i32
        %dma_start3A_97 = tpu.memref_slice %arg4[%add3A, %mul3A_76, %dma_start3A_96] : memref<32x160x128xi32, #tpu.memory_space<hbm>> -> memref<1x40x128xi32, #tpu.memory_space<hbm>>
        %dma_start3A_98 = tpu.memref_squeeze %dma_start3A_97 : memref<1x40x128xi32, #tpu.memory_space<hbm>> -> memref<40x128xi32, #tpu.memory_space<hbm>>
        %dma_start3A_99 = arith.constant 0 : i32
        %dma_start3A_100 = tpu.memref_slice %arg4[%add3A, %mul3A_76, %dma_start3A_99] : memref<32x160x128xi32, #tpu.memory_space<hbm>> -> memref<1x40x128xi32, #tpu.memory_space<hbm>>
        %dma_start3A_101 = tpu.memref_squeeze %dma_start3A_100 : memref<1x40x128xi32, #tpu.memory_space<hbm>> -> memref<40x128xi32, #tpu.memory_space<hbm>>
        tpu.enqueue_dma source(%dma_start3A_101 : memref<40x128xi32, #tpu.memory_space<hbm>>) target(%arg7 : memref<40x128xi32, #tpu.memory_space<vmem>>) target_semaphore(%run_scoped3A_95 : memref<!tpu.dma_semaphore, #tpu.memory_space<semaphore_mem>>)
        %dma_wait3A_102 = arith.constant 0 : i32
        %dma_wait3A_103 = tpu.memref_slice %arg4[%add3A, %mul3A_76, %dma_wait3A_102] : memref<32x160x128xi32, #tpu.memory_space<hbm>> -> memref<1x40x128xi32, #tpu.memory_space<hbm>>
        %dma_wait3A_104 = tpu.memref_squeeze %dma_wait3A_103 : memref<1x40x128xi32, #tpu.memory_space<hbm>> -> memref<40x128xi32, #tpu.memory_space<hbm>>
        %dma_wait3A_105 = arith.constant 0 : i32
        %dma_wait3A_106 = tpu.memref_slice %arg4[%add3A, %mul3A_76, %dma_wait3A_105] : memref<32x160x128xi32, #tpu.memory_space<hbm>> -> memref<1x40x128xi32, #tpu.memory_space<hbm>>
        %dma_wait3A_107 = tpu.memref_squeeze %dma_wait3A_106 : memref<1x40x128xi32, #tpu.memory_space<hbm>> -> memref<40x128xi32, #tpu.memory_space<hbm>>
        tpu.wait_dma2 semaphore(%run_scoped3A_95 : memref<!tpu.dma_semaphore, #tpu.memory_space<semaphore_mem>>) src(%dma_wait3A_107 : memref<40x128xi32, #tpu.memory_space<hbm>>) dst(%arg7 : memref<40x128xi32, #tpu.memory_space<vmem>>)
        tpu.yield
      }) : () -> ()
      %dma_start3A = arith.constant 0 : i32
      %dma_start3A_77 = arith.constant 0 : i32
      %dma_start3A_78 = arith.constant 0 : i32
      %dma_start3A_79 = tpu.memref_slice %arg8[%scan3A_32, %dma_start3A_77, %dma_start3A_78] : memref<2x128x128xf32, #tpu.memory_space<vmem>> -> memref<1x128x128xf32, #tpu.memory_space<vmem>>
      %dma_start3A_80 = tpu.memref_squeeze %dma_start3A_79 : memref<1x128x128xf32, #tpu.memory_space<vmem>> -> memref<128x128xf32, #tpu.memory_space<vmem>>
      %dma_start3A_81 = arith.constant 0 : i32
      %dma_start3A_82 = tpu.memref_slice %arg6[%dma_start3A, %dma_start3A_81] : memref<40x128xi32, #tpu.memory_space<vmem>> -> memref<1x128xi32, #tpu.memory_space<vmem>>
      %dma_start3A_83 = tpu.memref_squeeze %dma_start3A_82 : memref<1x128xi32, #tpu.memory_space<vmem>> -> memref<128xi32, #tpu.memory_space<vmem>>
      %dma_start3A_84 = arith.constant 0 : i32
      %dma_start3A_85 = arith.constant 0 : i32
      %dma_start3A_86 = tpu.memref_slice %arg2[%dma_start3A_84, %dma_start3A_85] : memref<10240x128xf32, #tpu.memory_space<hbm>> -> memref<10240x128xf32, #tpu.memory_space<hbm>>
      tpu.enqueue_indirect_dma source(%dma_start3A_86 : memref<10240x128xf32, #tpu.memory_space<hbm>>) target(%dma_start3A_80 : memref<128x128xf32, #tpu.memory_space<vmem>>) offsets(%dma_start3A_83 : memref<128xi32, #tpu.memory_space<vmem>>) semaphore(%arg10 : memref<!tpu.dma_semaphore, #tpu.memory_space<semaphore_mem>>)
      %scan3A_87 = arith.constant 0 : i32
      %scan3A_88 = arith.constant 0 : i32
      %scan3A_89 = arith.constant 20 : i32
      %scan3A_90 = arith.addi %scan3A_88, %scan3A_89 : i32
      %scan3A_91 = arith.constant 1 : i32
      %scan3A_92 = scf.for %scan3A_95 = %scan3A_88 to %scan3A_90 step %scan3A_91 iter_args(%scan3A_96 = %scan3A_87) -> (i32)  : i32 {
        %mul3A_97 = arith.constant 2 : i32
        %mul3A_98 = arith.muli %mul3A_97, %scan3A_95 : i32
        %add3A_99 = arith.constant 1 : i32
        %add3A_100 = arith.addi %mul3A_98, %add3A_99 : i32
        %gt3A_101 = arith.constant 0 : i32
        %gt3A_102 = arith.cmpi sgt, %scan3A_95, %gt3A_101 : i32
        %convert_element_type3A_103 = arith.extui %gt3A_102 : i1 to i32
        %cond3A_104 = arith.constant 0 : i32
        %cond3A_105 = arith.cmpi ne, %convert_element_type3A_103, %cond3A_104 : i32
        scf.if %cond3A_105 {
          %dma_wait3A_161 = arith.constant 0 : i32
          %dma_wait3A_162 = arith.constant 0 : i32
          %dma_wait3A_163 = tpu.memref_slice %arg8[%scan3A_33, %dma_wait3A_161, %dma_wait3A_162] : memref<2x128x128xf32, #tpu.memory_space<vmem>> -> memref<1x128x128xf32, #tpu.memory_space<vmem>>
          %dma_wait3A_164 = tpu.memref_squeeze %dma_wait3A_163 : memref<1x128x128xf32, #tpu.memory_space<vmem>> -> memref<128x128xf32, #tpu.memory_space<vmem>>
          %dma_wait3A_165 = arith.constant 0 : i32
          %dma_wait3A_166 = tpu.memref_slice %arg7[%add3A_100, %dma_wait3A_165] : memref<40x128xi32, #tpu.memory_space<vmem>> -> memref<1x128xi32, #tpu.memory_space<vmem>>
          %dma_wait3A_167 = tpu.memref_squeeze %dma_wait3A_166 : memref<1x128xi32, #tpu.memory_space<vmem>> -> memref<128xi32, #tpu.memory_space<vmem>>
          %dma_wait3A_168 = arith.constant 0 : i32
          %dma_wait3A_169 = arith.constant 0 : i32
          %dma_wait3A_170 = tpu.memref_slice %arg9[%dma_wait3A_168, %dma_wait3A_169] : memref<10240x128xf32, #tpu.memory_space<vmem_shared>> -> memref<10240x128xf32, #tpu.memory_space<vmem_shared>>
          tpu.wait_indirect_dma semaphore(%arg13 : memref<!tpu.dma_semaphore, #tpu.memory_space<semaphore_mem>>) src(%dma_wait3A_164 : memref<128x128xf32, #tpu.memory_space<vmem>>) dst(%dma_wait3A_170 : memref<10240x128xf32, #tpu.memory_space<vmem_shared>>)
        } else {
        }
        %dma_start3A_106 = arith.constant 0 : i32
        %dma_start3A_107 = arith.constant 0 : i32
        %dma_start3A_108 = tpu.memref_slice %arg8[%scan3A_33, %dma_start3A_106, %dma_start3A_107] : memref<2x128x128xf32, #tpu.memory_space<vmem>> -> memref<1x128x128xf32, #tpu.memory_space<vmem>>
        %dma_start3A_109 = tpu.memref_squeeze %dma_start3A_108 : memref<1x128x128xf32, #tpu.memory_space<vmem>> -> memref<128x128xf32, #tpu.memory_space<vmem>>
        %dma_start3A_110 = arith.constant 0 : i32
        %dma_start3A_111 = tpu.memref_slice %arg6[%add3A_100, %dma_start3A_110] : memref<40x128xi32, #tpu.memory_space<vmem>> -> memref<1x128xi32, #tpu.memory_space<vmem>>
        %dma_start3A_112 = tpu.memref_squeeze %dma_start3A_111 : memref<1x128xi32, #tpu.memory_space<vmem>> -> memref<128xi32, #tpu.memory_space<vmem>>
        %dma_start3A_113 = arith.constant 0 : i32
        %dma_start3A_114 = arith.constant 0 : i32
        %dma_start3A_115 = tpu.memref_slice %arg2[%dma_start3A_113, %dma_start3A_114] : memref<10240x128xf32, #tpu.memory_space<hbm>> -> memref<10240x128xf32, #tpu.memory_space<hbm>>
        tpu.enqueue_indirect_dma source(%dma_start3A_115 : memref<10240x128xf32, #tpu.memory_space<hbm>>) target(%dma_start3A_109 : memref<128x128xf32, #tpu.memory_space<vmem>>) offsets(%dma_start3A_112 : memref<128xi32, #tpu.memory_space<vmem>>) semaphore(%arg11 : memref<!tpu.dma_semaphore, #tpu.memory_space<semaphore_mem>>)
        %dma_wait3A_116 = arith.constant 0 : i32
        %dma_wait3A_117 = arith.constant 0 : i32
        %dma_wait3A_118 = tpu.memref_slice %arg8[%scan3A_32, %dma_wait3A_116, %dma_wait3A_117] : memref<2x128x128xf32, #tpu.memory_space<vmem>> -> memref<1x128x128xf32, #tpu.memory_space<vmem>>
        %dma_wait3A_119 = tpu.memref_squeeze %dma_wait3A_118 : memref<1x128x128xf32, #tpu.memory_space<vmem>> -> memref<128x128xf32, #tpu.memory_space<vmem>>
        %dma_wait3A_120 = arith.constant 0 : i32
        %dma_wait3A_121 = tpu.memref_slice %arg6[%mul3A_98, %dma_wait3A_120] : memref<40x128xi32, #tpu.memory_space<vmem>> -> memref<1x128xi32, #tpu.memory_space<vmem>>
        %dma_wait3A_122 = tpu.memref_squeeze %dma_wait3A_121 : memref<1x128xi32, #tpu.memory_space<vmem>> -> memref<128xi32, #tpu.memory_space<vmem>>
        %dma_wait3A_123 = arith.constant 0 : i32
        %dma_wait3A_124 = arith.constant 0 : i32
        %dma_wait3A_125 = tpu.memref_slice %arg2[%dma_wait3A_123, %dma_wait3A_124] : memref<10240x128xf32, #tpu.memory_space<hbm>> -> memref<10240x128xf32, #tpu.memory_space<hbm>>
        tpu.wait_indirect_dma semaphore(%arg10 : memref<!tpu.dma_semaphore, #tpu.memory_space<semaphore_mem>>) src(%dma_wait3A_125 : memref<10240x128xf32, #tpu.memory_space<hbm>>) dst(%dma_wait3A_119 : memref<128x128xf32, #tpu.memory_space<vmem>>)
        %dma_start3A_126 = arith.constant 0 : i32
        %dma_start3A_127 = arith.constant 0 : i32
        %dma_start3A_128 = tpu.memref_slice %arg8[%scan3A_32, %dma_start3A_126, %dma_start3A_127] : memref<2x128x128xf32, #tpu.memory_space<vmem>> -> memref<1x128x128xf32, #tpu.memory_space<vmem>>
        %dma_start3A_129 = tpu.memref_squeeze %dma_start3A_128 : memref<1x128x128xf32, #tpu.memory_space<vmem>> -> memref<128x128xf32, #tpu.memory_space<vmem>>
        %dma_start3A_130 = arith.constant 0 : i32
        %dma_start3A_131 = tpu.memref_slice %arg7[%mul3A_98, %dma_start3A_130] : memref<40x128xi32, #tpu.memory_space<vmem>> -> memref<1x128xi32, #tpu.memory_space<vmem>>
        %dma_start3A_132 = tpu.memref_squeeze %dma_start3A_131 : memref<1x128xi32, #tpu.memory_space<vmem>> -> memref<128xi32, #tpu.memory_space<vmem>>
        %dma_start3A_133 = arith.constant 0 : i32
        %dma_start3A_134 = arith.constant 0 : i32
        %dma_start3A_135 = tpu.memref_slice %arg9[%dma_start3A_133, %dma_start3A_134] : memref<10240x128xf32, #tpu.memory_space<vmem_shared>> -> memref<10240x128xf32, #tpu.memory_space<vmem_shared>>
        tpu.enqueue_indirect_dma source(%dma_start3A_129 : memref<128x128xf32, #tpu.memory_space<vmem>>) target(%dma_start3A_135 : memref<10240x128xf32, #tpu.memory_space<vmem_shared>>) offsets(%dma_start3A_132 : memref<128xi32, #tpu.memory_space<vmem>>) semaphore(%arg12 : memref<!tpu.dma_semaphore, #tpu.memory_space<semaphore_mem>>) {add = true}
        %lt3A = arith.constant 19 : i32
        %lt3A_136 = arith.cmpi slt, %scan3A_95, %lt3A : i32
        %convert_element_type3A_137 = arith.extui %lt3A_136 : i1 to i32
        %cond3A_138 = arith.constant 0 : i32
        %cond3A_139 = arith.cmpi ne, %convert_element_type3A_137, %cond3A_138 : i32
        scf.if %cond3A_139 {
          %dma_wait3A_161 = arith.constant 0 : i32
          %dma_wait3A_162 = arith.constant 0 : i32
          %dma_wait3A_163 = tpu.memref_slice %arg8[%scan3A_32, %dma_wait3A_161, %dma_wait3A_162] : memref<2x128x128xf32, #tpu.memory_space<vmem>> -> memref<1x128x128xf32, #tpu.memory_space<vmem>>
          %dma_wait3A_164 = tpu.memref_squeeze %dma_wait3A_163 : memref<1x128x128xf32, #tpu.memory_space<vmem>> -> memref<128x128xf32, #tpu.memory_space<vmem>>
          %dma_wait3A_165 = arith.constant 0 : i32
          %dma_wait3A_166 = tpu.memref_slice %arg7[%mul3A_98, %dma_wait3A_165] : memref<40x128xi32, #tpu.memory_space<vmem>> -> memref<1x128xi32, #tpu.memory_space<vmem>>
          %dma_wait3A_167 = tpu.memref_squeeze %dma_wait3A_166 : memref<1x128xi32, #tpu.memory_space<vmem>> -> memref<128xi32, #tpu.memory_space<vmem>>
          %dma_wait3A_168 = arith.constant 0 : i32
          %dma_wait3A_169 = arith.constant 0 : i32
          %dma_wait3A_170 = tpu.memref_slice %arg9[%dma_wait3A_168, %dma_wait3A_169] : memref<10240x128xf32, #tpu.memory_space<vmem_shared>> -> memref<10240x128xf32, #tpu.memory_space<vmem_shared>>
          tpu.wait_indirect_dma semaphore(%arg12 : memref<!tpu.dma_semaphore, #tpu.memory_space<semaphore_mem>>) src(%dma_wait3A_164 : memref<128x128xf32, #tpu.memory_space<vmem>>) dst(%dma_wait3A_170 : memref<10240x128xf32, #tpu.memory_space<vmem_shared>>)
          %add3A_171 = arith.constant 2 : i32
          %add3A_172 = arith.addi %mul3A_98, %add3A_171 : i32
          %dma_start3A_173 = arith.constant 0 : i32
          %dma_start3A_174 = arith.constant 0 : i32
          %dma_start3A_175 = tpu.memref_slice %arg8[%scan3A_32, %dma_start3A_173, %dma_start3A_174] : memref<2x128x128xf32, #tpu.memory_space<vmem>> -> memref<1x128x128xf32, #tpu.memory_space<vmem>>
          %dma_start3A_176 = tpu.memref_squeeze %dma_start3A_175 : memref<1x128x128xf32, #tpu.memory_space<vmem>> -> memref<128x128xf32, #tpu.memory_space<vmem>>
          %dma_start3A_177 = arith.constant 0 : i32
          %dma_start3A_178 = tpu.memref_slice %arg6[%add3A_172, %dma_start3A_177] : memref<40x128xi32, #tpu.memory_space<vmem>> -> memref<1x128xi32, #tpu.memory_space<vmem>>
          %dma_start3A_179 = tpu.memref_squeeze %dma_start3A_178 : memref<1x128xi32, #tpu.memory_space<vmem>> -> memref<128xi32, #tpu.memory_space<vmem>>
          %dma_start3A_180 = arith.constant 0 : i32
          %dma_start3A_181 = arith.constant 0 : i32
          %dma_start3A_182 = tpu.memref_slice %arg2[%dma_start3A_180, %dma_start3A_181] : memref<10240x128xf32, #tpu.memory_space<hbm>> -> memref<10240x128xf32, #tpu.memory_space<hbm>>
          tpu.enqueue_indirect_dma source(%dma_start3A_182 : memref<10240x128xf32, #tpu.memory_space<hbm>>) target(%dma_start3A_176 : memref<128x128xf32, #tpu.memory_space<vmem>>) offsets(%dma_start3A_179 : memref<128xi32, #tpu.memory_space<vmem>>) semaphore(%arg10 : memref<!tpu.dma_semaphore, #tpu.memory_space<semaphore_mem>>)
        } else {
        }
        %dma_wait3A_140 = arith.constant 0 : i32
        %dma_wait3A_141 = arith.constant 0 : i32
        %dma_wait3A_142 = tpu.memref_slice %arg8[%scan3A_33, %dma_wait3A_140, %dma_wait3A_141] : memref<2x128x128xf32, #tpu.memory_space<vmem>> -> memref<1x128x128xf32, #tpu.memory_space<vmem>>
        %dma_wait3A_143 = tpu.memref_squeeze %dma_wait3A_142 : memref<1x128x128xf32, #tpu.memory_space<vmem>> -> memref<128x128xf32, #tpu.memory_space<vmem>>
        %dma_wait3A_144 = arith.constant 0 : i32
        %dma_wait3A_145 = tpu.memref_slice %arg6[%add3A_100, %dma_wait3A_144] : memref<40x128xi32, #tpu.memory_space<vmem>> -> memref<1x128xi32, #tpu.memory_space<vmem>>
        %dma_wait3A_146 = tpu.memref_squeeze %dma_wait3A_145 : memref<1x128xi32, #tpu.memory_space<vmem>> -> memref<128xi32, #tpu.memory_space<vmem>>
        %dma_wait3A_147 = arith.constant 0 : i32
        %dma_wait3A_148 = arith.constant 0 : i32
        %dma_wait3A_149 = tpu.memref_slice %arg2[%dma_wait3A_147, %dma_wait3A_148] : memref<10240x128xf32, #tpu.memory_space<hbm>> -> memref<10240x128xf32, #tpu.memory_space<hbm>>
        tpu.wait_indirect_dma semaphore(%arg11 : memref<!tpu.dma_semaphore, #tpu.memory_space<semaphore_mem>>) src(%dma_wait3A_149 : memref<10240x128xf32, #tpu.memory_space<hbm>>) dst(%dma_wait3A_143 : memref<128x128xf32, #tpu.memory_space<vmem>>)
        %dma_start3A_150 = arith.constant 0 : i32
        %dma_start3A_151 = arith.constant 0 : i32
        %dma_start3A_152 = tpu.memref_slice %arg8[%scan3A_33, %dma_start3A_150, %dma_start3A_151] : memref<2x128x128xf32, #tpu.memory_space<vmem>> -> memref<1x128x128xf32, #tpu.memory_space<vmem>>
        %dma_start3A_153 = tpu.memref_squeeze %dma_start3A_152 : memref<1x128x128xf32, #tpu.memory_space<vmem>> -> memref<128x128xf32, #tpu.memory_space<vmem>>
        %dma_start3A_154 = arith.constant 0 : i32
        %dma_start3A_155 = tpu.memref_slice %arg7[%add3A_100, %dma_start3A_154] : memref<40x128xi32, #tpu.memory_space<vmem>> -> memref<1x128xi32, #tpu.memory_space<vmem>>
        %dma_start3A_156 = tpu.memref_squeeze %dma_start3A_155 : memref<1x128xi32, #tpu.memory_space<vmem>> -> memref<128xi32, #tpu.memory_space<vmem>>
        %dma_start3A_157 = arith.constant 0 : i32
        %dma_start3A_158 = arith.constant 0 : i32
        %dma_start3A_159 = tpu.memref_slice %arg9[%dma_start3A_157, %dma_start3A_158] : memref<10240x128xf32, #tpu.memory_space<vmem_shared>> -> memref<10240x128xf32, #tpu.memory_space<vmem_shared>>
        tpu.enqueue_indirect_dma source(%dma_start3A_153 : memref<128x128xf32, #tpu.memory_space<vmem>>) target(%dma_start3A_159 : memref<10240x128xf32, #tpu.memory_space<vmem_shared>>) offsets(%dma_start3A_156 : memref<128xi32, #tpu.memory_space<vmem>>) semaphore(%arg13 : memref<!tpu.dma_semaphore, #tpu.memory_space<semaphore_mem>>) {add = true}
        %scan3A_160 = arith.constant 0 : i32
        scf.yield %scan3A_160 : i32
      }
      %scan3A_93 = arith.constant 20 : i32
      %scan3A_94 = arith.constant 0 : i32
      scf.yield %scan3A_94 : i32
    }
    %scan3A_40 = arith.constant 4 : i32
    %dma_wait3A = arith.constant 0 : i32
    %dma_wait3A_41 = arith.constant 0 : i32
    %dma_wait3A_42 = arith.constant 0 : i32
    %dma_wait3A_43 = arith.constant 0 : i32
    %dma_wait3A_44 = tpu.memref_slice %arg8[%dma_wait3A, %dma_wait3A_42, %dma_wait3A_43] : memref<2x128x128xf32, #tpu.memory_space<vmem>> -> memref<1x128x128xf32, #tpu.memory_space<vmem>>
    %dma_wait3A_45 = tpu.memref_squeeze %dma_wait3A_44 : memref<1x128x128xf32, #tpu.memory_space<vmem>> -> memref<128x128xf32, #tpu.memory_space<vmem>>
    %dma_wait3A_46 = arith.constant 0 : i32
    %dma_wait3A_47 = tpu.memref_slice %arg7[%dma_wait3A_41, %dma_wait3A_46] : memref<40x128xi32, #tpu.memory_space<vmem>> -> memref<1x128xi32, #tpu.memory_space<vmem>>
    %dma_wait3A_48 = tpu.memref_squeeze %dma_wait3A_47 : memref<1x128xi32, #tpu.memory_space<vmem>> -> memref<128xi32, #tpu.memory_space<vmem>>
    %dma_wait3A_49 = arith.constant 0 : i32
    %dma_wait3A_50 = arith.constant 0 : i32
    %dma_wait3A_51 = tpu.memref_slice %arg9[%dma_wait3A_49, %dma_wait3A_50] : memref<10240x128xf32, #tpu.memory_space<vmem_shared>> -> memref<10240x128xf32, #tpu.memory_space<vmem_shared>>
    tpu.wait_indirect_dma semaphore(%arg12 : memref<!tpu.dma_semaphore, #tpu.memory_space<semaphore_mem>>) src(%dma_wait3A_45 : memref<128x128xf32, #tpu.memory_space<vmem>>) dst(%dma_wait3A_51 : memref<10240x128xf32, #tpu.memory_space<vmem_shared>>)
    %dma_wait3A_52 = arith.constant 1 : i32
    %dma_wait3A_53 = arith.constant 1 : i32
    %dma_wait3A_54 = arith.constant 0 : i32
    %dma_wait3A_55 = arith.constant 0 : i32
    %dma_wait3A_56 = tpu.memref_slice %arg8[%dma_wait3A_52, %dma_wait3A_54, %dma_wait3A_55] : memref<2x128x128xf32, #tpu.memory_space<vmem>> -> memref<1x128x128xf32, #tpu.memory_space<vmem>>
    %dma_wait3A_57 = tpu.memref_squeeze %dma_wait3A_56 : memref<1x128x128xf32, #tpu.memory_space<vmem>> -> memref<128x128xf32, #tpu.memory_space<vmem>>
    %dma_wait3A_58 = arith.constant 0 : i32
    %dma_wait3A_59 = tpu.memref_slice %arg7[%dma_wait3A_53, %dma_wait3A_58] : memref<40x128xi32, #tpu.memory_space<vmem>> -> memref<1x128xi32, #tpu.memory_space<vmem>>
    %dma_wait3A_60 = tpu.memref_squeeze %dma_wait3A_59 : memref<1x128xi32, #tpu.memory_space<vmem>> -> memref<128xi32, #tpu.memory_space<vmem>>
    %dma_wait3A_61 = arith.constant 0 : i32
    %dma_wait3A_62 = arith.constant 0 : i32
    %dma_wait3A_63 = tpu.memref_slice %arg9[%dma_wait3A_61, %dma_wait3A_62] : memref<10240x128xf32, #tpu.memory_space<vmem_shared>> -> memref<10240x128xf32, #tpu.memory_space<vmem_shared>>
    tpu.wait_indirect_dma semaphore(%arg13 : memref<!tpu.dma_semaphore, #tpu.memory_space<semaphore_mem>>) src(%dma_wait3A_57 : memref<128x128xf32, #tpu.memory_space<vmem>>) dst(%dma_wait3A_63 : memref<10240x128xf32, #tpu.memory_space<vmem_shared>>)
    %barrier3A_64 = arith.constant 0 : index
    tpu.barrier barrier_id(%barrier3A_64)
    %mul3A_65 = arith.constant 640 : i32
    %mul3A_66 = arith.muli %arg1, %mul3A_65 : i32
    %mul3A_67 = arith.constant 640 : i32
    %mul3A_68 = arith.muli %arg1, %mul3A_67 : i32
    "tpu.region"() ({
      %run_scoped3A_69 = tpu.sem_alloc : memref<!tpu.dma_semaphore, #tpu.memory_space<semaphore_mem>>
      %dma_start3A = arith.constant 0 : i32
      %dma_start3A_70 = tpu.memref_slice %arg5[%arg0, %mul3A_68, %dma_start3A] : memref<2x10240x128xf32, #tpu.memory_space<hbm>> -> memref<1x640x128xf32, #tpu.memory_space<hbm>>
      %dma_start3A_71 = tpu.memref_squeeze %dma_start3A_70 : memref<1x640x128xf32, #tpu.memory_space<hbm>> -> memref<640x128xf32, #tpu.memory_space<hbm>>
      %dma_start3A_72 = arith.constant 0 : i32
      %dma_start3A_73 = tpu.memref_slice %arg9[%mul3A_66, %dma_start3A_72] : memref<10240x128xf32, #tpu.memory_space<vmem_shared>> -> memref<640x128xf32, #tpu.memory_space<vmem_shared>>
      tpu.enqueue_dma source(%dma_start3A_73 : memref<640x128xf32, #tpu.memory_space<vmem_shared>>) target(%dma_start3A_71 : memref<640x128xf32, #tpu.memory_space<hbm>>) target_semaphore(%run_scoped3A_69 : memref<!tpu.dma_semaphore, #tpu.memory_space<semaphore_mem>>)
      %dma_wait3A_74 = arith.constant 0 : i32
      %dma_wait3A_75 = tpu.memref_slice %arg5[%arg0, %mul3A_68, %dma_wait3A_74] : memref<2x10240x128xf32, #tpu.memory_space<hbm>> -> memref<1x640x128xf32, #tpu.memory_space<hbm>>
      %dma_wait3A_76 = tpu.memref_squeeze %dma_wait3A_75 : memref<1x640x128xf32, #tpu.memory_space<hbm>> -> memref<640x128xf32, #tpu.memory_space<hbm>>
      %dma_wait3A_77 = arith.constant 0 : i32
      %dma_wait3A_78 = tpu.memref_slice %arg9[%mul3A_66, %dma_wait3A_77] : memref<10240x128xf32, #tpu.memory_space<vmem_shared>> -> memref<640x128xf32, #tpu.memory_space<vmem_shared>>
      tpu.wait_dma2 semaphore(%run_scoped3A_69 : memref<!tpu.dma_semaphore, #tpu.memory_space<semaphore_mem>>) src(%dma_wait3A_78 : memref<640x128xf32, #tpu.memory_space<vmem_shared>>) dst(%dma_wait3A_76 : memref<640x128xf32, #tpu.memory_space<hbm>>)
      tpu.yield
    }) : () -> ()
    return
  }
}

module attributes {stable_mosaic.version = 14 : i64} {
  func.func @_tcb_body(%arg0: i32, %arg1: memref<2x2048x128xf32, #tpu.memory_space<vmem>>, %arg2: memref<2048x128xf32, #tpu.memory_space<vmem>>, %arg3: memref<2x2048x128xf32, #tpu.memory_space<vmem>>, %arg4: memref<128x128xf32, #tpu.memory_space<vmem>>, %arg5: memref<1x128xf32, #tpu.memory_space<vmem>>, %arg6: memref<2048x128xf32, #tpu.memory_space<vmem>>) attributes {dimension_semantics = [#tpu.dimension_semantics<arbitrary>], iteration_bounds = array<i64: 5>, scalar_prefetch = 0 : i64, scratch_operands = 0 : i64, tpu.core_type = #tpu.core_type<tc>, window_params = [{transform_indices = @transform_0, window_bounds = array<i64: 2, 2048, 128>}, {transform_indices = @transform_1, window_bounds = array<i64: 2048, 128>}, {transform_indices = @transform_2, window_bounds = array<i64: 2, 2048, 128>}, {pipeline_mode = #tpu.pipeline_mode<synchronous>, transform_indices = @transform_3, window_bounds = array<i64: 128, 128>}, {pipeline_mode = #tpu.pipeline_mode<synchronous>, transform_indices = @transform_4, window_bounds = array<i64: 1, 128>}, {transform_indices = @transform_5, window_bounds = array<i64: 2048, 128>}]} {
    %get3A = arith.constant 0 : index
    %get3A_0 = arith.constant 0 : index
    %get3A_1 = arith.constant 0 : index
    %get3A_2 = vector.load %arg3[%get3A, %get3A_0, %get3A_1] : memref<2x2048x128xf32, #tpu.memory_space<vmem>>, vector<1x2048x128xf32>
    %get3A_3 = vector.shape_cast %get3A_2 : vector<1x2048x128xf32> to vector<2048x128xf32>
    %slice3A = vector.extract_strided_slice %get3A_3 {offsets = [0, 0], sizes = [2048, 1], strides = [1, 1]} : vector<2048x128xf32> to vector<2048x1xf32>
    %get3A_4 = arith.constant 1 : index
    %get3A_5 = arith.constant 0 : index
    %get3A_6 = arith.constant 0 : index
    %get3A_7 = vector.load %arg3[%get3A_4, %get3A_5, %get3A_6] : memref<2x2048x128xf32, #tpu.memory_space<vmem>>, vector<1x2048x128xf32>
    %get3A_8 = vector.shape_cast %get3A_7 : vector<1x2048x128xf32> to vector<2048x128xf32>
    %slice3A_9 = vector.extract_strided_slice %get3A_8 {offsets = [0, 0], sizes = [2048, 1], strides = [1, 1]} : vector<2048x128xf32> to vector<2048x1xf32>
    %add3A = arith.addf %slice3A, %slice3A_9 : vector<2048x1xf32>
    %add3A_10 = arith.constant 1.000000e+00 : f32
    %add3A_11 = vector.broadcast %add3A_10 : f32 to vector<2048x1xf32>
    %add3A_12 = arith.addf %add3A, %add3A_11 : vector<2048x1xf32>
    %rsqrt3A = math.rsqrt %add3A_12 : vector<2048x1xf32>
    %get3A_13 = arith.constant 0 : index
    %get3A_14 = arith.constant 0 : index
    %get3A_15 = arith.constant 0 : index
    %get3A_16 = vector.load %arg1[%get3A_13, %get3A_14, %get3A_15] : memref<2x2048x128xf32, #tpu.memory_space<vmem>>, vector<1x2048x128xf32>
    %get3A_17 = vector.shape_cast %get3A_16 : vector<1x2048x128xf32> to vector<2048x128xf32>
    %get3A_18 = arith.constant 1 : index
    %get3A_19 = arith.constant 0 : index
    %get3A_20 = arith.constant 0 : index
    %get3A_21 = vector.load %arg1[%get3A_18, %get3A_19, %get3A_20] : memref<2x2048x128xf32, #tpu.memory_space<vmem>>, vector<1x2048x128xf32>
    %get3A_22 = vector.shape_cast %get3A_21 : vector<1x2048x128xf32> to vector<2048x128xf32>
    %add3A_23 = arith.addf %get3A_17, %get3A_22 : vector<2048x128xf32>
    %get3A_24 = arith.constant 0 : index
    %get3A_25 = arith.constant 0 : index
    %get3A_26 = vector.load %arg2[%get3A_24, %get3A_25] : memref<2048x128xf32, #tpu.memory_space<vmem>>, vector<2048x128xf32>
    %add3A_27 = arith.addf %add3A_23, %get3A_26 : vector<2048x128xf32>
    %mul3A = vector.broadcast %rsqrt3A : vector<2048x1xf32> to vector<2048x128xf32>
    %mul3A_28 = arith.mulf %add3A_27, %mul3A : vector<2048x128xf32>
    %get3A_29 = arith.constant 0 : index
    %get3A_30 = arith.constant 0 : index
    %get3A_31 = vector.load %arg5[%get3A_29, %get3A_30] : memref<1x128xf32, #tpu.memory_space<vmem>>, vector<1x128xf32>
    %add3A_32 = vector.broadcast %get3A_31 : vector<1x128xf32> to vector<2048x128xf32>
    %add3A_33 = arith.addf %mul3A_28, %add3A_32 : vector<2048x128xf32>
    %max3A = arith.constant 0.000000e+00 : f32
    %max3A_34 = vector.broadcast %max3A : f32 to vector<2048x128xf32>
    %max3A_35 = arith.maximumf %add3A_33, %max3A_34 : vector<2048x128xf32>
    %get3A_36 = arith.constant 0 : index
    %get3A_37 = arith.constant 0 : index
    %get3A_38 = vector.load %arg4[%get3A_36, %get3A_37] : memref<128x128xf32, #tpu.memory_space<vmem>>, vector<128x128xf32>
    %dot_general3A = arith.constant dense<0.000000e+00> : vector<2048x128xf32>
    %dot_general3A_39 = tpu.matmul %max3A_35, %get3A_38, %dot_general3A {dimension_numbers = #tpu.dot_dimension_numbers<[1], [0], [0], [1], [0, 0, 1, 1], [], []>, precision = #tpu.contract_precision<fp32>, transpose_lhs_hint = false} : vector<2048x128xf32>, vector<128x128xf32>, vector<2048x128xf32> -> vector<2048x128xf32>
    %mul3A_40 = vector.broadcast %rsqrt3A : vector<2048x1xf32> to vector<2048x128xf32>
    %mul3A_41 = arith.mulf %dot_general3A_39, %mul3A_40 : vector<2048x128xf32>
    %swap3A = arith.constant 0 : index
    %swap3A_42 = arith.constant 0 : index
    %swap3A_43 = vector.load %arg6[%swap3A, %swap3A_42] : memref<2048x128xf32, #tpu.memory_space<vmem>>, vector<2048x128xf32>
    tpu.vector_store %arg6[%swap3A, %swap3A_42], %mul3A_41 {strides = array<i32>} : memref<2048x128xf32, #tpu.memory_space<vmem>>, vector<2048x128xf32>,
    return
  }
  func.func @transform_0(%arg0: i32) -> (i32, i32, i32) {
    %c0_i32 = arith.constant 0 : i32
    %c0_i32_0 = arith.constant 0 : i32
    %c0_i32_1 = arith.constant 0 : i32
    return %c0_i32, %arg0, %c0_i32_0 : i32, i32, i32
  }
  func.func @transform_1(%arg0: i32) -> (i32, i32) {
    %c0_i32 = arith.constant 0 : i32
    %c0_i32_0 = arith.constant 0 : i32
    return %arg0, %c0_i32 : i32, i32
  }
  func.func @transform_2(%arg0: i32) -> (i32, i32, i32) {
    %c0_i32 = arith.constant 0 : i32
    %c0_i32_0 = arith.constant 0 : i32
    %c0_i32_1 = arith.constant 0 : i32
    return %c0_i32, %arg0, %c0_i32_0 : i32, i32, i32
  }
  func.func @transform_3(%arg0: i32) -> (i32, i32) {
    %c0_i32 = arith.constant 0 : i32
    %c0_i32_0 = arith.constant 0 : i32
    %c0_i32_1 = arith.constant 0 : i32
    return %c0_i32, %c0_i32_0 : i32, i32
  }
  func.func @transform_4(%arg0: i32) -> (i32, i32) {
    %c0_i32 = arith.constant 0 : i32
    %c0_i32_0 = arith.constant 0 : i32
    %c0_i32_1 = arith.constant 0 : i32
    return %c0_i32, %c0_i32_0 : i32, i32
  }
  func.func @transform_5(%arg0: i32) -> (i32, i32) {
    %c0_i32 = arith.constant 0 : i32
    %c0_i32_0 = arith.constant 0 : i32
    return %arg0, %c0_i32 : i32, i32
  }
}

module attributes {stable_mosaic.version = 14 : i64} {
  func.func @_tcc_body(%arg0: i32, %arg1: memref<2x2048x128xf32, #tpu.memory_space<vmem>>, %arg2: memref<2048x128xf32, #tpu.memory_space<vmem>>, %arg3: memref<2x2048x128xf32, #tpu.memory_space<vmem>>, %arg4: memref<1x128xf32, #tpu.memory_space<vmem>>, %arg5: memref<16x128xi32, #tpu.memory_space<vmem>>, %arg6: memref<128x10xf32, #tpu.memory_space<vmem>>, %arg7: memref<1x10xf32, #tpu.memory_space<vmem>>, %arg8: memref<64x10xf32, #tpu.memory_space<vmem>>, %arg9: memref<64x128xf32, #tpu.memory_space<vmem>>, %arg10: memref<64x128xf32, #tpu.memory_space<vmem>>) attributes {dimension_semantics = [#tpu.dimension_semantics<arbitrary>], iteration_bounds = array<i64: 5>, scalar_prefetch = 0 : i64, scratch_operands = 2 : i64, tpu.core_type = #tpu.core_type<tc>, window_params = [{transform_indices = @transform_0, window_bounds = array<i64: 2, 2048, 128>}, {transform_indices = @transform_1, window_bounds = array<i64: 2048, 128>}, {transform_indices = @transform_2, window_bounds = array<i64: 2, 2048, 128>}, {pipeline_mode = #tpu.pipeline_mode<synchronous>, transform_indices = @transform_3, window_bounds = array<i64: 1, 128>}, {transform_indices = @transform_4, window_bounds = array<i64: 16, 128>}, {pipeline_mode = #tpu.pipeline_mode<synchronous>, transform_indices = @transform_5, window_bounds = array<i64: 128, 10>}, {pipeline_mode = #tpu.pipeline_mode<synchronous>, transform_indices = @transform_6, window_bounds = array<i64: 1, 10>}, {pipeline_mode = #tpu.pipeline_mode<synchronous>, transform_indices = @transform_7, window_bounds = array<i64: 64, 10>}]} {
    %get3A = arith.constant 0 : index
    %get3A_0 = arith.constant 0 : index
    %get3A_1 = arith.constant 0 : index
    %get3A_2 = vector.load %arg3[%get3A, %get3A_0, %get3A_1] : memref<2x2048x128xf32, #tpu.memory_space<vmem>>, vector<1x2048x128xf32>
    %get3A_3 = vector.shape_cast %get3A_2 : vector<1x2048x128xf32> to vector<2048x128xf32>
    %slice3A = vector.extract_strided_slice %get3A_3 {offsets = [0, 0], sizes = [2048, 1], strides = [1, 1]} : vector<2048x128xf32> to vector<2048x1xf32>
    %get3A_4 = arith.constant 1 : index
    %get3A_5 = arith.constant 0 : index
    %get3A_6 = arith.constant 0 : index
    %get3A_7 = vector.load %arg3[%get3A_4, %get3A_5, %get3A_6] : memref<2x2048x128xf32, #tpu.memory_space<vmem>>, vector<1x2048x128xf32>
    %get3A_8 = vector.shape_cast %get3A_7 : vector<1x2048x128xf32> to vector<2048x128xf32>
    %slice3A_9 = vector.extract_strided_slice %get3A_8 {offsets = [0, 0], sizes = [2048, 1], strides = [1, 1]} : vector<2048x128xf32> to vector<2048x1xf32>
    %add3A = arith.addf %slice3A, %slice3A_9 : vector<2048x1xf32>
    %add3A_10 = arith.constant 1.000000e+00 : f32
    %add3A_11 = vector.broadcast %add3A_10 : f32 to vector<2048x1xf32>
    %add3A_12 = arith.addf %add3A, %add3A_11 : vector<2048x1xf32>
    %rsqrt3A = math.rsqrt %add3A_12 : vector<2048x1xf32>
    %get3A_13 = arith.constant 0 : index
    %get3A_14 = arith.constant 0 : index
    %get3A_15 = arith.constant 0 : index
    %get3A_16 = vector.load %arg1[%get3A_13, %get3A_14, %get3A_15] : memref<2x2048x128xf32, #tpu.memory_space<vmem>>, vector<1x2048x128xf32>
    %get3A_17 = vector.shape_cast %get3A_16 : vector<1x2048x128xf32> to vector<2048x128xf32>
    %get3A_18 = arith.constant 1 : index
    %get3A_19 = arith.constant 0 : index
    %get3A_20 = arith.constant 0 : index
    %get3A_21 = vector.load %arg1[%get3A_18, %get3A_19, %get3A_20] : memref<2x2048x128xf32, #tpu.memory_space<vmem>>, vector<1x2048x128xf32>
    %get3A_22 = vector.shape_cast %get3A_21 : vector<1x2048x128xf32> to vector<2048x128xf32>
    %add3A_23 = arith.addf %get3A_17, %get3A_22 : vector<2048x128xf32>
    %get3A_24 = arith.constant 0 : index
    %get3A_25 = arith.constant 0 : index
    %get3A_26 = vector.load %arg2[%get3A_24, %get3A_25] : memref<2048x128xf32, #tpu.memory_space<vmem>>, vector<2048x128xf32>
    %add3A_27 = arith.addf %add3A_23, %get3A_26 : vector<2048x128xf32>
    %mul3A = vector.broadcast %rsqrt3A : vector<2048x1xf32> to vector<2048x128xf32>
    %mul3A_28 = arith.mulf %add3A_27, %mul3A : vector<2048x128xf32>
    %get3A_29 = arith.constant 0 : index
    %get3A_30 = arith.constant 0 : index
    %get3A_31 = vector.load %arg4[%get3A_29, %get3A_30] : memref<1x128xf32, #tpu.memory_space<vmem>>, vector<1x128xf32>
    %add3A_32 = vector.broadcast %get3A_31 : vector<1x128xf32> to vector<2048x128xf32>
    %add3A_33 = arith.addf %mul3A_28, %add3A_32 : vector<2048x128xf32>
    %max3A = arith.constant 0.000000e+00 : f32
    %max3A_34 = vector.broadcast %max3A : f32 to vector<2048x128xf32>
    %max3A_35 = arith.maximumf %add3A_33, %max3A_34 : vector<2048x128xf32>
    %eq3A = arith.constant 0 : i32
    %eq3A_36 = arith.cmpi eq, %arg0, %eq3A : i32
    %convert_element_type3A = arith.extui %eq3A_36 : i1 to i32
    %cond3A = arith.constant 0 : i32
    %cond3A_37 = arith.cmpi ne, %convert_element_type3A, %cond3A : i32
    scf.if %cond3A_37 {
      %broadcast_in_dim3A_362 = arith.constant 0.000000e+00 : f32
      %broadcast_in_dim3A_363 = vector.broadcast %broadcast_in_dim3A_362 : f32 to vector<64x128xf32>
      %swap3A_364 = arith.constant 0 : index
      %swap3A_365 = arith.constant 0 : index
      %swap3A_366 = vector.load %arg9[%swap3A_364, %swap3A_365] : memref<64x128xf32, #tpu.memory_space<vmem>>, vector<64x128xf32>
      tpu.vector_store %arg9[%swap3A_364, %swap3A_365], %broadcast_in_dim3A_363 {strides = array<i32>} : memref<64x128xf32, #tpu.memory_space<vmem>>, vector<64x128xf32>,
      %broadcast_in_dim3A_367 = arith.constant 0.000000e+00 : f32
      %broadcast_in_dim3A_368 = vector.broadcast %broadcast_in_dim3A_367 : f32 to vector<64x128xf32>
      %swap3A_369 = arith.constant 0 : index
      %swap3A_370 = arith.constant 0 : index
      %swap3A_371 = vector.load %arg10[%swap3A_369, %swap3A_370] : memref<64x128xf32, #tpu.memory_space<vmem>>, vector<64x128xf32>
      tpu.vector_store %arg10[%swap3A_369, %swap3A_370], %broadcast_in_dim3A_368 {strides = array<i32>} : memref<64x128xf32, #tpu.memory_space<vmem>>, vector<64x128xf32>,
    } else {
    }
    %broadcast_in_dim3A = arith.constant 0.000000e+00 : f32
    %broadcast_in_dim3A_38 = vector.broadcast %broadcast_in_dim3A : f32 to vector<64x128xf32>
    %broadcast_in_dim3A_39 = arith.constant 0.000000e+00 : f32
    %broadcast_in_dim3A_40 = vector.broadcast %broadcast_in_dim3A_39 : f32 to vector<64x128xf32>
    %iota3A = tpu.iota {dimensions = array<i32: 0>} : vector<64x128xi32>
    %get3A_41 = arith.constant 0 : index
    %get3A_42 = arith.constant 0 : index
    %get3A_43 = vector.load %arg5[%get3A_41, %get3A_42] : memref<16x128xi32, #tpu.memory_space<vmem>>, vector<1x128xi32>
    %get3A_44 = vector.shape_cast %get3A_43 : vector<1x128xi32> to vector<128xi32>
    %broadcast_in_dim3A_45 = vector.shape_cast %get3A_44 : vector<128xi32> to vector<1x128xi32>
    %broadcast_in_dim3A_46 = vector.broadcast %broadcast_in_dim3A_45 : vector<1x128xi32> to vector<64x128xi32>
    %eq3A_47 = arith.cmpi eq, %iota3A, %broadcast_in_dim3A_46 : vector<64x128xi32>
    %convert_element_type3A_48 = arith.extui %eq3A_47 : vector<64x128xi1> to vector<64x128xi32>
    %convert_element_type3A_49 = arith.sitofp %convert_element_type3A_48 : vector<64x128xi32> to vector<64x128xf32>
    %slice3A_50 = vector.extract_strided_slice %max3A_35 {offsets = [0, 0], sizes = [128, 128], strides = [1, 1]} : vector<2048x128xf32> to vector<128x128xf32>
    %dot_general3A = arith.constant dense<0.000000e+00> : vector<64x128xf32>
    %dot_general3A_51 = tpu.matmul %convert_element_type3A_49, %slice3A_50, %dot_general3A {dimension_numbers = #tpu.dot_dimension_numbers<[1], [0], [0], [1], [0, 0, 1, 1], [], []>, precision = #tpu.contract_precision<fp32>, transpose_lhs_hint = false} : vector<64x128xf32>, vector<128x128xf32>, vector<64x128xf32> -> vector<64x128xf32>
    %add3A_52 = arith.addf %broadcast_in_dim3A_38, %dot_general3A_51 : vector<64x128xf32>
    %reduce_sum3A = arith.constant dense<0.000000e+00> : vector<64xf32>
    %reduce_sum3A_53 = vector.multi_reduction <add>, %convert_element_type3A_49, %reduce_sum3A [1] : vector<64x128xf32> to vector<64xf32>
    %broadcast_in_dim3A_54 = vector.shape_cast %reduce_sum3A_53 : vector<64xf32> to vector<64x1xf32>
    %add3A_55 = vector.broadcast %broadcast_in_dim3A_54 : vector<64x1xf32> to vector<64x128xf32>
    %add3A_56 = arith.addf %broadcast_in_dim3A_40, %add3A_55 : vector<64x128xf32>
    %get3A_57 = arith.constant 1 : index
    %get3A_58 = arith.constant 0 : index
    %get3A_59 = vector.load %arg5[%get3A_57, %get3A_58] : memref<16x128xi32, #tpu.memory_space<vmem>>, vector<1x128xi32>
    %get3A_60 = vector.shape_cast %get3A_59 : vector<1x128xi32> to vector<128xi32>
    %broadcast_in_dim3A_61 = vector.shape_cast %get3A_60 : vector<128xi32> to vector<1x128xi32>
    %broadcast_in_dim3A_62 = vector.broadcast %broadcast_in_dim3A_61 : vector<1x128xi32> to vector<64x128xi32>
    %eq3A_63 = arith.cmpi eq, %iota3A, %broadcast_in_dim3A_62 : vector<64x128xi32>
    %convert_element_type3A_64 = arith.extui %eq3A_63 : vector<64x128xi1> to vector<64x128xi32>
    %convert_element_type3A_65 = arith.sitofp %convert_element_type3A_64 : vector<64x128xi32> to vector<64x128xf32>
    %slice3A_66 = vector.extract_strided_slice %max3A_35 {offsets = [128, 0], sizes = [128, 128], strides = [1, 1]} : vector<2048x128xf32> to vector<128x128xf32>
    %dot_general3A_67 = arith.constant dense<0.000000e+00> : vector<64x128xf32>
    %dot_general3A_68 = tpu.matmul %convert_element_type3A_65, %slice3A_66, %dot_general3A_67 {dimension_numbers = #tpu.dot_dimension_numbers<[1], [0], [0], [1], [0, 0, 1, 1], [], []>, precision = #tpu.contract_precision<fp32>, transpose_lhs_hint = false} : vector<64x128xf32>, vector<128x128xf32>, vector<64x128xf32> -> vector<64x128xf32>
    %add3A_69 = arith.addf %add3A_52, %dot_general3A_68 : vector<64x128xf32>
    %reduce_sum3A_70 = arith.constant dense<0.000000e+00> : vector<64xf32>
    %reduce_sum3A_71 = vector.multi_reduction <add>, %convert_element_type3A_65, %reduce_sum3A_70 [1] : vector<64x128xf32> to vector<64xf32>
    %broadcast_in_dim3A_72 = vector.shape_cast %reduce_sum3A_71 : vector<64xf32> to vector<64x1xf32>
    %add3A_73 = vector.broadcast %broadcast_in_dim3A_72 : vector<64x1xf32> to vector<64x128xf32>
    %add3A_74 = arith.addf %add3A_56, %add3A_73 : vector<64x128xf32>
    %get3A_75 = arith.constant 2 : index
    %get3A_76 = arith.constant 0 : index
    %get3A_77 = vector.load %arg5[%get3A_75, %get3A_76] : memref<16x128xi32, #tpu.memory_space<vmem>>, vector<1x128xi32>
    %get3A_78 = vector.shape_cast %get3A_77 : vector<1x128xi32> to vector<128xi32>
    %broadcast_in_dim3A_79 = vector.shape_cast %get3A_78 : vector<128xi32> to vector<1x128xi32>
    %broadcast_in_dim3A_80 = vector.broadcast %broadcast_in_dim3A_79 : vector<1x128xi32> to vector<64x128xi32>
    %eq3A_81 = arith.cmpi eq, %iota3A, %broadcast_in_dim3A_80 : vector<64x128xi32>
    %convert_element_type3A_82 = arith.extui %eq3A_81 : vector<64x128xi1> to vector<64x128xi32>
    %convert_element_type3A_83 = arith.sitofp %convert_element_type3A_82 : vector<64x128xi32> to vector<64x128xf32>
    %slice3A_84 = vector.extract_strided_slice %max3A_35 {offsets = [256, 0], sizes = [128, 128], strides = [1, 1]} : vector<2048x128xf32> to vector<128x128xf32>
    %dot_general3A_85 = arith.constant dense<0.000000e+00> : vector<64x128xf32>
    %dot_general3A_86 = tpu.matmul %convert_element_type3A_83, %slice3A_84, %dot_general3A_85 {dimension_numbers = #tpu.dot_dimension_numbers<[1], [0], [0], [1], [0, 0, 1, 1], [], []>, precision = #tpu.contract_precision<fp32>, transpose_lhs_hint = false} : vector<64x128xf32>, vector<128x128xf32>, vector<64x128xf32> -> vector<64x128xf32>
    %add3A_87 = arith.addf %add3A_69, %dot_general3A_86 : vector<64x128xf32>
    %reduce_sum3A_88 = arith.constant dense<0.000000e+00> : vector<64xf32>
    %reduce_sum3A_89 = vector.multi_reduction <add>, %convert_element_type3A_83, %reduce_sum3A_88 [1] : vector<64x128xf32> to vector<64xf32>
    %broadcast_in_dim3A_90 = vector.shape_cast %reduce_sum3A_89 : vector<64xf32> to vector<64x1xf32>
    %add3A_91 = vector.broadcast %broadcast_in_dim3A_90 : vector<64x1xf32> to vector<64x128xf32>
    %add3A_92 = arith.addf %add3A_74, %add3A_91 : vector<64x128xf32>
    %get3A_93 = arith.constant 3 : index
    %get3A_94 = arith.constant 0 : index
    %get3A_95 = vector.load %arg5[%get3A_93, %get3A_94] : memref<16x128xi32, #tpu.memory_space<vmem>>, vector<1x128xi32>
    %get3A_96 = vector.shape_cast %get3A_95 : vector<1x128xi32> to vector<128xi32>
    %broadcast_in_dim3A_97 = vector.shape_cast %get3A_96 : vector<128xi32> to vector<1x128xi32>
    %broadcast_in_dim3A_98 = vector.broadcast %broadcast_in_dim3A_97 : vector<1x128xi32> to vector<64x128xi32>
    %eq3A_99 = arith.cmpi eq, %iota3A, %broadcast_in_dim3A_98 : vector<64x128xi32>
    %convert_element_type3A_100 = arith.extui %eq3A_99 : vector<64x128xi1> to vector<64x128xi32>
    %convert_element_type3A_101 = arith.sitofp %convert_element_type3A_100 : vector<64x128xi32> to vector<64x128xf32>
    %slice3A_102 = vector.extract_strided_slice %max3A_35 {offsets = [384, 0], sizes = [128, 128], strides = [1, 1]} : vector<2048x128xf32> to vector<128x128xf32>
    %dot_general3A_103 = arith.constant dense<0.000000e+00> : vector<64x128xf32>
    %dot_general3A_104 = tpu.matmul %convert_element_type3A_101, %slice3A_102, %dot_general3A_103 {dimension_numbers = #tpu.dot_dimension_numbers<[1], [0], [0], [1], [0, 0, 1, 1], [], []>, precision = #tpu.contract_precision<fp32>, transpose_lhs_hint = false} : vector<64x128xf32>, vector<128x128xf32>, vector<64x128xf32> -> vector<64x128xf32>
    %add3A_105 = arith.addf %add3A_87, %dot_general3A_104 : vector<64x128xf32>
    %reduce_sum3A_106 = arith.constant dense<0.000000e+00> : vector<64xf32>
    %reduce_sum3A_107 = vector.multi_reduction <add>, %convert_element_type3A_101, %reduce_sum3A_106 [1] : vector<64x128xf32> to vector<64xf32>
    %broadcast_in_dim3A_108 = vector.shape_cast %reduce_sum3A_107 : vector<64xf32> to vector<64x1xf32>
    %add3A_109 = vector.broadcast %broadcast_in_dim3A_108 : vector<64x1xf32> to vector<64x128xf32>
    %add3A_110 = arith.addf %add3A_92, %add3A_109 : vector<64x128xf32>
    %get3A_111 = arith.constant 4 : index
    %get3A_112 = arith.constant 0 : index
    %get3A_113 = vector.load %arg5[%get3A_111, %get3A_112] : memref<16x128xi32, #tpu.memory_space<vmem>>, vector<1x128xi32>
    %get3A_114 = vector.shape_cast %get3A_113 : vector<1x128xi32> to vector<128xi32>
    %broadcast_in_dim3A_115 = vector.shape_cast %get3A_114 : vector<128xi32> to vector<1x128xi32>
    %broadcast_in_dim3A_116 = vector.broadcast %broadcast_in_dim3A_115 : vector<1x128xi32> to vector<64x128xi32>
    %eq3A_117 = arith.cmpi eq, %iota3A, %broadcast_in_dim3A_116 : vector<64x128xi32>
    %convert_element_type3A_118 = arith.extui %eq3A_117 : vector<64x128xi1> to vector<64x128xi32>
    %convert_element_type3A_119 = arith.sitofp %convert_element_type3A_118 : vector<64x128xi32> to vector<64x128xf32>
    %slice3A_120 = vector.extract_strided_slice %max3A_35 {offsets = [512, 0], sizes = [128, 128], strides = [1, 1]} : vector<2048x128xf32> to vector<128x128xf32>
    %dot_general3A_121 = arith.constant dense<0.000000e+00> : vector<64x128xf32>
    %dot_general3A_122 = tpu.matmul %convert_element_type3A_119, %slice3A_120, %dot_general3A_121 {dimension_numbers = #tpu.dot_dimension_numbers<[1], [0], [0], [1], [0, 0, 1, 1], [], []>, precision = #tpu.contract_precision<fp32>, transpose_lhs_hint = false} : vector<64x128xf32>, vector<128x128xf32>, vector<64x128xf32> -> vector<64x128xf32>
    %add3A_123 = arith.addf %add3A_105, %dot_general3A_122 : vector<64x128xf32>
    %reduce_sum3A_124 = arith.constant dense<0.000000e+00> : vector<64xf32>
    %reduce_sum3A_125 = vector.multi_reduction <add>, %convert_element_type3A_119, %reduce_sum3A_124 [1] : vector<64x128xf32> to vector<64xf32>
    %broadcast_in_dim3A_126 = vector.shape_cast %reduce_sum3A_125 : vector<64xf32> to vector<64x1xf32>
    %add3A_127 = vector.broadcast %broadcast_in_dim3A_126 : vector<64x1xf32> to vector<64x128xf32>
    %add3A_128 = arith.addf %add3A_110, %add3A_127 : vector<64x128xf32>
    %get3A_129 = arith.constant 5 : index
    %get3A_130 = arith.constant 0 : index
    %get3A_131 = vector.load %arg5[%get3A_129, %get3A_130] : memref<16x128xi32, #tpu.memory_space<vmem>>, vector<1x128xi32>
    %get3A_132 = vector.shape_cast %get3A_131 : vector<1x128xi32> to vector<128xi32>
    %broadcast_in_dim3A_133 = vector.shape_cast %get3A_132 : vector<128xi32> to vector<1x128xi32>
    %broadcast_in_dim3A_134 = vector.broadcast %broadcast_in_dim3A_133 : vector<1x128xi32> to vector<64x128xi32>
    %eq3A_135 = arith.cmpi eq, %iota3A, %broadcast_in_dim3A_134 : vector<64x128xi32>
    %convert_element_type3A_136 = arith.extui %eq3A_135 : vector<64x128xi1> to vector<64x128xi32>
    %convert_element_type3A_137 = arith.sitofp %convert_element_type3A_136 : vector<64x128xi32> to vector<64x128xf32>
    %slice3A_138 = vector.extract_strided_slice %max3A_35 {offsets = [640, 0], sizes = [128, 128], strides = [1, 1]} : vector<2048x128xf32> to vector<128x128xf32>
    %dot_general3A_139 = arith.constant dense<0.000000e+00> : vector<64x128xf32>
    %dot_general3A_140 = tpu.matmul %convert_element_type3A_137, %slice3A_138, %dot_general3A_139 {dimension_numbers = #tpu.dot_dimension_numbers<[1], [0], [0], [1], [0, 0, 1, 1], [], []>, precision = #tpu.contract_precision<fp32>, transpose_lhs_hint = false} : vector<64x128xf32>, vector<128x128xf32>, vector<64x128xf32> -> vector<64x128xf32>
    %add3A_141 = arith.addf %add3A_123, %dot_general3A_140 : vector<64x128xf32>
    %reduce_sum3A_142 = arith.constant dense<0.000000e+00> : vector<64xf32>
    %reduce_sum3A_143 = vector.multi_reduction <add>, %convert_element_type3A_137, %reduce_sum3A_142 [1] : vector<64x128xf32> to vector<64xf32>
    %broadcast_in_dim3A_144 = vector.shape_cast %reduce_sum3A_143 : vector<64xf32> to vector<64x1xf32>
    %add3A_145 = vector.broadcast %broadcast_in_dim3A_144 : vector<64x1xf32> to vector<64x128xf32>
    %add3A_146 = arith.addf %add3A_128, %add3A_145 : vector<64x128xf32>
    %get3A_147 = arith.constant 6 : index
    %get3A_148 = arith.constant 0 : index
    %get3A_149 = vector.load %arg5[%get3A_147, %get3A_148] : memref<16x128xi32, #tpu.memory_space<vmem>>, vector<1x128xi32>
    %get3A_150 = vector.shape_cast %get3A_149 : vector<1x128xi32> to vector<128xi32>
    %broadcast_in_dim3A_151 = vector.shape_cast %get3A_150 : vector<128xi32> to vector<1x128xi32>
    %broadcast_in_dim3A_152 = vector.broadcast %broadcast_in_dim3A_151 : vector<1x128xi32> to vector<64x128xi32>
    %eq3A_153 = arith.cmpi eq, %iota3A, %broadcast_in_dim3A_152 : vector<64x128xi32>
    %convert_element_type3A_154 = arith.extui %eq3A_153 : vector<64x128xi1> to vector<64x128xi32>
    %convert_element_type3A_155 = arith.sitofp %convert_element_type3A_154 : vector<64x128xi32> to vector<64x128xf32>
    %slice3A_156 = vector.extract_strided_slice %max3A_35 {offsets = [768, 0], sizes = [128, 128], strides = [1, 1]} : vector<2048x128xf32> to vector<128x128xf32>
    %dot_general3A_157 = arith.constant dense<0.000000e+00> : vector<64x128xf32>
    %dot_general3A_158 = tpu.matmul %convert_element_type3A_155, %slice3A_156, %dot_general3A_157 {dimension_numbers = #tpu.dot_dimension_numbers<[1], [0], [0], [1], [0, 0, 1, 1], [], []>, precision = #tpu.contract_precision<fp32>, transpose_lhs_hint = false} : vector<64x128xf32>, vector<128x128xf32>, vector<64x128xf32> -> vector<64x128xf32>
    %add3A_159 = arith.addf %add3A_141, %dot_general3A_158 : vector<64x128xf32>
    %reduce_sum3A_160 = arith.constant dense<0.000000e+00> : vector<64xf32>
    %reduce_sum3A_161 = vector.multi_reduction <add>, %convert_element_type3A_155, %reduce_sum3A_160 [1] : vector<64x128xf32> to vector<64xf32>
    %broadcast_in_dim3A_162 = vector.shape_cast %reduce_sum3A_161 : vector<64xf32> to vector<64x1xf32>
    %add3A_163 = vector.broadcast %broadcast_in_dim3A_162 : vector<64x1xf32> to vector<64x128xf32>
    %add3A_164 = arith.addf %add3A_146, %add3A_163 : vector<64x128xf32>
    %get3A_165 = arith.constant 7 : index
    %get3A_166 = arith.constant 0 : index
    %get3A_167 = vector.load %arg5[%get3A_165, %get3A_166] : memref<16x128xi32, #tpu.memory_space<vmem>>, vector<1x128xi32>
    %get3A_168 = vector.shape_cast %get3A_167 : vector<1x128xi32> to vector<128xi32>
    %broadcast_in_dim3A_169 = vector.shape_cast %get3A_168 : vector<128xi32> to vector<1x128xi32>
    %broadcast_in_dim3A_170 = vector.broadcast %broadcast_in_dim3A_169 : vector<1x128xi32> to vector<64x128xi32>
    %eq3A_171 = arith.cmpi eq, %iota3A, %broadcast_in_dim3A_170 : vector<64x128xi32>
    %convert_element_type3A_172 = arith.extui %eq3A_171 : vector<64x128xi1> to vector<64x128xi32>
    %convert_element_type3A_173 = arith.sitofp %convert_element_type3A_172 : vector<64x128xi32> to vector<64x128xf32>
    %slice3A_174 = vector.extract_strided_slice %max3A_35 {offsets = [896, 0], sizes = [128, 128], strides = [1, 1]} : vector<2048x128xf32> to vector<128x128xf32>
    %dot_general3A_175 = arith.constant dense<0.000000e+00> : vector<64x128xf32>
    %dot_general3A_176 = tpu.matmul %convert_element_type3A_173, %slice3A_174, %dot_general3A_175 {dimension_numbers = #tpu.dot_dimension_numbers<[1], [0], [0], [1], [0, 0, 1, 1], [], []>, precision = #tpu.contract_precision<fp32>, transpose_lhs_hint = false} : vector<64x128xf32>, vector<128x128xf32>, vector<64x128xf32> -> vector<64x128xf32>
    %add3A_177 = arith.addf %add3A_159, %dot_general3A_176 : vector<64x128xf32>
    %reduce_sum3A_178 = arith.constant dense<0.000000e+00> : vector<64xf32>
    %reduce_sum3A_179 = vector.multi_reduction <add>, %convert_element_type3A_173, %reduce_sum3A_178 [1] : vector<64x128xf32> to vector<64xf32>
    %broadcast_in_dim3A_180 = vector.shape_cast %reduce_sum3A_179 : vector<64xf32> to vector<64x1xf32>
    %add3A_181 = vector.broadcast %broadcast_in_dim3A_180 : vector<64x1xf32> to vector<64x128xf32>
    %add3A_182 = arith.addf %add3A_164, %add3A_181 : vector<64x128xf32>
    %get3A_183 = arith.constant 8 : index
    %get3A_184 = arith.constant 0 : index
    %get3A_185 = vector.load %arg5[%get3A_183, %get3A_184] : memref<16x128xi32, #tpu.memory_space<vmem>>, vector<1x128xi32>
    %get3A_186 = vector.shape_cast %get3A_185 : vector<1x128xi32> to vector<128xi32>
    %broadcast_in_dim3A_187 = vector.shape_cast %get3A_186 : vector<128xi32> to vector<1x128xi32>
    %broadcast_in_dim3A_188 = vector.broadcast %broadcast_in_dim3A_187 : vector<1x128xi32> to vector<64x128xi32>
    %eq3A_189 = arith.cmpi eq, %iota3A, %broadcast_in_dim3A_188 : vector<64x128xi32>
    %convert_element_type3A_190 = arith.extui %eq3A_189 : vector<64x128xi1> to vector<64x128xi32>
    %convert_element_type3A_191 = arith.sitofp %convert_element_type3A_190 : vector<64x128xi32> to vector<64x128xf32>
    %slice3A_192 = vector.extract_strided_slice %max3A_35 {offsets = [1024, 0], sizes = [128, 128], strides = [1, 1]} : vector<2048x128xf32> to vector<128x128xf32>
    %dot_general3A_193 = arith.constant dense<0.000000e+00> : vector<64x128xf32>
    %dot_general3A_194 = tpu.matmul %convert_element_type3A_191, %slice3A_192, %dot_general3A_193 {dimension_numbers = #tpu.dot_dimension_numbers<[1], [0], [0], [1], [0, 0, 1, 1], [], []>, precision = #tpu.contract_precision<fp32>, transpose_lhs_hint = false} : vector<64x128xf32>, vector<128x128xf32>, vector<64x128xf32> -> vector<64x128xf32>
    %add3A_195 = arith.addf %add3A_177, %dot_general3A_194 : vector<64x128xf32>
    %reduce_sum3A_196 = arith.constant dense<0.000000e+00> : vector<64xf32>
    %reduce_sum3A_197 = vector.multi_reduction <add>, %convert_element_type3A_191, %reduce_sum3A_196 [1] : vector<64x128xf32> to vector<64xf32>
    %broadcast_in_dim3A_198 = vector.shape_cast %reduce_sum3A_197 : vector<64xf32> to vector<64x1xf32>
    %add3A_199 = vector.broadcast %broadcast_in_dim3A_198 : vector<64x1xf32> to vector<64x128xf32>
    %add3A_200 = arith.addf %add3A_182, %add3A_199 : vector<64x128xf32>
    %get3A_201 = arith.constant 9 : index
    %get3A_202 = arith.constant 0 : index
    %get3A_203 = vector.load %arg5[%get3A_201, %get3A_202] : memref<16x128xi32, #tpu.memory_space<vmem>>, vector<1x128xi32>
    %get3A_204 = vector.shape_cast %get3A_203 : vector<1x128xi32> to vector<128xi32>
    %broadcast_in_dim3A_205 = vector.shape_cast %get3A_204 : vector<128xi32> to vector<1x128xi32>
    %broadcast_in_dim3A_206 = vector.broadcast %broadcast_in_dim3A_205 : vector<1x128xi32> to vector<64x128xi32>
    %eq3A_207 = arith.cmpi eq, %iota3A, %broadcast_in_dim3A_206 : vector<64x128xi32>
    %convert_element_type3A_208 = arith.extui %eq3A_207 : vector<64x128xi1> to vector<64x128xi32>
    %convert_element_type3A_209 = arith.sitofp %convert_element_type3A_208 : vector<64x128xi32> to vector<64x128xf32>
    %slice3A_210 = vector.extract_strided_slice %max3A_35 {offsets = [1152, 0], sizes = [128, 128], strides = [1, 1]} : vector<2048x128xf32> to vector<128x128xf32>
    %dot_general3A_211 = arith.constant dense<0.000000e+00> : vector<64x128xf32>
    %dot_general3A_212 = tpu.matmul %convert_element_type3A_209, %slice3A_210, %dot_general3A_211 {dimension_numbers = #tpu.dot_dimension_numbers<[1], [0], [0], [1], [0, 0, 1, 1], [], []>, precision = #tpu.contract_precision<fp32>, transpose_lhs_hint = false} : vector<64x128xf32>, vector<128x128xf32>, vector<64x128xf32> -> vector<64x128xf32>
    %add3A_213 = arith.addf %add3A_195, %dot_general3A_212 : vector<64x128xf32>
    %reduce_sum3A_214 = arith.constant dense<0.000000e+00> : vector<64xf32>
    %reduce_sum3A_215 = vector.multi_reduction <add>, %convert_element_type3A_209, %reduce_sum3A_214 [1] : vector<64x128xf32> to vector<64xf32>
    %broadcast_in_dim3A_216 = vector.shape_cast %reduce_sum3A_215 : vector<64xf32> to vector<64x1xf32>
    %add3A_217 = vector.broadcast %broadcast_in_dim3A_216 : vector<64x1xf32> to vector<64x128xf32>
    %add3A_218 = arith.addf %add3A_200, %add3A_217 : vector<64x128xf32>
    %get3A_219 = arith.constant 10 : index
    %get3A_220 = arith.constant 0 : index
    %get3A_221 = vector.load %arg5[%get3A_219, %get3A_220] : memref<16x128xi32, #tpu.memory_space<vmem>>, vector<1x128xi32>
    %get3A_222 = vector.shape_cast %get3A_221 : vector<1x128xi32> to vector<128xi32>
    %broadcast_in_dim3A_223 = vector.shape_cast %get3A_222 : vector<128xi32> to vector<1x128xi32>
    %broadcast_in_dim3A_224 = vector.broadcast %broadcast_in_dim3A_223 : vector<1x128xi32> to vector<64x128xi32>
    %eq3A_225 = arith.cmpi eq, %iota3A, %broadcast_in_dim3A_224 : vector<64x128xi32>
    %convert_element_type3A_226 = arith.extui %eq3A_225 : vector<64x128xi1> to vector<64x128xi32>
    %convert_element_type3A_227 = arith.sitofp %convert_element_type3A_226 : vector<64x128xi32> to vector<64x128xf32>
    %slice3A_228 = vector.extract_strided_slice %max3A_35 {offsets = [1280, 0], sizes = [128, 128], strides = [1, 1]} : vector<2048x128xf32> to vector<128x128xf32>
    %dot_general3A_229 = arith.constant dense<0.000000e+00> : vector<64x128xf32>
    %dot_general3A_230 = tpu.matmul %convert_element_type3A_227, %slice3A_228, %dot_general3A_229 {dimension_numbers = #tpu.dot_dimension_numbers<[1], [0], [0], [1], [0, 0, 1, 1], [], []>, precision = #tpu.contract_precision<fp32>, transpose_lhs_hint = false} : vector<64x128xf32>, vector<128x128xf32>, vector<64x128xf32> -> vector<64x128xf32>
    %add3A_231 = arith.addf %add3A_213, %dot_general3A_230 : vector<64x128xf32>
    %reduce_sum3A_232 = arith.constant dense<0.000000e+00> : vector<64xf32>
    %reduce_sum3A_233 = vector.multi_reduction <add>, %convert_element_type3A_227, %reduce_sum3A_232 [1] : vector<64x128xf32> to vector<64xf32>
    %broadcast_in_dim3A_234 = vector.shape_cast %reduce_sum3A_233 : vector<64xf32> to vector<64x1xf32>
    %add3A_235 = vector.broadcast %broadcast_in_dim3A_234 : vector<64x1xf32> to vector<64x128xf32>
    %add3A_236 = arith.addf %add3A_218, %add3A_235 : vector<64x128xf32>
    %get3A_237 = arith.constant 11 : index
    %get3A_238 = arith.constant 0 : index
    %get3A_239 = vector.load %arg5[%get3A_237, %get3A_238] : memref<16x128xi32, #tpu.memory_space<vmem>>, vector<1x128xi32>
    %get3A_240 = vector.shape_cast %get3A_239 : vector<1x128xi32> to vector<128xi32>
    %broadcast_in_dim3A_241 = vector.shape_cast %get3A_240 : vector<128xi32> to vector<1x128xi32>
    %broadcast_in_dim3A_242 = vector.broadcast %broadcast_in_dim3A_241 : vector<1x128xi32> to vector<64x128xi32>
    %eq3A_243 = arith.cmpi eq, %iota3A, %broadcast_in_dim3A_242 : vector<64x128xi32>
    %convert_element_type3A_244 = arith.extui %eq3A_243 : vector<64x128xi1> to vector<64x128xi32>
    %convert_element_type3A_245 = arith.sitofp %convert_element_type3A_244 : vector<64x128xi32> to vector<64x128xf32>
    %slice3A_246 = vector.extract_strided_slice %max3A_35 {offsets = [1408, 0], sizes = [128, 128], strides = [1, 1]} : vector<2048x128xf32> to vector<128x128xf32>
    %dot_general3A_247 = arith.constant dense<0.000000e+00> : vector<64x128xf32>
    %dot_general3A_248 = tpu.matmul %convert_element_type3A_245, %slice3A_246, %dot_general3A_247 {dimension_numbers = #tpu.dot_dimension_numbers<[1], [0], [0], [1], [0, 0, 1, 1], [], []>, precision = #tpu.contract_precision<fp32>, transpose_lhs_hint = false} : vector<64x128xf32>, vector<128x128xf32>, vector<64x128xf32> -> vector<64x128xf32>
    %add3A_249 = arith.addf %add3A_231, %dot_general3A_248 : vector<64x128xf32>
    %reduce_sum3A_250 = arith.constant dense<0.000000e+00> : vector<64xf32>
    %reduce_sum3A_251 = vector.multi_reduction <add>, %convert_element_type3A_245, %reduce_sum3A_250 [1] : vector<64x128xf32> to vector<64xf32>
    %broadcast_in_dim3A_252 = vector.shape_cast %reduce_sum3A_251 : vector<64xf32> to vector<64x1xf32>
    %add3A_253 = vector.broadcast %broadcast_in_dim3A_252 : vector<64x1xf32> to vector<64x128xf32>
    %add3A_254 = arith.addf %add3A_236, %add3A_253 : vector<64x128xf32>
    %get3A_255 = arith.constant 12 : index
    %get3A_256 = arith.constant 0 : index
    %get3A_257 = vector.load %arg5[%get3A_255, %get3A_256] : memref<16x128xi32, #tpu.memory_space<vmem>>, vector<1x128xi32>
    %get3A_258 = vector.shape_cast %get3A_257 : vector<1x128xi32> to vector<128xi32>
    %broadcast_in_dim3A_259 = vector.shape_cast %get3A_258 : vector<128xi32> to vector<1x128xi32>
    %broadcast_in_dim3A_260 = vector.broadcast %broadcast_in_dim3A_259 : vector<1x128xi32> to vector<64x128xi32>
    %eq3A_261 = arith.cmpi eq, %iota3A, %broadcast_in_dim3A_260 : vector<64x128xi32>
    %convert_element_type3A_262 = arith.extui %eq3A_261 : vector<64x128xi1> to vector<64x128xi32>
    %convert_element_type3A_263 = arith.sitofp %convert_element_type3A_262 : vector<64x128xi32> to vector<64x128xf32>
    %slice3A_264 = vector.extract_strided_slice %max3A_35 {offsets = [1536, 0], sizes = [128, 128], strides = [1, 1]} : vector<2048x128xf32> to vector<128x128xf32>
    %dot_general3A_265 = arith.constant dense<0.000000e+00> : vector<64x128xf32>
    %dot_general3A_266 = tpu.matmul %convert_element_type3A_263, %slice3A_264, %dot_general3A_265 {dimension_numbers = #tpu.dot_dimension_numbers<[1], [0], [0], [1], [0, 0, 1, 1], [], []>, precision = #tpu.contract_precision<fp32>, transpose_lhs_hint = false} : vector<64x128xf32>, vector<128x128xf32>, vector<64x128xf32> -> vector<64x128xf32>
    %add3A_267 = arith.addf %add3A_249, %dot_general3A_266 : vector<64x128xf32>
    %reduce_sum3A_268 = arith.constant dense<0.000000e+00> : vector<64xf32>
    %reduce_sum3A_269 = vector.multi_reduction <add>, %convert_element_type3A_263, %reduce_sum3A_268 [1] : vector<64x128xf32> to vector<64xf32>
    %broadcast_in_dim3A_270 = vector.shape_cast %reduce_sum3A_269 : vector<64xf32> to vector<64x1xf32>
    %add3A_271 = vector.broadcast %broadcast_in_dim3A_270 : vector<64x1xf32> to vector<64x128xf32>
    %add3A_272 = arith.addf %add3A_254, %add3A_271 : vector<64x128xf32>
    %get3A_273 = arith.constant 13 : index
    %get3A_274 = arith.constant 0 : index
    %get3A_275 = vector.load %arg5[%get3A_273, %get3A_274] : memref<16x128xi32, #tpu.memory_space<vmem>>, vector<1x128xi32>
    %get3A_276 = vector.shape_cast %get3A_275 : vector<1x128xi32> to vector<128xi32>
    %broadcast_in_dim3A_277 = vector.shape_cast %get3A_276 : vector<128xi32> to vector<1x128xi32>
    %broadcast_in_dim3A_278 = vector.broadcast %broadcast_in_dim3A_277 : vector<1x128xi32> to vector<64x128xi32>
    %eq3A_279 = arith.cmpi eq, %iota3A, %broadcast_in_dim3A_278 : vector<64x128xi32>
    %convert_element_type3A_280 = arith.extui %eq3A_279 : vector<64x128xi1> to vector<64x128xi32>
    %convert_element_type3A_281 = arith.sitofp %convert_element_type3A_280 : vector<64x128xi32> to vector<64x128xf32>
    %slice3A_282 = vector.extract_strided_slice %max3A_35 {offsets = [1664, 0], sizes = [128, 128], strides = [1, 1]} : vector<2048x128xf32> to vector<128x128xf32>
    %dot_general3A_283 = arith.constant dense<0.000000e+00> : vector<64x128xf32>
    %dot_general3A_284 = tpu.matmul %convert_element_type3A_281, %slice3A_282, %dot_general3A_283 {dimension_numbers = #tpu.dot_dimension_numbers<[1], [0], [0], [1], [0, 0, 1, 1], [], []>, precision = #tpu.contract_precision<fp32>, transpose_lhs_hint = false} : vector<64x128xf32>, vector<128x128xf32>, vector<64x128xf32> -> vector<64x128xf32>
    %add3A_285 = arith.addf %add3A_267, %dot_general3A_284 : vector<64x128xf32>
    %reduce_sum3A_286 = arith.constant dense<0.000000e+00> : vector<64xf32>
    %reduce_sum3A_287 = vector.multi_reduction <add>, %convert_element_type3A_281, %reduce_sum3A_286 [1] : vector<64x128xf32> to vector<64xf32>
    %broadcast_in_dim3A_288 = vector.shape_cast %reduce_sum3A_287 : vector<64xf32> to vector<64x1xf32>
    %add3A_289 = vector.broadcast %broadcast_in_dim3A_288 : vector<64x1xf32> to vector<64x128xf32>
    %add3A_290 = arith.addf %add3A_272, %add3A_289 : vector<64x128xf32>
    %get3A_291 = arith.constant 14 : index
    %get3A_292 = arith.constant 0 : index
    %get3A_293 = vector.load %arg5[%get3A_291, %get3A_292] : memref<16x128xi32, #tpu.memory_space<vmem>>, vector<1x128xi32>
    %get3A_294 = vector.shape_cast %get3A_293 : vector<1x128xi32> to vector<128xi32>
    %broadcast_in_dim3A_295 = vector.shape_cast %get3A_294 : vector<128xi32> to vector<1x128xi32>
    %broadcast_in_dim3A_296 = vector.broadcast %broadcast_in_dim3A_295 : vector<1x128xi32> to vector<64x128xi32>
    %eq3A_297 = arith.cmpi eq, %iota3A, %broadcast_in_dim3A_296 : vector<64x128xi32>
    %convert_element_type3A_298 = arith.extui %eq3A_297 : vector<64x128xi1> to vector<64x128xi32>
    %convert_element_type3A_299 = arith.sitofp %convert_element_type3A_298 : vector<64x128xi32> to vector<64x128xf32>
    %slice3A_300 = vector.extract_strided_slice %max3A_35 {offsets = [1792, 0], sizes = [128, 128], strides = [1, 1]} : vector<2048x128xf32> to vector<128x128xf32>
    %dot_general3A_301 = arith.constant dense<0.000000e+00> : vector<64x128xf32>
    %dot_general3A_302 = tpu.matmul %convert_element_type3A_299, %slice3A_300, %dot_general3A_301 {dimension_numbers = #tpu.dot_dimension_numbers<[1], [0], [0], [1], [0, 0, 1, 1], [], []>, precision = #tpu.contract_precision<fp32>, transpose_lhs_hint = false} : vector<64x128xf32>, vector<128x128xf32>, vector<64x128xf32> -> vector<64x128xf32>
    %add3A_303 = arith.addf %add3A_285, %dot_general3A_302 : vector<64x128xf32>
    %reduce_sum3A_304 = arith.constant dense<0.000000e+00> : vector<64xf32>
    %reduce_sum3A_305 = vector.multi_reduction <add>, %convert_element_type3A_299, %reduce_sum3A_304 [1] : vector<64x128xf32> to vector<64xf32>
    %broadcast_in_dim3A_306 = vector.shape_cast %reduce_sum3A_305 : vector<64xf32> to vector<64x1xf32>
    %add3A_307 = vector.broadcast %broadcast_in_dim3A_306 : vector<64x1xf32> to vector<64x128xf32>
    %add3A_308 = arith.addf %add3A_290, %add3A_307 : vector<64x128xf32>
    %get3A_309 = arith.constant 15 : index
    %get3A_310 = arith.constant 0 : index
    %get3A_311 = vector.load %arg5[%get3A_309, %get3A_310] : memref<16x128xi32, #tpu.memory_space<vmem>>, vector<1x128xi32>
    %get3A_312 = vector.shape_cast %get3A_311 : vector<1x128xi32> to vector<128xi32>
    %broadcast_in_dim3A_313 = vector.shape_cast %get3A_312 : vector<128xi32> to vector<1x128xi32>
    %broadcast_in_dim3A_314 = vector.broadcast %broadcast_in_dim3A_313 : vector<1x128xi32> to vector<64x128xi32>
    %eq3A_315 = arith.cmpi eq, %iota3A, %broadcast_in_dim3A_314 : vector<64x128xi32>
    %convert_element_type3A_316 = arith.extui %eq3A_315 : vector<64x128xi1> to vector<64x128xi32>
    %convert_element_type3A_317 = arith.sitofp %convert_element_type3A_316 : vector<64x128xi32> to vector<64x128xf32>
    %slice3A_318 = vector.extract_strided_slice %max3A_35 {offsets = [1920, 0], sizes = [128, 128], strides = [1, 1]} : vector<2048x128xf32> to vector<128x128xf32>
    %dot_general3A_319 = arith.constant dense<0.000000e+00> : vector<64x128xf32>
    %dot_general3A_320 = tpu.matmul %convert_element_type3A_317, %slice3A_318, %dot_general3A_319 {dimension_numbers = #tpu.dot_dimension_numbers<[1], [0], [0], [1], [0, 0, 1, 1], [], []>, precision = #tpu.contract_precision<fp32>, transpose_lhs_hint = false} : vector<64x128xf32>, vector<128x128xf32>, vector<64x128xf32> -> vector<64x128xf32>
    %add3A_321 = arith.addf %add3A_303, %dot_general3A_320 : vector<64x128xf32>
    %reduce_sum3A_322 = arith.constant dense<0.000000e+00> : vector<64xf32>
    %reduce_sum3A_323 = vector.multi_reduction <add>, %convert_element_type3A_317, %reduce_sum3A_322 [1] : vector<64x128xf32> to vector<64xf32>
    %broadcast_in_dim3A_324 = vector.shape_cast %reduce_sum3A_323 : vector<64xf32> to vector<64x1xf32>
    %add3A_325 = vector.broadcast %broadcast_in_dim3A_324 : vector<64x1xf32> to vector<64x128xf32>
    %add3A_326 = arith.addf %add3A_308, %add3A_325 : vector<64x128xf32>
    %get3A_327 = arith.constant 0 : index
    %get3A_328 = arith.constant 0 : index
    %get3A_329 = vector.load %arg9[%get3A_327, %get3A_328] : memref<64x128xf32, #tpu.memory_space<vmem>>, vector<64x128xf32>
    %add3A_330 = arith.addf %get3A_329, %add3A_321 : vector<64x128xf32>
    %swap3A = arith.constant 0 : index
    %swap3A_331 = arith.constant 0 : index
    %swap3A_332 = vector.load %arg9[%swap3A, %swap3A_331] : memref<64x128xf32, #tpu.memory_space<vmem>>, vector<64x128xf32>
    tpu.vector_store %arg9[%swap3A, %swap3A_331], %add3A_330 {strides = array<i32>} : memref<64x128xf32, #tpu.memory_space<vmem>>, vector<64x128xf32>,
    %get3A_333 = arith.constant 0 : index
    %get3A_334 = arith.constant 0 : index
    %get3A_335 = vector.load %arg10[%get3A_333, %get3A_334] : memref<64x128xf32, #tpu.memory_space<vmem>>, vector<64x128xf32>
    %add3A_336 = arith.addf %get3A_335, %add3A_326 : vector<64x128xf32>
    %swap3A_337 = arith.constant 0 : index
    %swap3A_338 = arith.constant 0 : index
    %swap3A_339 = vector.load %arg10[%swap3A_337, %swap3A_338] : memref<64x128xf32, #tpu.memory_space<vmem>>, vector<64x128xf32>
    tpu.vector_store %arg10[%swap3A_337, %swap3A_338], %add3A_336 {strides = array<i32>} : memref<64x128xf32, #tpu.memory_space<vmem>>, vector<64x128xf32>,
    %get3A_340 = arith.constant 0 : index
    %get3A_341 = arith.constant 0 : index
    %get3A_342 = vector.load %arg9[%get3A_340, %get3A_341] : memref<64x128xf32, #tpu.memory_space<vmem>>, vector<64x128xf32>
    %get3A_343 = arith.constant 0 : index
    %get3A_344 = arith.constant 0 : index
    %get3A_345 = vector.load %arg10[%get3A_343, %get3A_344] : memref<64x128xf32, #tpu.memory_space<vmem>>, vector<64x128xf32>
    %max3A_346 = arith.constant 1.000000e+00 : f32
    %max3A_347 = vector.broadcast %max3A_346 : f32 to vector<64x128xf32>
    %max3A_348 = arith.maximumf %get3A_345, %max3A_347 : vector<64x128xf32>
    %div3A = arith.divf %get3A_342, %max3A_348 : vector<64x128xf32>
    %get3A_349 = arith.constant 0 : index
    %get3A_350 = arith.constant 0 : index
    %get3A_351 = vector.load %arg6[%get3A_349, %get3A_350] : memref<128x10xf32, #tpu.memory_space<vmem>>, vector<128x10xf32>
    %dot_general3A_352 = arith.constant dense<0.000000e+00> : vector<64x10xf32>
    %dot_general3A_353 = tpu.matmul %div3A, %get3A_351, %dot_general3A_352 {dimension_numbers = #tpu.dot_dimension_numbers<[1], [0], [0], [1], [0, 0, 1, 1], [], []>, precision = #tpu.contract_precision<fp32>, transpose_lhs_hint = false} : vector<64x128xf32>, vector<128x10xf32>, vector<64x10xf32> -> vector<64x10xf32>
    %get3A_354 = arith.constant 0 : index
    %get3A_355 = arith.constant 0 : index
    %get3A_356 = vector.load %arg7[%get3A_354, %get3A_355] : memref<1x10xf32, #tpu.memory_space<vmem>>, vector<1x10xf32>
    %add3A_357 = vector.broadcast %get3A_356 : vector<1x10xf32> to vector<64x10xf32>
    %add3A_358 = arith.addf %dot_general3A_353, %add3A_357 : vector<64x10xf32>
    %swap3A_359 = arith.constant 0 : index
    %swap3A_360 = arith.constant 0 : index
    %swap3A_361 = vector.load %arg8[%swap3A_359, %swap3A_360] : memref<64x10xf32, #tpu.memory_space<vmem>>, vector<64x10xf32>
    tpu.vector_store %arg8[%swap3A_359, %swap3A_360], %add3A_358 {strides = array<i32>} : memref<64x10xf32, #tpu.memory_space<vmem>>, vector<64x10xf32>,
    return
  }
  func.func @transform_0(%arg0: i32) -> (i32, i32, i32) {
    %c0_i32 = arith.constant 0 : i32
    %c0_i32_0 = arith.constant 0 : i32
    %c0_i32_1 = arith.constant 0 : i32
    return %c0_i32, %arg0, %c0_i32_0 : i32, i32, i32
  }
  func.func @transform_1(%arg0: i32) -> (i32, i32) {
    %c0_i32 = arith.constant 0 : i32
    %c0_i32_0 = arith.constant 0 : i32
    return %arg0, %c0_i32 : i32, i32
  }
  func.func @transform_2(%arg0: i32) -> (i32, i32, i32) {
    %c0_i32 = arith.constant 0 : i32
    %c0_i32_0 = arith.constant 0 : i32
    %c0_i32_1 = arith.constant 0 : i32
    return %c0_i32, %arg0, %c0_i32_0 : i32, i32, i32
  }
  func.func @transform_3(%arg0: i32) -> (i32, i32) {
    %c0_i32 = arith.constant 0 : i32
    %c0_i32_0 = arith.constant 0 : i32
    %c0_i32_1 = arith.constant 0 : i32
    return %c0_i32, %c0_i32_0 : i32, i32
  }
  func.func @transform_4(%arg0: i32) -> (i32, i32) {
    %c0_i32 = arith.constant 0 : i32
    %c0_i32_0 = arith.constant 0 : i32
    return %arg0, %c0_i32 : i32, i32
  }
  func.func @transform_5(%arg0: i32) -> (i32, i32) {
    %c0_i32 = arith.constant 0 : i32
    %c0_i32_0 = arith.constant 0 : i32
    %c0_i32_1 = arith.constant 0 : i32
    return %c0_i32, %c0_i32_0 : i32, i32
  }
  func.func @transform_6(%arg0: i32) -> (i32, i32) {
    %c0_i32 = arith.constant 0 : i32
    %c0_i32_0 = arith.constant 0 : i32
    %c0_i32_1 = arith.constant 0 : i32
    return %c0_i32, %c0_i32_0 : i32, i32
  }
  func.func @transform_7(%arg0: i32) -> (i32, i32) {
    %c0_i32 = arith.constant 0 : i32
    %c0_i32_0 = arith.constant 0 : i32
    %c0_i32_1 = arith.constant 0 : i32
    return %c0_i32, %c0_i32_0 : i32, i32
  }
}

module attributes {stable_mosaic.version = 14 : i64} {
  func.func @_tca_body(%arg0: i32, %arg1: memref<2048x128xf32, #tpu.memory_space<vmem>>, %arg2: memref<128x128xf32, #tpu.memory_space<vmem>>, %arg3: memref<2x2048x128xf32, #tpu.memory_space<vmem>>, %arg4: memref<2048x128xf32, #tpu.memory_space<vmem>>) attributes {dimension_semantics = [#tpu.dimension_semantics<arbitrary>], iteration_bounds = array<i64: 5>, scalar_prefetch = 0 : i64, scratch_operands = 0 : i64, tpu.core_type = #tpu.core_type<tc>, window_params = [{transform_indices = @transform_0, window_bounds = array<i64: 2048, 128>}, {pipeline_mode = #tpu.pipeline_mode<synchronous>, transform_indices = @transform_1, window_bounds = array<i64: 128, 128>}, {transform_indices = @transform_2, window_bounds = array<i64: 2, 2048, 128>}, {transform_indices = @transform_3, window_bounds = array<i64: 2048, 128>}]} {
    %get3A = arith.constant 0 : index
    %get3A_0 = arith.constant 0 : index
    %get3A_1 = arith.constant 0 : index
    %get3A_2 = vector.load %arg3[%get3A, %get3A_0, %get3A_1] : memref<2x2048x128xf32, #tpu.memory_space<vmem>>, vector<1x2048x128xf32>
    %get3A_3 = vector.shape_cast %get3A_2 : vector<1x2048x128xf32> to vector<2048x128xf32>
    %slice3A = vector.extract_strided_slice %get3A_3 {offsets = [0, 0], sizes = [2048, 1], strides = [1, 1]} : vector<2048x128xf32> to vector<2048x1xf32>
    %get3A_4 = arith.constant 1 : index
    %get3A_5 = arith.constant 0 : index
    %get3A_6 = arith.constant 0 : index
    %get3A_7 = vector.load %arg3[%get3A_4, %get3A_5, %get3A_6] : memref<2x2048x128xf32, #tpu.memory_space<vmem>>, vector<1x2048x128xf32>
    %get3A_8 = vector.shape_cast %get3A_7 : vector<1x2048x128xf32> to vector<2048x128xf32>
    %slice3A_9 = vector.extract_strided_slice %get3A_8 {offsets = [0, 0], sizes = [2048, 1], strides = [1, 1]} : vector<2048x128xf32> to vector<2048x1xf32>
    %add3A = arith.addf %slice3A, %slice3A_9 : vector<2048x1xf32>
    %add3A_10 = arith.constant 1.000000e+00 : f32
    %add3A_11 = vector.broadcast %add3A_10 : f32 to vector<2048x1xf32>
    %add3A_12 = arith.addf %add3A, %add3A_11 : vector<2048x1xf32>
    %rsqrt3A = math.rsqrt %add3A_12 : vector<2048x1xf32>
    %get3A_13 = arith.constant 0 : index
    %get3A_14 = arith.constant 0 : index
    %get3A_15 = vector.load %arg1[%get3A_13, %get3A_14] : memref<2048x128xf32, #tpu.memory_space<vmem>>, vector<2048x128xf32>
    %get3A_16 = arith.constant 0 : index
    %get3A_17 = arith.constant 0 : index
    %get3A_18 = vector.load %arg2[%get3A_16, %get3A_17] : memref<128x128xf32, #tpu.memory_space<vmem>>, vector<128x128xf32>
    %dot_general3A = arith.constant dense<0.000000e+00> : vector<2048x128xf32>
    %dot_general3A_19 = tpu.matmul %get3A_15, %get3A_18, %dot_general3A {dimension_numbers = #tpu.dot_dimension_numbers<[1], [0], [0], [1], [0, 0, 1, 1], [], []>, precision = #tpu.contract_precision<fp32>, transpose_lhs_hint = false} : vector<2048x128xf32>, vector<128x128xf32>, vector<2048x128xf32> -> vector<2048x128xf32>
    %mul3A = vector.broadcast %rsqrt3A : vector<2048x1xf32> to vector<2048x128xf32>
    %mul3A_20 = arith.mulf %dot_general3A_19, %mul3A : vector<2048x128xf32>
    %swap3A = arith.constant 0 : index
    %swap3A_21 = arith.constant 0 : index
    %swap3A_22 = vector.load %arg4[%swap3A, %swap3A_21] : memref<2048x128xf32, #tpu.memory_space<vmem>>, vector<2048x128xf32>
    tpu.vector_store %arg4[%swap3A, %swap3A_21], %mul3A_20 {strides = array<i32>} : memref<2048x128xf32, #tpu.memory_space<vmem>>, vector<2048x128xf32>,
    return
  }
  func.func @transform_0(%arg0: i32) -> (i32, i32) {
    %c0_i32 = arith.constant 0 : i32
    %c0_i32_0 = arith.constant 0 : i32
    return %arg0, %c0_i32 : i32, i32
  }
  func.func @transform_1(%arg0: i32) -> (i32, i32) {
    %c0_i32 = arith.constant 0 : i32
    %c0_i32_0 = arith.constant 0 : i32
    %c0_i32_1 = arith.constant 0 : i32
    return %c0_i32, %c0_i32_0 : i32, i32
  }
  func.func @transform_2(%arg0: i32) -> (i32, i32, i32) {
    %c0_i32 = arith.constant 0 : i32
    %c0_i32_0 = arith.constant 0 : i32
    %c0_i32_1 = arith.constant 0 : i32
    return %c0_i32, %arg0, %c0_i32_0 : i32, i32, i32
  }
  func.func @transform_3(%arg0: i32) -> (i32, i32) {
    %c0_i32 = arith.constant 0 : i32
    %c0_i32_0 = arith.constant 0 : i32
    return %arg0, %c0_i32 : i32, i32
  }
}

</mosaic_0001>

<sc_bundles>
// kernel: kernel.11.cloned.1.call-start
scs
__scs_entry_jumppad:
0x0: {  	(pc) =	sbr.rel $0x88, $3  }
0x1: {  	(tag) =	ssettag $0x0;
	lr =	simm.s32 $0x1  }
0x2: {  	[smem:$0x3F98] =	sst lr;
	_ =	strace $0xD0000000  }
0x3: {  	_ = 	snop  }
0x4: {  	_ = 	snop  }
0x5: {  	_ = 	snop  }
0x6: {  	_ = 	snop  }
0x7: {  	_ = 	snop  }
__scs_overlays_trampoline_lowered:
0x8: {  	[smem:$0x3FA7] =	sst s0  }
0x9: {  	[smem:$0x3FA8] =	sst s1  }
0xa: {  	[smem:$0x3FA9] =	sst s2  }
0xb: {  	[smem:$0x3FAA] =	sst s3  }
0xc: {  	[smem:$0x3FAB] =	sst s4  }
0xd: {  	[smem:$0x3FAC] =	sst s5  }
0xe: {  	[smem:$0x3FAD] =	sst s6  }
0xf: {  	[smem:$0x3FAE] =	sst s7  }
0x10: {  	[smem:$0x3FAF] =	sst s8  }
0x11: {  	[smem:$0x3FB0] =	sst s9;
	s0 =	simm.s32 @!p0 $0x0  }
0x12: {  	s1 =	sld [smem:$0x3F96];
	s0 =	simm.s32 @p0 $0x1  }
0x13: {  	[smem:$0x3FB1] =	sst s0;
	s0 =	simm.s32 @!p1 $0x0  }
0x14: {  	s2 =	sld [smem:$0x3F95];
	s0 =	simm.s32 @p1 $0x1  }
0x15: {  	[smem:$0x3FB2] =	sst s0;
	s0 =	simm.s32 @!p2 $0x0  }
0x16: {  	s3 =	sld [smem:$0x3FDB];
	s0 =	simm.s32 @p2 $0x1  }
0x17: {  	s4 =	simm.s32 $0x1BF5;
	[smem:$0x3FB4] =	sst s0  }
0x18: {  	s0 =	sld [smem:$0x3F97];
	_ =	swait.ge [sflag:s4], $0x0  }
0x19: {  	s7 =	sld [smem:$0x3F98]  }
0x1a: {  	s8 =	sadd.s32 $0xFFFFE003, lr  }
0x1b: {  	s9 =	sadd.s32 $0xFFFFFEF7, lr;
	s5 =	simm.s32 $0xFFFFFFFF;
	p2 =	slt.u32 s8, $0xFFFFF086  }
0x1c: {  	p1 =	slt.u32 s9, $0xF7A;
	s5 =	simm.s32 @!p2 $0x0  }
0x1d: {  	s5 =	simm.s32 @p1 $0x1;
	p0 =	seq.s32 s7, s2  }
0x1e: {  	s7 =	smul.u32 @!p0 $0xF7A, s2;
	p2 =	seq.s32 @!p0 s5, $0x0  }
0x1f: {  	s9 =	smul.u32 $0xF7A, s1;
	s8 =	simm.s32 @!p0 $0x1BF5;
	p2 =	por !p2, p0  }
0x20: {  	[sflag:s8] =	ssyncset.s32 @!p0 $0xFFFFF086;
	s6 =	sadd.s32 @!p0 s3, s7;
	s7 =	simm.s32 @!p0 $0x108  }
0x21: {  	s3 =	sadd.s32 s3, s9;
	s6 =	sadd.s32 @!p0 $0x88, s6;
	s7 =	simm.s32 @p2 $0x1082  }
0x22: {  	[simem:s7], [sflag:s8] =	dma.local @!p0 [hbm:s6], $0xF7A  }
0x23: {  	s9 =	sor.u32 $0xD0000000, s2;
	s6 =	simm.s32 $0x108;
	_ =	swait.ge @!p0 [sflag:s8], $0x0  }
0x24: {  	s3 =	sadd.s32 $0x88, s3;
	s6 =	simm.s32 @!p1 $0x1082;
	[sflag:s4] =	ssyncset.s32 $0xFFFFF086  }
0x25: {  	[simem:s6], [sflag:s4] =	dma.local [hbm:s3], $0xF7A  }
0x26: {  	[smem:$0x3F98] =	sst s1;
	(tag) =	ssettag s2;
	_ =	strace s9  }
0x27: {  	s1 =	sld [smem:$0x3FA8]  }
0x28: {  	s2 =	sld [smem:$0x3FA9]  }
0x29: {  	s4 =	sld [smem:$0x3FAB]  }
0x2a: {  	p0 =	seq.s32 s5, $0x0;
	s5 =	sld [smem:$0x3FAC]  }
0x2b: {  	s6 =	sld [smem:$0x3FAD]  }
0x2c: {  	s7 =	sld [smem:$0x3FAE]  }
0x2d: {  	s3 =	simm.s32 $0x108;
	s8 =	sld [smem:$0x3FAF]  }
0x2e: {  	s3 =	simm.s32 @!p0 $0x1082;
	s9 =	sld [smem:$0x3FB0]  }
0x2f: {  	lr =	sadd.s32 s0, s3;
	s0 =	sld [smem:$0x3FA7]  }
0x30: {  	s3 =	sld [smem:$0x3FAA]  }
0x31: {  	[smem:$0x3FB3] =	sst s10  }
0x32: {  	s10 =	sld [smem:$0x3FB1];
	_ =	sdelay $0x3  }
0x33: {  	p0 =	seq.s32 s10, $0x1;
	s10 =	sld [smem:$0x3FB3];
	_ =	sdelay $0x3  }
0x34: {  	[smem:$0x3FB3] =	sst s10  }
0x35: {  	s10 =	sld [smem:$0x3FB2];
	_ =	sdelay $0x3  }
0x36: {  	p1 =	seq.s32 s10, $0x1;
	s10 =	sld [smem:$0x3FB3];
	_ =	sdelay $0x3  }
0x37: {  	[smem:$0x3FB3] =	sst s10  }
0x38: {  	s10 =	sld [smem:$0x3FB4]  }
0x39: {  	_ = 	snop;
	(pc) =	sbr.ind lr, $3  }
0x3a: {  	_ = 	snop  }
0x3b: {  	_ = 	snop  }
0x3c: {  	p2 =	seq.s32 s10, $0x1;
	s10 =	sld [smem:$0x3FB3]  }
0x3d: {  	_ =	shalt  }
0x3e: {  	_ =	shalt  }
0x3f: {  	_ =	shalt  }
0x40: {  	_ =	shalt  }
0x41: {  	_ =	shalt  }
0x42: {  	_ =	shalt  }
0x43: {  	_ =	shalt  }
0x44: {  	_ =	shalt  }
0x45: {  	_ =	shalt  }
0x46: {  	_ =	shalt  }
0x47: {  	_ =	shalt  }
0x48: {  	_ =	shalt  }
0x49: {  	_ =	shalt  }
0x4a: {  	_ =	shalt  }
0x4b: {  	_ =	shalt  }
0x4c: {  	_ =	shalt  }
0x4d: {  	_ =	shalt  }
0x4e: {  	_ =	shalt  }
0x4f: {  	_ =	shalt  }
0x50: {  	_ =	shalt  }
0x51: {  	_ =	shalt  }
0x52: {  	_ =	shalt  }
0x53: {  	_ =	shalt  }
0x54: {  	_ =	shalt  }
0x55: {  	_ =	shalt  }
0x56: {  	_ =	shalt  }
0x57: {  	_ =	shalt  }
0x58: {  	_ =	shalt  }
0x59: {  	_ =	shalt  }
0x5a: {  	_ =	shalt  }
0x5b: {  	_ =	shalt  }
0x5c: {  	_ =	shalt  }
0x5d: {  	_ =	shalt  }
0x5e: {  	_ =	shalt  }
0x5f: {  	_ =	shalt  }
0x60: {  	_ =	shalt  }
0x61: {  	_ =	shalt  }
0x62: {  	_ =	shalt  }
0x63: {  	_ =	shalt  }
0x64: {  	_ =	shalt  }
0x65: {  	_ =	shalt  }
0x66: {  	_ =	shalt  }
0x67: {  	_ =	shalt  }
0x68: {  	_ =	shalt  }
0x69: {  	_ =	shalt  }
0x6a: {  	_ =	shalt  }
0x6b: {  	_ =	shalt  }
0x6c: {  	_ =	shalt  }
0x6d: {  	_ =	shalt  }
0x6e: {  	_ =	shalt  }
0x6f: {  	_ =	shalt  }
0x70: {  	_ =	shalt  }
0x71: {  	_ =	shalt  }
0x72: {  	_ =	shalt  }
0x73: {  	_ =	shalt  }
0x74: {  	_ =	shalt  }
0x75: {  	_ =	shalt  }
0x76: {  	_ =	shalt  }
0x77: {  	_ =	shalt  }
0x78: {  	_ =	shalt  }
0x79: {  	_ =	shalt  }
0x7a: {  	_ =	shalt  }
0x7b: {  	_ =	shalt  }
0x7c: {  	_ =	shalt  }
0x7d: {  	_ =	shalt  }
0x7e: {  	_ =	shalt  }
0x7f: {  	_ =	shalt  }
0x80: {  	_ =	shalt  }
0x81: {  	_ =	shalt  }
0x82: {  	_ =	shalt  }
0x83: {  	_ =	shalt  }
0x84: {  	_ =	shalt  }
0x85: {  	_ =	shalt  }
0x86: {  	_ =	shalt  }
0x87: {  	_ =	shalt  }
.Lfunc_end0:
.L_simem_size_0:
called_computation.1_lowered:
.L_overlay_start_0:
0x88: {  	s2 =	sld [smem:$0x3FD9]  }
0x89: {  	s3 =	sld [smem:$0x3FFE];
	_ =	sdelay $0x1  }
0x8a: {  	s1 =	srdreg.scid  }
0x8b: {  	s0 =	sand.u32 $0x1, s1  }
0x8c: {  	s16 =	sshll.u32 s0, $0xA;
	s2 =	sadd.s32 s3, s2  }
0x8d: {  	s2 =	sadd.s32 s2, s16  }
0x8e: {  	[smem:$0x3FBF] =	sst s2  }
0x8f: {  	_ = 	snop  }
0x90: {  	(tm) =	ssettm $0x1  }
0x91: {  	s17 =	sld [smem:$0x3FFB];
	_ =	sdelay $0x3  }
0x92: {  	_ =	strace s17  }
0x93: {  	s2 =	sld [smem:$0x3FFC];
	_ =	sdelay $0x3  }
0x94: {  	_ =	strace s2  }
0x95: {  	s2 =	sld [smem:$0x3FFD];
	_ =	sdelay $0x3  }
0x96: {  	_ =	strace s2  }
0x97: {  	_ =	strace $0x8FFFFFFF  }
0x98: {  	s18 =	sld [smem:$0x3FDB];
	_ =	sdelay $0x1  }
0x99: {  	s19 =	simm.s32 $_scs_section_size  }
0x9a: {  	s4 =	simm.s32 $_size__tile_overlayer_lowered;
	s5 =	simm.s32 $_tile_overlayer_lowered  }
0x9b: {  	s22 =	simm.s32 $0x1BFF;
	s21 =	sshll.u32 s5, $0x1;
	s2 =	sadd.s32 s19, s18  }
0x9c: {  	s6 =	simm.s32 $0x0;
	s20 =	sshll.u32 s4, $0x1;
	s4 =	sadd.s32 s21, s2  }
0x9d: {  	[timem:s6], [sflag:s22] =	dma.local [hbm:s4], s20  }
0x9e: {  	_ =	swait.ge [sflag:s22], s20  }
0x9f: {  	s3 =	ssub.s32 $0x0, s20;
	[sflag:s22] =	ssyncset.done $0x0  }
0xa0: {  	[sflag:s22] =	ssyncadd.s32 s3;
	_ =	sdelay $0x1  }
0xa1: {  	s23 =	simm.s32 $0x1B8B  }
0xa2: {  	_ =	swait.ge [sflag:s23], $0x1  }
0xa3: {  	[sflag:s23] =	ssyncset.done $0x0  }
0xa4: {  	s25 =	simm.s32 $0x1B8E;
	s24 =	sld [smem:$0x3FFE];
	[sflag:s23] =	ssyncadd.s32 $0xFFFFFFFF  }
0xa5: {  	s26 =	simm.s32 $execute0_lowered;
	[smem:$0x3FD2] =	sst s25  }
0xa6: {  	s4 =	sshll.u32 s26, $0x1;
	_ =	strace $0x80000049;
	[dreg:$0x1] =	wrdreg $0xFFFFFFFF  }
0xa7: {  	s28 =	simm.s32 $_size_execute0_lowered;
	s2 =	sadd.s32 s2, s4;
	[dreg:$0x0] =	wrdreg $0x0  }
0xa8: {  	s4 =	sshll.u32 s28, $0x1;
	[dreg:$0x2] =	wrdreg s2  }
0xa9: {  	[dreg:$0x3] =	wrdreg s4  }
0xaa: {  	[dreg:$0x4] =	wrdreg $0xC0  }
0xab: {  	_ =	task [dreg:s6], $0x5FFFF  }
0xac: {  	[dreg:$0x1] =	wrdreg $0xFFFFFFFF  }
0xad: {  	[dreg:$0x0] =	wrdreg $0x60  }
0xae: {  	[dreg:$0x2] =	wrdreg s24  }
0xaf: {  	[dreg:$0x3] =	wrdreg $0xA8000  }
0xb0: {  	[dreg:$0x4] =	wrdreg $0x9  }
0xb1: {  	_ =	task.clear_ibuf [dreg:s6], $0x5FFFF;
	_ =	strace $0x90000049  }
0xb2: {  	s29 =	simm.s32 $0x9;
	_ =	strace $0x8000004B  }
0xb3: {  	_ =	swait.ge [sflag:s29], $0x1  }
0xb4: {  	[sflag:s29] =	ssyncadd.s32 $0xFFFFFFFF  }
0xb5: {  	_ =	strace $0x9000004B  }
0xb6: {  	_ =	sfence  }
0xb7: {  	s30 =	sld [smem:$0x0];
	_ =	sdelay $0x2  }
0xb8: {  	s31 =	sshll.u32 s1, $0xD;
	s1 =	sshrl.u32 s1, $0x2  }
0xb9: {  	s3 =	sand.u32 $0x4000, s31;
	s1 =	sadd.s32 s1, s30  }
0xba: {  	s0 =	sor.u32 s3, s0;
	s1 =	sshll.u32 s1, $0x11  }
0xbb: {  	s0 =	sor.u32 s1, s0  }
0xbc: {  	s0 =	sadd.s32 $0x8F2B, s0  }
0xbd: {  	[sflag:s0] =	ssyncadd.remote.s32 $0x1  }
0xbe: {  	_ =	sfence.sel $0xFFFF  }
0xbf: {  	[dreg:$0x0] =	wrdreg $0xFFFFFFFF;
	(pc) =	sbr.abs _section_cstart, $3  }
0xc0: {  	[dreg:$0x1] =	wrdreg $0xFFFFFFFF  }
0xc1: {  	_ =	task.clear_ibuf [dreg:s6], $0x2FFFF;
	_ =	strace $0x9FFFFFFF  }
0xc2: {  	(tm) =	ssettm $0x7FFFFFFF  }
0xc3: {  	_ =	shalt  }
tec
execute0_lowered:
.L_overlay_start_1:
0x0: {  	(tag) =	ssettag $0x1  }
0x1: {  	s0 =	rddreg [dreg:$0x0]  }
0x2: {  	s1 =	rddreg [dreg:$0x1]  }
0x3: {  	s2 =	srdreg.scid;
	s3 =	simm.s32 $0x0;
	s10 =	stileid.u32  }
0x4: {  	s15 =	simm.s32 $0x2800;
	s16 =	simm.s32 $0x5;
	s17 =	simm.s32 $0x1400  }
0x5: {  	s18 =	simm.s32 $0x80;
	s19 =	simm.s32 $0x6800;
	s20 =	simm.s32 $0x1  }
0x6: {  	s21 =	simm.s32 $0x3;
	s22 =	simm.s32 $0x100;
	s23 =	simm.s32 $0x2  }
0x7: {  	s24 =	simm.s32 $0x1480;
	s28 =	simm.s32 $0x2700;
	s29 =	simm.s32 $0x2780  }
0x8: {  	s30 =	simm.s32 $0x0;
	s2 =	sand.u32 $0x1, s2;
	s6 =	smul.u32 $0x14000, s10  }
0x9: {  	[smem:$0x7FF] =	sst s3;
	s4 =	sadd.s32 $0x7B600, s0;
	s8 =	smul.u32 $0x50000, s10  }
0xa: {  	s10 =	sshll.u32 s10, $0x1;
	s5 =	smul.u32 $0x140000, s2;
	_ =	strace $0x8000004A  }
0xb: {  	s9 =	ssub.s32 $0x2, s2;
	s2 =	sor.u32 s2, s10;
	s25 =	sshrl.u32 s8, $0x2  }
0xc: {  	s26 =	sshrl.u32 s9, $0x1;
	s12 =	smul.u32 $0x5000, s2;
	s7 =	sadd.s32 s6, s5  }
0xd: {  	s5 =	sadd.s32 $0x3600, s0;
	s6 =	sadd.s32 $0x17600, s0;
	s14 =	ssub.s32 s9, s26  }
0xe: {  	s26 =	simm.s32 $0x1380;
	s7 =	sshrl.u32 s7, $0x3;
	s14 =	smax.u32 s14, $0x1  }
0xf: {  	s0 =	sadd.s32 s7, s0;
	s7 =	sadd.s32 s25, s1;
	s25 =	simm.s32 $0x4  }
0x10: {  	s31 =	sadd.s32 $0x4000, s7;
	s9 =	sadd.s32 $0x8000, s7;
	s10 =	sadd.s32 $0xC000, s7  }
0x11: {  	v0 =	vimm.f32 $0.0e+00;
	s11 =	sadd.s32 $0x10000, s7;
	s13 =	sadd.s32 $0xA3600, s0;
	[dreg:$0x3] =	wrdreg s31  }
.LBB2_1:
0x12: {  	s0 =	simm.s32 $0x0;
	s31 =	simm.s32 $0x200  }
.LBB2_2:
0x13: {  	p0 =	sne.s32 s31, $0xFE00;
	[tilespmem:s0+$0x2870] =	vst v0  }
0x14: {  	[tilespmem:s0+$0x2800] =	vst v0  }
0x15: {  	[tilespmem:s0+$0x2810] =	vst v0  }
.Ltmp0:
0x16: {  	[tilespmem:s0+$0x2820] =	vst v0;
	(pc) =	sbr.rel @p0 .LBB2_2-.Ltmp0, $4  }
0x17: {  	[tilespmem:s0+$0x2830] =	vst v0  }
0x18: {  	[tilespmem:s0+$0x2840] =	vst v0  }
0x19: {  	[tilespmem:s0+$0x2850] =	vst v0  }
0x1a: {  	[tilespmem:s0+$0x2860] =	vst v0;
	s0 =	sshra.s32 s31, $0x2;
	s31 =	sadd.s32 $0x200, s31  }
0x1b: {  	[tilespmem:s0+$0x2870] =	vst v0  }
0x1c: {  	[tilespmem:s0+$0x2800] =	vst v0  }
0x1d: {  	[tilespmem:s0+$0x2810] =	vst v0  }
0x1e: {  	[tilespmem:s0+$0x2820] =	vst v0  }
0x1f: {  	[tilespmem:s0+$0x2830] =	vst v0  }
0x20: {  	[tilespmem:s0+$0x2840] =	vst v0  }
0x21: {  	[tilespmem:s0+$0x2850] =	vst v0  }
0x22: {  	[tilespmem:s0+$0x2860] =	vst v0  }
0x23: {  	[spmem:s7] =	stream.linear.scatter [tilespmem:s15], [sflag:$0x5], $0x4000, $0x38;
	[tilespmem:$0x1E800] =	vst v63  }
0x24: {  	_ =	swait.ge [sflag:s16], $0x4000  }
0x25: {  	[sflag:s16] =	ssyncset.done $0x0  }
0x26: {  	s8 =	rddreg [dreg:$0x3];
	[sflag:s16] =	ssyncadd.s32 $0xFFFFC000  }
0x27: {  	[spmem:s8] =	stream.linear.scatter [tilespmem:s15], [sflag:$0x5], $0x4000, $0x38;
	[tilespmem:$0x1E800] =	vst v63  }
0x28: {  	_ =	swait.ge [sflag:s16], $0x4000  }
0x29: {  	[sflag:s16] =	ssyncset.done $0x0  }
0x2a: {  	[sflag:s16] =	ssyncadd.s32 $0xFFFFC000  }
0x2b: {  	[spmem:s9] =	stream.linear.scatter [tilespmem:s15], [sflag:$0x5], $0x4000, $0x38;
	[tilespmem:$0x1E800] =	vst v63  }
0x2c: {  	_ =	swait.ge [sflag:s16], $0x4000  }
0x2d: {  	[sflag:s16] =	ssyncset.done $0x0  }
0x2e: {  	[sflag:s16] =	ssyncadd.s32 $0xFFFFC000  }
0x2f: {  	[spmem:s10] =	stream.linear.scatter [tilespmem:s15], [sflag:$0x5], $0x4000, $0x38;
	[tilespmem:$0x1E800] =	vst v63  }
0x30: {  	_ =	swait.ge [sflag:s16], $0x4000  }
0x31: {  	[sflag:s16] =	ssyncset.done $0x0  }
0x32: {  	[sflag:s16] =	ssyncadd.s32 $0xFFFFC000  }
0x33: {  	[spmem:s11] =	stream.linear.scatter [tilespmem:s15], [sflag:$0x5], $0x4000, $0x38;
	[tilespmem:$0x1E800] =	vst v63  }
0x34: {  	_ =	swait.ge [sflag:s16], $0x4000  }
0x35: {  	[sflag:s16] =	ssyncset.done $0x0  }
0x36: {  	[sflag:s16] =	ssyncadd.s32 $0xFFFFC000  }
0x37: {  	s31 =	simm.s32 $0x0;
	[bflag:$0x0] =	sbarrier.arrive $0xFFFF  }
.LBB2_4:
0x38: {  	p0 =	seq.s32 s31, $0x0  }
0x39: {  	s0 =	simm.s32 @!p0 $0x3  }
0x3a: {  	_ =	swait.ge @!p0 [sflag:s0], $0x4000  }
0x3b: {  	s2 =	smul.u32 $0x1400, s31;
	[sflag:s0] =	ssyncset.done @!p0 $0x0  }
0x3c: {  	[sflag:s0] =	ssyncadd.s32 @!p0 $0xFFFFC000;
	s0 =	simm.s32 @!p0 $0x4  }
0x3d: {  	s2 =	sadd.s32 s12, s2;
	_ =	swait.ge @!p0 [sflag:s0], $0x4000  }
0x3e: {  	s2 =	sshrl.u32 s2, $0x3;
	[sflag:s0] =	ssyncset.done @!p0 $0x0  }
0x3f: {  	s8 =	sadd.s32 s5, s2;
	[sflag:s0] =	ssyncadd.s32 @!p0 $0xFFFFC000  }
0x40: {  	[tilespmem:s3], [sflag:$0x5] =	stream.linear.gather [hbm4b:s8+s3], $0x1400, $0x38;
	[tilespmem:$0x1E800] =	vst v63  }
0x41: {  	_ =	swait.ge [sflag:s16], $0x1400  }
0x42: {  	[sflag:s16] =	ssyncset.done $0x0  }
0x43: {  	s2 =	sadd.s32 s6, s2;
	[sflag:s16] =	ssyncadd.s32 $0xFFFFEC00  }
0x44: {  	[tilespmem:s17], [sflag:$0x5] =	stream.linear.gather [hbm4b:s2+s3], $0x1400, $0x38;
	[tilespmem:$0x1E800] =	vst v63  }
0x45: {  	_ =	swait.ge [sflag:s16], $0x1400  }
0x46: {  	[sflag:s16] =	ssyncset.done $0x0  }
0x47: {  	[sflag:s16] =	ssyncadd.s32 $0xFFFFEC00  }
0x48: {  	[tilespmem:s15], [sflag:$0x1] =	stream.indirect.gather [hbm4b:s4+s18], $0x80, s3, s18, $0xb8;
	[tilespmem:$0x1E800] =	vst v63  }
0x49: {  	_ = 	snop  }
0x4a: {  	[tilespmem:s19], [sflag:$0x2] =	stream.indirect.gather [hbm4b:s4+s18], $0x80, s18, s18, $0xb8;
	[tilespmem:$0x1E800] =	vst v63  }
0x4b: {  	_ =	swait.ge [sflag:s20], $0x4000  }
0x4c: {  	[sflag:s20] =	ssyncset.done $0x0  }
0x4d: {  	[sflag:s20] =	ssyncadd.s32 $0xFFFFC000  }
0x4e: {  	[spmem:s1] =	stream.indirect.scatter.add.f32 [tilespmem:s15], [sflag:$0x3], $0x80, s17, s18, $0xb8;
	[tilespmem:$0x1E800] =	vst v63  }
0x4f: {  	_ =	swait.ge [sflag:s21], $0x4000  }
0x50: {  	[sflag:s21] =	ssyncset.done $0x0  }
0x51: {  	[sflag:s21] =	ssyncadd.s32 $0xFFFFC000  }
0x52: {  	[tilespmem:s15], [sflag:$0x1] =	stream.indirect.gather [hbm4b:s4+s18], $0x80, s22, s18, $0xb8;
	[tilespmem:$0x1E800] =	vst v63  }
0x53: {  	_ =	swait.ge [sflag:s23], $0x4000  }
0x54: {  	[sflag:s23] =	ssyncset.done $0x0  }
0x55: {  	[sflag:s23] =	ssyncadd.s32 $0xFFFFC000  }
0x56: {  	[spmem:s1] =	stream.indirect.scatter.add.f32 [tilespmem:s19], [sflag:$0x4], $0x80, s24, s18, $0xb8;
	[tilespmem:$0x1E800] =	vst v63  }
0x57: {  	_ =	swait.ge [sflag:s25], $0x4000  }
0x58: {  	[sflag:s25] =	ssyncset.done $0x0  }
0x59: {  	s8 =	simm.s32 $0x180;
	[sflag:s25] =	ssyncadd.s32 $0xFFFFC000  }
0x5a: {  	[tilespmem:s19], [sflag:$0x2] =	stream.indirect.gather [hbm4b:s4+s18], $0x80, s8, s18, $0xb8;
	[tilespmem:$0x1E800] =	vst v63  }
0x5b: {  	_ =	swait.ge [sflag:s20], $0x4000  }
0x5c: {  	[sflag:s20] =	ssyncset.done $0x0  }
0x5d: {  	s2 =	simm.s32 $0x1500;
	[sflag:s20] =	ssyncadd.s32 $0xFFFFC000  }
0x5e: {  	[spmem:s1] =	stream.indirect.scatter.add.f32 [tilespmem:s15], [sflag:$0x3], $0x80, s2, s18, $0xb8;
	[tilespmem:$0x1E800] =	vst v63  }
0x5f: {  	_ =	swait.ge [sflag:s21], $0x4000  }
0x60: {  	[sflag:s21] =	ssyncset.done $0x0  }
0x61: {  	s8 =	simm.s32 $0x200;
	[sflag:s21] =	ssyncadd.s32 $0xFFFFC000  }
0x62: {  	[tilespmem:s15], [sflag:$0x1] =	stream.indirect.gather [hbm4b:s4+s18], $0x80, s8, s18, $0xb8;
	[tilespmem:$0x1E800] =	vst v63  }
0x63: {  	_ =	swait.ge [sflag:s23], $0x4000  }
0x64: {  	[sflag:s23] =	ssyncset.done $0x0  }
0x65: {  	s0 =	simm.s32 $0xFFFFBC00;
	s2 =	simm.s32 $0x1580;
	[sflag:s23] =	ssyncadd.s32 $0xFFFFC000  }
.LBB2_5:
0x66: {  	[spmem:s1] =	stream.indirect.scatter.add.f32 [tilespmem:s19], [sflag:$0x4], $0x80, s2, s18, $0xb8;
	[tilespmem:$0x1E800] =	vst v63  }
0x67: {  	s2 =	smov.u32 s0  }
0x68: {  	p0 =	sne.s32 s0, $0xFFFFFC00;
	s0 =	sadd.s32 $0x400, s0;
	_ =	swait.ge [sflag:s25], $0x4000  }
0x69: {  	s2 =	sshra.s32 s2, $0x2;
	[sflag:s25] =	ssyncset.done $0x0  }
0x6a: {  	s8 =	sadd.s32 $0x1380, s2;
	[sflag:s25] =	ssyncadd.s32 $0xFFFFC000  }
0x6b: {  	[tilespmem:s19], [sflag:$0x2] =	stream.indirect.gather [hbm4b:s4+s18], $0x80, s8, s18, $0xb8;
	[tilespmem:$0x1E800] =	vst v63  }
0x6c: {  	_ =	swait.ge [sflag:s20], $0x4000  }
0x6d: {  	[sflag:s20] =	ssyncset.done $0x0  }
0x6e: {  	s8 =	sadd.s32 $0x2700, s2;
	[sflag:s20] =	ssyncadd.s32 $0xFFFFC000  }
0x6f: {  	[spmem:s1] =	stream.indirect.scatter.add.f32 [tilespmem:s15], [sflag:$0x3], $0x80, s8, s18, $0xb8;
	[tilespmem:$0x1E800] =	vst v63  }
0x70: {  	_ =	swait.ge [sflag:s21], $0x4000  }
0x71: {  	[sflag:s21] =	ssyncset.done $0x0  }
.Ltmp1:
0x72: {  	s8 =	sadd.s32 $0x1400, s2;
	[sflag:s21] =	ssyncadd.s32 $0xFFFFC000;
	(pc) =	sbr.rel @p0 .LBB2_5-.Ltmp1, $4  }
0x73: {  	[tilespmem:s15], [sflag:$0x1] =	stream.indirect.gather [hbm4b:s4+s18], $0x80, s8, s18, $0xb8;
	[tilespmem:$0x1E800] =	vst v63  }
0x74: {  	_ =	swait.ge [sflag:s23], $0x4000  }
0x75: {  	[sflag:s23] =	ssyncset.done $0x0  }
0x76: {  	s2 =	sadd.s32 $0x2780, s2;
	[sflag:s23] =	ssyncadd.s32 $0xFFFFC000  }
0x77: {  	[spmem:s1] =	stream.indirect.scatter.add.f32 [tilespmem:s19], [sflag:$0x4], $0x80, s2, s18, $0xb8;
	[tilespmem:$0x1E800] =	vst v63  }
0x78: {  	_ =	swait.ge [sflag:s25], $0x4000  }
0x79: {  	[sflag:s25] =	ssyncset.done $0x0  }
0x7a: {  	[sflag:s25] =	ssyncadd.s32 $0xFFFFC000  }
0x7b: {  	[tilespmem:s19], [sflag:$0x2] =	stream.indirect.gather [hbm4b:s4+s18], $0x80, s26, s18, $0xb8;
	[tilespmem:$0x1E800] =	vst v63  }
0x7c: {  	_ =	swait.ge [sflag:s20], $0x4000  }
0x7d: {  	s31 =	sadd.s32 $0x1, s31;
	[sflag:s20] =	ssyncset.done $0x0  }
0x7e: {  	p0 =	sne.s32 s31, $0x4;
	[sflag:s20] =	ssyncadd.s32 $0xFFFFC000  }
0x7f: {  	[spmem:s1] =	stream.indirect.scatter.add.f32 [tilespmem:s15], [sflag:$0x3], $0x80, s28, s18, $0xb8;
	[tilespmem:$0x1E800] =	vst v63  }
.Ltmp2:
0x80: {  	_ = 	snop;
	(pc) =	sbr.rel @p0 .LBB2_4-.Ltmp2, $4  }
0x81: {  	_ =	swait.ge [sflag:s23], $0x4000  }
0x82: {  	[sflag:s23] =	ssyncset.done $0x0  }
0x83: {  	[sflag:s23] =	ssyncadd.s32 $0xFFFFC000  }
0x84: {  	[spmem:s1] =	stream.indirect.scatter.add.f32 [tilespmem:s19], [sflag:$0x4], $0x80, s29, s18, $0xb8;
	[tilespmem:$0x1E800] =	vst v63  }
0x85: {  	_ =	swait.ge [sflag:s21], $0x4000  }
0x86: {  	[sflag:s21] =	ssyncset.done $0x0  }
0x87: {  	[sflag:s21] =	ssyncadd.s32 $0xFFFFC000  }
0x88: {  	s0 =	stileid.u32;
	_ =	swait.ge [sflag:s25], $0x4000  }
0x89: {  	s2 =	sshrl.u32 s7, $0x3;
	s30 =	sadd.s32 $0x1, s30;
	[sflag:s25] =	ssyncset.done $0x0  }
0x8a: {  	s0 =	sshll.u32 s0, $0x6;
	p0 =	sne.s32 s30, s14;
	[sflag:s25] =	ssyncadd.s32 $0xFFFFC000  }
.Ltmp3:
0x8b: {  	s0 =	sor.u32 $0x1C05, s0;
	[bflag:$0x0] =	sbarrier.arrive $0xFFFF;
	(pc) =	sbr.rel @p0 .LBB2_1-.Ltmp3, $4  }
0x8c: {  	[hbm:s13], [sflag:s0] =	dma.local [spmem:s2], $0x2800  }
0x8d: {  	_ =	swait.ge [sflag:s16], $0x2800  }
0x8e: {  	[sflag:s16] =	ssyncset.done $0x0  }
0x8f: {  	[sflag:s16] =	ssyncadd.s32 $0xFFFFD800  }
0x90: {  	_ =	sfence.sel $0x180000  }
0x91: {  	[bflag:$0x0] =	sbarrier.arrive $0xFFFF  }
0x92: {  	_ =	strace $0x9000004A  }
0x93: {  	s0 =	stileid.u32;
	[bflag:$0x2] =	sbarrier.arrive $0xFFFF  }
0x94: {  	p0 =	sne.s32 s0, $0x0;
	s0 =	rddreg [dreg:$0x2]  }
0x95: {  	s0 =	sadd.s32 @!p0 $0x100000, s0  }
0x96: {  	[sflag:s0] =	ssyncadd.tile.s32 @!p0 $0x1;
	_ =	shalt  }
.Lfunc_end2:
_tile_overlayer_lowered:
.L_overlay_start_2:
0x97: {  	(tag) =	ssettag $0x2  }
0x98: {  	s0 =	rddreg [dreg:$0x0];
	s2 =	stileid.u32  }
0x99: {  	s1 =	rddreg [dreg:$0x1];
	p0 =	sne.s32 s2, $0x0  }
0x9a: {  	s3 =	rddreg [dreg:$0x2];
	[bflag:$0x3] =	sbarrier.arrive $0xFFFF;
	s2 =	simm.s32 @!p0 $0x1C05  }
0x9b: {  	[timem:s3], [sflag:s2] =	dma.local @!p0 [hbm:s0], s1  }
0x9c: {  	s0 =	simm.s32 @!p0 $0x5  }
0x9d: {  	_ =	swait.ge @!p0 [sflag:s0], s1  }
0x9e: {  	s1 =	ssub.s32 @!p0 $0x0, s1;
	[sflag:s0] =	ssyncset.done @!p0 $0x0  }
0x9f: {  	[sflag:s0] =	ssyncadd.s32 @!p0 s1  }
0xa0: {  	[bflag:$0x3] =	sbarrier.arrive $0xFFFF  }
0xa1: {  	_ =	shalt  }

// kernel: kernel.14.cloned.1.call-start
scs
__scs_entry_jumppad:
0x0: {  	(pc) =	sbr.rel $0x88, $3  }
0x1: {  	(tag) =	ssettag $0x0;
	lr =	simm.s32 $0x1  }
0x2: {  	[smem:$0x3F98] =	sst lr;
	_ =	strace $0xD0000000  }
0x3: {  	_ = 	snop  }
0x4: {  	_ = 	snop  }
0x5: {  	_ = 	snop  }
0x6: {  	_ = 	snop  }
0x7: {  	_ = 	snop  }
__scs_overlays_trampoline_lowered:
0x8: {  	[smem:$0x3FA7] =	sst s0  }
0x9: {  	[smem:$0x3FA8] =	sst s1  }
0xa: {  	[smem:$0x3FA9] =	sst s2  }
0xb: {  	[smem:$0x3FAA] =	sst s3  }
0xc: {  	[smem:$0x3FAB] =	sst s4  }
0xd: {  	[smem:$0x3FAC] =	sst s5  }
0xe: {  	[smem:$0x3FAD] =	sst s6  }
0xf: {  	[smem:$0x3FAE] =	sst s7  }
0x10: {  	[smem:$0x3FAF] =	sst s8  }
0x11: {  	[smem:$0x3FB0] =	sst s9;
	s0 =	simm.s32 @!p0 $0x0  }
0x12: {  	s1 =	sld [smem:$0x3F96];
	s0 =	simm.s32 @p0 $0x1  }
0x13: {  	[smem:$0x3FB1] =	sst s0;
	s0 =	simm.s32 @!p1 $0x0  }
0x14: {  	s2 =	sld [smem:$0x3F95];
	s0 =	simm.s32 @p1 $0x1  }
0x15: {  	[smem:$0x3FB2] =	sst s0;
	s0 =	simm.s32 @!p2 $0x0  }
0x16: {  	s3 =	sld [smem:$0x3FDB];
	s0 =	simm.s32 @p2 $0x1  }
0x17: {  	s4 =	simm.s32 $0x1BF5;
	[smem:$0x3FB4] =	sst s0  }
0x18: {  	s0 =	sld [smem:$0x3F97];
	_ =	swait.ge [sflag:s4], $0x0  }
0x19: {  	s7 =	sld [smem:$0x3F98]  }
0x1a: {  	s8 =	sadd.s32 $0xFFFFE003, lr  }
0x1b: {  	s9 =	sadd.s32 $0xFFFFFEF7, lr;
	s5 =	simm.s32 $0xFFFFFFFF;
	p2 =	slt.u32 s8, $0xFFFFF086  }
0x1c: {  	p1 =	slt.u32 s9, $0xF7A;
	s5 =	simm.s32 @!p2 $0x0  }
0x1d: {  	s5 =	simm.s32 @p1 $0x1;
	p0 =	seq.s32 s7, s2  }
0x1e: {  	s7 =	smul.u32 @!p0 $0xF7A, s2;
	p2 =	seq.s32 @!p0 s5, $0x0  }
0x1f: {  	s9 =	smul.u32 $0xF7A, s1;
	s8 =	simm.s32 @!p0 $0x1BF5;
	p2 =	por !p2, p0  }
0x20: {  	[sflag:s8] =	ssyncset.s32 @!p0 $0xFFFFF086;
	s6 =	sadd.s32 @!p0 s3, s7;
	s7 =	simm.s32 @!p0 $0x108  }
0x21: {  	s3 =	sadd.s32 s3, s9;
	s6 =	sadd.s32 @!p0 $0x88, s6;
	s7 =	simm.s32 @p2 $0x1082  }
0x22: {  	[simem:s7], [sflag:s8] =	dma.local @!p0 [hbm:s6], $0xF7A  }
0x23: {  	s9 =	sor.u32 $0xD0000000, s2;
	s6 =	simm.s32 $0x108;
	_ =	swait.ge @!p0 [sflag:s8], $0x0  }
0x24: {  	s3 =	sadd.s32 $0x88, s3;
	s6 =	simm.s32 @!p1 $0x1082;
	[sflag:s4] =	ssyncset.s32 $0xFFFFF086  }
0x25: {  	[simem:s6], [sflag:s4] =	dma.local [hbm:s3], $0xF7A  }
0x26: {  	[smem:$0x3F98] =	sst s1;
	(tag) =	ssettag s2;
	_ =	strace s9  }
0x27: {  	s1 =	sld [smem:$0x3FA8]  }
0x28: {  	s2 =	sld [smem:$0x3FA9]  }
0x29: {  	s4 =	sld [smem:$0x3FAB]  }
0x2a: {  	p0 =	seq.s32 s5, $0x0;
	s5 =	sld [smem:$0x3FAC]  }
0x2b: {  	s6 =	sld [smem:$0x3FAD]  }
0x2c: {  	s7 =	sld [smem:$0x3FAE]  }
0x2d: {  	s3 =	simm.s32 $0x108;
	s8 =	sld [smem:$0x3FAF]  }
0x2e: {  	s3 =	simm.s32 @!p0 $0x1082;
	s9 =	sld [smem:$0x3FB0]  }
0x2f: {  	lr =	sadd.s32 s0, s3;
	s0 =	sld [smem:$0x3FA7]  }
0x30: {  	s3 =	sld [smem:$0x3FAA]  }
0x31: {  	[smem:$0x3FB3] =	sst s10  }
0x32: {  	s10 =	sld [smem:$0x3FB1];
	_ =	sdelay $0x3  }
0x33: {  	p0 =	seq.s32 s10, $0x1;
	s10 =	sld [smem:$0x3FB3];
	_ =	sdelay $0x3  }
0x34: {  	[smem:$0x3FB3] =	sst s10  }
0x35: {  	s10 =	sld [smem:$0x3FB2];
	_ =	sdelay $0x3  }
0x36: {  	p1 =	seq.s32 s10, $0x1;
	s10 =	sld [smem:$0x3FB3];
	_ =	sdelay $0x3  }
0x37: {  	[smem:$0x3FB3] =	sst s10  }
0x38: {  	s10 =	sld [smem:$0x3FB4]  }
0x39: {  	_ = 	snop;
	(pc) =	sbr.ind lr, $3  }
0x3a: {  	_ = 	snop  }
0x3b: {  	_ = 	snop  }
0x3c: {  	p2 =	seq.s32 s10, $0x1;
	s10 =	sld [smem:$0x3FB3]  }
0x3d: {  	_ =	shalt  }
0x3e: {  	_ =	shalt  }
0x3f: {  	_ =	shalt  }
0x40: {  	_ =	shalt  }
0x41: {  	_ =	shalt  }
0x42: {  	_ =	shalt  }
0x43: {  	_ =	shalt  }
0x44: {  	_ =	shalt  }
0x45: {  	_ =	shalt  }
0x46: {  	_ =	shalt  }
0x47: {  	_ =	shalt  }
0x48: {  	_ =	shalt  }
0x49: {  	_ =	shalt  }
0x4a: {  	_ =	shalt  }
0x4b: {  	_ =	shalt  }
0x4c: {  	_ =	shalt  }
0x4d: {  	_ =	shalt  }
0x4e: {  	_ =	shalt  }
0x4f: {  	_ =	shalt  }
0x50: {  	_ =	shalt  }
0x51: {  	_ =	shalt  }
0x52: {  	_ =	shalt  }
0x53: {  	_ =	shalt  }
0x54: {  	_ =	shalt  }
0x55: {  	_ =	shalt  }
0x56: {  	_ =	shalt  }
0x57: {  	_ =	shalt  }
0x58: {  	_ =	shalt  }
0x59: {  	_ =	shalt  }
0x5a: {  	_ =	shalt  }
0x5b: {  	_ =	shalt  }
0x5c: {  	_ =	shalt  }
0x5d: {  	_ =	shalt  }
0x5e: {  	_ =	shalt  }
0x5f: {  	_ =	shalt  }
0x60: {  	_ =	shalt  }
0x61: {  	_ =	shalt  }
0x62: {  	_ =	shalt  }
0x63: {  	_ =	shalt  }
0x64: {  	_ =	shalt  }
0x65: {  	_ =	shalt  }
0x66: {  	_ =	shalt  }
0x67: {  	_ =	shalt  }
0x68: {  	_ =	shalt  }
0x69: {  	_ =	shalt  }
0x6a: {  	_ =	shalt  }
0x6b: {  	_ =	shalt  }
0x6c: {  	_ =	shalt  }
0x6d: {  	_ =	shalt  }
0x6e: {  	_ =	shalt  }
0x6f: {  	_ =	shalt  }
0x70: {  	_ =	shalt  }
0x71: {  	_ =	shalt  }
0x72: {  	_ =	shalt  }
0x73: {  	_ =	shalt  }
0x74: {  	_ =	shalt  }
0x75: {  	_ =	shalt  }
0x76: {  	_ =	shalt  }
0x77: {  	_ =	shalt  }
0x78: {  	_ =	shalt  }
0x79: {  	_ =	shalt  }
0x7a: {  	_ =	shalt  }
0x7b: {  	_ =	shalt  }
0x7c: {  	_ =	shalt  }
0x7d: {  	_ =	shalt  }
0x7e: {  	_ =	shalt  }
0x7f: {  	_ =	shalt  }
0x80: {  	_ =	shalt  }
0x81: {  	_ =	shalt  }
0x82: {  	_ =	shalt  }
0x83: {  	_ =	shalt  }
0x84: {  	_ =	shalt  }
0x85: {  	_ =	shalt  }
0x86: {  	_ =	shalt  }
0x87: {  	_ =	shalt  }
.Lfunc_end0:
.L_simem_size_0:
called_computation.2_lowered:
.L_overlay_start_0:
0x88: {  	s2 =	sld [smem:$0x3FD9]  }
0x89: {  	s3 =	sld [smem:$0x3FFE];
	_ =	sdelay $0x1  }
0x8a: {  	s1 =	srdreg.scid  }
0x8b: {  	s0 =	sand.u32 $0x1, s1  }
0x8c: {  	s16 =	sshll.u32 s0, $0xA;
	s2 =	sadd.s32 s3, s2  }
0x8d: {  	s2 =	sadd.s32 s2, s16  }
0x8e: {  	[smem:$0x3FBF] =	sst s2  }
0x8f: {  	_ = 	snop  }
0x90: {  	(tm) =	ssettm $0x1  }
0x91: {  	s17 =	sld [smem:$0x3FFB];
	_ =	sdelay $0x3  }
0x92: {  	_ =	strace s17  }
0x93: {  	s2 =	sld [smem:$0x3FFC];
	_ =	sdelay $0x3  }
0x94: {  	_ =	strace s2  }
0x95: {  	s2 =	sld [smem:$0x3FFD];
	_ =	sdelay $0x3  }
0x96: {  	_ =	strace s2  }
0x97: {  	_ =	strace $0x8FFFFFFF  }
0x98: {  	s18 =	sld [smem:$0x3FDB];
	_ =	sdelay $0x1  }
0x99: {  	s19 =	simm.s32 $_scs_section_size  }
0x9a: {  	s4 =	simm.s32 $_size__tile_overlayer_lowered;
	s5 =	simm.s32 $_tile_overlayer_lowered  }
0x9b: {  	s22 =	simm.s32 $0x1BFF;
	s21 =	sshll.u32 s5, $0x1;
	s2 =	sadd.s32 s19, s18  }
0x9c: {  	s6 =	simm.s32 $0x0;
	s20 =	sshll.u32 s4, $0x1;
	s4 =	sadd.s32 s21, s2  }
0x9d: {  	[timem:s6], [sflag:s22] =	dma.local [hbm:s4], s20  }
0x9e: {  	_ =	swait.ge [sflag:s22], s20  }
0x9f: {  	s3 =	ssub.s32 $0x0, s20;
	[sflag:s22] =	ssyncset.done $0x0  }
0xa0: {  	[sflag:s22] =	ssyncadd.s32 s3;
	_ =	sdelay $0x1  }
0xa1: {  	s23 =	simm.s32 $0x1B8B  }
0xa2: {  	_ =	swait.ge [sflag:s23], $0x1  }
0xa3: {  	[sflag:s23] =	ssyncset.done $0x0  }
0xa4: {  	s25 =	simm.s32 $0x1B8E;
	s24 =	sld [smem:$0x3FFE];
	[sflag:s23] =	ssyncadd.s32 $0xFFFFFFFF  }
0xa5: {  	s26 =	simm.s32 $execute0_lowered;
	[smem:$0x3FD2] =	sst s25  }
0xa6: {  	s4 =	sshll.u32 s26, $0x1;
	_ =	strace $0x8000004C;
	[dreg:$0x1] =	wrdreg $0xFFFFFFFF  }
0xa7: {  	s28 =	simm.s32 $_size_execute0_lowered;
	s2 =	sadd.s32 s2, s4;
	[dreg:$0x0] =	wrdreg $0x0  }
0xa8: {  	s4 =	sshll.u32 s28, $0x1;
	[dreg:$0x2] =	wrdreg s2  }
0xa9: {  	[dreg:$0x3] =	wrdreg s4  }
0xaa: {  	[dreg:$0x4] =	wrdreg $0xC0  }
0xab: {  	_ =	task [dreg:s6], $0x5FFFF  }
0xac: {  	[dreg:$0x1] =	wrdreg $0xFFFFFFFF  }
0xad: {  	[dreg:$0x0] =	wrdreg $0x60  }
0xae: {  	[dreg:$0x2] =	wrdreg s24  }
0xaf: {  	[dreg:$0x3] =	wrdreg $0xA8000  }
0xb0: {  	[dreg:$0x4] =	wrdreg $0x9  }
0xb1: {  	_ =	task.clear_ibuf [dreg:s6], $0x5FFFF;
	_ =	strace $0x9000004C  }
0xb2: {  	s29 =	simm.s32 $0x9;
	_ =	strace $0x8000004E  }
0xb3: {  	_ =	swait.ge [sflag:s29], $0x1  }
0xb4: {  	[sflag:s29] =	ssyncadd.s32 $0xFFFFFFFF  }
0xb5: {  	_ =	strace $0x9000004E  }
0xb6: {  	_ =	sfence  }
0xb7: {  	s30 =	sld [smem:$0x0];
	_ =	sdelay $0x2  }
0xb8: {  	s31 =	sshll.u32 s1, $0xD;
	s1 =	sshrl.u32 s1, $0x2  }
0xb9: {  	s3 =	sand.u32 $0x4000, s31;
	s1 =	sadd.s32 s1, s30  }
0xba: {  	s0 =	sor.u32 s3, s0;
	s1 =	sshll.u32 s1, $0x11  }
0xbb: {  	s0 =	sor.u32 s1, s0  }
0xbc: {  	s0 =	sadd.s32 $0x8F2B, s0  }
0xbd: {  	[sflag:s0] =	ssyncadd.remote.s32 $0x1  }
0xbe: {  	_ =	sfence.sel $0xFFFF  }
0xbf: {  	[dreg:$0x0] =	wrdreg $0xFFFFFFFF;
	(pc) =	sbr.abs _section_cstart, $3  }
0xc0: {  	[dreg:$0x1] =	wrdreg $0xFFFFFFFF  }
0xc1: {  	_ =	task.clear_ibuf [dreg:s6], $0x2FFFF;
	_ =	strace $0x9FFFFFFF  }
0xc2: {  	(tm) =	ssettm $0x7FFFFFFF  }
0xc3: {  	_ =	shalt  }
tec
execute0_lowered:
.L_overlay_start_1:
0x0: {  	(tag) =	ssettag $0x1  }
0x1: {  	s0 =	rddreg [dreg:$0x0]  }
0x2: {  	s1 =	rddreg [dreg:$0x1]  }
0x3: {  	s2 =	srdreg.scid;
	s3 =	simm.s32 $0x0;
	s10 =	stileid.u32  }
0x4: {  	s15 =	simm.s32 $0x2800;
	s16 =	simm.s32 $0x5;
	s17 =	simm.s32 $0x1400  }
0x5: {  	s18 =	simm.s32 $0x80;
	s19 =	simm.s32 $0x6800;
	s20 =	simm.s32 $0x1  }
0x6: {  	s21 =	simm.s32 $0x3;
	s22 =	simm.s32 $0x100;
	s23 =	simm.s32 $0x2  }
0x7: {  	s24 =	simm.s32 $0x1480;
	s28 =	simm.s32 $0x2700;
	s29 =	simm.s32 $0x2780  }
0x8: {  	s30 =	simm.s32 $0x0;
	s2 =	sand.u32 $0x1, s2;
	s6 =	smul.u32 $0x14000, s10  }
0x9: {  	[smem:$0x7FF] =	sst s3;
	s4 =	sadd.s32 $0x7B600, s0;
	s8 =	smul.u32 $0x50000, s10  }
0xa: {  	s10 =	sshll.u32 s10, $0x1;
	s5 =	smul.u32 $0x140000, s2;
	_ =	strace $0x8000004D  }
0xb: {  	s9 =	ssub.s32 $0x2, s2;
	s2 =	sor.u32 s2, s10;
	s25 =	sshrl.u32 s8, $0x2  }
0xc: {  	s26 =	sshrl.u32 s9, $0x1;
	s12 =	smul.u32 $0x5000, s2;
	s7 =	sadd.s32 s6, s5  }
0xd: {  	s5 =	sadd.s32 $0x3600, s0;
	s6 =	sadd.s32 $0x17600, s0;
	s14 =	ssub.s32 s9, s26  }
0xe: {  	s26 =	simm.s32 $0x1380;
	s7 =	sshrl.u32 s7, $0x3;
	s14 =	smax.u32 s14, $0x1  }
0xf: {  	s0 =	sadd.s32 s7, s0;
	s7 =	sadd.s32 s25, s1;
	s25 =	simm.s32 $0x4  }
0x10: {  	s31 =	sadd.s32 $0x4000, s7;
	s9 =	sadd.s32 $0x8000, s7;
	s10 =	sadd.s32 $0xC000, s7  }
0x11: {  	v0 =	vimm.f32 $0.0e+00;
	s11 =	sadd.s32 $0x10000, s7;
	s13 =	sadd.s32 $0xA3600, s0;
	[dreg:$0x3] =	wrdreg s31  }
.LBB2_1:
0x12: {  	s0 =	simm.s32 $0x0;
	s31 =	simm.s32 $0x200  }
.LBB2_2:
0x13: {  	p0 =	sne.s32 s31, $0xFE00;
	[tilespmem:s0+$0x2870] =	vst v0  }
0x14: {  	[tilespmem:s0+$0x2800] =	vst v0  }
0x15: {  	[tilespmem:s0+$0x2810] =	vst v0  }
.Ltmp0:
0x16: {  	[tilespmem:s0+$0x2820] =	vst v0;
	(pc) =	sbr.rel @p0 .LBB2_2-.Ltmp0, $4  }
0x17: {  	[tilespmem:s0+$0x2830] =	vst v0  }
0x18: {  	[tilespmem:s0+$0x2840] =	vst v0  }
0x19: {  	[tilespmem:s0+$0x2850] =	vst v0  }
0x1a: {  	[tilespmem:s0+$0x2860] =	vst v0;
	s0 =	sshra.s32 s31, $0x2;
	s31 =	sadd.s32 $0x200, s31  }
0x1b: {  	[tilespmem:s0+$0x2870] =	vst v0  }
0x1c: {  	[tilespmem:s0+$0x2800] =	vst v0  }
0x1d: {  	[tilespmem:s0+$0x2810] =	vst v0  }
0x1e: {  	[tilespmem:s0+$0x2820] =	vst v0  }
0x1f: {  	[tilespmem:s0+$0x2830] =	vst v0  }
0x20: {  	[tilespmem:s0+$0x2840] =	vst v0  }
0x21: {  	[tilespmem:s0+$0x2850] =	vst v0  }
0x22: {  	[tilespmem:s0+$0x2860] =	vst v0  }
0x23: {  	[spmem:s7] =	stream.linear.scatter [tilespmem:s15], [sflag:$0x5], $0x4000, $0x38;
	[tilespmem:$0x1E800] =	vst v63  }
0x24: {  	_ =	swait.ge [sflag:s16], $0x4000  }
0x25: {  	[sflag:s16] =	ssyncset.done $0x0  }
0x26: {  	s8 =	rddreg [dreg:$0x3];
	[sflag:s16] =	ssyncadd.s32 $0xFFFFC000  }
0x27: {  	[spmem:s8] =	stream.linear.scatter [tilespmem:s15], [sflag:$0x5], $0x4000, $0x38;
	[tilespmem:$0x1E800] =	vst v63  }
0x28: {  	_ =	swait.ge [sflag:s16], $0x4000  }
0x29: {  	[sflag:s16] =	ssyncset.done $0x0  }
0x2a: {  	[sflag:s16] =	ssyncadd.s32 $0xFFFFC000  }
0x2b: {  	[spmem:s9] =	stream.linear.scatter [tilespmem:s15], [sflag:$0x5], $0x4000, $0x38;
	[tilespmem:$0x1E800] =	vst v63  }
0x2c: {  	_ =	swait.ge [sflag:s16], $0x4000  }
0x2d: {  	[sflag:s16] =	ssyncset.done $0x0  }
0x2e: {  	[sflag:s16] =	ssyncadd.s32 $0xFFFFC000  }
0x2f: {  	[spmem:s10] =	stream.linear.scatter [tilespmem:s15], [sflag:$0x5], $0x4000, $0x38;
	[tilespmem:$0x1E800] =	vst v63  }
0x30: {  	_ =	swait.ge [sflag:s16], $0x4000  }
0x31: {  	[sflag:s16] =	ssyncset.done $0x0  }
0x32: {  	[sflag:s16] =	ssyncadd.s32 $0xFFFFC000  }
0x33: {  	[spmem:s11] =	stream.linear.scatter [tilespmem:s15], [sflag:$0x5], $0x4000, $0x38;
	[tilespmem:$0x1E800] =	vst v63  }
0x34: {  	_ =	swait.ge [sflag:s16], $0x4000  }
0x35: {  	[sflag:s16] =	ssyncset.done $0x0  }
0x36: {  	[sflag:s16] =	ssyncadd.s32 $0xFFFFC000  }
0x37: {  	s31 =	simm.s32 $0x0;
	[bflag:$0x0] =	sbarrier.arrive $0xFFFF  }
.LBB2_4:
0x38: {  	p0 =	seq.s32 s31, $0x0  }
0x39: {  	s0 =	simm.s32 @!p0 $0x3  }
0x3a: {  	_ =	swait.ge @!p0 [sflag:s0], $0x4000  }
0x3b: {  	s2 =	smul.u32 $0x1400, s31;
	[sflag:s0] =	ssyncset.done @!p0 $0x0  }
0x3c: {  	[sflag:s0] =	ssyncadd.s32 @!p0 $0xFFFFC000;
	s0 =	simm.s32 @!p0 $0x4  }
0x3d: {  	s2 =	sadd.s32 s12, s2;
	_ =	swait.ge @!p0 [sflag:s0], $0x4000  }
0x3e: {  	s2 =	sshrl.u32 s2, $0x3;
	[sflag:s0] =	ssyncset.done @!p0 $0x0  }
0x3f: {  	s8 =	sadd.s32 s5, s2;
	[sflag:s0] =	ssyncadd.s32 @!p0 $0xFFFFC000  }
0x40: {  	[tilespmem:s3], [sflag:$0x5] =	stream.linear.gather [hbm4b:s8+s3], $0x1400, $0x38;
	[tilespmem:$0x1E800] =	vst v63  }
0x41: {  	_ =	swait.ge [sflag:s16], $0x1400  }
0x42: {  	[sflag:s16] =	ssyncset.done $0x0  }
0x43: {  	s2 =	sadd.s32 s6, s2;
	[sflag:s16] =	ssyncadd.s32 $0xFFFFEC00  }
0x44: {  	[tilespmem:s17], [sflag:$0x5] =	stream.linear.gather [hbm4b:s2+s3], $0x1400, $0x38;
	[tilespmem:$0x1E800] =	vst v63  }
0x45: {  	_ =	swait.ge [sflag:s16], $0x1400  }
0x46: {  	[sflag:s16] =	ssyncset.done $0x0  }
0x47: {  	[sflag:s16] =	ssyncadd.s32 $0xFFFFEC00  }
0x48: {  	[tilespmem:s15], [sflag:$0x1] =	stream.indirect.gather [hbm4b:s4+s18], $0x80, s3, s18, $0xb8;
	[tilespmem:$0x1E800] =	vst v63  }
0x49: {  	_ = 	snop  }
0x4a: {  	[tilespmem:s19], [sflag:$0x2] =	stream.indirect.gather [hbm4b:s4+s18], $0x80, s18, s18, $0xb8;
	[tilespmem:$0x1E800] =	vst v63  }
0x4b: {  	_ =	swait.ge [sflag:s20], $0x4000  }
0x4c: {  	[sflag:s20] =	ssyncset.done $0x0  }
0x4d: {  	[sflag:s20] =	ssyncadd.s32 $0xFFFFC000  }
0x4e: {  	[spmem:s1] =	stream.indirect.scatter.add.f32 [tilespmem:s15], [sflag:$0x3], $0x80, s17, s18, $0xb8;
	[tilespmem:$0x1E800] =	vst v63  }
0x4f: {  	_ =	swait.ge [sflag:s21], $0x4000  }
0x50: {  	[sflag:s21] =	ssyncset.done $0x0  }
0x51: {  	[sflag:s21] =	ssyncadd.s32 $0xFFFFC000  }
0x52: {  	[tilespmem:s15], [sflag:$0x1] =	stream.indirect.gather [hbm4b:s4+s18], $0x80, s22, s18, $0xb8;
	[tilespmem:$0x1E800] =	vst v63  }
0x53: {  	_ =	swait.ge [sflag:s23], $0x4000  }
0x54: {  	[sflag:s23] =	ssyncset.done $0x0  }
0x55: {  	[sflag:s23] =	ssyncadd.s32 $0xFFFFC000  }
0x56: {  	[spmem:s1] =	stream.indirect.scatter.add.f32 [tilespmem:s19], [sflag:$0x4], $0x80, s24, s18, $0xb8;
	[tilespmem:$0x1E800] =	vst v63  }
0x57: {  	_ =	swait.ge [sflag:s25], $0x4000  }
0x58: {  	[sflag:s25] =	ssyncset.done $0x0  }
0x59: {  	s8 =	simm.s32 $0x180;
	[sflag:s25] =	ssyncadd.s32 $0xFFFFC000  }
0x5a: {  	[tilespmem:s19], [sflag:$0x2] =	stream.indirect.gather [hbm4b:s4+s18], $0x80, s8, s18, $0xb8;
	[tilespmem:$0x1E800] =	vst v63  }
0x5b: {  	_ =	swait.ge [sflag:s20], $0x4000  }
0x5c: {  	[sflag:s20] =	ssyncset.done $0x0  }
0x5d: {  	s2 =	simm.s32 $0x1500;
	[sflag:s20] =	ssyncadd.s32 $0xFFFFC000  }
0x5e: {  	[spmem:s1] =	stream.indirect.scatter.add.f32 [tilespmem:s15], [sflag:$0x3], $0x80, s2, s18, $0xb8;
	[tilespmem:$0x1E800] =	vst v63  }
0x5f: {  	_ =	swait.ge [sflag:s21], $0x4000  }
0x60: {  	[sflag:s21] =	ssyncset.done $0x0  }
0x61: {  	s8 =	simm.s32 $0x200;
	[sflag:s21] =	ssyncadd.s32 $0xFFFFC000  }
0x62: {  	[tilespmem:s15], [sflag:$0x1] =	stream.indirect.gather [hbm4b:s4+s18], $0x80, s8, s18, $0xb8;
	[tilespmem:$0x1E800] =	vst v63  }
0x63: {  	_ =	swait.ge [sflag:s23], $0x4000  }
0x64: {  	[sflag:s23] =	ssyncset.done $0x0  }
0x65: {  	s0 =	simm.s32 $0xFFFFBC00;
	s2 =	simm.s32 $0x1580;
	[sflag:s23] =	ssyncadd.s32 $0xFFFFC000  }
.LBB2_5:
0x66: {  	[spmem:s1] =	stream.indirect.scatter.add.f32 [tilespmem:s19], [sflag:$0x4], $0x80, s2, s18, $0xb8;
	[tilespmem:$0x1E800] =	vst v63  }
0x67: {  	s2 =	smov.u32 s0  }
0x68: {  	p0 =	sne.s32 s0, $0xFFFFFC00;
	s0 =	sadd.s32 $0x400, s0;
	_ =	swait.ge [sflag:s25], $0x4000  }
0x69: {  	s2 =	sshra.s32 s2, $0x2;
	[sflag:s25] =	ssyncset.done $0x0  }
0x6a: {  	s8 =	sadd.s32 $0x1380, s2;
	[sflag:s25] =	ssyncadd.s32 $0xFFFFC000  }
0x6b: {  	[tilespmem:s19], [sflag:$0x2] =	stream.indirect.gather [hbm4b:s4+s18], $0x80, s8, s18, $0xb8;
	[tilespmem:$0x1E800] =	vst v63  }
0x6c: {  	_ =	swait.ge [sflag:s20], $0x4000  }
0x6d: {  	[sflag:s20] =	ssyncset.done $0x0  }
0x6e: {  	s8 =	sadd.s32 $0x2700, s2;
	[sflag:s20] =	ssyncadd.s32 $0xFFFFC000  }
0x6f: {  	[spmem:s1] =	stream.indirect.scatter.add.f32 [tilespmem:s15], [sflag:$0x3], $0x80, s8, s18, $0xb8;
	[tilespmem:$0x1E800] =	vst v63  }
0x70: {  	_ =	swait.ge [sflag:s21], $0x4000  }
0x71: {  	[sflag:s21] =	ssyncset.done $0x0  }
.Ltmp1:
0x72: {  	s8 =	sadd.s32 $0x1400, s2;
	[sflag:s21] =	ssyncadd.s32 $0xFFFFC000;
	(pc) =	sbr.rel @p0 .LBB2_5-.Ltmp1, $4  }
0x73: {  	[tilespmem:s15], [sflag:$0x1] =	stream.indirect.gather [hbm4b:s4+s18], $0x80, s8, s18, $0xb8;
	[tilespmem:$0x1E800] =	vst v63  }
0x74: {  	_ =	swait.ge [sflag:s23], $0x4000  }
0x75: {  	[sflag:s23] =	ssyncset.done $0x0  }
0x76: {  	s2 =	sadd.s32 $0x2780, s2;
	[sflag:s23] =	ssyncadd.s32 $0xFFFFC000  }
0x77: {  	[spmem:s1] =	stream.indirect.scatter.add.f32 [tilespmem:s19], [sflag:$0x4], $0x80, s2, s18, $0xb8;
	[tilespmem:$0x1E800] =	vst v63  }
0x78: {  	_ =	swait.ge [sflag:s25], $0x4000  }
0x79: {  	[sflag:s25] =	ssyncset.done $0x0  }
0x7a: {  	[sflag:s25] =	ssyncadd.s32 $0xFFFFC000  }
0x7b: {  	[tilespmem:s19], [sflag:$0x2] =	stream.indirect.gather [hbm4b:s4+s18], $0x80, s26, s18, $0xb8;
	[tilespmem:$0x1E800] =	vst v63  }
0x7c: {  	_ =	swait.ge [sflag:s20], $0x4000  }
0x7d: {  	s31 =	sadd.s32 $0x1, s31;
	[sflag:s20] =	ssyncset.done $0x0  }
0x7e: {  	p0 =	sne.s32 s31, $0x4;
	[sflag:s20] =	ssyncadd.s32 $0xFFFFC000  }
0x7f: {  	[spmem:s1] =	stream.indirect.scatter.add.f32 [tilespmem:s15], [sflag:$0x3], $0x80, s28, s18, $0xb8;
	[tilespmem:$0x1E800] =	vst v63  }
.Ltmp2:
0x80: {  	_ = 	snop;
	(pc) =	sbr.rel @p0 .LBB2_4-.Ltmp2, $4  }
0x81: {  	_ =	swait.ge [sflag:s23], $0x4000  }
0x82: {  	[sflag:s23] =	ssyncset.done $0x0  }
0x83: {  	[sflag:s23] =	ssyncadd.s32 $0xFFFFC000  }
0x84: {  	[spmem:s1] =	stream.indirect.scatter.add.f32 [tilespmem:s19], [sflag:$0x4], $0x80, s29, s18, $0xb8;
	[tilespmem:$0x1E800] =	vst v63  }
0x85: {  	_ =	swait.ge [sflag:s21], $0x4000  }
0x86: {  	[sflag:s21] =	ssyncset.done $0x0  }
0x87: {  	[sflag:s21] =	ssyncadd.s32 $0xFFFFC000  }
0x88: {  	s0 =	stileid.u32;
	_ =	swait.ge [sflag:s25], $0x4000  }
0x89: {  	s2 =	sshrl.u32 s7, $0x3;
	s30 =	sadd.s32 $0x1, s30;
	[sflag:s25] =	ssyncset.done $0x0  }
0x8a: {  	s0 =	sshll.u32 s0, $0x6;
	p0 =	sne.s32 s30, s14;
	[sflag:s25] =	ssyncadd.s32 $0xFFFFC000  }
.Ltmp3:
0x8b: {  	s0 =	sor.u32 $0x1C05, s0;
	[bflag:$0x0] =	sbarrier.arrive $0xFFFF;
	(pc) =	sbr.rel @p0 .LBB2_1-.Ltmp3, $4  }
0x8c: {  	[hbm:s13], [sflag:s0] =	dma.local [spmem:s2], $0x2800  }
0x8d: {  	_ =	swait.ge [sflag:s16], $0x2800  }
0x8e: {  	[sflag:s16] =	ssyncset.done $0x0  }
0x8f: {  	[sflag:s16] =	ssyncadd.s32 $0xFFFFD800  }
0x90: {  	_ =	sfence.sel $0x180000  }
0x91: {  	[bflag:$0x0] =	sbarrier.arrive $0xFFFF  }
0x92: {  	_ =	strace $0x9000004D  }
0x93: {  	s0 =	stileid.u32;
	[bflag:$0x2] =	sbarrier.arrive $0xFFFF  }
0x94: {  	p0 =	sne.s32 s0, $0x0;
	s0 =	rddreg [dreg:$0x2]  }
0x95: {  	s0 =	sadd.s32 @!p0 $0x100000, s0  }
0x96: {  	[sflag:s0] =	ssyncadd.tile.s32 @!p0 $0x1;
	_ =	shalt  }
.Lfunc_end2:
_tile_overlayer_lowered:
.L_overlay_start_2:
0x97: {  	(tag) =	ssettag $0x2  }
0x98: {  	s0 =	rddreg [dreg:$0x0];
	s2 =	stileid.u32  }
0x99: {  	s1 =	rddreg [dreg:$0x1];
	p0 =	sne.s32 s2, $0x0  }
0x9a: {  	s3 =	rddreg [dreg:$0x2];
	[bflag:$0x3] =	sbarrier.arrive $0xFFFF;
	s2 =	simm.s32 @!p0 $0x1C05  }
0x9b: {  	[timem:s3], [sflag:s2] =	dma.local @!p0 [hbm:s0], s1  }
0x9c: {  	s0 =	simm.s32 @!p0 $0x5  }
0x9d: {  	_ =	swait.ge @!p0 [sflag:s0], s1  }
0x9e: {  	s1 =	ssub.s32 @!p0 $0x0, s1;
	[sflag:s0] =	ssyncset.done @!p0 $0x0  }
0x9f: {  	[sflag:s0] =	ssyncadd.s32 @!p0 s1  }
0xa0: {  	[bflag:$0x3] =	sbarrier.arrive $0xFFFF  }
0xa1: {  	_ =	shalt  }

// kernel: kernel.8.cloned.1.call-start
scs
__scs_entry_jumppad:
0x0: {  	(pc) =	sbr.rel $0x88, $3  }
0x1: {  	(tag) =	ssettag $0x0;
	lr =	simm.s32 $0x1  }
0x2: {  	[smem:$0x3F98] =	sst lr;
	_ =	strace $0xD0000000  }
0x3: {  	_ = 	snop  }
0x4: {  	_ = 	snop  }
0x5: {  	_ = 	snop  }
0x6: {  	_ = 	snop  }
0x7: {  	_ = 	snop  }
__scs_overlays_trampoline_lowered:
0x8: {  	[smem:$0x3FA7] =	sst s0  }
0x9: {  	[smem:$0x3FA8] =	sst s1  }
0xa: {  	[smem:$0x3FA9] =	sst s2  }
0xb: {  	[smem:$0x3FAA] =	sst s3  }
0xc: {  	[smem:$0x3FAB] =	sst s4  }
0xd: {  	[smem:$0x3FAC] =	sst s5  }
0xe: {  	[smem:$0x3FAD] =	sst s6  }
0xf: {  	[smem:$0x3FAE] =	sst s7  }
0x10: {  	[smem:$0x3FAF] =	sst s8  }
0x11: {  	[smem:$0x3FB0] =	sst s9;
	s0 =	simm.s32 @!p0 $0x0  }
0x12: {  	s1 =	sld [smem:$0x3F96];
	s0 =	simm.s32 @p0 $0x1  }
0x13: {  	[smem:$0x3FB1] =	sst s0;
	s0 =	simm.s32 @!p1 $0x0  }
0x14: {  	s2 =	sld [smem:$0x3F95];
	s0 =	simm.s32 @p1 $0x1  }
0x15: {  	[smem:$0x3FB2] =	sst s0;
	s0 =	simm.s32 @!p2 $0x0  }
0x16: {  	s3 =	sld [smem:$0x3FDB];
	s0 =	simm.s32 @p2 $0x1  }
0x17: {  	s4 =	simm.s32 $0x1BF5;
	[smem:$0x3FB4] =	sst s0  }
0x18: {  	s0 =	sld [smem:$0x3F97];
	_ =	swait.ge [sflag:s4], $0x0  }
0x19: {  	s7 =	sld [smem:$0x3F98]  }
0x1a: {  	s8 =	sadd.s32 $0xFFFFE003, lr  }
0x1b: {  	s9 =	sadd.s32 $0xFFFFFEF7, lr;
	s5 =	simm.s32 $0xFFFFFFFF;
	p2 =	slt.u32 s8, $0xFFFFF086  }
0x1c: {  	p1 =	slt.u32 s9, $0xF7A;
	s5 =	simm.s32 @!p2 $0x0  }
0x1d: {  	s5 =	simm.s32 @p1 $0x1;
	p0 =	seq.s32 s7, s2  }
0x1e: {  	s7 =	smul.u32 @!p0 $0xF7A, s2;
	p2 =	seq.s32 @!p0 s5, $0x0  }
0x1f: {  	s9 =	smul.u32 $0xF7A, s1;
	s8 =	simm.s32 @!p0 $0x1BF5;
	p2 =	por !p2, p0  }
0x20: {  	[sflag:s8] =	ssyncset.s32 @!p0 $0xFFFFF086;
	s6 =	sadd.s32 @!p0 s3, s7;
	s7 =	simm.s32 @!p0 $0x108  }
0x21: {  	s3 =	sadd.s32 s3, s9;
	s6 =	sadd.s32 @!p0 $0x88, s6;
	s7 =	simm.s32 @p2 $0x1082  }
0x22: {  	[simem:s7], [sflag:s8] =	dma.local @!p0 [hbm:s6], $0xF7A  }
0x23: {  	s9 =	sor.u32 $0xD0000000, s2;
	s6 =	simm.s32 $0x108;
	_ =	swait.ge @!p0 [sflag:s8], $0x0  }
0x24: {  	s3 =	sadd.s32 $0x88, s3;
	s6 =	simm.s32 @!p1 $0x1082;
	[sflag:s4] =	ssyncset.s32 $0xFFFFF086  }
0x25: {  	[simem:s6], [sflag:s4] =	dma.local [hbm:s3], $0xF7A  }
0x26: {  	[smem:$0x3F98] =	sst s1;
	(tag) =	ssettag s2;
	_ =	strace s9  }
0x27: {  	s1 =	sld [smem:$0x3FA8]  }
0x28: {  	s2 =	sld [smem:$0x3FA9]  }
0x29: {  	s4 =	sld [smem:$0x3FAB]  }
0x2a: {  	p0 =	seq.s32 s5, $0x0;
	s5 =	sld [smem:$0x3FAC]  }
0x2b: {  	s6 =	sld [smem:$0x3FAD]  }
0x2c: {  	s7 =	sld [smem:$0x3FAE]  }
0x2d: {  	s3 =	simm.s32 $0x108;
	s8 =	sld [smem:$0x3FAF]  }
0x2e: {  	s3 =	simm.s32 @!p0 $0x1082;
	s9 =	sld [smem:$0x3FB0]  }
0x2f: {  	lr =	sadd.s32 s0, s3;
	s0 =	sld [smem:$0x3FA7]  }
0x30: {  	s3 =	sld [smem:$0x3FAA]  }
0x31: {  	[smem:$0x3FB3] =	sst s10  }
0x32: {  	s10 =	sld [smem:$0x3FB1];
	_ =	sdelay $0x3  }
0x33: {  	p0 =	seq.s32 s10, $0x1;
	s10 =	sld [smem:$0x3FB3];
	_ =	sdelay $0x3  }
0x34: {  	[smem:$0x3FB3] =	sst s10  }
0x35: {  	s10 =	sld [smem:$0x3FB2];
	_ =	sdelay $0x3  }
0x36: {  	p1 =	seq.s32 s10, $0x1;
	s10 =	sld [smem:$0x3FB3];
	_ =	sdelay $0x3  }
0x37: {  	[smem:$0x3FB3] =	sst s10  }
0x38: {  	s10 =	sld [smem:$0x3FB4]  }
0x39: {  	_ = 	snop;
	(pc) =	sbr.ind lr, $3  }
0x3a: {  	_ = 	snop  }
0x3b: {  	_ = 	snop  }
0x3c: {  	p2 =	seq.s32 s10, $0x1;
	s10 =	sld [smem:$0x3FB3]  }
0x3d: {  	_ =	shalt  }
0x3e: {  	_ =	shalt  }
0x3f: {  	_ =	shalt  }
0x40: {  	_ =	shalt  }
0x41: {  	_ =	shalt  }
0x42: {  	_ =	shalt  }
0x43: {  	_ =	shalt  }
0x44: {  	_ =	shalt  }
0x45: {  	_ =	shalt  }
0x46: {  	_ =	shalt  }
0x47: {  	_ =	shalt  }
0x48: {  	_ =	shalt  }
0x49: {  	_ =	shalt  }
0x4a: {  	_ =	shalt  }
0x4b: {  	_ =	shalt  }
0x4c: {  	_ =	shalt  }
0x4d: {  	_ =	shalt  }
0x4e: {  	_ =	shalt  }
0x4f: {  	_ =	shalt  }
0x50: {  	_ =	shalt  }
0x51: {  	_ =	shalt  }
0x52: {  	_ =	shalt  }
0x53: {  	_ =	shalt  }
0x54: {  	_ =	shalt  }
0x55: {  	_ =	shalt  }
0x56: {  	_ =	shalt  }
0x57: {  	_ =	shalt  }
0x58: {  	_ =	shalt  }
0x59: {  	_ =	shalt  }
0x5a: {  	_ =	shalt  }
0x5b: {  	_ =	shalt  }
0x5c: {  	_ =	shalt  }
0x5d: {  	_ =	shalt  }
0x5e: {  	_ =	shalt  }
0x5f: {  	_ =	shalt  }
0x60: {  	_ =	shalt  }
0x61: {  	_ =	shalt  }
0x62: {  	_ =	shalt  }
0x63: {  	_ =	shalt  }
0x64: {  	_ =	shalt  }
0x65: {  	_ =	shalt  }
0x66: {  	_ =	shalt  }
0x67: {  	_ =	shalt  }
0x68: {  	_ =	shalt  }
0x69: {  	_ =	shalt  }
0x6a: {  	_ =	shalt  }
0x6b: {  	_ =	shalt  }
0x6c: {  	_ =	shalt  }
0x6d: {  	_ =	shalt  }
0x6e: {  	_ =	shalt  }
0x6f: {  	_ =	shalt  }
0x70: {  	_ =	shalt  }
0x71: {  	_ =	shalt  }
0x72: {  	_ =	shalt  }
0x73: {  	_ =	shalt  }
0x74: {  	_ =	shalt  }
0x75: {  	_ =	shalt  }
0x76: {  	_ =	shalt  }
0x77: {  	_ =	shalt  }
0x78: {  	_ =	shalt  }
0x79: {  	_ =	shalt  }
0x7a: {  	_ =	shalt  }
0x7b: {  	_ =	shalt  }
0x7c: {  	_ =	shalt  }
0x7d: {  	_ =	shalt  }
0x7e: {  	_ =	shalt  }
0x7f: {  	_ =	shalt  }
0x80: {  	_ =	shalt  }
0x81: {  	_ =	shalt  }
0x82: {  	_ =	shalt  }
0x83: {  	_ =	shalt  }
0x84: {  	_ =	shalt  }
0x85: {  	_ =	shalt  }
0x86: {  	_ =	shalt  }
0x87: {  	_ =	shalt  }
.Lfunc_end0:
.L_simem_size_0:
called_computation_lowered:
.L_overlay_start_0:
0x88: {  	s2 =	sld [smem:$0x3FD9]  }
0x89: {  	s3 =	sld [smem:$0x3FFE];
	_ =	sdelay $0x1  }
0x8a: {  	s1 =	srdreg.scid  }
0x8b: {  	s0 =	sand.u32 $0x1, s1  }
0x8c: {  	s16 =	sshll.u32 s0, $0xA;
	s2 =	sadd.s32 s3, s2  }
0x8d: {  	s2 =	sadd.s32 s2, s16  }
0x8e: {  	[smem:$0x3FBF] =	sst s2  }
0x8f: {  	_ = 	snop  }
0x90: {  	(tm) =	ssettm $0x1  }
0x91: {  	s17 =	sld [smem:$0x3FFB];
	_ =	sdelay $0x3  }
0x92: {  	_ =	strace s17  }
0x93: {  	s2 =	sld [smem:$0x3FFC];
	_ =	sdelay $0x3  }
0x94: {  	_ =	strace s2  }
0x95: {  	s2 =	sld [smem:$0x3FFD];
	_ =	sdelay $0x3  }
0x96: {  	_ =	strace s2  }
0x97: {  	_ =	strace $0x8FFFFFFF  }
0x98: {  	s18 =	sld [smem:$0x3FDB];
	_ =	sdelay $0x1  }
0x99: {  	s19 =	simm.s32 $_scs_section_size  }
0x9a: {  	s4 =	simm.s32 $_size__tile_overlayer_lowered;
	s5 =	simm.s32 $_tile_overlayer_lowered  }
0x9b: {  	s22 =	simm.s32 $0x1BFF;
	s21 =	sshll.u32 s5, $0x1;
	s2 =	sadd.s32 s19, s18  }
0x9c: {  	s6 =	simm.s32 $0x0;
	s20 =	sshll.u32 s4, $0x1;
	s4 =	sadd.s32 s21, s2  }
0x9d: {  	[timem:s6], [sflag:s22] =	dma.local [hbm:s4], s20  }
0x9e: {  	_ =	swait.ge [sflag:s22], s20  }
0x9f: {  	s3 =	ssub.s32 $0x0, s20;
	[sflag:s22] =	ssyncset.done $0x0  }
0xa0: {  	[sflag:s22] =	ssyncadd.s32 s3;
	_ =	sdelay $0x1  }
0xa1: {  	s23 =	simm.s32 $0x1B8B  }
0xa2: {  	_ =	swait.ge [sflag:s23], $0x1  }
0xa3: {  	[sflag:s23] =	ssyncset.done $0x0  }
0xa4: {  	s25 =	simm.s32 $0x1B8E;
	s24 =	sld [smem:$0x3FFE];
	[sflag:s23] =	ssyncadd.s32 $0xFFFFFFFF  }
0xa5: {  	s26 =	simm.s32 $execute0_lowered;
	[smem:$0x3FD2] =	sst s25  }
0xa6: {  	s4 =	sshll.u32 s26, $0x1;
	_ =	strace $0x80000046;
	[dreg:$0x1] =	wrdreg $0xFFFFFFFF  }
0xa7: {  	s28 =	simm.s32 $_size_execute0_lowered;
	s2 =	sadd.s32 s2, s4;
	[dreg:$0x0] =	wrdreg $0x0  }
0xa8: {  	s4 =	sshll.u32 s28, $0x1;
	[dreg:$0x2] =	wrdreg s2  }
0xa9: {  	[dreg:$0x3] =	wrdreg s4  }
0xaa: {  	[dreg:$0x4] =	wrdreg $0xC0  }
0xab: {  	_ =	task [dreg:s6], $0x5FFFF  }
0xac: {  	[dreg:$0x1] =	wrdreg $0xFFFFFFFF  }
0xad: {  	[dreg:$0x0] =	wrdreg $0x60  }
0xae: {  	[dreg:$0x2] =	wrdreg s24  }
0xaf: {  	[dreg:$0x3] =	wrdreg $0x1BD000  }
0xb0: {  	[dreg:$0x4] =	wrdreg $0x9  }
0xb1: {  	_ =	task.clear_ibuf [dreg:s6], $0x5FFFF;
	_ =	strace $0x90000046  }
0xb2: {  	s29 =	simm.s32 $0x9;
	_ =	strace $0x80000048  }
0xb3: {  	_ =	swait.ge [sflag:s29], $0x1  }
0xb4: {  	[sflag:s29] =	ssyncadd.s32 $0xFFFFFFFF  }
0xb5: {  	_ =	strace $0x90000048  }
0xb6: {  	_ =	sfence  }
0xb7: {  	s30 =	sld [smem:$0x0];
	_ =	sdelay $0x2  }
0xb8: {  	s31 =	sshll.u32 s1, $0xD;
	s1 =	sshrl.u32 s1, $0x2  }
0xb9: {  	s3 =	sand.u32 $0x4000, s31;
	s1 =	sadd.s32 s1, s30  }
0xba: {  	s0 =	sor.u32 s3, s0;
	s1 =	sshll.u32 s1, $0x11  }
0xbb: {  	s0 =	sor.u32 s1, s0  }
0xbc: {  	s0 =	sadd.s32 $0x8F2B, s0  }
0xbd: {  	[sflag:s0] =	ssyncadd.remote.s32 $0x1  }
0xbe: {  	_ =	sfence.sel $0xFFFF  }
0xbf: {  	[dreg:$0x0] =	wrdreg $0xFFFFFFFF;
	(pc) =	sbr.abs _section_cstart, $3  }
0xc0: {  	[dreg:$0x1] =	wrdreg $0xFFFFFFFF  }
0xc1: {  	_ =	task.clear_ibuf [dreg:s6], $0x2FFFF;
	_ =	strace $0x9FFFFFFF  }
0xc2: {  	(tm) =	ssettm $0x7FFFFFFF  }
0xc3: {  	_ =	shalt  }
tec
execute0_lowered:
.L_overlay_start_1:
0x0: {  	(tag) =	ssettag $0x1  }
0x1: {  	s0 =	rddreg [dreg:$0x0]  }
0x2: {  	s1 =	rddreg [dreg:$0x1]  }
0x3: {  	s2 =	srdreg.scid;
	s9 =	stileid.u32  }
0x4: {  	s29 =	simm.s32 $0x7A80;
	s30 =	simm.s32 $0x7D00;
	s31 =	simm.s32 $0x0  }
0x5: {  	s3 =	sand.u32 $0x1, s2;
	s2 =	simm.s32 $0x0;
	s6 =	smul.u32 $0x14000, s9  }
0x6: {  	s4 =	sshll.u32 s9, $0x1;
	s7 =	sshrl.u32 s9, $0x3;
	s8 =	smul.u32 $0x5000, s9  }
0x7: {  	s24 =	sshll.u32 s9, $0x7;
	s5 =	smul.u32 $0x140000, s3;
	[smem:$0x7FF] =	sst s2  }
0x8: {  	s4 =	sor.u32 s3, s4;
	s3 =	ssub.s32 $0x2, s3;
	s21 =	smul.u32 $0x50000, s7  }
0x9: {  	s28 =	sand.u32 $0x380, s24;
	s24 =	simm.s32 $0x5000;
	_ =	strace $0x80000047  }
0xa: {  	s4 =	smul.u32 $0xA00, s4;
	s23 =	sshrl.u32 s3, $0x1;
	s26 =	sshrl.u32 s8, $0x2  }
0xb: {  	s5 =	sadd.s32 s6, s5;
	s22 =	ssub.s32 s3, s23;
	s25 =	sshrl.u32 s21, $0x2  }
0xc: {  	s3 =	sadd.s32 s26, s1;
	s23 =	simm.s32 $0x1;
	s26 =	simm.s32 $0x400  }
0xd: {  	s5 =	sshrl.u32 s5, $0x3;
	s4 =	sadd.s32 s4, s0;
	s6 =	sadd.s32 $0x80, s3  }
0xe: {  	s7 =	sadd.s32 $0x100, s3;
	s8 =	sadd.s32 $0x180, s3;
	s9 =	sadd.s32 $0x200, s3  }
0xf: {  	s10 =	sadd.s32 $0x280, s3;
	s11 =	sadd.s32 $0x300, s3;
	s12 =	sadd.s32 $0x380, s3  }
0x10: {  	s13 =	sadd.s32 $0x14000, s3;
	s14 =	sadd.s32 $0x14080, s3;
	s15 =	sadd.s32 $0x14100, s3  }
0x11: {  	s16 =	sadd.s32 $0x14180, s3;
	s17 =	sadd.s32 $0x14200, s3;
	s18 =	sadd.s32 $0x14280, s3  }
0x12: {  	s19 =	sadd.s32 $0x14300, s3;
	s20 =	sadd.s32 $0x14380, s3;
	s22 =	smax.u32 s22, $0x1  }
0x13: {  	v2 =	vlaneseq.u32;
	s0 =	sadd.s32 s5, s0;
	s5 =	sadd.s32 s25, s1;
	s4 =	sadd.s32 $0x17600, s4  }
0x14: {  	v0 =	vimm.f32 $0.0e+00;
	v1 =	vimm.f32 $1.000000000e+00;
	v2 =	vmul.u32 $0x80, v2;
	s25 =	simm.s32 $0x80;
	s5 =	sadd.s32 s28, s5;
	s21 =	sadd.s32 $0x2B600, s0  }
.LBB2_1:
0x15: {  	[tilespmem:s2], [sflag:$0x1] =	stream.linear.gather [hbm4b:s4+s2], $0x5000, $0x38;
	[tilespmem:$0x1E500] =	vst v63  }
0x16: {  	_ =	swait.ge [sflag:s23], $0x5000  }
0x17: {  	[sflag:s23] =	ssyncset.done $0x0  }
0x18: {  	s0 =	simm.s32 $0x0;
	[sflag:s23] =	ssyncadd.s32 $0xFFFFB000  }
.LBB2_2:
0x19: {  	p0 =	sne.s32 s0, $0x9FC0  }
.Ltmp0:
0x1a: {  	_ = 	snop;
	(pc) =	sbr.rel @p0 .LBB2_2-.Ltmp0, $3  }
0x1b: {  	_ =	sdelay $0x1  }
0x1c: {  	s1 =	sshra.s32 s0, $0x2  }
0x1d: {  	s0 =	sadd.s32 $0x40, s0;
	[tilespmem:s1+$0x5000] =	vst v0  }
0x1e: {  	s0 =	simm.s32 $0x0  }
.LBB2_4:
0x1f: {  	s1 =	sshra.s32 s0, $0x2  }
0x20: {  	v3 =	vld [tilespmem:s1+$0x0];
	_ =	sdelay $0x7  }
0x21: {  	[tilespmem:v3+s24+$0x0] =	vst.idx.add.f32.msk $0xffff, v1  }
0x22: {  	v3 =	vld [tilespmem:s1+$0x10];
	_ =	sdelay $0x7  }
0x23: {  	[tilespmem:v3+s24+$0x0] =	vst.idx.add.f32.msk $0xffff, v1  }
0x24: {  	v3 =	vld [tilespmem:s1+$0x20];
	_ =	sdelay $0x7  }
0x25: {  	[tilespmem:v3+s24+$0x0] =	vst.idx.add.f32.msk $0xffff, v1  }
0x26: {  	v3 =	vld [tilespmem:s1+$0x30];
	_ =	sdelay $0x7  }
0x27: {  	[tilespmem:v3+s24+$0x0] =	vst.idx.add.f32.msk $0xffff, v1  }
0x28: {  	v3 =	vld [tilespmem:s1+$0x40];
	_ =	sdelay $0x7  }
0x29: {  	[tilespmem:v3+s24+$0x0] =	vst.idx.add.f32.msk $0xffff, v1  }
0x2a: {  	v3 =	vld [tilespmem:s1+$0x50];
	_ =	sdelay $0x7  }
0x2b: {  	[tilespmem:v3+s24+$0x0] =	vst.idx.add.f32.msk $0xffff, v1  }
0x2c: {  	v3 =	vld [tilespmem:s1+$0x60];
	_ =	sdelay $0x7  }
0x2d: {  	[tilespmem:v3+s24+$0x0] =	vst.idx.add.f32.msk $0xffff, v1  }
0x2e: {  	v3 =	vld [tilespmem:s1+$0x70];
	_ =	sdelay $0x2  }
0x2f: {  	p0 =	sne.s32 s0, $0x13E00  }
.Ltmp1:
0x30: {  	_ = 	snop;
	(pc) =	sbr.rel @p0 .LBB2_4-.Ltmp1, $2  }
0x31: {  	_ =	sdelay $0x2  }
0x32: {  	s0 =	sadd.s32 $0x200, s0;
	[tilespmem:v3+s24+$0x0] =	vst.idx.add.f32.msk $0xffff, v1  }
0x33: {  	[spmem:s5] =	stream.strided.scatter [tilespmem:s24], [sflag:$0x1], $0x2800, s26, s25, $0x38;
	[tilespmem:$0x1E500] =	vst v63  }
0x34: {  	_ =	swait.ge [sflag:s23], $0x2800  }
0x35: {  	[sflag:s23] =	ssyncset.done $0x0  }
0x36: {  	[sflag:s23] =	ssyncadd.s32 $0xFFFFD800  }
0x37: {  	s0 =	simm.s32 $0x7800;
	[bflag:$0x0] =	sbarrier.arrive $0xFFFF  }
0x38: {  	[tilespmem:s0], [sflag:$0x1] =	stream.strided.gather [spmem:s3], $0x280, s26, s25, $0x38;
	[tilespmem:$0x1E500] =	vst v63  }
0x39: {  	_ =	swait.ge [sflag:s23], $0x280  }
0x3a: {  	[sflag:s23] =	ssyncset.done $0x0  }
0x3b: {  	[sflag:s23] =	ssyncadd.s32 $0xFFFFFD80  }
0x3c: {  	[tilespmem:s29], [sflag:$0x1] =	stream.strided.gather [spmem:s6], $0x280, s26, s25, $0x38;
	[tilespmem:$0x1E500] =	vst v63  }
0x3d: {  	_ =	swait.ge [sflag:s23], $0x280  }
0x3e: {  	[sflag:s23] =	ssyncset.done $0x0  }
0x3f: {  	s0 =	simm.s32 $0x0;
	[sflag:s23] =	ssyncadd.s32 $0xFFFFFD80  }
0x40: {  	s1 =	simm.s32 $0x40;
	v3 =	vld [tilespmem:s0+$0x7A80]  }
.LBB2_6:
0x41: {  	p0 =	sne.s32 s1, $0x9C0;
	v4 =	vld [tilespmem:s0+$0x7800];
	_ =	sdelay $0x2  }
.Ltmp2:
0x42: {  	(pc) =	sbr.rel @p0 .LBB2_6-.Ltmp2, $4  }
0x43: {  	_ = 	snop  }
0x44: {  	v4 =	vadd.f32 v3, v4  }
0x45: {  	s28 =	sshra.s32 s1, $0x2  }
0x46: {  	s1 =	sadd.s32 $0x40, s1;
	v3 =	vld [tilespmem:s28+$0x7A80];
	[tilespmem:s0+$0x7800] =	vst v4;
	s0 =	smov.u32 s28  }
0x47: {  	v4 =	vld [tilespmem:s0+$0x7800];
	_ =	sdelay $0x4  }
0x48: {  	v3 =	vadd.f32 v3, v4;
	_ =	sdelay $0x1  }
0x49: {  	[tilespmem:s0+$0x7800] =	vst v3  }
0x4a: {  	[tilespmem:s29], [sflag:$0x1] =	stream.strided.gather [spmem:s7], $0x280, s26, s25, $0x38;
	[tilespmem:$0x1E500] =	vst v63  }
0x4b: {  	_ =	swait.ge [sflag:s23], $0x280  }
0x4c: {  	[sflag:s23] =	ssyncset.done $0x0  }
0x4d: {  	s0 =	simm.s32 $0x0;
	[sflag:s23] =	ssyncadd.s32 $0xFFFFFD80  }
0x4e: {  	s1 =	simm.s32 $0x40;
	v3 =	vld [tilespmem:s0+$0x7A80]  }
.LBB2_8:
0x4f: {  	p0 =	sne.s32 s1, $0x9C0;
	v4 =	vld [tilespmem:s0+$0x7800];
	_ =	sdelay $0x2  }
.Ltmp3:
0x50: {  	(pc) =	sbr.rel @p0 .LBB2_8-.Ltmp3, $4  }
0x51: {  	_ = 	snop  }
0x52: {  	v4 =	vadd.f32 v3, v4  }
0x53: {  	s28 =	sshra.s32 s1, $0x2  }
0x54: {  	s1 =	sadd.s32 $0x40, s1;
	v3 =	vld [tilespmem:s28+$0x7A80];
	[tilespmem:s0+$0x7800] =	vst v4;
	s0 =	smov.u32 s28  }
0x55: {  	v4 =	vld [tilespmem:s0+$0x7800];
	_ =	sdelay $0x4  }
0x56: {  	v3 =	vadd.f32 v3, v4;
	_ =	sdelay $0x1  }
0x57: {  	[tilespmem:s0+$0x7800] =	vst v3  }
0x58: {  	[tilespmem:s29], [sflag:$0x1] =	stream.strided.gather [spmem:s8], $0x280, s26, s25, $0x38;
	[tilespmem:$0x1E500] =	vst v63  }
0x59: {  	_ =	swait.ge [sflag:s23], $0x280  }
0x5a: {  	[sflag:s23] =	ssyncset.done $0x0  }
0x5b: {  	s0 =	simm.s32 $0x0;
	[sflag:s23] =	ssyncadd.s32 $0xFFFFFD80  }
0x5c: {  	s1 =	simm.s32 $0x40;
	v3 =	vld [tilespmem:s0+$0x7A80]  }
.LBB2_10:
0x5d: {  	p0 =	sne.s32 s1, $0x9C0;
	v4 =	vld [tilespmem:s0+$0x7800];
	_ =	sdelay $0x2  }
.Ltmp4:
0x5e: {  	(pc) =	sbr.rel @p0 .LBB2_10-.Ltmp4, $4  }
0x5f: {  	_ = 	snop  }
0x60: {  	v4 =	vadd.f32 v3, v4  }
0x61: {  	s28 =	sshra.s32 s1, $0x2  }
0x62: {  	s1 =	sadd.s32 $0x40, s1;
	v3 =	vld [tilespmem:s28+$0x7A80];
	[tilespmem:s0+$0x7800] =	vst v4;
	s0 =	smov.u32 s28  }
0x63: {  	v4 =	vld [tilespmem:s0+$0x7800];
	_ =	sdelay $0x4  }
0x64: {  	v3 =	vadd.f32 v3, v4;
	_ =	sdelay $0x1  }
0x65: {  	[tilespmem:s0+$0x7800] =	vst v3  }
0x66: {  	[tilespmem:s29], [sflag:$0x1] =	stream.strided.gather [spmem:s9], $0x280, s26, s25, $0x38;
	[tilespmem:$0x1E500] =	vst v63  }
0x67: {  	_ =	swait.ge [sflag:s23], $0x280  }
0x68: {  	[sflag:s23] =	ssyncset.done $0x0  }
0x69: {  	s0 =	simm.s32 $0x0;
	[sflag:s23] =	ssyncadd.s32 $0xFFFFFD80  }
0x6a: {  	s1 =	simm.s32 $0x40;
	v3 =	vld [tilespmem:s0+$0x7A80]  }
.LBB2_12:
0x6b: {  	p0 =	sne.s32 s1, $0x9C0;
	v4 =	vld [tilespmem:s0+$0x7800];
	_ =	sdelay $0x2  }
.Ltmp5:
0x6c: {  	(pc) =	sbr.rel @p0 .LBB2_12-.Ltmp5, $4  }
0x6d: {  	_ = 	snop  }
0x6e: {  	v4 =	vadd.f32 v3, v4  }
0x6f: {  	s28 =	sshra.s32 s1, $0x2  }
0x70: {  	s1 =	sadd.s32 $0x40, s1;
	v3 =	vld [tilespmem:s28+$0x7A80];
	[tilespmem:s0+$0x7800] =	vst v4;
	s0 =	smov.u32 s28  }
0x71: {  	v4 =	vld [tilespmem:s0+$0x7800];
	_ =	sdelay $0x4  }
0x72: {  	v3 =	vadd.f32 v3, v4;
	_ =	sdelay $0x1  }
0x73: {  	[tilespmem:s0+$0x7800] =	vst v3  }
0x74: {  	[tilespmem:s29], [sflag:$0x1] =	stream.strided.gather [spmem:s10], $0x280, s26, s25, $0x38;
	[tilespmem:$0x1E500] =	vst v63  }
0x75: {  	_ =	swait.ge [sflag:s23], $0x280  }
0x76: {  	[sflag:s23] =	ssyncset.done $0x0  }
0x77: {  	s0 =	simm.s32 $0x0;
	[sflag:s23] =	ssyncadd.s32 $0xFFFFFD80  }
0x78: {  	s1 =	simm.s32 $0x40;
	v3 =	vld [tilespmem:s0+$0x7A80]  }
.LBB2_14:
0x79: {  	p0 =	sne.s32 s1, $0x9C0;
	v4 =	vld [tilespmem:s0+$0x7800];
	_ =	sdelay $0x2  }
.Ltmp6:
0x7a: {  	(pc) =	sbr.rel @p0 .LBB2_14-.Ltmp6, $4  }
0x7b: {  	_ = 	snop  }
0x7c: {  	v4 =	vadd.f32 v3, v4  }
0x7d: {  	s28 =	sshra.s32 s1, $0x2  }
0x7e: {  	s1 =	sadd.s32 $0x40, s1;
	v3 =	vld [tilespmem:s28+$0x7A80];
	[tilespmem:s0+$0x7800] =	vst v4;
	s0 =	smov.u32 s28  }
0x7f: {  	v4 =	vld [tilespmem:s0+$0x7800];
	_ =	sdelay $0x4  }
0x80: {  	v3 =	vadd.f32 v3, v4;
	_ =	sdelay $0x1  }
0x81: {  	[tilespmem:s0+$0x7800] =	vst v3  }
0x82: {  	[tilespmem:s29], [sflag:$0x1] =	stream.strided.gather [spmem:s11], $0x280, s26, s25, $0x38;
	[tilespmem:$0x1E500] =	vst v63  }
0x83: {  	_ =	swait.ge [sflag:s23], $0x280  }
0x84: {  	[sflag:s23] =	ssyncset.done $0x0  }
0x85: {  	s0 =	simm.s32 $0x0;
	[sflag:s23] =	ssyncadd.s32 $0xFFFFFD80  }
0x86: {  	s1 =	simm.s32 $0x40;
	v3 =	vld [tilespmem:s0+$0x7A80]  }
.LBB2_16:
0x87: {  	p0 =	sne.s32 s1, $0x9C0;
	v4 =	vld [tilespmem:s0+$0x7800];
	_ =	sdelay $0x2  }
.Ltmp7:
0x88: {  	(pc) =	sbr.rel @p0 .LBB2_16-.Ltmp7, $4  }
0x89: {  	_ = 	snop  }
0x8a: {  	v4 =	vadd.f32 v3, v4  }
0x8b: {  	s28 =	sshra.s32 s1, $0x2  }
0x8c: {  	s1 =	sadd.s32 $0x40, s1;
	v3 =	vld [tilespmem:s28+$0x7A80];
	[tilespmem:s0+$0x7800] =	vst v4;
	s0 =	smov.u32 s28  }
0x8d: {  	v4 =	vld [tilespmem:s0+$0x7800];
	_ =	sdelay $0x4  }
0x8e: {  	v3 =	vadd.f32 v3, v4;
	_ =	sdelay $0x1  }
0x8f: {  	[tilespmem:s0+$0x7800] =	vst v3  }
0x90: {  	[tilespmem:s29], [sflag:$0x1] =	stream.strided.gather [spmem:s12], $0x280, s26, s25, $0x38;
	[tilespmem:$0x1E500] =	vst v63  }
0x91: {  	_ =	swait.ge [sflag:s23], $0x280  }
0x92: {  	[sflag:s23] =	ssyncset.done $0x0  }
0x93: {  	s0 =	simm.s32 $0x0;
	[sflag:s23] =	ssyncadd.s32 $0xFFFFFD80  }
0x94: {  	s1 =	simm.s32 $0x40;
	v3 =	vld [tilespmem:s0+$0x7A80]  }
.LBB2_18:
0x95: {  	p0 =	sne.s32 s1, $0x9C0;
	v4 =	vld [tilespmem:s0+$0x7800];
	_ =	sdelay $0x2  }
.Ltmp8:
0x96: {  	(pc) =	sbr.rel @p0 .LBB2_18-.Ltmp8, $4  }
0x97: {  	_ = 	snop  }
0x98: {  	v4 =	vadd.f32 v3, v4  }
0x99: {  	s28 =	sshra.s32 s1, $0x2  }
0x9a: {  	s1 =	sadd.s32 $0x40, s1;
	v3 =	vld [tilespmem:s28+$0x7A80];
	[tilespmem:s0+$0x7800] =	vst v4;
	s0 =	smov.u32 s28  }
0x9b: {  	v4 =	vld [tilespmem:s0+$0x7800];
	_ =	sdelay $0x4  }
0x9c: {  	v3 =	vadd.f32 v3, v4;
	_ =	sdelay $0x1  }
0x9d: {  	[tilespmem:s0+$0x7800] =	vst v3  }
0x9e: {  	[tilespmem:s29], [sflag:$0x1] =	stream.strided.gather [spmem:s13], $0x280, s26, s25, $0x38;
	[tilespmem:$0x1E500] =	vst v63  }
0x9f: {  	_ =	swait.ge [sflag:s23], $0x280  }
0xa0: {  	[sflag:s23] =	ssyncset.done $0x0  }
0xa1: {  	s0 =	simm.s32 $0x0;
	[sflag:s23] =	ssyncadd.s32 $0xFFFFFD80  }
0xa2: {  	s1 =	simm.s32 $0x40;
	v3 =	vld [tilespmem:s0+$0x7A80]  }
.LBB2_20:
0xa3: {  	p0 =	sne.s32 s1, $0x9C0;
	v4 =	vld [tilespmem:s0+$0x7800];
	_ =	sdelay $0x2  }
.Ltmp9:
0xa4: {  	(pc) =	sbr.rel @p0 .LBB2_20-.Ltmp9, $4  }
0xa5: {  	_ = 	snop  }
0xa6: {  	v4 =	vadd.f32 v3, v4  }
0xa7: {  	s28 =	sshra.s32 s1, $0x2  }
0xa8: {  	s1 =	sadd.s32 $0x40, s1;
	v3 =	vld [tilespmem:s28+$0x7A80];
	[tilespmem:s0+$0x7800] =	vst v4;
	s0 =	smov.u32 s28  }
0xa9: {  	v4 =	vld [tilespmem:s0+$0x7800];
	_ =	sdelay $0x4  }
0xaa: {  	v3 =	vadd.f32 v3, v4;
	_ =	sdelay $0x1  }
0xab: {  	[tilespmem:s0+$0x7800] =	vst v3  }
0xac: {  	[tilespmem:s29], [sflag:$0x1] =	stream.strided.gather [spmem:s14], $0x280, s26, s25, $0x38;
	[tilespmem:$0x1E500] =	vst v63  }
0xad: {  	_ =	swait.ge [sflag:s23], $0x280  }
0xae: {  	[sflag:s23] =	ssyncset.done $0x0  }
0xaf: {  	s0 =	simm.s32 $0x0;
	[sflag:s23] =	ssyncadd.s32 $0xFFFFFD80  }
0xb0: {  	s1 =	simm.s32 $0x40;
	v3 =	vld [tilespmem:s0+$0x7A80]  }
.LBB2_22:
0xb1: {  	p0 =	sne.s32 s1, $0x9C0;
	v4 =	vld [tilespmem:s0+$0x7800];
	_ =	sdelay $0x2  }
.Ltmp10:
0xb2: {  	(pc) =	sbr.rel @p0 .LBB2_22-.Ltmp10, $4  }
0xb3: {  	_ = 	snop  }
0xb4: {  	v4 =	vadd.f32 v3, v4  }
0xb5: {  	s28 =	sshra.s32 s1, $0x2  }
0xb6: {  	s1 =	sadd.s32 $0x40, s1;
	v3 =	vld [tilespmem:s28+$0x7A80];
	[tilespmem:s0+$0x7800] =	vst v4;
	s0 =	smov.u32 s28  }
0xb7: {  	v4 =	vld [tilespmem:s0+$0x7800];
	_ =	sdelay $0x4  }
0xb8: {  	v3 =	vadd.f32 v3, v4;
	_ =	sdelay $0x1  }
0xb9: {  	[tilespmem:s0+$0x7800] =	vst v3  }
0xba: {  	[tilespmem:s29], [sflag:$0x1] =	stream.strided.gather [spmem:s15], $0x280, s26, s25, $0x38;
	[tilespmem:$0x1E500] =	vst v63  }
0xbb: {  	_ =	swait.ge [sflag:s23], $0x280  }
0xbc: {  	[sflag:s23] =	ssyncset.done $0x0  }
0xbd: {  	s0 =	simm.s32 $0x0;
	[sflag:s23] =	ssyncadd.s32 $0xFFFFFD80  }
0xbe: {  	s1 =	simm.s32 $0x40;
	v3 =	vld [tilespmem:s0+$0x7A80]  }
.LBB2_24:
0xbf: {  	p0 =	sne.s32 s1, $0x9C0;
	v4 =	vld [tilespmem:s0+$0x7800];
	_ =	sdelay $0x2  }
.Ltmp11:
0xc0: {  	(pc) =	sbr.rel @p0 .LBB2_24-.Ltmp11, $4  }
0xc1: {  	_ = 	snop  }
0xc2: {  	v4 =	vadd.f32 v3, v4  }
0xc3: {  	s28 =	sshra.s32 s1, $0x2  }
0xc4: {  	s1 =	sadd.s32 $0x40, s1;
	v3 =	vld [tilespmem:s28+$0x7A80];
	[tilespmem:s0+$0x7800] =	vst v4;
	s0 =	smov.u32 s28  }
0xc5: {  	v4 =	vld [tilespmem:s0+$0x7800];
	_ =	sdelay $0x4  }
0xc6: {  	v3 =	vadd.f32 v3, v4;
	_ =	sdelay $0x1  }
0xc7: {  	[tilespmem:s0+$0x7800] =	vst v3  }
0xc8: {  	[tilespmem:s29], [sflag:$0x1] =	stream.strided.gather [spmem:s16], $0x280, s26, s25, $0x38;
	[tilespmem:$0x1E500] =	vst v63  }
0xc9: {  	_ =	swait.ge [sflag:s23], $0x280  }
0xca: {  	[sflag:s23] =	ssyncset.done $0x0  }
0xcb: {  	s0 =	simm.s32 $0x0;
	[sflag:s23] =	ssyncadd.s32 $0xFFFFFD80  }
0xcc: {  	s1 =	simm.s32 $0x40;
	v3 =	vld [tilespmem:s0+$0x7A80]  }
.LBB2_26:
0xcd: {  	p0 =	sne.s32 s1, $0x9C0;
	v4 =	vld [tilespmem:s0+$0x7800];
	_ =	sdelay $0x2  }
.Ltmp12:
0xce: {  	(pc) =	sbr.rel @p0 .LBB2_26-.Ltmp12, $4  }
0xcf: {  	_ = 	snop  }
0xd0: {  	v4 =	vadd.f32 v3, v4  }
0xd1: {  	s28 =	sshra.s32 s1, $0x2  }
0xd2: {  	s1 =	sadd.s32 $0x40, s1;
	v3 =	vld [tilespmem:s28+$0x7A80];
	[tilespmem:s0+$0x7800] =	vst v4;
	s0 =	smov.u32 s28  }
0xd3: {  	v4 =	vld [tilespmem:s0+$0x7800];
	_ =	sdelay $0x4  }
0xd4: {  	v3 =	vadd.f32 v3, v4;
	_ =	sdelay $0x1  }
0xd5: {  	[tilespmem:s0+$0x7800] =	vst v3  }
0xd6: {  	[tilespmem:s29], [sflag:$0x1] =	stream.strided.gather [spmem:s17], $0x280, s26, s25, $0x38;
	[tilespmem:$0x1E500] =	vst v63  }
0xd7: {  	_ =	swait.ge [sflag:s23], $0x280  }
0xd8: {  	[sflag:s23] =	ssyncset.done $0x0  }
0xd9: {  	s0 =	simm.s32 $0x0;
	[sflag:s23] =	ssyncadd.s32 $0xFFFFFD80  }
0xda: {  	s1 =	simm.s32 $0x40;
	v3 =	vld [tilespmem:s0+$0x7A80]  }
.LBB2_28:
0xdb: {  	p0 =	sne.s32 s1, $0x9C0;
	v4 =	vld [tilespmem:s0+$0x7800];
	_ =	sdelay $0x2  }
.Ltmp13:
0xdc: {  	(pc) =	sbr.rel @p0 .LBB2_28-.Ltmp13, $4  }
0xdd: {  	_ = 	snop  }
0xde: {  	v4 =	vadd.f32 v3, v4  }
0xdf: {  	s28 =	sshra.s32 s1, $0x2  }
0xe0: {  	s1 =	sadd.s32 $0x40, s1;
	v3 =	vld [tilespmem:s28+$0x7A80];
	[tilespmem:s0+$0x7800] =	vst v4;
	s0 =	smov.u32 s28  }
0xe1: {  	v4 =	vld [tilespmem:s0+$0x7800];
	_ =	sdelay $0x4  }
0xe2: {  	v3 =	vadd.f32 v3, v4;
	_ =	sdelay $0x1  }
0xe3: {  	[tilespmem:s0+$0x7800] =	vst v3  }
0xe4: {  	[tilespmem:s29], [sflag:$0x1] =	stream.strided.gather [spmem:s18], $0x280, s26, s25, $0x38;
	[tilespmem:$0x1E500] =	vst v63  }
0xe5: {  	_ =	swait.ge [sflag:s23], $0x280  }
0xe6: {  	[sflag:s23] =	ssyncset.done $0x0  }
0xe7: {  	s0 =	simm.s32 $0x0;
	[sflag:s23] =	ssyncadd.s32 $0xFFFFFD80  }
0xe8: {  	s1 =	simm.s32 $0x40;
	v3 =	vld [tilespmem:s0+$0x7A80]  }
.LBB2_30:
0xe9: {  	p0 =	sne.s32 s1, $0x9C0;
	v4 =	vld [tilespmem:s0+$0x7800];
	_ =	sdelay $0x2  }
.Ltmp14:
0xea: {  	(pc) =	sbr.rel @p0 .LBB2_30-.Ltmp14, $4  }
0xeb: {  	_ = 	snop  }
0xec: {  	v4 =	vadd.f32 v3, v4  }
0xed: {  	s28 =	sshra.s32 s1, $0x2  }
0xee: {  	s1 =	sadd.s32 $0x40, s1;
	v3 =	vld [tilespmem:s28+$0x7A80];
	[tilespmem:s0+$0x7800] =	vst v4;
	s0 =	smov.u32 s28  }
0xef: {  	v4 =	vld [tilespmem:s0+$0x7800];
	_ =	sdelay $0x4  }
0xf0: {  	v3 =	vadd.f32 v3, v4;
	_ =	sdelay $0x1  }
0xf1: {  	[tilespmem:s0+$0x7800] =	vst v3  }
0xf2: {  	[tilespmem:s29], [sflag:$0x1] =	stream.strided.gather [spmem:s19], $0x280, s26, s25, $0x38;
	[tilespmem:$0x1E500] =	vst v63  }
0xf3: {  	_ =	swait.ge [sflag:s23], $0x280  }
0xf4: {  	[sflag:s23] =	ssyncset.done $0x0  }
0xf5: {  	s0 =	simm.s32 $0x0;
	[sflag:s23] =	ssyncadd.s32 $0xFFFFFD80  }
0xf6: {  	s1 =	simm.s32 $0x40;
	v3 =	vld [tilespmem:s0+$0x7A80]  }
.LBB2_32:
0xf7: {  	p0 =	sne.s32 s1, $0x9C0;
	v4 =	vld [tilespmem:s0+$0x7800];
	_ =	sdelay $0x2  }
.Ltmp15:
0xf8: {  	(pc) =	sbr.rel @p0 .LBB2_32-.Ltmp15, $4  }
0xf9: {  	_ = 	snop  }
0xfa: {  	v4 =	vadd.f32 v3, v4  }
0xfb: {  	s28 =	sshra.s32 s1, $0x2  }
0xfc: {  	s1 =	sadd.s32 $0x40, s1;
	v3 =	vld [tilespmem:s28+$0x7A80];
	[tilespmem:s0+$0x7800] =	vst v4;
	s0 =	smov.u32 s28  }
0xfd: {  	v4 =	vld [tilespmem:s0+$0x7800];
	_ =	sdelay $0x4  }
0xfe: {  	v3 =	vadd.f32 v3, v4;
	_ =	sdelay $0x1  }
0xff: {  	[tilespmem:s0+$0x7800] =	vst v3  }
0x100: {  	[tilespmem:s29], [sflag:$0x1] =	stream.strided.gather [spmem:s20], $0x280, s26, s25, $0x38;
	[tilespmem:$0x1E500] =	vst v63  }
0x101: {  	_ =	swait.ge [sflag:s23], $0x280  }
0x102: {  	[sflag:s23] =	ssyncset.done $0x0  }
0x103: {  	s0 =	simm.s32 $0x0;
	[sflag:s23] =	ssyncadd.s32 $0xFFFFFD80  }
0x104: {  	s1 =	simm.s32 $0x0;
	s28 =	simm.s32 $0x40;
	v3 =	vld [tilespmem:s0+$0x7A80]  }
.LBB2_34:
0x105: {  	p0 =	sne.s32 s28, $0x9C0;
	v4 =	vld [tilespmem:s0+$0x7800];
	_ =	sdelay $0x2  }
.Ltmp16:
0x106: {  	(pc) =	sbr.rel @p0 .LBB2_34-.Ltmp16, $4  }
0x107: {  	_ = 	snop  }
0x108: {  	v4 =	vadd.f32 v3, v4  }
0x109: {  	s2 =	sshra.s32 s28, $0x2  }
0x10a: {  	s28 =	sadd.s32 $0x40, s28;
	v3 =	vld [tilespmem:s2+$0x7A80];
	[tilespmem:s0+$0x7800] =	vst v4;
	s0 =	smov.u32 s2  }
0x10b: {  	v4 =	vld [tilespmem:s0+$0x7800];
	_ =	sdelay $0x4  }
0x10c: {  	v3 =	vadd.f32 v3, v4  }
0x10d: {  	v4 =	vmov s1  }
0x10e: {  	v4 =	vshll.u32 v4, $0x7;
	[tilespmem:s0+$0x7800] =	vst v3;
	s0 =	simm.s32 $0x7800  }
0x10f: {  	s1 =	simm.s32 $0x10;
	v4 =	vor.u32 v2, v4;
	v3 =	vld [tilespmem:s0+$0x0]  }
.LBB2_36:
0x110: {  	p0 =	sne.s32 s1, $0x270  }
.Ltmp17:
0x111: {  	_ = 	snop;
	(pc) =	sbr.rel @p0 .LBB2_36-.Ltmp17, $4  }
0x112: {  	_ = 	snop  }
0x113: {  	v5 =	vmov s1;
	s1 =	sadd.s32 $0x10, s1  }
0x114: {  	s0 =	sadd.s32 $0x10, s0;
	v5 =	vshll.u32 v5, $0x7;
	[tilespmem:v4+s30+$0x0] =	vst.idx.msk $0xffff, v3  }
0x115: {  	v4 =	vor.u32 v2, v5;
	v3 =	vld [tilespmem:s0+$0x0]  }
0x116: {  	_ =	sdelay $0x1  }
0x117: {  	s31 =	sadd.s32 $0x1, s31  }
0x118: {  	p0 =	sne.s32 s31, s22  }
.Ltmp18:
0x119: {  	s2 =	simm.s32 $0x0;
	[tilespmem:v4+s30+$0x0] =	vst.idx.msk $0xffff, v3;
	(pc) =	sbr.rel @p0 .LBB2_1-.Ltmp18, $4  }
0x11a: {  	[hbm4b:s21+s2] =	stream.linear.scatter [tilespmem:s30], [sflag:$0x1], $0x14000, $0x38;
	[tilespmem:$0x1E500] =	vst v63  }
0x11b: {  	_ =	swait.ge [sflag:s23], $0x14000  }
0x11c: {  	[sflag:s23] =	ssyncset.done $0x0  }
0x11d: {  	[sflag:s23] =	ssyncadd.s32 $0xFFFEC000  }
0x11e: {  	_ =	sfence.sel $0x180000  }
0x11f: {  	[bflag:$0x0] =	sbarrier.arrive $0xFFFF  }
0x120: {  	_ =	strace $0x90000047  }
0x121: {  	s0 =	stileid.u32;
	[bflag:$0x2] =	sbarrier.arrive $0xFFFF  }
0x122: {  	p0 =	sne.s32 s0, $0x0;
	s0 =	rddreg [dreg:$0x2]  }
0x123: {  	s0 =	sadd.s32 @!p0 $0x100000, s0  }
0x124: {  	[sflag:s0] =	ssyncadd.tile.s32 @!p0 $0x1;
	_ =	shalt  }
.Lfunc_end2:
_tile_overlayer_lowered:
.L_overlay_start_2:
0x125: {  	(tag) =	ssettag $0x2  }
0x126: {  	s0 =	rddreg [dreg:$0x0];
	s2 =	stileid.u32  }
0x127: {  	s1 =	rddreg [dreg:$0x1];
	p0 =	sne.s32 s2, $0x0  }
0x128: {  	s3 =	rddreg [dreg:$0x2];
	[bflag:$0x3] =	sbarrier.arrive $0xFFFF;
	s2 =	simm.s32 @!p0 $0x1C01  }
0x129: {  	[timem:s3], [sflag:s2] =	dma.local @!p0 [hbm:s0], s1  }
0x12a: {  	s0 =	simm.s32 @!p0 $0x1  }
0x12b: {  	_ =	swait.ge @!p0 [sflag:s0], s1  }
0x12c: {  	s1 =	ssub.s32 @!p0 $0x0, s1;
	[sflag:s0] =	ssyncset.done @!p0 $0x0  }
0x12d: {  	[sflag:s0] =	ssyncadd.s32 @!p0 s1  }
0x12e: {  	[bflag:$0x3] =	sbarrier.arrive $0xFFFF  }
0x12f: {  	_ =	shalt  }

</sc_bundles>
